<compile_context>
chip_gen: v7x
topology: tpu7x:2x2x1
jax: 0.10.2.dev20260603
libtpu: 0.0.44.dev20260713+nightly
codegen_flags: <defaults>
</compile_context>

<pallas_src>
import functools

import jax
import jax.numpy as jnp
from jax import lax
from jax.experimental import pallas as pl
from jax.experimental.pallas import tpu as pltpu
from jax.experimental.pallas import tpu_sc as plsc

D = 256
L = 16
NC, NS = 2, 16
NW = NC * NS
NPAD = 10240
EPAD = 163840
EW = EPAD // NW
EW0 = 6912
EW1 = EPAD // NS - EW0
CH1 = 64
CH2 = 128
ESC = EPAD // NS
NCH2 = ESC // CH2
RPT = NPAD // NS
MBLK = 1024


def _rsqrt_v(v):
    i = plsc.bitcast(v, jnp.int32)
    y = plsc.bitcast(jnp.int32(0x5F3759DF) - lax.shift_right_arithmetic(i, 1),
                     jnp.float32)
    for _ in range(3):
        y = y * (1.5 - 0.5 * v * y * y)
    return y


_sc_mesh = plsc.VectorSubcoreMesh(core_axis_name="c", subcore_axis_name="s")
_sc_params = pltpu.CompilerParams(needs_layout_passes=False)


@functools.partial(
    pl.kernel,
    out_type=jax.ShapeDtypeStruct((2 * EPAD, 128), jnp.float32),
    mesh=_sc_mesh,
    compiler_params=_sc_params,
    scratch_types=[
        pltpu.VMEM((EW0,), jnp.int32),
        pltpu.VMEM((EW0,), jnp.int32),
        pltpu.VMEM((2, CH1, D // 2), jnp.uint32),
        pltpu.VMEM((2, CH1, D // 2), jnp.uint32),
        pltpu.VMEM((2, CH1, 128), jnp.float32),
        pltpu.VMEM((2, CH1, 128), jnp.float32),
        pltpu.SemaphoreType.DMA,
        pltpu.SemaphoreType.DMA,
        pltpu.SemaphoreType.DMA,
        pltpu.SemaphoreType.DMA,
        pltpu.SemaphoreType.DMA,
        pltpu.SemaphoreType.DMA,
    ],
)
def _msg_kernel(p_hbm, q_hbm, r_hbm, s_hbm, out_hbm,
                ridx, sidx, pbuf, qbuf, mlo, mhi,
                sp0, sp1, sq0, sq1, so0, so1):
    cid = lax.axis_index("c")
    sid = lax.axis_index("s")
    is0 = cid == 0
    tcnt = jnp.where(is0, EW0, EW1)
    e0 = jnp.where(is0, sid * EW0, NS * EW0 + sid * EW1)
    nch = tcnt // CH1
    semp = [sp0, sp1]
    semq = [sq0, sq1]
    semo = [so0, so1]

    @pl.when(is0)
    def _():
        pltpu.sync_copy(r_hbm.at[pl.ds(e0, EW0)], ridx)
        pltpu.sync_copy(s_hbm.at[pl.ds(e0, EW0)], sidx)

    @pl.when(jnp.logical_not(is0))
    def _():
        pltpu.sync_copy(r_hbm.at[pl.ds(e0, EW1)], ridx.at[pl.ds(0, EW1)])
        pltpu.sync_copy(s_hbm.at[pl.ds(e0, EW1)], sidx.at[pl.ds(0, EW1)])

    def fire(b, i):
        pltpu.async_copy(p_hbm.at[ridx.at[pl.ds(i * CH1, CH1)]],
                         pbuf.at[b], semp[b])
        pltpu.async_copy(q_hbm.at[sidx.at[pl.ds(i * CH1, CH1)]],
                         qbuf.at[b], semq[b])

    fire(0, 0)

    def pair_body(i2, carry):
        for b in range(2):
            i = 2 * i2 + b
            base = e0 + i * CH1
            pltpu.make_async_copy(
                p_hbm.at[ridx.at[pl.ds(0, CH1)]], pbuf.at[b], semp[b]).wait()
            pltpu.make_async_copy(
                q_hbm.at[sidx.at[pl.ds(0, CH1)]], qbuf.at[b], semq[b]).wait()
            nxt = i + 1

            @pl.when(nxt < nch)
            def _():
                fire(1 - b, nxt)

            @pl.when(i >= 2)
            def _():
                pltpu.make_async_copy(
                    mlo.at[b], out_hbm.at[pl.ds(e0, CH1)], semo[b]).wait()
                pltpu.make_async_copy(
                    mhi.at[b], out_hbm.at[pl.ds(e0, CH1)], semo[b]).wait()

            @plsc.parallel_loop(0, CH1, unroll=2)
            def edge_body(j):
                acc1 = jnp.zeros((L,), jnp.float32)
                acc2 = jnp.zeros((L,), jnp.float32)
                xs = []
                for k in range(D // (2 * L)):
                    sl = pl.ds(k * L, L)
                    pb16 = plsc.bitcast(pbuf[b, j, sl], jnp.bfloat16)
                    qb16 = plsc.bitcast(qbuf[b, j, sl], jnp.bfloat16)
                    xb = pb16 + qb16
                    xe, xo = plsc.unpack(xb, format=plsc.PackFormat.INTERLEAVED)
                    xs.append(xe)
                    xs.append(xo)
                    acc1 = acc1 + xe + xo
                    acc2 = acc2 + xe * xe + xo * xo
                s1 = jnp.sum(acc1)
                s2 = jnp.sum(acc2)
                mu = s1 * (1.0 / D)
                var = s2 * (1.0 / D) - mu * mu
                rs = _rsqrt_v(jnp.full((L,), 1e-5, jnp.float32) + var)
                vmu = jnp.zeros((L,), jnp.float32) + mu
                one = jnp.full((L,), 1.0, jnp.float32)
                for k in range(D // (2 * L)):
                    sl = pl.ds(k * L, L)
                    mlo[b, j, sl] = (xs[2 * k] - vmu) * rs + one
                    mhi[b, j, sl] = (xs[2 * k + 1] - vmu) * rs + one

            pltpu.async_copy(mlo.at[b], out_hbm.at[pl.ds(base, CH1)], semo[b])
            pltpu.async_copy(mhi.at[b], out_hbm.at[pl.ds(EPAD + base, CH1)],
                             semo[b])
        return carry

    lax.fori_loop(0, nch // 2, pair_body, 0)
    for b in range(2):
        pltpu.make_async_copy(
            mlo.at[b], out_hbm.at[pl.ds(e0, CH1)], semo[b]).wait()
        pltpu.make_async_copy(
            mhi.at[b], out_hbm.at[pl.ds(e0, CH1)], semo[b]).wait()


@functools.partial(
    pl.kernel,
    out_type=jax.ShapeDtypeStruct((2 * NPAD, 128), jnp.float32),
    mesh=_sc_mesh,
    compiler_params=_sc_params,
    scratch_types=[
        pltpu.VMEM((NCH2, CH2), jnp.int32),
        pltpu.VMEM((2, CH2, 128), jnp.float32),
        pltpu.VMEM_SHARED((NPAD, 128), jnp.float32),
        pltpu.SemaphoreType.DMA,
        pltpu.SemaphoreType.DMA,
        pltpu.SemaphoreType.DMA,
        pltpu.SemaphoreType.DMA,
    ],
)
def _scatter_kernel(m_hbm, r2_hbm, out_hbm, ridx, chunk, acc,
                    sm0, sm1, ss0, ss1):
    cid = lax.axis_index("c")
    sid = lax.axis_index("s")
    semm = [sm0, sm1]
    sems = [ss0, ss1]

    def zrow(j, c2):
        for k in range(128 // L):
            chunk[0, j, pl.ds(k * L, L)] = jnp.zeros((L,), jnp.float32)
        return c2

    lax.fori_loop(0, CH2, zrow, 0)
    for m in range(RPT // CH2):
        pltpu.sync_copy(chunk.at[0], acc.at[pl.ds(sid * RPT + m * CH2, CH2)])
    pltpu.sync_copy(r2_hbm.at[sid], ridx)
    plsc.subcore_barrier()

    def fire(b, i):
        base = sid * ESC + i * CH2
        pltpu.async_copy(m_hbm.at[pl.ds(cid * EPAD + base, CH2)],
                         chunk.at[b], semm[b])

    fire(0, 0)

    def pair_body(i2, carry):
        for b in range(2):
            i = 2 * i2 + b
            pltpu.make_async_copy(
                m_hbm.at[pl.ds(cid * EPAD, CH2)], chunk.at[b],
                semm[b]).wait()
            nxt = i + 1

            @pl.when(nxt < NCH2)
            def _():
                fire(1 - b, nxt)

            @pl.when(i >= 2)
            def _():
                pltpu.make_async_copy(
                    chunk.at[b], acc.at[ridx.at[0]], sems[b]).wait()

            pltpu.async_copy(chunk.at[b], acc.at[ridx.at[i]], sems[b],
                             add=True)
        return carry

    lax.fori_loop(0, NCH2 // 2, pair_body, 0)
    for b in range(2):
        pltpu.make_async_copy(
            chunk.at[b], acc.at[ridx.at[0]], sems[b]).wait()
    plsc.subcore_barrier()
    rb = sid * RPT
    pltpu.sync_copy(acc.at[pl.ds(rb, RPT)],
                    out_hbm.at[pl.ds(cid * NPAD + rb, RPT)])


def _proj_body(x_ref, wt_ref, wb_ref, bm_ref, p_ref, q_ref):
    def pack_halves(v):
        lo = lax.bitcast_convert_type(
            v[:, :D // 2].astype(jnp.bfloat16), jnp.uint16).astype(jnp.uint32)
        hi = lax.bitcast_convert_type(
            v[:, D // 2:].astype(jnp.bfloat16), jnp.uint16).astype(jnp.uint32)
        return lo | (hi << 16)

    pv = (jnp.dot(x_ref[...], wt_ref[...],
                  preferred_element_type=jnp.float32) + bm_ref[...])
    qv = jnp.dot(x_ref[...], wb_ref[...], preferred_element_type=jnp.float32)
    p_ref[...] = pack_halves(pv)
    q_ref[...] = pack_halves(qv)


def _update_body(x_ref, lo_ref, hi_ref, w1_ref, w2a_ref, w2b_ref,
                 g1_ref, be1_ref, b_ref, g_ref, be_ref, o_ref):
    g1v = g1_ref[...]
    w2a = w2a_ref[...]
    w2b = w2b_ref[...]
    lo = lo_ref[...]
    hi = hi_ref[...]
    cnt = (jnp.sum(lo, axis=-1, keepdims=True)
           + jnp.sum(hi, axis=-1, keepdims=True)) * (1.0 / D)
    acc = jnp.dot(x_ref[...], w1_ref[...], preferred_element_type=jnp.float32)
    acc = acc + jnp.dot((lo - cnt) * g1v[0, :128], w2a,
                        preferred_element_type=jnp.float32)
    acc = acc + jnp.dot((hi - cnt) * g1v[0, 128:], w2b,
                        preferred_element_type=jnp.float32)
    be1v = be1_ref[...]
    bev = jnp.dot(be1v[:, :128], w2a, preferred_element_type=jnp.float32)
    bev = bev + jnp.dot(be1v[:, 128:], w2b, preferred_element_type=jnp.float32)
    acc = acc + b_ref[...] + cnt * bev
    mu = jnp.mean(acc, axis=-1, keepdims=True)
    var = jnp.mean((acc - mu) ** 2, axis=-1, keepdims=True)
    o_ref[...] = (acc - mu) * lax.rsqrt(var + 1e-5) * g_ref[...] + be_ref[...]


def kernel(nodes, senders, receivers, W_msg, b_msg, g1, be1,
           W_node, b_node, g2, be2):
    n = nodes.shape[1]
    e = senders.shape[0]
    x = jnp.pad(nodes[0], ((0, NPAD - n), (0, 0)))
    rp = jnp.concatenate(
        [receivers, jnp.full((EPAD - e,), n, jnp.int32)])
    sp = jnp.concatenate(
        [senders, jnp.zeros((EPAD - e,), jnp.int32)])

    grid = NPAD // MBLK
    p, q = pl.pallas_call(
        _proj_body,
        grid=(grid,),
        in_specs=[
            pl.BlockSpec((MBLK, D), lambda i: (i, 0)),
            pl.BlockSpec((D, D), lambda i: (0, 0)),
            pl.BlockSpec((D, D), lambda i: (0, 0)),
            pl.BlockSpec((1, D), lambda i: (0, 0)),
        ],
        out_specs=[
            pl.BlockSpec((MBLK, D // 2), lambda i: (i, 0)),
            pl.BlockSpec((MBLK, D // 2), lambda i: (i, 0)),
        ],
        out_shape=[
            jax.ShapeDtypeStruct((NPAD, D // 2), jnp.uint32),
            jax.ShapeDtypeStruct((NPAD, D // 2), jnp.uint32),
        ],
    )(x, W_msg[:D], W_msg[D:], b_msg[None])

    msgs = _msg_kernel(p, q, rp, sp)
    inbox2 = _scatter_kernel(msgs, rp.reshape(NS, NCH2, CH2))

    out = pl.pallas_call(
        _update_body,
        grid=(grid,),
        in_specs=[
            pl.BlockSpec((MBLK, D), lambda i: (i, 0)),
            pl.BlockSpec((MBLK, 128), lambda i: (i, 0)),
            pl.BlockSpec((MBLK, 128), lambda i: (i + NPAD // MBLK, 0)),
            pl.BlockSpec((D, D), lambda i: (0, 0)),
            pl.BlockSpec((128, D), lambda i: (0, 0)),
            pl.BlockSpec((128, D), lambda i: (0, 0)),
            pl.BlockSpec((1, D), lambda i: (0, 0)),
            pl.BlockSpec((1, D), lambda i: (0, 0)),
            pl.BlockSpec((1, D), lambda i: (0, 0)),
            pl.BlockSpec((1, D), lambda i: (0, 0)),
            pl.BlockSpec((1, D), lambda i: (0, 0)),
        ],
        out_specs=pl.BlockSpec((MBLK, D), lambda i: (i, 0)),
        out_shape=jax.ShapeDtypeStruct((NPAD, D), jnp.float32),
    )(x, inbox2, inbox2, W_node[:D], W_node[D:D + 128], W_node[D + 128:],
      g1[None], be1[None], b_node[None], g2[None], be2[None])
    return out[:n][None]

# --- scband reference (transcript-rebuilt; emitter-appended) ---
"""Pipeline reference for scband-graph-net-block-14087492730939 (READ-ONLY COPY).

The authoritative reference and input builder live on the scoring server;
editing this copy changes nothing except your own understanding.
"""

import jax, jax.numpy as jnp
import numpy as np

IN_DIM = 256
DIM_H = 256
N_NODES = 10000
N_EDGES = 160000
B = 1

def _layer_norm(x, gamma, beta, eps=1e-5):
    mu = jnp.mean(x, axis=-1, keepdims=True)
    var = jnp.var(x, axis=-1, keepdims=True)
    return (x - mu) / jnp.sqrt(var + eps) * gamma + beta

def setup_inputs(seed: int = 0) -> dict:
    key = jax.random.key(seed)
    ks = jax.random.split(key, 8)
    nodes = jax.random.normal(ks[0], (B, N_NODES, IN_DIM), dtype=jnp.float32)
    senders = jax.random.randint(ks[1], (N_EDGES,), 0, N_NODES, dtype=jnp.int32)
    receivers = jax.random.randint(ks[2], (N_EDGES,), 0, N_NODES, dtype=jnp.int32)
    # message: Linear(2*in_dim -> in_dim)
    W_msg = jax.random.normal(ks[3], (2 * IN_DIM, IN_DIM), dtype=jnp.float32) * (1.0 / np.sqrt(2 * IN_DIM))
    b_msg = jnp.zeros((IN_DIM,), dtype=jnp.float32)
    # node: Linear(2*in_dim -> dim_h)
    W_node = jax.random.normal(ks[4], (2 * IN_DIM, DIM_H), dtype=jnp.float32) * (1.0 / np.sqrt(2 * IN_DIM))
    b_node = jnp.zeros((DIM_H,), dtype=jnp.float32)
    # bn1 = LayerNorm(in_dim), bn2 = LayerNorm(dim_h)
    g1 = jnp.ones((IN_DIM,), dtype=jnp.float32)
    be1 = jnp.zeros((IN_DIM,), dtype=jnp.float32)
    g2 = jnp.ones((DIM_H,), dtype=jnp.float32)
    be2 = jnp.zeros((DIM_H,), dtype=jnp.float32)
    return {"nodes": nodes, "senders": senders, "receivers": receivers,
            "W_msg": W_msg, "b_msg": b_msg, "g1": g1, "be1": be1,
            "W_node": W_node, "b_node": b_node, "g2": g2, "be2": be2}

def reference(nodes, senders, receivers, W_msg, b_msg, g1, be1, W_node, b_node, g2, be2):
    # messages = Linear(cat(nodes[:, receivers], nodes[:, senders]))
    msg_in = jnp.concatenate((nodes[:, receivers], nodes[:, senders]), axis=-1)  # [B, E, 2*in_dim]
    messages = msg_in @ W_msg + b_msg  # [B, E, in_dim]
    messages = _layer_norm(messages, g1, be1)
    # inbox = zeros.index_add(1, receivers, messages)
    inbox = jnp.zeros(nodes.shape, dtype=nodes.dtype).at[:, receivers].add(messages)
    node_in = jnp.concatenate((nodes, inbox), axis=-1)  # [B, N, 2*in_dim]
    out = node_in @ W_node + b_node  # [B, N, dim_h]
    return _layer_norm(out, g2, be2)

if __name__ == "__main__":
    import jax
    _d = setup_inputs()
    print(jax.jit(kernel)(*tuple(_d.values())))

</pallas_src>

<mosaic_0001>
#map = affine_map<(d0, d1) -> (0, 0)>
#map1 = affine_map<(d0, d1) -> (0, 0, 0)>
module attributes {stable_mosaic.version = 14 : i64} {
  func.func @_scatter_kernel(%arg0: i32, %arg1: i32, %arg2: memref<327680x128xf32, #tpu.memory_space<hbm>>, %arg3: memref<16x80x128xi32, #tpu.memory_space<hbm>>, %arg4: memref<20480x128xf32, #tpu.memory_space<hbm>>, %arg5: memref<80x128xi32, #tpu.memory_space<vmem>>, %arg6: memref<2x128x128xf32, #tpu.memory_space<vmem>>, %arg7: memref<10240x128xf32, #tpu.memory_space<vmem_shared>>, %arg8: memref<!tpu.dma_semaphore, #tpu.memory_space<semaphore_mem>>, %arg9: memref<!tpu.dma_semaphore, #tpu.memory_space<semaphore_mem>>, %arg10: memref<!tpu.dma_semaphore, #tpu.memory_space<semaphore_mem>>, %arg11: memref<!tpu.dma_semaphore, #tpu.memory_space<semaphore_mem>>) attributes {dimension_semantics = [#tpu.dimension_semantics<core_parallel>, #tpu.dimension_semantics<subcore_parallel>], iteration_bounds = array<i64: 2, 16>, scalar_prefetch = 0 : i64, scratch_operands = 7 : i64, tpu.core_type = #tpu.core_type<sc_vector_subcore>, window_params = [{transform_indices = #map}, {transform_indices = #map1}, {transform_indices = #map}]} {
    %scan3A = arith.constant 0 : i32
    %scan3A_0 = arith.constant 0 : i32
    %scan3A_1 = arith.constant 128 : i32
    %scan3A_2 = arith.addi %scan3A_0, %scan3A_1 : i32
    %scan3A_3 = arith.constant 1 : i32
    scf.for %scan3A_81 = %scan3A_0 to %scan3A_2 step %scan3A_3  : i32 {
      %broadcast_in_dim3A = arith.constant 0.000000e+00 : f32
      %broadcast_in_dim3A_82 = vector.broadcast %broadcast_in_dim3A : f32 to vector<16xf32>
      %swap3A = arith.constant 0 : i32
      %swap3A_83 = arith.index_cast %swap3A : i32 to index
      %swap3A_84 = arith.index_cast %scan3A_81 : i32 to index
      %swap3A_85 = arith.constant 0 : index
      %swap3A_86 = tpu.vector_load %arg6[%swap3A_83, %swap3A_84, %swap3A_85] {strides = array<i32>} : memref<2x128x128xf32, #tpu.memory_space<vmem>>, vector<16xf32>,
      tpu.vector_store %arg6[%swap3A_83, %swap3A_84, %swap3A_85], %broadcast_in_dim3A_82 {strides = array<i32>} : memref<2x128x128xf32, #tpu.memory_space<vmem>>, vector<16xf32>,
      %broadcast_in_dim3A_87 = arith.constant 0.000000e+00 : f32
      %broadcast_in_dim3A_88 = vector.broadcast %broadcast_in_dim3A_87 : f32 to vector<16xf32>
      %swap3A_89 = arith.constant 0 : i32
      %swap3A_90 = arith.index_cast %swap3A_89 : i32 to index
      %swap3A_91 = arith.index_cast %scan3A_81 : i32 to index
      %swap3A_92 = arith.constant 16 : index
      %swap3A_93 = tpu.vector_load %arg6[%swap3A_90, %swap3A_91, %swap3A_92] {strides = array<i32>} : memref<2x128x128xf32, #tpu.memory_space<vmem>>, vector<16xf32>,
      tpu.vector_store %arg6[%swap3A_90, %swap3A_91, %swap3A_92], %broadcast_in_dim3A_88 {strides = array<i32>} : memref<2x128x128xf32, #tpu.memory_space<vmem>>, vector<16xf32>,
      %broadcast_in_dim3A_94 = arith.constant 0.000000e+00 : f32
      %broadcast_in_dim3A_95 = vector.broadcast %broadcast_in_dim3A_94 : f32 to vector<16xf32>
      %swap3A_96 = arith.constant 0 : i32
      %swap3A_97 = arith.index_cast %swap3A_96 : i32 to index
      %swap3A_98 = arith.index_cast %scan3A_81 : i32 to index
      %swap3A_99 = arith.constant 32 : index
      %swap3A_100 = tpu.vector_load %arg6[%swap3A_97, %swap3A_98, %swap3A_99] {strides = array<i32>} : memref<2x128x128xf32, #tpu.memory_space<vmem>>, vector<16xf32>,
      tpu.vector_store %arg6[%swap3A_97, %swap3A_98, %swap3A_99], %broadcast_in_dim3A_95 {strides = array<i32>} : memref<2x128x128xf32, #tpu.memory_space<vmem>>, vector<16xf32>,
      %broadcast_in_dim3A_101 = arith.constant 0.000000e+00 : f32
      %broadcast_in_dim3A_102 = vector.broadcast %broadcast_in_dim3A_101 : f32 to vector<16xf32>
      %swap3A_103 = arith.constant 0 : i32
      %swap3A_104 = arith.index_cast %swap3A_103 : i32 to index
      %swap3A_105 = arith.index_cast %scan3A_81 : i32 to index
      %swap3A_106 = arith.constant 48 : index
      %swap3A_107 = tpu.vector_load %arg6[%swap3A_104, %swap3A_105, %swap3A_106] {strides = array<i32>} : memref<2x128x128xf32, #tpu.memory_space<vmem>>, vector<16xf32>,
      tpu.vector_store %arg6[%swap3A_104, %swap3A_105, %swap3A_106], %broadcast_in_dim3A_102 {strides = array<i32>} : memref<2x128x128xf32, #tpu.memory_space<vmem>>, vector<16xf32>,
      %broadcast_in_dim3A_108 = arith.constant 0.000000e+00 : f32
      %broadcast_in_dim3A_109 = vector.broadcast %broadcast_in_dim3A_108 : f32 to vector<16xf32>
      %swap3A_110 = arith.constant 0 : i32
      %swap3A_111 = arith.index_cast %swap3A_110 : i32 to index
      %swap3A_112 = arith.index_cast %scan3A_81 : i32 to index
      %swap3A_113 = arith.constant 64 : index
      %swap3A_114 = tpu.vector_load %arg6[%swap3A_111, %swap3A_112, %swap3A_113] {strides = array<i32>} : memref<2x128x128xf32, #tpu.memory_space<vmem>>, vector<16xf32>,
      tpu.vector_store %arg6[%swap3A_111, %swap3A_112, %swap3A_113], %broadcast_in_dim3A_109 {strides = array<i32>} : memref<2x128x128xf32, #tpu.memory_space<vmem>>, vector<16xf32>,
      %broadcast_in_dim3A_115 = arith.constant 0.000000e+00 : f32
      %broadcast_in_dim3A_116 = vector.broadcast %broadcast_in_dim3A_115 : f32 to vector<16xf32>
      %swap3A_117 = arith.constant 0 : i32
      %swap3A_118 = arith.index_cast %swap3A_117 : i32 to index
      %swap3A_119 = arith.index_cast %scan3A_81 : i32 to index
      %swap3A_120 = arith.constant 80 : index
      %swap3A_121 = tpu.vector_load %arg6[%swap3A_118, %swap3A_119, %swap3A_120] {strides = array<i32>} : memref<2x128x128xf32, #tpu.memory_space<vmem>>, vector<16xf32>,
      tpu.vector_store %arg6[%swap3A_118, %swap3A_119, %swap3A_120], %broadcast_in_dim3A_116 {strides = array<i32>} : memref<2x128x128xf32, #tpu.memory_space<vmem>>, vector<16xf32>,
      %broadcast_in_dim3A_122 = arith.constant 0.000000e+00 : f32
      %broadcast_in_dim3A_123 = vector.broadcast %broadcast_in_dim3A_122 : f32 to vector<16xf32>
      %swap3A_124 = arith.constant 0 : i32
      %swap3A_125 = arith.index_cast %swap3A_124 : i32 to index
      %swap3A_126 = arith.index_cast %scan3A_81 : i32 to index
      %swap3A_127 = arith.constant 96 : index
      %swap3A_128 = tpu.vector_load %arg6[%swap3A_125, %swap3A_126, %swap3A_127] {strides = array<i32>} : memref<2x128x128xf32, #tpu.memory_space<vmem>>, vector<16xf32>,
      tpu.vector_store %arg6[%swap3A_125, %swap3A_126, %swap3A_127], %broadcast_in_dim3A_123 {strides = array<i32>} : memref<2x128x128xf32, #tpu.memory_space<vmem>>, vector<16xf32>,
      %broadcast_in_dim3A_129 = arith.constant 0.000000e+00 : f32
      %broadcast_in_dim3A_130 = vector.broadcast %broadcast_in_dim3A_129 : f32 to vector<16xf32>
      %swap3A_131 = arith.constant 0 : i32
      %swap3A_132 = arith.index_cast %swap3A_131 : i32 to index
      %swap3A_133 = arith.index_cast %scan3A_81 : i32 to index
      %swap3A_134 = arith.constant 112 : index
      %swap3A_135 = tpu.vector_load %arg6[%swap3A_132, %swap3A_133, %swap3A_134] {strides = array<i32>} : memref<2x128x128xf32, #tpu.memory_space<vmem>>, vector<16xf32>,
      tpu.vector_store %arg6[%swap3A_132, %swap3A_133, %swap3A_134], %broadcast_in_dim3A_130 {strides = array<i32>} : memref<2x128x128xf32, #tpu.memory_space<vmem>>, vector<16xf32>,
    }
    %scan3A_4 = arith.constant 128 : i32
    %mul3A = arith.constant 640 : i32
    %mul3A_5 = arith.muli %arg1, %mul3A : i32
    %add3A = arith.constant 0 : i32
    %add3A_6 = arith.addi %mul3A_5, %add3A : i32
    %run_scoped3A = arith.constant 0 : i32
    "tpu.region"() ({
      %run_scoped3A_81 = tpu.sem_alloc : memref<!tpu.dma_semaphore, #tpu.memory_space<semaphore_mem>>
      %dma_start3A_82 = arith.constant 0 : i32
      %dma_start3A_83 = arith.constant 0 : i32
      %dma_start3A_84 = tpu.memref_slice %arg6[%run_scoped3A, %dma_start3A_82, %dma_start3A_83] : memref<2x128x128xf32, #tpu.memory_space<vmem>> -> memref<1x128x128xf32, #tpu.memory_space<vmem>>
      %dma_start3A_85 = tpu.memref_squeeze %dma_start3A_84 : memref<1x128x128xf32, #tpu.memory_space<vmem>> -> memref<128x128xf32, #tpu.memory_space<vmem>>
      %dma_start3A_86 = arith.constant 0 : i32
      %dma_start3A_87 = tpu.memref_slice %arg7[%add3A_6, %dma_start3A_86] : memref<10240x128xf32, #tpu.memory_space<vmem_shared>> -> memref<128x128xf32, #tpu.memory_space<vmem_shared>>
      %dma_start3A_88 = arith.constant 0 : i32
      %dma_start3A_89 = tpu.memref_slice %arg7[%add3A_6, %dma_start3A_88] : memref<10240x128xf32, #tpu.memory_space<vmem_shared>> -> memref<128x128xf32, #tpu.memory_space<vmem_shared>>
      %dma_start3A_90 = arith.constant 0 : i32
      %dma_start3A_91 = arith.constant 0 : i32
      %dma_start3A_92 = tpu.memref_slice %arg6[%run_scoped3A, %dma_start3A_90, %dma_start3A_91] : memref<2x128x128xf32, #tpu.memory_space<vmem>> -> memref<1x128x128xf32, #tpu.memory_space<vmem>>
      %dma_start3A_93 = tpu.memref_squeeze %dma_start3A_92 : memref<1x128x128xf32, #tpu.memory_space<vmem>> -> memref<128x128xf32, #tpu.memory_space<vmem>>
      tpu.enqueue_dma source(%dma_start3A_93 : memref<128x128xf32, #tpu.memory_space<vmem>>) target(%dma_start3A_89 : memref<128x128xf32, #tpu.memory_space<vmem_shared>>) target_semaphore(%run_scoped3A_81 : memref<!tpu.dma_semaphore, #tpu.memory_space<semaphore_mem>>)
      %dma_wait3A_94 = arith.constant 0 : i32
      %dma_wait3A_95 = arith.constant 0 : i32
      %dma_wait3A_96 = tpu.memref_slice %arg6[%run_scoped3A, %dma_wait3A_94, %dma_wait3A_95] : memref<2x128x128xf32, #tpu.memory_space<vmem>> -> memref<1x128x128xf32, #tpu.memory_space<vmem>>
      %dma_wait3A_97 = tpu.memref_squeeze %dma_wait3A_96 : memref<1x128x128xf32, #tpu.memory_space<vmem>> -> memref<128x128xf32, #tpu.memory_space<vmem>>
      %dma_wait3A_98 = arith.constant 0 : i32
      %dma_wait3A_99 = tpu.memref_slice %arg7[%add3A_6, %dma_wait3A_98] : memref<10240x128xf32, #tpu.memory_space<vmem_shared>> -> memref<128x128xf32, #tpu.memory_space<vmem_shared>>
      %dma_wait3A_100 = arith.constant 0 : i32
      %dma_wait3A_101 = tpu.memref_slice %arg7[%add3A_6, %dma_wait3A_100] : memref<10240x128xf32, #tpu.memory_space<vmem_shared>> -> memref<128x128xf32, #tpu.memory_space<vmem_shared>>
      %dma_wait3A_102 = arith.constant 0 : i32
      %dma_wait3A_103 = arith.constant 0 : i32
      %dma_wait3A_104 = tpu.memref_slice %arg6[%run_scoped3A, %dma_wait3A_102, %dma_wait3A_103] : memref<2x128x128xf32, #tpu.memory_space<vmem>> -> memref<1x128x128xf32, #tpu.memory_space<vmem>>
      %dma_wait3A_105 = tpu.memref_squeeze %dma_wait3A_104 : memref<1x128x128xf32, #tpu.memory_space<vmem>> -> memref<128x128xf32, #tpu.memory_space<vmem>>
      tpu.wait_dma2 semaphore(%run_scoped3A_81 : memref<!tpu.dma_semaphore, #tpu.memory_space<semaphore_mem>>) src(%dma_wait3A_105 : memref<128x128xf32, #tpu.memory_space<vmem>>) dst(%dma_wait3A_101 : memref<128x128xf32, #tpu.memory_space<vmem_shared>>)
      tpu.yield
    }) : () -> ()
    %mul3A_7 = arith.constant 640 : i32
    %mul3A_8 = arith.muli %arg1, %mul3A_7 : i32
    %add3A_9 = arith.constant 128 : i32
    %add3A_10 = arith.addi %mul3A_8, %add3A_9 : i32
    %run_scoped3A_11 = arith.constant 0 : i32
    "tpu.region"() ({
      %run_scoped3A_81 = tpu.sem_alloc : memref<!tpu.dma_semaphore, #tpu.memory_space<semaphore_mem>>
      %dma_start3A_82 = arith.constant 0 : i32
      %dma_start3A_83 = arith.constant 0 : i32
      %dma_start3A_84 = tpu.memref_slice %arg6[%run_scoped3A_11, %dma_start3A_82, %dma_start3A_83] : memref<2x128x128xf32, #tpu.memory_space<vmem>> -> memref<1x128x128xf32, #tpu.memory_space<vmem>>
      %dma_start3A_85 = tpu.memref_squeeze %dma_start3A_84 : memref<1x128x128xf32, #tpu.memory_space<vmem>> -> memref<128x128xf32, #tpu.memory_space<vmem>>
      %dma_start3A_86 = arith.constant 0 : i32
      %dma_start3A_87 = tpu.memref_slice %arg7[%add3A_10, %dma_start3A_86] : memref<10240x128xf32, #tpu.memory_space<vmem_shared>> -> memref<128x128xf32, #tpu.memory_space<vmem_shared>>
      %dma_start3A_88 = arith.constant 0 : i32
      %dma_start3A_89 = tpu.memref_slice %arg7[%add3A_10, %dma_start3A_88] : memref<10240x128xf32, #tpu.memory_space<vmem_shared>> -> memref<128x128xf32, #tpu.memory_space<vmem_shared>>
      %dma_start3A_90 = arith.constant 0 : i32
      %dma_start3A_91 = arith.constant 0 : i32
      %dma_start3A_92 = tpu.memref_slice %arg6[%run_scoped3A_11, %dma_start3A_90, %dma_start3A_91] : memref<2x128x128xf32, #tpu.memory_space<vmem>> -> memref<1x128x128xf32, #tpu.memory_space<vmem>>
      %dma_start3A_93 = tpu.memref_squeeze %dma_start3A_92 : memref<1x128x128xf32, #tpu.memory_space<vmem>> -> memref<128x128xf32, #tpu.memory_space<vmem>>
      tpu.enqueue_dma source(%dma_start3A_93 : memref<128x128xf32, #tpu.memory_space<vmem>>) target(%dma_start3A_89 : memref<128x128xf32, #tpu.memory_space<vmem_shared>>) target_semaphore(%run_scoped3A_81 : memref<!tpu.dma_semaphore, #tpu.memory_space<semaphore_mem>>)
      %dma_wait3A_94 = arith.constant 0 : i32
      %dma_wait3A_95 = arith.constant 0 : i32
      %dma_wait3A_96 = tpu.memref_slice %arg6[%run_scoped3A_11, %dma_wait3A_94, %dma_wait3A_95] : memref<2x128x128xf32, #tpu.memory_space<vmem>> -> memref<1x128x128xf32, #tpu.memory_space<vmem>>
      %dma_wait3A_97 = tpu.memref_squeeze %dma_wait3A_96 : memref<1x128x128xf32, #tpu.memory_space<vmem>> -> memref<128x128xf32, #tpu.memory_space<vmem>>
      %dma_wait3A_98 = arith.constant 0 : i32
      %dma_wait3A_99 = tpu.memref_slice %arg7[%add3A_10, %dma_wait3A_98] : memref<10240x128xf32, #tpu.memory_space<vmem_shared>> -> memref<128x128xf32, #tpu.memory_space<vmem_shared>>
      %dma_wait3A_100 = arith.constant 0 : i32
      %dma_wait3A_101 = tpu.memref_slice %arg7[%add3A_10, %dma_wait3A_100] : memref<10240x128xf32, #tpu.memory_space<vmem_shared>> -> memref<128x128xf32, #tpu.memory_space<vmem_shared>>
      %dma_wait3A_102 = arith.constant 0 : i32
      %dma_wait3A_103 = arith.constant 0 : i32
      %dma_wait3A_104 = tpu.memref_slice %arg6[%run_scoped3A_11, %dma_wait3A_102, %dma_wait3A_103] : memref<2x128x128xf32, #tpu.memory_space<vmem>> -> memref<1x128x128xf32, #tpu.memory_space<vmem>>
      %dma_wait3A_105 = tpu.memref_squeeze %dma_wait3A_104 : memref<1x128x128xf32, #tpu.memory_space<vmem>> -> memref<128x128xf32, #tpu.memory_space<vmem>>
      tpu.wait_dma2 semaphore(%run_scoped3A_81 : memref<!tpu.dma_semaphore, #tpu.memory_space<semaphore_mem>>) src(%dma_wait3A_105 : memref<128x128xf32, #tpu.memory_space<vmem>>) dst(%dma_wait3A_101 : memref<128x128xf32, #tpu.memory_space<vmem_shared>>)
      tpu.yield
    }) : () -> ()
    %mul3A_12 = arith.constant 640 : i32
    %mul3A_13 = arith.muli %arg1, %mul3A_12 : i32
    %add3A_14 = arith.constant 256 : i32
    %add3A_15 = arith.addi %mul3A_13, %add3A_14 : i32
    %run_scoped3A_16 = arith.constant 0 : i32
    "tpu.region"() ({
      %run_scoped3A_81 = tpu.sem_alloc : memref<!tpu.dma_semaphore, #tpu.memory_space<semaphore_mem>>
      %dma_start3A_82 = arith.constant 0 : i32
      %dma_start3A_83 = arith.constant 0 : i32
      %dma_start3A_84 = tpu.memref_slice %arg6[%run_scoped3A_16, %dma_start3A_82, %dma_start3A_83] : memref<2x128x128xf32, #tpu.memory_space<vmem>> -> memref<1x128x128xf32, #tpu.memory_space<vmem>>
      %dma_start3A_85 = tpu.memref_squeeze %dma_start3A_84 : memref<1x128x128xf32, #tpu.memory_space<vmem>> -> memref<128x128xf32, #tpu.memory_space<vmem>>
      %dma_start3A_86 = arith.constant 0 : i32
      %dma_start3A_87 = tpu.memref_slice %arg7[%add3A_15, %dma_start3A_86] : memref<10240x128xf32, #tpu.memory_space<vmem_shared>> -> memref<128x128xf32, #tpu.memory_space<vmem_shared>>
      %dma_start3A_88 = arith.constant 0 : i32
      %dma_start3A_89 = tpu.memref_slice %arg7[%add3A_15, %dma_start3A_88] : memref<10240x128xf32, #tpu.memory_space<vmem_shared>> -> memref<128x128xf32, #tpu.memory_space<vmem_shared>>
      %dma_start3A_90 = arith.constant 0 : i32
      %dma_start3A_91 = arith.constant 0 : i32
      %dma_start3A_92 = tpu.memref_slice %arg6[%run_scoped3A_16, %dma_start3A_90, %dma_start3A_91] : memref<2x128x128xf32, #tpu.memory_space<vmem>> -> memref<1x128x128xf32, #tpu.memory_space<vmem>>
      %dma_start3A_93 = tpu.memref_squeeze %dma_start3A_92 : memref<1x128x128xf32, #tpu.memory_space<vmem>> -> memref<128x128xf32, #tpu.memory_space<vmem>>
      tpu.enqueue_dma source(%dma_start3A_93 : memref<128x128xf32, #tpu.memory_space<vmem>>) target(%dma_start3A_89 : memref<128x128xf32, #tpu.memory_space<vmem_shared>>) target_semaphore(%run_scoped3A_81 : memref<!tpu.dma_semaphore, #tpu.memory_space<semaphore_mem>>)
      %dma_wait3A_94 = arith.constant 0 : i32
      %dma_wait3A_95 = arith.constant 0 : i32
      %dma_wait3A_96 = tpu.memref_slice %arg6[%run_scoped3A_16, %dma_wait3A_94, %dma_wait3A_95] : memref<2x128x128xf32, #tpu.memory_space<vmem>> -> memref<1x128x128xf32, #tpu.memory_space<vmem>>
      %dma_wait3A_97 = tpu.memref_squeeze %dma_wait3A_96 : memref<1x128x128xf32, #tpu.memory_space<vmem>> -> memref<128x128xf32, #tpu.memory_space<vmem>>
      %dma_wait3A_98 = arith.constant 0 : i32
      %dma_wait3A_99 = tpu.memref_slice %arg7[%add3A_15, %dma_wait3A_98] : memref<10240x128xf32, #tpu.memory_space<vmem_shared>> -> memref<128x128xf32, #tpu.memory_space<vmem_shared>>
      %dma_wait3A_100 = arith.constant 0 : i32
      %dma_wait3A_101 = tpu.memref_slice %arg7[%add3A_15, %dma_wait3A_100] : memref<10240x128xf32, #tpu.memory_space<vmem_shared>> -> memref<128x128xf32, #tpu.memory_space<vmem_shared>>
      %dma_wait3A_102 = arith.constant 0 : i32
      %dma_wait3A_103 = arith.constant 0 : i32
      %dma_wait3A_104 = tpu.memref_slice %arg6[%run_scoped3A_16, %dma_wait3A_102, %dma_wait3A_103] : memref<2x128x128xf32, #tpu.memory_space<vmem>> -> memref<1x128x128xf32, #tpu.memory_space<vmem>>
      %dma_wait3A_105 = tpu.memref_squeeze %dma_wait3A_104 : memref<1x128x128xf32, #tpu.memory_space<vmem>> -> memref<128x128xf32, #tpu.memory_space<vmem>>
      tpu.wait_dma2 semaphore(%run_scoped3A_81 : memref<!tpu.dma_semaphore, #tpu.memory_space<semaphore_mem>>) src(%dma_wait3A_105 : memref<128x128xf32, #tpu.memory_space<vmem>>) dst(%dma_wait3A_101 : memref<128x128xf32, #tpu.memory_space<vmem_shared>>)
      tpu.yield
    }) : () -> ()
    %mul3A_17 = arith.constant 640 : i32
    %mul3A_18 = arith.muli %arg1, %mul3A_17 : i32
    %add3A_19 = arith.constant 384 : i32
    %add3A_20 = arith.addi %mul3A_18, %add3A_19 : i32
    %run_scoped3A_21 = arith.constant 0 : i32
    "tpu.region"() ({
      %run_scoped3A_81 = tpu.sem_alloc : memref<!tpu.dma_semaphore, #tpu.memory_space<semaphore_mem>>
      %dma_start3A_82 = arith.constant 0 : i32
      %dma_start3A_83 = arith.constant 0 : i32
      %dma_start3A_84 = tpu.memref_slice %arg6[%run_scoped3A_21, %dma_start3A_82, %dma_start3A_83] : memref<2x128x128xf32, #tpu.memory_space<vmem>> -> memref<1x128x128xf32, #tpu.memory_space<vmem>>
      %dma_start3A_85 = tpu.memref_squeeze %dma_start3A_84 : memref<1x128x128xf32, #tpu.memory_space<vmem>> -> memref<128x128xf32, #tpu.memory_space<vmem>>
      %dma_start3A_86 = arith.constant 0 : i32
      %dma_start3A_87 = tpu.memref_slice %arg7[%add3A_20, %dma_start3A_86] : memref<10240x128xf32, #tpu.memory_space<vmem_shared>> -> memref<128x128xf32, #tpu.memory_space<vmem_shared>>
      %dma_start3A_88 = arith.constant 0 : i32
      %dma_start3A_89 = tpu.memref_slice %arg7[%add3A_20, %dma_start3A_88] : memref<10240x128xf32, #tpu.memory_space<vmem_shared>> -> memref<128x128xf32, #tpu.memory_space<vmem_shared>>
      %dma_start3A_90 = arith.constant 0 : i32
      %dma_start3A_91 = arith.constant 0 : i32
      %dma_start3A_92 = tpu.memref_slice %arg6[%run_scoped3A_21, %dma_start3A_90, %dma_start3A_91] : memref<2x128x128xf32, #tpu.memory_space<vmem>> -> memref<1x128x128xf32, #tpu.memory_space<vmem>>
      %dma_start3A_93 = tpu.memref_squeeze %dma_start3A_92 : memref<1x128x128xf32, #tpu.memory_space<vmem>> -> memref<128x128xf32, #tpu.memory_space<vmem>>
      tpu.enqueue_dma source(%dma_start3A_93 : memref<128x128xf32, #tpu.memory_space<vmem>>) target(%dma_start3A_89 : memref<128x128xf32, #tpu.memory_space<vmem_shared>>) target_semaphore(%run_scoped3A_81 : memref<!tpu.dma_semaphore, #tpu.memory_space<semaphore_mem>>)
      %dma_wait3A_94 = arith.constant 0 : i32
      %dma_wait3A_95 = arith.constant 0 : i32
      %dma_wait3A_96 = tpu.memref_slice %arg6[%run_scoped3A_21, %dma_wait3A_94, %dma_wait3A_95] : memref<2x128x128xf32, #tpu.memory_space<vmem>> -> memref<1x128x128xf32, #tpu.memory_space<vmem>>
      %dma_wait3A_97 = tpu.memref_squeeze %dma_wait3A_96 : memref<1x128x128xf32, #tpu.memory_space<vmem>> -> memref<128x128xf32, #tpu.memory_space<vmem>>
      %dma_wait3A_98 = arith.constant 0 : i32
      %dma_wait3A_99 = tpu.memref_slice %arg7[%add3A_20, %dma_wait3A_98] : memref<10240x128xf32, #tpu.memory_space<vmem_shared>> -> memref<128x128xf32, #tpu.memory_space<vmem_shared>>
      %dma_wait3A_100 = arith.constant 0 : i32
      %dma_wait3A_101 = tpu.memref_slice %arg7[%add3A_20, %dma_wait3A_100] : memref<10240x128xf32, #tpu.memory_space<vmem_shared>> -> memref<128x128xf32, #tpu.memory_space<vmem_shared>>
      %dma_wait3A_102 = arith.constant 0 : i32
      %dma_wait3A_103 = arith.constant 0 : i32
      %dma_wait3A_104 = tpu.memref_slice %arg6[%run_scoped3A_21, %dma_wait3A_102, %dma_wait3A_103] : memref<2x128x128xf32, #tpu.memory_space<vmem>> -> memref<1x128x128xf32, #tpu.memory_space<vmem>>
      %dma_wait3A_105 = tpu.memref_squeeze %dma_wait3A_104 : memref<1x128x128xf32, #tpu.memory_space<vmem>> -> memref<128x128xf32, #tpu.memory_space<vmem>>
      tpu.wait_dma2 semaphore(%run_scoped3A_81 : memref<!tpu.dma_semaphore, #tpu.memory_space<semaphore_mem>>) src(%dma_wait3A_105 : memref<128x128xf32, #tpu.memory_space<vmem>>) dst(%dma_wait3A_101 : memref<128x128xf32, #tpu.memory_space<vmem_shared>>)
      tpu.yield
    }) : () -> ()
    %mul3A_22 = arith.constant 640 : i32
    %mul3A_23 = arith.muli %arg1, %mul3A_22 : i32
    %add3A_24 = arith.constant 512 : i32
    %add3A_25 = arith.addi %mul3A_23, %add3A_24 : i32
    %run_scoped3A_26 = arith.constant 0 : i32
    "tpu.region"() ({
      %run_scoped3A_81 = tpu.sem_alloc : memref<!tpu.dma_semaphore, #tpu.memory_space<semaphore_mem>>
      %dma_start3A_82 = arith.constant 0 : i32
      %dma_start3A_83 = arith.constant 0 : i32
      %dma_start3A_84 = tpu.memref_slice %arg6[%run_scoped3A_26, %dma_start3A_82, %dma_start3A_83] : memref<2x128x128xf32, #tpu.memory_space<vmem>> -> memref<1x128x128xf32, #tpu.memory_space<vmem>>
      %dma_start3A_85 = tpu.memref_squeeze %dma_start3A_84 : memref<1x128x128xf32, #tpu.memory_space<vmem>> -> memref<128x128xf32, #tpu.memory_space<vmem>>
      %dma_start3A_86 = arith.constant 0 : i32
      %dma_start3A_87 = tpu.memref_slice %arg7[%add3A_25, %dma_start3A_86] : memref<10240x128xf32, #tpu.memory_space<vmem_shared>> -> memref<128x128xf32, #tpu.memory_space<vmem_shared>>
      %dma_start3A_88 = arith.constant 0 : i32
      %dma_start3A_89 = tpu.memref_slice %arg7[%add3A_25, %dma_start3A_88] : memref<10240x128xf32, #tpu.memory_space<vmem_shared>> -> memref<128x128xf32, #tpu.memory_space<vmem_shared>>
      %dma_start3A_90 = arith.constant 0 : i32
      %dma_start3A_91 = arith.constant 0 : i32
      %dma_start3A_92 = tpu.memref_slice %arg6[%run_scoped3A_26, %dma_start3A_90, %dma_start3A_91] : memref<2x128x128xf32, #tpu.memory_space<vmem>> -> memref<1x128x128xf32, #tpu.memory_space<vmem>>
      %dma_start3A_93 = tpu.memref_squeeze %dma_start3A_92 : memref<1x128x128xf32, #tpu.memory_space<vmem>> -> memref<128x128xf32, #tpu.memory_space<vmem>>
      tpu.enqueue_dma source(%dma_start3A_93 : memref<128x128xf32, #tpu.memory_space<vmem>>) target(%dma_start3A_89 : memref<128x128xf32, #tpu.memory_space<vmem_shared>>) target_semaphore(%run_scoped3A_81 : memref<!tpu.dma_semaphore, #tpu.memory_space<semaphore_mem>>)
      %dma_wait3A_94 = arith.constant 0 : i32
      %dma_wait3A_95 = arith.constant 0 : i32
      %dma_wait3A_96 = tpu.memref_slice %arg6[%run_scoped3A_26, %dma_wait3A_94, %dma_wait3A_95] : memref<2x128x128xf32, #tpu.memory_space<vmem>> -> memref<1x128x128xf32, #tpu.memory_space<vmem>>
      %dma_wait3A_97 = tpu.memref_squeeze %dma_wait3A_96 : memref<1x128x128xf32, #tpu.memory_space<vmem>> -> memref<128x128xf32, #tpu.memory_space<vmem>>
      %dma_wait3A_98 = arith.constant 0 : i32
      %dma_wait3A_99 = tpu.memref_slice %arg7[%add3A_25, %dma_wait3A_98] : memref<10240x128xf32, #tpu.memory_space<vmem_shared>> -> memref<128x128xf32, #tpu.memory_space<vmem_shared>>
      %dma_wait3A_100 = arith.constant 0 : i32
      %dma_wait3A_101 = tpu.memref_slice %arg7[%add3A_25, %dma_wait3A_100] : memref<10240x128xf32, #tpu.memory_space<vmem_shared>> -> memref<128x128xf32, #tpu.memory_space<vmem_shared>>
      %dma_wait3A_102 = arith.constant 0 : i32
      %dma_wait3A_103 = arith.constant 0 : i32
      %dma_wait3A_104 = tpu.memref_slice %arg6[%run_scoped3A_26, %dma_wait3A_102, %dma_wait3A_103] : memref<2x128x128xf32, #tpu.memory_space<vmem>> -> memref<1x128x128xf32, #tpu.memory_space<vmem>>
      %dma_wait3A_105 = tpu.memref_squeeze %dma_wait3A_104 : memref<1x128x128xf32, #tpu.memory_space<vmem>> -> memref<128x128xf32, #tpu.memory_space<vmem>>
      tpu.wait_dma2 semaphore(%run_scoped3A_81 : memref<!tpu.dma_semaphore, #tpu.memory_space<semaphore_mem>>) src(%dma_wait3A_105 : memref<128x128xf32, #tpu.memory_space<vmem>>) dst(%dma_wait3A_101 : memref<128x128xf32, #tpu.memory_space<vmem_shared>>)
      tpu.yield
    }) : () -> ()
    "tpu.region"() ({
      %run_scoped3A_81 = tpu.sem_alloc : memref<!tpu.dma_semaphore, #tpu.memory_space<semaphore_mem>>
      %dma_start3A_82 = arith.constant 0 : i32
      %dma_start3A_83 = arith.constant 0 : i32
      %dma_start3A_84 = tpu.memref_slice %arg3[%arg1, %dma_start3A_82, %dma_start3A_83] : memref<16x80x128xi32, #tpu.memory_space<hbm>> -> memref<1x80x128xi32, #tpu.memory_space<hbm>>
      %dma_start3A_85 = tpu.memref_squeeze %dma_start3A_84 : memref<1x80x128xi32, #tpu.memory_space<hbm>> -> memref<80x128xi32, #tpu.memory_space<hbm>>
      %dma_start3A_86 = arith.constant 0 : i32
      %dma_start3A_87 = arith.constant 0 : i32
      %dma_start3A_88 = tpu.memref_slice %arg3[%arg1, %dma_start3A_86, %dma_start3A_87] : memref<16x80x128xi32, #tpu.memory_space<hbm>> -> memref<1x80x128xi32, #tpu.memory_space<hbm>>
      %dma_start3A_89 = tpu.memref_squeeze %dma_start3A_88 : memref<1x80x128xi32, #tpu.memory_space<hbm>> -> memref<80x128xi32, #tpu.memory_space<hbm>>
      tpu.enqueue_dma source(%dma_start3A_89 : memref<80x128xi32, #tpu.memory_space<hbm>>) target(%arg5 : memref<80x128xi32, #tpu.memory_space<vmem>>) target_semaphore(%run_scoped3A_81 : memref<!tpu.dma_semaphore, #tpu.memory_space<semaphore_mem>>)
      %dma_wait3A_90 = arith.constant 0 : i32
      %dma_wait3A_91 = arith.constant 0 : i32
      %dma_wait3A_92 = tpu.memref_slice %arg3[%arg1, %dma_wait3A_90, %dma_wait3A_91] : memref<16x80x128xi32, #tpu.memory_space<hbm>> -> memref<1x80x128xi32, #tpu.memory_space<hbm>>
      %dma_wait3A_93 = tpu.memref_squeeze %dma_wait3A_92 : memref<1x80x128xi32, #tpu.memory_space<hbm>> -> memref<80x128xi32, #tpu.memory_space<hbm>>
      %dma_wait3A_94 = arith.constant 0 : i32
      %dma_wait3A_95 = arith.constant 0 : i32
      %dma_wait3A_96 = tpu.memref_slice %arg3[%arg1, %dma_wait3A_94, %dma_wait3A_95] : memref<16x80x128xi32, #tpu.memory_space<hbm>> -> memref<1x80x128xi32, #tpu.memory_space<hbm>>
      %dma_wait3A_97 = tpu.memref_squeeze %dma_wait3A_96 : memref<1x80x128xi32, #tpu.memory_space<hbm>> -> memref<80x128xi32, #tpu.memory_space<hbm>>
      tpu.wait_dma2 semaphore(%run_scoped3A_81 : memref<!tpu.dma_semaphore, #tpu.memory_space<semaphore_mem>>) src(%dma_wait3A_97 : memref<80x128xi32, #tpu.memory_space<hbm>>) dst(%arg5 : memref<80x128xi32, #tpu.memory_space<vmem>>)
      tpu.yield
    }) : () -> ()
    %barrier3A = arith.constant 0 : index
    tpu.barrier barrier_id(%barrier3A)
    %mul3A_27 = arith.constant 10240 : i32
    %mul3A_28 = arith.muli %arg1, %mul3A_27 : i32
    %add3A_29 = arith.constant 0 : i32
    %add3A_30 = arith.addi %mul3A_28, %add3A_29 : i32
    %mul3A_31 = arith.constant 163840 : i32
    %mul3A_32 = arith.muli %arg0, %mul3A_31 : i32
    %add3A_33 = arith.addi %mul3A_32, %add3A_30 : i32
    %dma_start3A = arith.constant 0 : i32
    %dma_start3A_34 = arith.constant 0 : i32
    %dma_start3A_35 = arith.constant 0 : i32
    %dma_start3A_36 = tpu.memref_slice %arg6[%dma_start3A, %dma_start3A_34, %dma_start3A_35] : memref<2x128x128xf32, #tpu.memory_space<vmem>> -> memref<1x128x128xf32, #tpu.memory_space<vmem>>
    %dma_start3A_37 = tpu.memref_squeeze %dma_start3A_36 : memref<1x128x128xf32, #tpu.memory_space<vmem>> -> memref<128x128xf32, #tpu.memory_space<vmem>>
    %dma_start3A_38 = arith.constant 0 : i32
    %dma_start3A_39 = tpu.memref_slice %arg2[%add3A_33, %dma_start3A_38] : memref<327680x128xf32, #tpu.memory_space<hbm>> -> memref<128x128xf32, #tpu.memory_space<hbm>>
    %dma_start3A_40 = arith.constant 0 : i32
    %dma_start3A_41 = arith.constant 0 : i32
    %dma_start3A_42 = tpu.memref_slice %arg6[%dma_start3A, %dma_start3A_40, %dma_start3A_41] : memref<2x128x128xf32, #tpu.memory_space<vmem>> -> memref<1x128x128xf32, #tpu.memory_space<vmem>>
    %dma_start3A_43 = tpu.memref_squeeze %dma_start3A_42 : memref<1x128x128xf32, #tpu.memory_space<vmem>> -> memref<128x128xf32, #tpu.memory_space<vmem>>
    %dma_start3A_44 = arith.constant 0 : i32
    %dma_start3A_45 = tpu.memref_slice %arg2[%add3A_33, %dma_start3A_44] : memref<327680x128xf32, #tpu.memory_space<hbm>> -> memref<128x128xf32, #tpu.memory_space<hbm>>
    tpu.enqueue_dma source(%dma_start3A_45 : memref<128x128xf32, #tpu.memory_space<hbm>>) target(%dma_start3A_43 : memref<128x128xf32, #tpu.memory_space<vmem>>) target_semaphore(%arg8 : memref<!tpu.dma_semaphore, #tpu.memory_space<semaphore_mem>>)
    %scan3A_46 = arith.constant 0 : i32
    %scan3A_47 = arith.constant 0 : i32
    %scan3A_48 = arith.constant 40 : i32
    %scan3A_49 = arith.addi %scan3A_47, %scan3A_48 : i32
    %scan3A_50 = arith.constant 1 : i32
    scf.for %scan3A_81 = %scan3A_47 to %scan3A_49 step %scan3A_50  : i32 {
      %mul3A_82 = arith.constant 2 : i32
      %mul3A_83 = arith.muli %mul3A_82, %scan3A_81 : i32
      %add3A_84 = arith.constant 0 : i32
      %add3A_85 = arith.addi %mul3A_83, %add3A_84 : i32
      %mul3A_86 = arith.constant 163840 : i32
      %mul3A_87 = arith.muli %arg0, %mul3A_86 : i32
      %dma_wait3A_88 = arith.constant 0 : i32
      %dma_wait3A_89 = arith.constant 0 : i32
      %dma_wait3A_90 = arith.constant 0 : i32
      %dma_wait3A_91 = tpu.memref_slice %arg6[%dma_wait3A_88, %dma_wait3A_89, %dma_wait3A_90] : memref<2x128x128xf32, #tpu.memory_space<vmem>> -> memref<1x128x128xf32, #tpu.memory_space<vmem>>
      %dma_wait3A_92 = tpu.memref_squeeze %dma_wait3A_91 : memref<1x128x128xf32, #tpu.memory_space<vmem>> -> memref<128x128xf32, #tpu.memory_space<vmem>>
      %dma_wait3A_93 = arith.constant 0 : i32
      %dma_wait3A_94 = tpu.memref_slice %arg2[%mul3A_87, %dma_wait3A_93] : memref<327680x128xf32, #tpu.memory_space<hbm>> -> memref<128x128xf32, #tpu.memory_space<hbm>>
      %dma_wait3A_95 = arith.constant 0 : i32
      %dma_wait3A_96 = arith.constant 0 : i32
      %dma_wait3A_97 = tpu.memref_slice %arg6[%dma_wait3A_88, %dma_wait3A_95, %dma_wait3A_96] : memref<2x128x128xf32, #tpu.memory_space<vmem>> -> memref<1x128x128xf32, #tpu.memory_space<vmem>>
      %dma_wait3A_98 = tpu.memref_squeeze %dma_wait3A_97 : memref<1x128x128xf32, #tpu.memory_space<vmem>> -> memref<128x128xf32, #tpu.memory_space<vmem>>
      %dma_wait3A_99 = arith.constant 0 : i32
      %dma_wait3A_100 = tpu.memref_slice %arg2[%mul3A_87, %dma_wait3A_99] : memref<327680x128xf32, #tpu.memory_space<hbm>> -> memref<128x128xf32, #tpu.memory_space<hbm>>
      tpu.wait_dma2 semaphore(%arg8 : memref<!tpu.dma_semaphore, #tpu.memory_space<semaphore_mem>>) src(%dma_wait3A_100 : memref<128x128xf32, #tpu.memory_space<hbm>>) dst(%dma_wait3A_98 : memref<128x128xf32, #tpu.memory_space<vmem>>)
      %add3A_101 = arith.constant 1 : i32
      %add3A_102 = arith.addi %add3A_85, %add3A_101 : i32
      %lt3A = arith.constant 80 : i32
      %lt3A_103 = arith.cmpi slt, %add3A_102, %lt3A : i32
      %convert_element_type3A = arith.extui %lt3A_103 : i1 to i32
      %cond3A = arith.constant 0 : i32
      %cond3A_104 = arith.cmpi ne, %convert_element_type3A, %cond3A : i32
      scf.if %cond3A_104 {
        %mul3A_162 = arith.constant 10240 : i32
        %mul3A_163 = arith.muli %arg1, %mul3A_162 : i32
        %mul3A_164 = arith.constant 128 : i32
        %mul3A_165 = arith.muli %add3A_102, %mul3A_164 : i32
        %add3A_166 = arith.addi %mul3A_163, %mul3A_165 : i32
        %mul3A_167 = arith.constant 163840 : i32
        %mul3A_168 = arith.muli %arg0, %mul3A_167 : i32
        %add3A_169 = arith.addi %mul3A_168, %add3A_166 : i32
        %dma_start3A_170 = arith.constant 1 : i32
        %dma_start3A_171 = arith.constant 0 : i32
        %dma_start3A_172 = arith.constant 0 : i32
        %dma_start3A_173 = tpu.memref_slice %arg6[%dma_start3A_170, %dma_start3A_171, %dma_start3A_172] : memref<2x128x128xf32, #tpu.memory_space<vmem>> -> memref<1x128x128xf32, #tpu.memory_space<vmem>>
        %dma_start3A_174 = tpu.memref_squeeze %dma_start3A_173 : memref<1x128x128xf32, #tpu.memory_space<vmem>> -> memref<128x128xf32, #tpu.memory_space<vmem>>
        %dma_start3A_175 = arith.constant 0 : i32
        %dma_start3A_176 = tpu.memref_slice %arg2[%add3A_169, %dma_start3A_175] : memref<327680x128xf32, #tpu.memory_space<hbm>> -> memref<128x128xf32, #tpu.memory_space<hbm>>
        %dma_start3A_177 = arith.constant 0 : i32
        %dma_start3A_178 = arith.constant 0 : i32
        %dma_start3A_179 = tpu.memref_slice %arg6[%dma_start3A_170, %dma_start3A_177, %dma_start3A_178] : memref<2x128x128xf32, #tpu.memory_space<vmem>> -> memref<1x128x128xf32, #tpu.memory_space<vmem>>
        %dma_start3A_180 = tpu.memref_squeeze %dma_start3A_179 : memref<1x128x128xf32, #tpu.memory_space<vmem>> -> memref<128x128xf32, #tpu.memory_space<vmem>>
        %dma_start3A_181 = arith.constant 0 : i32
        %dma_start3A_182 = tpu.memref_slice %arg2[%add3A_169, %dma_start3A_181] : memref<327680x128xf32, #tpu.memory_space<hbm>> -> memref<128x128xf32, #tpu.memory_space<hbm>>
        tpu.enqueue_dma source(%dma_start3A_182 : memref<128x128xf32, #tpu.memory_space<hbm>>) target(%dma_start3A_180 : memref<128x128xf32, #tpu.memory_space<vmem>>) target_semaphore(%arg9 : memref<!tpu.dma_semaphore, #tpu.memory_space<semaphore_mem>>)
      } else {
      }
      %ge3A = arith.constant 2 : i32
      %ge3A_105 = arith.cmpi sge, %add3A_85, %ge3A : i32
      %convert_element_type3A_106 = arith.extui %ge3A_105 : i1 to i32
      %cond3A_107 = arith.constant 0 : i32
      %cond3A_108 = arith.cmpi ne, %convert_element_type3A_106, %cond3A_107 : i32
      scf.if %cond3A_108 {
        %dma_wait3A_162 = arith.constant 0 : i32
        %dma_wait3A_163 = arith.constant 0 : i32
        %dma_wait3A_164 = arith.constant 0 : i32
        %dma_wait3A_165 = arith.constant 0 : i32
        %dma_wait3A_166 = tpu.memref_slice %arg6[%dma_wait3A_162, %dma_wait3A_164, %dma_wait3A_165] : memref<2x128x128xf32, #tpu.memory_space<vmem>> -> memref<1x128x128xf32, #tpu.memory_space<vmem>>
        %dma_wait3A_167 = tpu.memref_squeeze %dma_wait3A_166 : memref<1x128x128xf32, #tpu.memory_space<vmem>> -> memref<128x128xf32, #tpu.memory_space<vmem>>
        %dma_wait3A_168 = arith.constant 0 : i32
        %dma_wait3A_169 = tpu.memref_slice %arg5[%dma_wait3A_163, %dma_wait3A_168] : memref<80x128xi32, #tpu.memory_space<vmem>> -> memref<1x128xi32, #tpu.memory_space<vmem>>
        %dma_wait3A_170 = tpu.memref_squeeze %dma_wait3A_169 : memref<1x128xi32, #tpu.memory_space<vmem>> -> memref<128xi32, #tpu.memory_space<vmem>>
        %dma_wait3A_171 = arith.constant 0 : i32
        %dma_wait3A_172 = arith.constant 0 : i32
        %dma_wait3A_173 = tpu.memref_slice %arg7[%dma_wait3A_171, %dma_wait3A_172] : memref<10240x128xf32, #tpu.memory_space<vmem_shared>> -> memref<10240x128xf32, #tpu.memory_space<vmem_shared>>
        tpu.wait_indirect_dma semaphore(%arg10 : memref<!tpu.dma_semaphore, #tpu.memory_space<semaphore_mem>>) src(%dma_wait3A_167 : memref<128x128xf32, #tpu.memory_space<vmem>>) dst(%dma_wait3A_173 : memref<10240x128xf32, #tpu.memory_space<vmem_shared>>)
      } else {
      }
      %dma_start3A_109 = arith.constant 0 : i32
      %dma_start3A_110 = arith.constant 0 : i32
      %dma_start3A_111 = arith.constant 0 : i32
      %dma_start3A_112 = tpu.memref_slice %arg6[%dma_start3A_109, %dma_start3A_110, %dma_start3A_111] : memref<2x128x128xf32, #tpu.memory_space<vmem>> -> memref<1x128x128xf32, #tpu.memory_space<vmem>>
      %dma_start3A_113 = tpu.memref_squeeze %dma_start3A_112 : memref<1x128x128xf32, #tpu.memory_space<vmem>> -> memref<128x128xf32, #tpu.memory_space<vmem>>
      %dma_start3A_114 = arith.constant 0 : i32
      %dma_start3A_115 = tpu.memref_slice %arg5[%add3A_85, %dma_start3A_114] : memref<80x128xi32, #tpu.memory_space<vmem>> -> memref<1x128xi32, #tpu.memory_space<vmem>>
      %dma_start3A_116 = tpu.memref_squeeze %dma_start3A_115 : memref<1x128xi32, #tpu.memory_space<vmem>> -> memref<128xi32, #tpu.memory_space<vmem>>
      %dma_start3A_117 = arith.constant 0 : i32
      %dma_start3A_118 = arith.constant 0 : i32
      %dma_start3A_119 = tpu.memref_slice %arg7[%dma_start3A_117, %dma_start3A_118] : memref<10240x128xf32, #tpu.memory_space<vmem_shared>> -> memref<10240x128xf32, #tpu.memory_space<vmem_shared>>
      tpu.enqueue_indirect_dma source(%dma_start3A_113 : memref<128x128xf32, #tpu.memory_space<vmem>>) target(%dma_start3A_119 : memref<10240x128xf32, #tpu.memory_space<vmem_shared>>) offsets(%dma_start3A_116 : memref<128xi32, #tpu.memory_space<vmem>>) semaphore(%arg10 : memref<!tpu.dma_semaphore, #tpu.memory_space<semaphore_mem>>) {add = true}
      %mul3A_120 = arith.constant 2 : i32
      %mul3A_121 = arith.muli %mul3A_120, %scan3A_81 : i32
      %add3A_122 = arith.constant 1 : i32
      %add3A_123 = arith.addi %mul3A_121, %add3A_122 : i32
      %mul3A_124 = arith.constant 163840 : i32
      %mul3A_125 = arith.muli %arg0, %mul3A_124 : i32
      %dma_wait3A_126 = arith.constant 1 : i32
      %dma_wait3A_127 = arith.constant 0 : i32
      %dma_wait3A_128 = arith.constant 0 : i32
      %dma_wait3A_129 = tpu.memref_slice %arg6[%dma_wait3A_126, %dma_wait3A_127, %dma_wait3A_128] : memref<2x128x128xf32, #tpu.memory_space<vmem>> -> memref<1x128x128xf32, #tpu.memory_space<vmem>>
      %dma_wait3A_130 = tpu.memref_squeeze %dma_wait3A_129 : memref<1x128x128xf32, #tpu.memory_space<vmem>> -> memref<128x128xf32, #tpu.memory_space<vmem>>
      %dma_wait3A_131 = arith.constant 0 : i32
      %dma_wait3A_132 = tpu.memref_slice %arg2[%mul3A_125, %dma_wait3A_131] : memref<327680x128xf32, #tpu.memory_space<hbm>> -> memref<128x128xf32, #tpu.memory_space<hbm>>
      %dma_wait3A_133 = arith.constant 0 : i32
      %dma_wait3A_134 = arith.constant 0 : i32
      %dma_wait3A_135 = tpu.memref_slice %arg6[%dma_wait3A_126, %dma_wait3A_133, %dma_wait3A_134] : memref<2x128x128xf32, #tpu.memory_space<vmem>> -> memref<1x128x128xf32, #tpu.memory_space<vmem>>
      %dma_wait3A_136 = tpu.memref_squeeze %dma_wait3A_135 : memref<1x128x128xf32, #tpu.memory_space<vmem>> -> memref<128x128xf32, #tpu.memory_space<vmem>>
      %dma_wait3A_137 = arith.constant 0 : i32
      %dma_wait3A_138 = tpu.memref_slice %arg2[%mul3A_125, %dma_wait3A_137] : memref<327680x128xf32, #tpu.memory_space<hbm>> -> memref<128x128xf32, #tpu.memory_space<hbm>>
      tpu.wait_dma2 semaphore(%arg9 : memref<!tpu.dma_semaphore, #tpu.memory_space<semaphore_mem>>) src(%dma_wait3A_138 : memref<128x128xf32, #tpu.memory_space<hbm>>) dst(%dma_wait3A_136 : memref<128x128xf32, #tpu.memory_space<vmem>>)
      %add3A_139 = arith.constant 1 : i32
      %add3A_140 = arith.addi %add3A_123, %add3A_139 : i32
      %lt3A_141 = arith.constant 80 : i32
      %lt3A_142 = arith.cmpi slt, %add3A_140, %lt3A_141 : i32
      %convert_element_type3A_143 = arith.extui %lt3A_142 : i1 to i32
      %cond3A_144 = arith.constant 0 : i32
      %cond3A_145 = arith.cmpi ne, %convert_element_type3A_143, %cond3A_144 : i32
      scf.if %cond3A_145 {
        %mul3A_162 = arith.constant 10240 : i32
        %mul3A_163 = arith.muli %arg1, %mul3A_162 : i32
        %mul3A_164 = arith.constant 128 : i32
        %mul3A_165 = arith.muli %add3A_140, %mul3A_164 : i32
        %add3A_166 = arith.addi %mul3A_163, %mul3A_165 : i32
        %mul3A_167 = arith.constant 163840 : i32
        %mul3A_168 = arith.muli %arg0, %mul3A_167 : i32
        %add3A_169 = arith.addi %mul3A_168, %add3A_166 : i32
        %dma_start3A_170 = arith.constant 0 : i32
        %dma_start3A_171 = arith.constant 0 : i32
        %dma_start3A_172 = arith.constant 0 : i32
        %dma_start3A_173 = tpu.memref_slice %arg6[%dma_start3A_170, %dma_start3A_171, %dma_start3A_172] : memref<2x128x128xf32, #tpu.memory_space<vmem>> -> memref<1x128x128xf32, #tpu.memory_space<vmem>>
        %dma_start3A_174 = tpu.memref_squeeze %dma_start3A_173 : memref<1x128x128xf32, #tpu.memory_space<vmem>> -> memref<128x128xf32, #tpu.memory_space<vmem>>
        %dma_start3A_175 = arith.constant 0 : i32
        %dma_start3A_176 = tpu.memref_slice %arg2[%add3A_169, %dma_start3A_175] : memref<327680x128xf32, #tpu.memory_space<hbm>> -> memref<128x128xf32, #tpu.memory_space<hbm>>
        %dma_start3A_177 = arith.constant 0 : i32
        %dma_start3A_178 = arith.constant 0 : i32
        %dma_start3A_179 = tpu.memref_slice %arg6[%dma_start3A_170, %dma_start3A_177, %dma_start3A_178] : memref<2x128x128xf32, #tpu.memory_space<vmem>> -> memref<1x128x128xf32, #tpu.memory_space<vmem>>
        %dma_start3A_180 = tpu.memref_squeeze %dma_start3A_179 : memref<1x128x128xf32, #tpu.memory_space<vmem>> -> memref<128x128xf32, #tpu.memory_space<vmem>>
        %dma_start3A_181 = arith.constant 0 : i32
        %dma_start3A_182 = tpu.memref_slice %arg2[%add3A_169, %dma_start3A_181] : memref<327680x128xf32, #tpu.memory_space<hbm>> -> memref<128x128xf32, #tpu.memory_space<hbm>>
        tpu.enqueue_dma source(%dma_start3A_182 : memref<128x128xf32, #tpu.memory_space<hbm>>) target(%dma_start3A_180 : memref<128x128xf32, #tpu.memory_space<vmem>>) target_semaphore(%arg8 : memref<!tpu.dma_semaphore, #tpu.memory_space<semaphore_mem>>)
      } else {
      }
      %ge3A_146 = arith.constant 2 : i32
      %ge3A_147 = arith.cmpi sge, %add3A_123, %ge3A_146 : i32
      %convert_element_type3A_148 = arith.extui %ge3A_147 : i1 to i32
      %cond3A_149 = arith.constant 0 : i32
      %cond3A_150 = arith.cmpi ne, %convert_element_type3A_148, %cond3A_149 : i32
      scf.if %cond3A_150 {
        %dma_wait3A_162 = arith.constant 1 : i32
        %dma_wait3A_163 = arith.constant 0 : i32
        %dma_wait3A_164 = arith.constant 0 : i32
        %dma_wait3A_165 = arith.constant 0 : i32
        %dma_wait3A_166 = tpu.memref_slice %arg6[%dma_wait3A_162, %dma_wait3A_164, %dma_wait3A_165] : memref<2x128x128xf32, #tpu.memory_space<vmem>> -> memref<1x128x128xf32, #tpu.memory_space<vmem>>
        %dma_wait3A_167 = tpu.memref_squeeze %dma_wait3A_166 : memref<1x128x128xf32, #tpu.memory_space<vmem>> -> memref<128x128xf32, #tpu.memory_space<vmem>>
        %dma_wait3A_168 = arith.constant 0 : i32
        %dma_wait3A_169 = tpu.memref_slice %arg5[%dma_wait3A_163, %dma_wait3A_168] : memref<80x128xi32, #tpu.memory_space<vmem>> -> memref<1x128xi32, #tpu.memory_space<vmem>>
        %dma_wait3A_170 = tpu.memref_squeeze %dma_wait3A_169 : memref<1x128xi32, #tpu.memory_space<vmem>> -> memref<128xi32, #tpu.memory_space<vmem>>
        %dma_wait3A_171 = arith.constant 0 : i32
        %dma_wait3A_172 = arith.constant 0 : i32
        %dma_wait3A_173 = tpu.memref_slice %arg7[%dma_wait3A_171, %dma_wait3A_172] : memref<10240x128xf32, #tpu.memory_space<vmem_shared>> -> memref<10240x128xf32, #tpu.memory_space<vmem_shared>>
        tpu.wait_indirect_dma semaphore(%arg11 : memref<!tpu.dma_semaphore, #tpu.memory_space<semaphore_mem>>) src(%dma_wait3A_167 : memref<128x128xf32, #tpu.memory_space<vmem>>) dst(%dma_wait3A_173 : memref<10240x128xf32, #tpu.memory_space<vmem_shared>>)
      } else {
      }
      %dma_start3A_151 = arith.constant 1 : i32
      %dma_start3A_152 = arith.constant 0 : i32
      %dma_start3A_153 = arith.constant 0 : i32
      %dma_start3A_154 = tpu.memref_slice %arg6[%dma_start3A_151, %dma_start3A_152, %dma_start3A_153] : memref<2x128x128xf32, #tpu.memory_space<vmem>> -> memref<1x128x128xf32, #tpu.memory_space<vmem>>
      %dma_start3A_155 = tpu.memref_squeeze %dma_start3A_154 : memref<1x128x128xf32, #tpu.memory_space<vmem>> -> memref<128x128xf32, #tpu.memory_space<vmem>>
      %dma_start3A_156 = arith.constant 0 : i32
      %dma_start3A_157 = tpu.memref_slice %arg5[%add3A_123, %dma_start3A_156] : memref<80x128xi32, #tpu.memory_space<vmem>> -> memref<1x128xi32, #tpu.memory_space<vmem>>
      %dma_start3A_158 = tpu.memref_squeeze %dma_start3A_157 : memref<1x128xi32, #tpu.memory_space<vmem>> -> memref<128xi32, #tpu.memory_space<vmem>>
      %dma_start3A_159 = arith.constant 0 : i32
      %dma_start3A_160 = arith.constant 0 : i32
      %dma_start3A_161 = tpu.memref_slice %arg7[%dma_start3A_159, %dma_start3A_160] : memref<10240x128xf32, #tpu.memory_space<vmem_shared>> -> memref<10240x128xf32, #tpu.memory_space<vmem_shared>>
      tpu.enqueue_indirect_dma source(%dma_start3A_155 : memref<128x128xf32, #tpu.memory_space<vmem>>) target(%dma_start3A_161 : memref<10240x128xf32, #tpu.memory_space<vmem_shared>>) offsets(%dma_start3A_158 : memref<128xi32, #tpu.memory_space<vmem>>) semaphore(%arg11 : memref<!tpu.dma_semaphore, #tpu.memory_space<semaphore_mem>>) {add = true}
    }
    %scan3A_51 = arith.constant 40 : i32
    %dma_wait3A = arith.constant 0 : i32
    %dma_wait3A_52 = arith.constant 0 : i32
    %dma_wait3A_53 = arith.constant 0 : i32
    %dma_wait3A_54 = arith.constant 0 : i32
    %dma_wait3A_55 = tpu.memref_slice %arg6[%dma_wait3A, %dma_wait3A_53, %dma_wait3A_54] : memref<2x128x128xf32, #tpu.memory_space<vmem>> -> memref<1x128x128xf32, #tpu.memory_space<vmem>>
    %dma_wait3A_56 = tpu.memref_squeeze %dma_wait3A_55 : memref<1x128x128xf32, #tpu.memory_space<vmem>> -> memref<128x128xf32, #tpu.memory_space<vmem>>
    %dma_wait3A_57 = arith.constant 0 : i32
    %dma_wait3A_58 = tpu.memref_slice %arg5[%dma_wait3A_52, %dma_wait3A_57] : memref<80x128xi32, #tpu.memory_space<vmem>> -> memref<1x128xi32, #tpu.memory_space<vmem>>
    %dma_wait3A_59 = tpu.memref_squeeze %dma_wait3A_58 : memref<1x128xi32, #tpu.memory_space<vmem>> -> memref<128xi32, #tpu.memory_space<vmem>>
    %dma_wait3A_60 = arith.constant 0 : i32
    %dma_wait3A_61 = arith.constant 0 : i32
    %dma_wait3A_62 = tpu.memref_slice %arg7[%dma_wait3A_60, %dma_wait3A_61] : memref<10240x128xf32, #tpu.memory_space<vmem_shared>> -> memref<10240x128xf32, #tpu.memory_space<vmem_shared>>
    tpu.wait_indirect_dma semaphore(%arg10 : memref<!tpu.dma_semaphore, #tpu.memory_space<semaphore_mem>>) src(%dma_wait3A_56 : memref<128x128xf32, #tpu.memory_space<vmem>>) dst(%dma_wait3A_62 : memref<10240x128xf32, #tpu.memory_space<vmem_shared>>)
    %dma_wait3A_63 = arith.constant 1 : i32
    %dma_wait3A_64 = arith.constant 0 : i32
    %dma_wait3A_65 = arith.constant 0 : i32
    %dma_wait3A_66 = arith.constant 0 : i32
    %dma_wait3A_67 = tpu.memref_slice %arg6[%dma_wait3A_63, %dma_wait3A_65, %dma_wait3A_66] : memref<2x128x128xf32, #tpu.memory_space<vmem>> -> memref<1x128x128xf32, #tpu.memory_space<vmem>>
    %dma_wait3A_68 = tpu.memref_squeeze %dma_wait3A_67 : memref<1x128x128xf32, #tpu.memory_space<vmem>> -> memref<128x128xf32, #tpu.memory_space<vmem>>
    %dma_wait3A_69 = arith.constant 0 : i32
    %dma_wait3A_70 = tpu.memref_slice %arg5[%dma_wait3A_64, %dma_wait3A_69] : memref<80x128xi32, #tpu.memory_space<vmem>> -> memref<1x128xi32, #tpu.memory_space<vmem>>
    %dma_wait3A_71 = tpu.memref_squeeze %dma_wait3A_70 : memref<1x128xi32, #tpu.memory_space<vmem>> -> memref<128xi32, #tpu.memory_space<vmem>>
    %dma_wait3A_72 = arith.constant 0 : i32
    %dma_wait3A_73 = arith.constant 0 : i32
    %dma_wait3A_74 = tpu.memref_slice %arg7[%dma_wait3A_72, %dma_wait3A_73] : memref<10240x128xf32, #tpu.memory_space<vmem_shared>> -> memref<10240x128xf32, #tpu.memory_space<vmem_shared>>
    tpu.wait_indirect_dma semaphore(%arg11 : memref<!tpu.dma_semaphore, #tpu.memory_space<semaphore_mem>>) src(%dma_wait3A_68 : memref<128x128xf32, #tpu.memory_space<vmem>>) dst(%dma_wait3A_74 : memref<10240x128xf32, #tpu.memory_space<vmem_shared>>)
    %barrier3A_75 = arith.constant 0 : index
    tpu.barrier barrier_id(%barrier3A_75)
    %mul3A_76 = arith.constant 640 : i32
    %mul3A_77 = arith.muli %arg1, %mul3A_76 : i32
    %mul3A_78 = arith.constant 10240 : i32
    %mul3A_79 = arith.muli %arg0, %mul3A_78 : i32
    %add3A_80 = arith.addi %mul3A_79, %mul3A_77 : i32
    "tpu.region"() ({
      %run_scoped3A_81 = tpu.sem_alloc : memref<!tpu.dma_semaphore, #tpu.memory_space<semaphore_mem>>
      %dma_start3A_82 = arith.constant 0 : i32
      %dma_start3A_83 = tpu.memref_slice %arg4[%add3A_80, %dma_start3A_82] : memref<20480x128xf32, #tpu.memory_space<hbm>> -> memref<640x128xf32, #tpu.memory_space<hbm>>
      %dma_start3A_84 = arith.constant 0 : i32
      %dma_start3A_85 = tpu.memref_slice %arg7[%mul3A_77, %dma_start3A_84] : memref<10240x128xf32, #tpu.memory_space<vmem_shared>> -> memref<640x128xf32, #tpu.memory_space<vmem_shared>>
      tpu.enqueue_dma source(%dma_start3A_85 : memref<640x128xf32, #tpu.memory_space<vmem_shared>>) target(%dma_start3A_83 : memref<640x128xf32, #tpu.memory_space<hbm>>) target_semaphore(%run_scoped3A_81 : memref<!tpu.dma_semaphore, #tpu.memory_space<semaphore_mem>>)
      %dma_wait3A_86 = arith.constant 0 : i32
      %dma_wait3A_87 = tpu.memref_slice %arg4[%add3A_80, %dma_wait3A_86] : memref<20480x128xf32, #tpu.memory_space<hbm>> -> memref<640x128xf32, #tpu.memory_space<hbm>>
      %dma_wait3A_88 = arith.constant 0 : i32
      %dma_wait3A_89 = tpu.memref_slice %arg7[%mul3A_77, %dma_wait3A_88] : memref<10240x128xf32, #tpu.memory_space<vmem_shared>> -> memref<640x128xf32, #tpu.memory_space<vmem_shared>>
      tpu.wait_dma2 semaphore(%run_scoped3A_81 : memref<!tpu.dma_semaphore, #tpu.memory_space<semaphore_mem>>) src(%dma_wait3A_89 : memref<640x128xf32, #tpu.memory_space<vmem_shared>>) dst(%dma_wait3A_87 : memref<640x128xf32, #tpu.memory_space<hbm>>)
      tpu.yield
    }) : () -> ()
    return
  }
}

#map = affine_map<(d0, d1) -> (0, 0)>
#map1 = affine_map<(d0, d1) -> (0)>
module attributes {stable_mosaic.version = 14 : i64} {
  func.func @_msg_kernel(%arg0: i32, %arg1: i32, %arg2: memref<10240x128xi32, #tpu.memory_space<hbm>>, %arg3: memref<10240x128xi32, #tpu.memory_space<hbm>>, %arg4: memref<163840xi32, #tpu.memory_space<hbm>>, %arg5: memref<163840xi32, #tpu.memory_space<hbm>>, %arg6: memref<327680x128xf32, #tpu.memory_space<hbm>>, %arg7: memref<6912xi32, #tpu.memory_space<vmem>>, %arg8: memref<6912xi32, #tpu.memory_space<vmem>>, %arg9: memref<2x64x128xi32, #tpu.memory_space<vmem>>, %arg10: memref<2x64x128xi32, #tpu.memory_space<vmem>>, %arg11: memref<2x64x128xf32, #tpu.memory_space<vmem>>, %arg12: memref<2x64x128xf32, #tpu.memory_space<vmem>>, %arg13: memref<!tpu.dma_semaphore, #tpu.memory_space<semaphore_mem>>, %arg14: memref<!tpu.dma_semaphore, #tpu.memory_space<semaphore_mem>>, %arg15: memref<!tpu.dma_semaphore, #tpu.memory_space<semaphore_mem>>, %arg16: memref<!tpu.dma_semaphore, #tpu.memory_space<semaphore_mem>>, %arg17: memref<!tpu.dma_semaphore, #tpu.memory_space<semaphore_mem>>, %arg18: memref<!tpu.dma_semaphore, #tpu.memory_space<semaphore_mem>>) attributes {dimension_semantics = [#tpu.dimension_semantics<core_parallel>, #tpu.dimension_semantics<subcore_parallel>], iteration_bounds = array<i64: 2, 16>, scalar_prefetch = 0 : i64, scratch_operands = 12 : i64, tpu.core_type = #tpu.core_type<sc_vector_subcore>, window_params = [{transform_indices = #map}, {transform_indices = #map}, {transform_indices = #map1}, {transform_indices = #map1}, {transform_indices = #map}]} {
    %eq3A = arith.constant 0 : i32
    %eq3A_0 = arith.cmpi eq, %arg0, %eq3A : i32
    %jit3A = arith.constant 6912 : i32
    %jit3A_1 = arith.constant 3328 : i32
    %select_n3A = arith.select %eq3A_0, %jit3A, %jit3A_1 : i32
    %mul3A = arith.constant 6912 : i32
    %mul3A_2 = arith.muli %arg1, %mul3A : i32
    %mul3A_3 = arith.constant 3328 : i32
    %mul3A_4 = arith.muli %arg1, %mul3A_3 : i32
    %add3A = arith.constant 110592 : i32
    %add3A_5 = arith.addi %add3A, %mul3A_4 : i32
    %select_n3A_6 = arith.select %eq3A_0, %mul3A_2, %add3A_5 : i32
    %jit3A_7 = arith.constant 64 : i32
    %div3A = arith.divsi %select_n3A, %jit3A_7 : i32
    %sign3A = arith.constant 0 : i32
    %sign3A_8 = arith.cmpi sgt, %select_n3A, %sign3A : i32
    %sign3A_9 = arith.extui %sign3A_8 : i1 to i32
    %sign3A_10 = arith.constant 0 : i32
    %sign3A_11 = arith.cmpi slt, %select_n3A, %sign3A_10 : i32
    %sign3A_12 = arith.extui %sign3A_11 : i1 to i32
    %sign3A_13 = arith.subi %sign3A_9, %sign3A_12 : i32
    %sign3A_14 = arith.constant 0 : i32
    %sign3A_15 = arith.cmpi sgt, %jit3A_7, %sign3A_14 : i32
    %sign3A_16 = arith.extui %sign3A_15 : i1 to i32
    %sign3A_17 = arith.constant 0 : i32
    %sign3A_18 = arith.cmpi slt, %jit3A_7, %sign3A_17 : i32
    %sign3A_19 = arith.extui %sign3A_18 : i1 to i32
    %sign3A_20 = arith.subi %sign3A_16, %sign3A_19 : i32
    %ne3A = arith.cmpi ne, %sign3A_13, %sign3A_20 : i32
    %rem3A = arith.remsi %select_n3A, %jit3A_7 : i32
    %ne3A_21 = arith.constant 0 : i32
    %ne3A_22 = arith.cmpi ne, %rem3A, %ne3A_21 : i32
    %and3A = arith.andi %ne3A, %ne3A_22 : i1
    %sub3A = arith.constant 1 : i32
    %sub3A_23 = arith.subi %div3A, %sub3A : i32
    %select_n3A_24 = arith.select %and3A, %sub3A_23, %div3A : i32
    %convert_element_type3A = arith.extui %eq3A_0 : i1 to i32
    %cond3A = arith.constant 0 : i32
    %cond3A_25 = arith.cmpi ne, %convert_element_type3A, %cond3A : i32
    scf.if %cond3A_25 {
      "tpu.region"() ({
        %run_scoped3A = tpu.sem_alloc : memref<!tpu.dma_semaphore, #tpu.memory_space<semaphore_mem>>
        %dma_start3A_133 = tpu.memref_slice %arg4[%select_n3A_6] : memref<163840xi32, #tpu.memory_space<hbm>> -> memref<6912xi32, #tpu.memory_space<hbm>>
        %dma_start3A_134 = tpu.memref_slice %arg4[%select_n3A_6] : memref<163840xi32, #tpu.memory_space<hbm>> -> memref<6912xi32, #tpu.memory_space<hbm>>
        tpu.enqueue_dma source(%dma_start3A_134 : memref<6912xi32, #tpu.memory_space<hbm>>) target(%arg7 : memref<6912xi32, #tpu.memory_space<vmem>>) target_semaphore(%run_scoped3A : memref<!tpu.dma_semaphore, #tpu.memory_space<semaphore_mem>>)
        %dma_wait3A_135 = tpu.memref_slice %arg4[%select_n3A_6] : memref<163840xi32, #tpu.memory_space<hbm>> -> memref<6912xi32, #tpu.memory_space<hbm>>
        %dma_wait3A_136 = tpu.memref_slice %arg4[%select_n3A_6] : memref<163840xi32, #tpu.memory_space<hbm>> -> memref<6912xi32, #tpu.memory_space<hbm>>
        tpu.wait_dma2 semaphore(%run_scoped3A : memref<!tpu.dma_semaphore, #tpu.memory_space<semaphore_mem>>) src(%dma_wait3A_136 : memref<6912xi32, #tpu.memory_space<hbm>>) dst(%arg7 : memref<6912xi32, #tpu.memory_space<vmem>>)
        tpu.yield
      }) : () -> ()
      "tpu.region"() ({
        %run_scoped3A = tpu.sem_alloc : memref<!tpu.dma_semaphore, #tpu.memory_space<semaphore_mem>>
        %dma_start3A_133 = tpu.memref_slice %arg5[%select_n3A_6] : memref<163840xi32, #tpu.memory_space<hbm>> -> memref<6912xi32, #tpu.memory_space<hbm>>
        %dma_start3A_134 = tpu.memref_slice %arg5[%select_n3A_6] : memref<163840xi32, #tpu.memory_space<hbm>> -> memref<6912xi32, #tpu.memory_space<hbm>>
        tpu.enqueue_dma source(%dma_start3A_134 : memref<6912xi32, #tpu.memory_space<hbm>>) target(%arg8 : memref<6912xi32, #tpu.memory_space<vmem>>) target_semaphore(%run_scoped3A : memref<!tpu.dma_semaphore, #tpu.memory_space<semaphore_mem>>)
        %dma_wait3A_135 = tpu.memref_slice %arg5[%select_n3A_6] : memref<163840xi32, #tpu.memory_space<hbm>> -> memref<6912xi32, #tpu.memory_space<hbm>>
        %dma_wait3A_136 = tpu.memref_slice %arg5[%select_n3A_6] : memref<163840xi32, #tpu.memory_space<hbm>> -> memref<6912xi32, #tpu.memory_space<hbm>>
        tpu.wait_dma2 semaphore(%run_scoped3A : memref<!tpu.dma_semaphore, #tpu.memory_space<semaphore_mem>>) src(%dma_wait3A_136 : memref<6912xi32, #tpu.memory_space<hbm>>) dst(%arg8 : memref<6912xi32, #tpu.memory_space<vmem>>)
        tpu.yield
      }) : () -> ()
    } else {
    }
    %not3A = arith.constant true
    %not3A_26 = arith.xori %eq3A_0, %not3A : i1
    %convert_element_type3A_27 = arith.extui %not3A_26 : i1 to i32
    %cond3A_28 = arith.constant 0 : i32
    %cond3A_29 = arith.cmpi ne, %convert_element_type3A_27, %cond3A_28 : i32
    scf.if %cond3A_29 {
      "tpu.region"() ({
        %run_scoped3A = tpu.sem_alloc : memref<!tpu.dma_semaphore, #tpu.memory_space<semaphore_mem>>
        %dma_start3A_133 = arith.constant 0 : i32
        %dma_start3A_134 = tpu.memref_slice %arg7[%dma_start3A_133] : memref<6912xi32, #tpu.memory_space<vmem>> -> memref<3328xi32, #tpu.memory_space<vmem>>
        %dma_start3A_135 = tpu.memref_slice %arg4[%select_n3A_6] : memref<163840xi32, #tpu.memory_space<hbm>> -> memref<3328xi32, #tpu.memory_space<hbm>>
        %dma_start3A_136 = arith.constant 0 : i32
        %dma_start3A_137 = tpu.memref_slice %arg7[%dma_start3A_136] : memref<6912xi32, #tpu.memory_space<vmem>> -> memref<3328xi32, #tpu.memory_space<vmem>>
        %dma_start3A_138 = tpu.memref_slice %arg4[%select_n3A_6] : memref<163840xi32, #tpu.memory_space<hbm>> -> memref<3328xi32, #tpu.memory_space<hbm>>
        tpu.enqueue_dma source(%dma_start3A_138 : memref<3328xi32, #tpu.memory_space<hbm>>) target(%dma_start3A_137 : memref<3328xi32, #tpu.memory_space<vmem>>) target_semaphore(%run_scoped3A : memref<!tpu.dma_semaphore, #tpu.memory_space<semaphore_mem>>)
        %dma_wait3A_139 = arith.constant 0 : i32
        %dma_wait3A_140 = tpu.memref_slice %arg7[%dma_wait3A_139] : memref<6912xi32, #tpu.memory_space<vmem>> -> memref<3328xi32, #tpu.memory_space<vmem>>
        %dma_wait3A_141 = tpu.memref_slice %arg4[%select_n3A_6] : memref<163840xi32, #tpu.memory_space<hbm>> -> memref<3328xi32, #tpu.memory_space<hbm>>
        %dma_wait3A_142 = arith.constant 0 : i32
        %dma_wait3A_143 = tpu.memref_slice %arg7[%dma_wait3A_142] : memref<6912xi32, #tpu.memory_space<vmem>> -> memref<3328xi32, #tpu.memory_space<vmem>>
        %dma_wait3A_144 = tpu.memref_slice %arg4[%select_n3A_6] : memref<163840xi32, #tpu.memory_space<hbm>> -> memref<3328xi32, #tpu.memory_space<hbm>>
        tpu.wait_dma2 semaphore(%run_scoped3A : memref<!tpu.dma_semaphore, #tpu.memory_space<semaphore_mem>>) src(%dma_wait3A_144 : memref<3328xi32, #tpu.memory_space<hbm>>) dst(%dma_wait3A_143 : memref<3328xi32, #tpu.memory_space<vmem>>)
        tpu.yield
      }) : () -> ()
      "tpu.region"() ({
        %run_scoped3A = tpu.sem_alloc : memref<!tpu.dma_semaphore, #tpu.memory_space<semaphore_mem>>
        %dma_start3A_133 = arith.constant 0 : i32
        %dma_start3A_134 = tpu.memref_slice %arg8[%dma_start3A_133] : memref<6912xi32, #tpu.memory_space<vmem>> -> memref<3328xi32, #tpu.memory_space<vmem>>
        %dma_start3A_135 = tpu.memref_slice %arg5[%select_n3A_6] : memref<163840xi32, #tpu.memory_space<hbm>> -> memref<3328xi32, #tpu.memory_space<hbm>>
        %dma_start3A_136 = arith.constant 0 : i32
        %dma_start3A_137 = tpu.memref_slice %arg8[%dma_start3A_136] : memref<6912xi32, #tpu.memory_space<vmem>> -> memref<3328xi32, #tpu.memory_space<vmem>>
        %dma_start3A_138 = tpu.memref_slice %arg5[%select_n3A_6] : memref<163840xi32, #tpu.memory_space<hbm>> -> memref<3328xi32, #tpu.memory_space<hbm>>
        tpu.enqueue_dma source(%dma_start3A_138 : memref<3328xi32, #tpu.memory_space<hbm>>) target(%dma_start3A_137 : memref<3328xi32, #tpu.memory_space<vmem>>) target_semaphore(%run_scoped3A : memref<!tpu.dma_semaphore, #tpu.memory_space<semaphore_mem>>)
        %dma_wait3A_139 = arith.constant 0 : i32
        %dma_wait3A_140 = tpu.memref_slice %arg8[%dma_wait3A_139] : memref<6912xi32, #tpu.memory_space<vmem>> -> memref<3328xi32, #tpu.memory_space<vmem>>
        %dma_wait3A_141 = tpu.memref_slice %arg5[%select_n3A_6] : memref<163840xi32, #tpu.memory_space<hbm>> -> memref<3328xi32, #tpu.memory_space<hbm>>
        %dma_wait3A_142 = arith.constant 0 : i32
        %dma_wait3A_143 = tpu.memref_slice %arg8[%dma_wait3A_142] : memref<6912xi32, #tpu.memory_space<vmem>> -> memref<3328xi32, #tpu.memory_space<vmem>>
        %dma_wait3A_144 = tpu.memref_slice %arg5[%select_n3A_6] : memref<163840xi32, #tpu.memory_space<hbm>> -> memref<3328xi32, #tpu.memory_space<hbm>>
        tpu.wait_dma2 semaphore(%run_scoped3A : memref<!tpu.dma_semaphore, #tpu.memory_space<semaphore_mem>>) src(%dma_wait3A_144 : memref<3328xi32, #tpu.memory_space<hbm>>) dst(%dma_wait3A_143 : memref<3328xi32, #tpu.memory_space<vmem>>)
        tpu.yield
      }) : () -> ()
    } else {
    }
    %dma_start3A = arith.constant 0 : i32
    %dma_start3A_30 = arith.constant 0 : i32
    %dma_start3A_31 = arith.constant 0 : i32
    %dma_start3A_32 = tpu.memref_slice %arg9[%dma_start3A, %dma_start3A_30, %dma_start3A_31] : memref<2x64x128xi32, #tpu.memory_space<vmem>> -> memref<1x64x128xi32, #tpu.memory_space<vmem>>
    %dma_start3A_33 = tpu.memref_squeeze %dma_start3A_32 : memref<1x64x128xi32, #tpu.memory_space<vmem>> -> memref<64x128xi32, #tpu.memory_space<vmem>>
    %dma_start3A_34 = arith.constant 0 : i32
    %dma_start3A_35 = tpu.memref_slice %arg7[%dma_start3A_34] : memref<6912xi32, #tpu.memory_space<vmem>> -> memref<64xi32, #tpu.memory_space<vmem>>
    %dma_start3A_36 = arith.constant 0 : i32
    %dma_start3A_37 = arith.constant 0 : i32
    %dma_start3A_38 = tpu.memref_slice %arg2[%dma_start3A_36, %dma_start3A_37] : memref<10240x128xi32, #tpu.memory_space<hbm>> -> memref<10240x128xi32, #tpu.memory_space<hbm>>
    tpu.enqueue_indirect_dma source(%dma_start3A_38 : memref<10240x128xi32, #tpu.memory_space<hbm>>) target(%dma_start3A_33 : memref<64x128xi32, #tpu.memory_space<vmem>>) offsets(%dma_start3A_35 : memref<64xi32, #tpu.memory_space<vmem>>) semaphore(%arg13 : memref<!tpu.dma_semaphore, #tpu.memory_space<semaphore_mem>>)
    %dma_start3A_39 = arith.constant 0 : i32
    %dma_start3A_40 = arith.constant 0 : i32
    %dma_start3A_41 = arith.constant 0 : i32
    %dma_start3A_42 = tpu.memref_slice %arg10[%dma_start3A_39, %dma_start3A_40, %dma_start3A_41] : memref<2x64x128xi32, #tpu.memory_space<vmem>> -> memref<1x64x128xi32, #tpu.memory_space<vmem>>
    %dma_start3A_43 = tpu.memref_squeeze %dma_start3A_42 : memref<1x64x128xi32, #tpu.memory_space<vmem>> -> memref<64x128xi32, #tpu.memory_space<vmem>>
    %dma_start3A_44 = arith.constant 0 : i32
    %dma_start3A_45 = tpu.memref_slice %arg8[%dma_start3A_44] : memref<6912xi32, #tpu.memory_space<vmem>> -> memref<64xi32, #tpu.memory_space<vmem>>
    %dma_start3A_46 = arith.constant 0 : i32
    %dma_start3A_47 = arith.constant 0 : i32
    %dma_start3A_48 = tpu.memref_slice %arg3[%dma_start3A_46, %dma_start3A_47] : memref<10240x128xi32, #tpu.memory_space<hbm>> -> memref<10240x128xi32, #tpu.memory_space<hbm>>
    tpu.enqueue_indirect_dma source(%dma_start3A_48 : memref<10240x128xi32, #tpu.memory_space<hbm>>) target(%dma_start3A_43 : memref<64x128xi32, #tpu.memory_space<vmem>>) offsets(%dma_start3A_45 : memref<64xi32, #tpu.memory_space<vmem>>) semaphore(%arg15 : memref<!tpu.dma_semaphore, #tpu.memory_space<semaphore_mem>>)
    %jit3A_49 = arith.constant 2 : i32
    %div3A_50 = arith.divsi %select_n3A_24, %jit3A_49 : i32
    %sign3A_51 = arith.constant 0 : i32
    %sign3A_52 = arith.cmpi sgt, %select_n3A_24, %sign3A_51 : i32
    %sign3A_53 = arith.extui %sign3A_52 : i1 to i32
    %sign3A_54 = arith.constant 0 : i32
    %sign3A_55 = arith.cmpi slt, %select_n3A_24, %sign3A_54 : i32
    %sign3A_56 = arith.extui %sign3A_55 : i1 to i32
    %sign3A_57 = arith.subi %sign3A_53, %sign3A_56 : i32
    %sign3A_58 = arith.constant 0 : i32
    %sign3A_59 = arith.cmpi sgt, %jit3A_49, %sign3A_58 : i32
    %sign3A_60 = arith.extui %sign3A_59 : i1 to i32
    %sign3A_61 = arith.constant 0 : i32
    %sign3A_62 = arith.cmpi slt, %jit3A_49, %sign3A_61 : i32
    %sign3A_63 = arith.extui %sign3A_62 : i1 to i32
    %sign3A_64 = arith.subi %sign3A_60, %sign3A_63 : i32
    %ne3A_65 = arith.cmpi ne, %sign3A_57, %sign3A_64 : i32
    %rem3A_66 = arith.remsi %select_n3A_24, %jit3A_49 : i32
    %ne3A_67 = arith.constant 0 : i32
    %ne3A_68 = arith.cmpi ne, %rem3A_66, %ne3A_67 : i32
    %and3A_69 = arith.andi %ne3A_65, %ne3A_68 : i1
    %sub3A_70 = arith.constant 1 : i32
    %sub3A_71 = arith.subi %div3A_50, %sub3A_70 : i32
    %select_n3A_72 = arith.select %and3A_69, %sub3A_71, %div3A_50 : i32
    %while3A = arith.constant 0 : i32
    %while3A_73 = arith.constant 0 : i32
    %while3A_74 = arith.subi %select_n3A_72, %while3A_73 : i32
    %while3A_75 = arith.addi %while3A_73, %while3A_74 : i32
    %while3A_76 = arith.constant 1 : i32
    %while3A_77 = arith.divsi %while3A_74, %while3A_76 : i32
    %while3A_78 = arith.muli %while3A_77, %while3A_76 : i32
    %while3A_79 = arith.addi %while3A_73, %while3A_78 : i32
    %while3A_80 = arith.constant 1 : i32
    scf.for %while3A_133 = %while3A_73 to %while3A_79 step %while3A_80  : i32 {
      %mul3A_134 = arith.constant 2 : i32
      %mul3A_135 = arith.muli %mul3A_134, %while3A_133 : i32
      %add3A_136 = arith.constant 0 : i32
      %add3A_137 = arith.addi %mul3A_135, %add3A_136 : i32
      %mul3A_138 = arith.constant 64 : i32
      %mul3A_139 = arith.muli %add3A_137, %mul3A_138 : i32
      %add3A_140 = arith.addi %select_n3A_6, %mul3A_139 : i32
      %dma_wait3A_141 = arith.constant 0 : i32
      %dma_wait3A_142 = arith.constant 0 : i32
      %dma_wait3A_143 = arith.constant 0 : i32
      %dma_wait3A_144 = tpu.memref_slice %arg9[%dma_wait3A_141, %dma_wait3A_142, %dma_wait3A_143] : memref<2x64x128xi32, #tpu.memory_space<vmem>> -> memref<1x64x128xi32, #tpu.memory_space<vmem>>
      %dma_wait3A_145 = tpu.memref_squeeze %dma_wait3A_144 : memref<1x64x128xi32, #tpu.memory_space<vmem>> -> memref<64x128xi32, #tpu.memory_space<vmem>>
      %dma_wait3A_146 = arith.constant 0 : i32
      %dma_wait3A_147 = tpu.memref_slice %arg7[%dma_wait3A_146] : memref<6912xi32, #tpu.memory_space<vmem>> -> memref<64xi32, #tpu.memory_space<vmem>>
      %dma_wait3A_148 = arith.constant 0 : i32
      %dma_wait3A_149 = arith.constant 0 : i32
      %dma_wait3A_150 = tpu.memref_slice %arg2[%dma_wait3A_148, %dma_wait3A_149] : memref<10240x128xi32, #tpu.memory_space<hbm>> -> memref<10240x128xi32, #tpu.memory_space<hbm>>
      tpu.wait_indirect_dma semaphore(%arg13 : memref<!tpu.dma_semaphore, #tpu.memory_space<semaphore_mem>>) src(%dma_wait3A_150 : memref<10240x128xi32, #tpu.memory_space<hbm>>) dst(%dma_wait3A_145 : memref<64x128xi32, #tpu.memory_space<vmem>>)
      %dma_wait3A_151 = arith.constant 0 : i32
      %dma_wait3A_152 = arith.constant 0 : i32
      %dma_wait3A_153 = arith.constant 0 : i32
      %dma_wait3A_154 = tpu.memref_slice %arg10[%dma_wait3A_151, %dma_wait3A_152, %dma_wait3A_153] : memref<2x64x128xi32, #tpu.memory_space<vmem>> -> memref<1x64x128xi32, #tpu.memory_space<vmem>>
      %dma_wait3A_155 = tpu.memref_squeeze %dma_wait3A_154 : memref<1x64x128xi32, #tpu.memory_space<vmem>> -> memref<64x128xi32, #tpu.memory_space<vmem>>
      %dma_wait3A_156 = arith.constant 0 : i32
      %dma_wait3A_157 = tpu.memref_slice %arg8[%dma_wait3A_156] : memref<6912xi32, #tpu.memory_space<vmem>> -> memref<64xi32, #tpu.memory_space<vmem>>
      %dma_wait3A_158 = arith.constant 0 : i32
      %dma_wait3A_159 = arith.constant 0 : i32
      %dma_wait3A_160 = tpu.memref_slice %arg3[%dma_wait3A_158, %dma_wait3A_159] : memref<10240x128xi32, #tpu.memory_space<hbm>> -> memref<10240x128xi32, #tpu.memory_space<hbm>>
      tpu.wait_indirect_dma semaphore(%arg15 : memref<!tpu.dma_semaphore, #tpu.memory_space<semaphore_mem>>) src(%dma_wait3A_160 : memref<10240x128xi32, #tpu.memory_space<hbm>>) dst(%dma_wait3A_155 : memref<64x128xi32, #tpu.memory_space<vmem>>)
      %add3A_161 = arith.constant 1 : i32
      %add3A_162 = arith.addi %add3A_137, %add3A_161 : i32
      %lt3A = arith.cmpi slt, %add3A_162, %select_n3A_24 : i32
      %convert_element_type3A_163 = arith.extui %lt3A : i1 to i32
      %cond3A_164 = arith.constant 0 : i32
      %cond3A_165 = arith.cmpi ne, %convert_element_type3A_163, %cond3A_164 : i32
      scf.if %cond3A_165 {
        %mul3A_269 = arith.constant 64 : i32
        %mul3A_270 = arith.muli %add3A_162, %mul3A_269 : i32
        %dma_start3A_271 = arith.constant 1 : i32
        %dma_start3A_272 = arith.constant 0 : i32
        %dma_start3A_273 = arith.constant 0 : i32
        %dma_start3A_274 = tpu.memref_slice %arg9[%dma_start3A_271, %dma_start3A_272, %dma_start3A_273] : memref<2x64x128xi32, #tpu.memory_space<vmem>> -> memref<1x64x128xi32, #tpu.memory_space<vmem>>
        %dma_start3A_275 = tpu.memref_squeeze %dma_start3A_274 : memref<1x64x128xi32, #tpu.memory_space<vmem>> -> memref<64x128xi32, #tpu.memory_space<vmem>>
        %dma_start3A_276 = tpu.memref_slice %arg7[%mul3A_270] : memref<6912xi32, #tpu.memory_space<vmem>> -> memref<64xi32, #tpu.memory_space<vmem>>
        %dma_start3A_277 = arith.constant 0 : i32
        %dma_start3A_278 = arith.constant 0 : i32
        %dma_start3A_279 = tpu.memref_slice %arg2[%dma_start3A_277, %dma_start3A_278] : memref<10240x128xi32, #tpu.memory_space<hbm>> -> memref<10240x128xi32, #tpu.memory_space<hbm>>
        tpu.enqueue_indirect_dma source(%dma_start3A_279 : memref<10240x128xi32, #tpu.memory_space<hbm>>) target(%dma_start3A_275 : memref<64x128xi32, #tpu.memory_space<vmem>>) offsets(%dma_start3A_276 : memref<64xi32, #tpu.memory_space<vmem>>) semaphore(%arg14 : memref<!tpu.dma_semaphore, #tpu.memory_space<semaphore_mem>>)
        %mul3A_280 = arith.constant 64 : i32
        %mul3A_281 = arith.muli %add3A_162, %mul3A_280 : i32
        %dma_start3A_282 = arith.constant 1 : i32
        %dma_start3A_283 = arith.constant 0 : i32
        %dma_start3A_284 = arith.constant 0 : i32
        %dma_start3A_285 = tpu.memref_slice %arg10[%dma_start3A_282, %dma_start3A_283, %dma_start3A_284] : memref<2x64x128xi32, #tpu.memory_space<vmem>> -> memref<1x64x128xi32, #tpu.memory_space<vmem>>
        %dma_start3A_286 = tpu.memref_squeeze %dma_start3A_285 : memref<1x64x128xi32, #tpu.memory_space<vmem>> -> memref<64x128xi32, #tpu.memory_space<vmem>>
        %dma_start3A_287 = tpu.memref_slice %arg8[%mul3A_281] : memref<6912xi32, #tpu.memory_space<vmem>> -> memref<64xi32, #tpu.memory_space<vmem>>
        %dma_start3A_288 = arith.constant 0 : i32
        %dma_start3A_289 = arith.constant 0 : i32
        %dma_start3A_290 = tpu.memref_slice %arg3[%dma_start3A_288, %dma_start3A_289] : memref<10240x128xi32, #tpu.memory_space<hbm>> -> memref<10240x128xi32, #tpu.memory_space<hbm>>
        tpu.enqueue_indirect_dma source(%dma_start3A_290 : memref<10240x128xi32, #tpu.memory_space<hbm>>) target(%dma_start3A_286 : memref<64x128xi32, #tpu.memory_space<vmem>>) offsets(%dma_start3A_287 : memref<64xi32, #tpu.memory_space<vmem>>) semaphore(%arg16 : memref<!tpu.dma_semaphore, #tpu.memory_space<semaphore_mem>>)
      } else {
      }
      %ge3A = arith.constant 2 : i32
      %ge3A_166 = arith.cmpi sge, %add3A_137, %ge3A : i32
      %convert_element_type3A_167 = arith.extui %ge3A_166 : i1 to i32
      %cond3A_168 = arith.constant 0 : i32
      %cond3A_169 = arith.cmpi ne, %convert_element_type3A_167, %cond3A_168 : i32
      scf.if %cond3A_169 {
        %dma_wait3A_269 = arith.constant 0 : i32
        %dma_wait3A_270 = arith.constant 0 : i32
        %dma_wait3A_271 = arith.constant 0 : i32
        %dma_wait3A_272 = tpu.memref_slice %arg11[%dma_wait3A_269, %dma_wait3A_270, %dma_wait3A_271] : memref<2x64x128xf32, #tpu.memory_space<vmem>> -> memref<1x64x128xf32, #tpu.memory_space<vmem>>
        %dma_wait3A_273 = tpu.memref_squeeze %dma_wait3A_272 : memref<1x64x128xf32, #tpu.memory_space<vmem>> -> memref<64x128xf32, #tpu.memory_space<vmem>>
        %dma_wait3A_274 = arith.constant 0 : i32
        %dma_wait3A_275 = tpu.memref_slice %arg6[%select_n3A_6, %dma_wait3A_274] : memref<327680x128xf32, #tpu.memory_space<hbm>> -> memref<64x128xf32, #tpu.memory_space<hbm>>
        %dma_wait3A_276 = arith.constant 0 : i32
        %dma_wait3A_277 = tpu.memref_slice %arg6[%select_n3A_6, %dma_wait3A_276] : memref<327680x128xf32, #tpu.memory_space<hbm>> -> memref<64x128xf32, #tpu.memory_space<hbm>>
        %dma_wait3A_278 = arith.constant 0 : i32
        %dma_wait3A_279 = arith.constant 0 : i32
        %dma_wait3A_280 = tpu.memref_slice %arg11[%dma_wait3A_269, %dma_wait3A_278, %dma_wait3A_279] : memref<2x64x128xf32, #tpu.memory_space<vmem>> -> memref<1x64x128xf32, #tpu.memory_space<vmem>>
        %dma_wait3A_281 = tpu.memref_squeeze %dma_wait3A_280 : memref<1x64x128xf32, #tpu.memory_space<vmem>> -> memref<64x128xf32, #tpu.memory_space<vmem>>
        tpu.wait_dma2 semaphore(%arg17 : memref<!tpu.dma_semaphore, #tpu.memory_space<semaphore_mem>>) src(%dma_wait3A_281 : memref<64x128xf32, #tpu.memory_space<vmem>>) dst(%dma_wait3A_277 : memref<64x128xf32, #tpu.memory_space<hbm>>)
        %dma_wait3A_282 = arith.constant 0 : i32
        %dma_wait3A_283 = arith.constant 0 : i32
        %dma_wait3A_284 = arith.constant 0 : i32
        %dma_wait3A_285 = tpu.memref_slice %arg12[%dma_wait3A_282, %dma_wait3A_283, %dma_wait3A_284] : memref<2x64x128xf32, #tpu.memory_space<vmem>> -> memref<1x64x128xf32, #tpu.memory_space<vmem>>
        %dma_wait3A_286 = tpu.memref_squeeze %dma_wait3A_285 : memref<1x64x128xf32, #tpu.memory_space<vmem>> -> memref<64x128xf32, #tpu.memory_space<vmem>>
        %dma_wait3A_287 = arith.constant 0 : i32
        %dma_wait3A_288 = tpu.memref_slice %arg6[%select_n3A_6, %dma_wait3A_287] : memref<327680x128xf32, #tpu.memory_space<hbm>> -> memref<64x128xf32, #tpu.memory_space<hbm>>
        %dma_wait3A_289 = arith.constant 0 : i32
        %dma_wait3A_290 = tpu.memref_slice %arg6[%select_n3A_6, %dma_wait3A_289] : memref<327680x128xf32, #tpu.memory_space<hbm>> -> memref<64x128xf32, #tpu.memory_space<hbm>>
        %dma_wait3A_291 = arith.constant 0 : i32
        %dma_wait3A_292 = arith.constant 0 : i32
        %dma_wait3A_293 = tpu.memref_slice %arg12[%dma_wait3A_282, %dma_wait3A_291, %dma_wait3A_292] : memref<2x64x128xf32, #tpu.memory_space<vmem>> -> memref<1x64x128xf32, #tpu.memory_space<vmem>>
        %dma_wait3A_294 = tpu.memref_squeeze %dma_wait3A_293 : memref<1x64x128xf32, #tpu.memory_space<vmem>> -> memref<64x128xf32, #tpu.memory_space<vmem>>
        tpu.wait_dma2 semaphore(%arg17 : memref<!tpu.dma_semaphore, #tpu.memory_space<semaphore_mem>>) src(%dma_wait3A_294 : memref<64x128xf32, #tpu.memory_space<vmem>>) dst(%dma_wait3A_290 : memref<64x128xf32, #tpu.memory_space<hbm>>)
      } else {
      }
      %parallel_loop3A = arith.constant 0 : i32
      %parallel_loop3A_170 = arith.constant 64 : i32
      %parallel_loop3A_171 = arith.constant 1 : i32
      scf.for %parallel_loop3A_269 = %parallel_loop3A to %parallel_loop3A_170 step %parallel_loop3A_171  : i32 {
        %parallel_loop3A_270 = arith.constant 0.000000e+00 : f32
        %parallel_loop3A_271 = vector.broadcast %parallel_loop3A_270 : f32 to vector<16xf32>
        %parallel_loop3A_272 = arith.constant 0.000000e+00 : f32
        %parallel_loop3A_273 = vector.broadcast %parallel_loop3A_272 : f32 to vector<16xf32>
        %parallel_loop3A_274 = arith.constant 0 : i32
        %parallel_loop3A_275 = arith.index_cast %parallel_loop3A_274 : i32 to index
        %parallel_loop3A_276 = arith.index_cast %parallel_loop3A_269 : i32 to index
        %parallel_loop3A_277 = arith.constant 0 : index
        %parallel_loop3A_278 = tpu.vector_load %arg9[%parallel_loop3A_275, %parallel_loop3A_276, %parallel_loop3A_277] {strides = array<i32>} : memref<2x64x128xi32, #tpu.memory_space<vmem>>, vector<16xi32>,
        %parallel_loop3A_279 = vector.bitcast %parallel_loop3A_278 : vector<16xi32> to vector<32xbf16>
        %parallel_loop3A_280 = arith.constant 0 : i32
        %parallel_loop3A_281 = arith.index_cast %parallel_loop3A_280 : i32 to index
        %parallel_loop3A_282 = arith.index_cast %parallel_loop3A_269 : i32 to index
        %parallel_loop3A_283 = arith.constant 0 : index
        %parallel_loop3A_284 = tpu.vector_load %arg10[%parallel_loop3A_281, %parallel_loop3A_282, %parallel_loop3A_283] {strides = array<i32>} : memref<2x64x128xi32, #tpu.memory_space<vmem>>, vector<16xi32>,
        %parallel_loop3A_285 = vector.bitcast %parallel_loop3A_284 : vector<16xi32> to vector<32xbf16>
        %parallel_loop3A_286 = arith.addf %parallel_loop3A_279, %parallel_loop3A_285 : vector<32xbf16>
        %parallel_loop3A_287 = tpu.unpack_subelements %parallel_loop3A_286, 0 {pack_format = #tpu.pack_format<interleaved>} : vector<32xbf16> -> vector<16xf32>
        %parallel_loop3A_288 = tpu.unpack_subelements %parallel_loop3A_286, 1 {pack_format = #tpu.pack_format<interleaved>} : vector<32xbf16> -> vector<16xf32>
        %parallel_loop3A_289 = arith.addf %parallel_loop3A_271, %parallel_loop3A_287 : vector<16xf32>
        %parallel_loop3A_290 = arith.addf %parallel_loop3A_289, %parallel_loop3A_288 : vector<16xf32>
        %parallel_loop3A_291 = arith.mulf %parallel_loop3A_287, %parallel_loop3A_287 : vector<16xf32>
        %parallel_loop3A_292 = arith.addf %parallel_loop3A_273, %parallel_loop3A_291 : vector<16xf32>
        %parallel_loop3A_293 = arith.mulf %parallel_loop3A_288, %parallel_loop3A_288 : vector<16xf32>
        %parallel_loop3A_294 = arith.addf %parallel_loop3A_292, %parallel_loop3A_293 : vector<16xf32>
        %parallel_loop3A_295 = arith.constant 0 : i32
        %parallel_loop3A_296 = arith.index_cast %parallel_loop3A_295 : i32 to index
        %parallel_loop3A_297 = arith.index_cast %parallel_loop3A_269 : i32 to index
        %parallel_loop3A_298 = arith.constant 16 : index
        %parallel_loop3A_299 = tpu.vector_load %arg9[%parallel_loop3A_296, %parallel_loop3A_297, %parallel_loop3A_298] {strides = array<i32>} : memref<2x64x128xi32, #tpu.memory_space<vmem>>, vector<16xi32>,
        %parallel_loop3A_300 = vector.bitcast %parallel_loop3A_299 : vector<16xi32> to vector<32xbf16>
        %parallel_loop3A_301 = arith.constant 0 : i32
        %parallel_loop3A_302 = arith.index_cast %parallel_loop3A_301 : i32 to index
        %parallel_loop3A_303 = arith.index_cast %parallel_loop3A_269 : i32 to index
        %parallel_loop3A_304 = arith.constant 16 : index
        %parallel_loop3A_305 = tpu.vector_load %arg10[%parallel_loop3A_302, %parallel_loop3A_303, %parallel_loop3A_304] {strides = array<i32>} : memref<2x64x128xi32, #tpu.memory_space<vmem>>, vector<16xi32>,
        %parallel_loop3A_306 = vector.bitcast %parallel_loop3A_305 : vector<16xi32> to vector<32xbf16>
        %parallel_loop3A_307 = arith.addf %parallel_loop3A_300, %parallel_loop3A_306 : vector<32xbf16>
        %parallel_loop3A_308 = tpu.unpack_subelements %parallel_loop3A_307, 0 {pack_format = #tpu.pack_format<interleaved>} : vector<32xbf16> -> vector<16xf32>
        %parallel_loop3A_309 = tpu.unpack_subelements %parallel_loop3A_307, 1 {pack_format = #tpu.pack_format<interleaved>} : vector<32xbf16> -> vector<16xf32>
        %parallel_loop3A_310 = arith.addf %parallel_loop3A_290, %parallel_loop3A_308 : vector<16xf32>
        %parallel_loop3A_311 = arith.addf %parallel_loop3A_310, %parallel_loop3A_309 : vector<16xf32>
        %parallel_loop3A_312 = arith.mulf %parallel_loop3A_308, %parallel_loop3A_308 : vector<16xf32>
        %parallel_loop3A_313 = arith.addf %parallel_loop3A_294, %parallel_loop3A_312 : vector<16xf32>
        %parallel_loop3A_314 = arith.mulf %parallel_loop3A_309, %parallel_loop3A_309 : vector<16xf32>
        %parallel_loop3A_315 = arith.addf %parallel_loop3A_313, %parallel_loop3A_314 : vector<16xf32>
        %parallel_loop3A_316 = arith.constant 0 : i32
        %parallel_loop3A_317 = arith.index_cast %parallel_loop3A_316 : i32 to index
        %parallel_loop3A_318 = arith.index_cast %parallel_loop3A_269 : i32 to index
        %parallel_loop3A_319 = arith.constant 32 : index
        %parallel_loop3A_320 = tpu.vector_load %arg9[%parallel_loop3A_317, %parallel_loop3A_318, %parallel_loop3A_319] {strides = array<i32>} : memref<2x64x128xi32, #tpu.memory_space<vmem>>, vector<16xi32>,
        %parallel_loop3A_321 = vector.bitcast %parallel_loop3A_320 : vector<16xi32> to vector<32xbf16>
        %parallel_loop3A_322 = arith.constant 0 : i32
        %parallel_loop3A_323 = arith.index_cast %parallel_loop3A_322 : i32 to index
        %parallel_loop3A_324 = arith.index_cast %parallel_loop3A_269 : i32 to index
        %parallel_loop3A_325 = arith.constant 32 : index
        %parallel_loop3A_326 = tpu.vector_load %arg10[%parallel_loop3A_323, %parallel_loop3A_324, %parallel_loop3A_325] {strides = array<i32>} : memref<2x64x128xi32, #tpu.memory_space<vmem>>, vector<16xi32>,
        %parallel_loop3A_327 = vector.bitcast %parallel_loop3A_326 : vector<16xi32> to vector<32xbf16>
        %parallel_loop3A_328 = arith.addf %parallel_loop3A_321, %parallel_loop3A_327 : vector<32xbf16>
        %parallel_loop3A_329 = tpu.unpack_subelements %parallel_loop3A_328, 0 {pack_format = #tpu.pack_format<interleaved>} : vector<32xbf16> -> vector<16xf32>
        %parallel_loop3A_330 = tpu.unpack_subelements %parallel_loop3A_328, 1 {pack_format = #tpu.pack_format<interleaved>} : vector<32xbf16> -> vector<16xf32>
        %parallel_loop3A_331 = arith.addf %parallel_loop3A_311, %parallel_loop3A_329 : vector<16xf32>
        %parallel_loop3A_332 = arith.addf %parallel_loop3A_331, %parallel_loop3A_330 : vector<16xf32>
        %parallel_loop3A_333 = arith.mulf %parallel_loop3A_329, %parallel_loop3A_329 : vector<16xf32>
        %parallel_loop3A_334 = arith.addf %parallel_loop3A_315, %parallel_loop3A_333 : vector<16xf32>
        %parallel_loop3A_335 = arith.mulf %parallel_loop3A_330, %parallel_loop3A_330 : vector<16xf32>
        %parallel_loop3A_336 = arith.addf %parallel_loop3A_334, %parallel_loop3A_335 : vector<16xf32>
        %parallel_loop3A_337 = arith.constant 0 : i32
        %parallel_loop3A_338 = arith.index_cast %parallel_loop3A_337 : i32 to index
        %parallel_loop3A_339 = arith.index_cast %parallel_loop3A_269 : i32 to index
        %parallel_loop3A_340 = arith.constant 48 : index
        %parallel_loop3A_341 = tpu.vector_load %arg9[%parallel_loop3A_338, %parallel_loop3A_339, %parallel_loop3A_340] {strides = array<i32>} : memref<2x64x128xi32, #tpu.memory_space<vmem>>, vector<16xi32>,
        %parallel_loop3A_342 = vector.bitcast %parallel_loop3A_341 : vector<16xi32> to vector<32xbf16>
        %parallel_loop3A_343 = arith.constant 0 : i32
        %parallel_loop3A_344 = arith.index_cast %parallel_loop3A_343 : i32 to index
        %parallel_loop3A_345 = arith.index_cast %parallel_loop3A_269 : i32 to index
        %parallel_loop3A_346 = arith.constant 48 : index
        %parallel_loop3A_347 = tpu.vector_load %arg10[%parallel_loop3A_344, %parallel_loop3A_345, %parallel_loop3A_346] {strides = array<i32>} : memref<2x64x128xi32, #tpu.memory_space<vmem>>, vector<16xi32>,
        %parallel_loop3A_348 = vector.bitcast %parallel_loop3A_347 : vector<16xi32> to vector<32xbf16>
        %parallel_loop3A_349 = arith.addf %parallel_loop3A_342, %parallel_loop3A_348 : vector<32xbf16>
        %parallel_loop3A_350 = tpu.unpack_subelements %parallel_loop3A_349, 0 {pack_format = #tpu.pack_format<interleaved>} : vector<32xbf16> -> vector<16xf32>
        %parallel_loop3A_351 = tpu.unpack_subelements %parallel_loop3A_349, 1 {pack_format = #tpu.pack_format<interleaved>} : vector<32xbf16> -> vector<16xf32>
        %parallel_loop3A_352 = arith.addf %parallel_loop3A_332, %parallel_loop3A_350 : vector<16xf32>
        %parallel_loop3A_353 = arith.addf %parallel_loop3A_352, %parallel_loop3A_351 : vector<16xf32>
        %parallel_loop3A_354 = arith.mulf %parallel_loop3A_350, %parallel_loop3A_350 : vector<16xf32>
        %parallel_loop3A_355 = arith.addf %parallel_loop3A_336, %parallel_loop3A_354 : vector<16xf32>
        %parallel_loop3A_356 = arith.mulf %parallel_loop3A_351, %parallel_loop3A_351 : vector<16xf32>
        %parallel_loop3A_357 = arith.addf %parallel_loop3A_355, %parallel_loop3A_356 : vector<16xf32>
        %parallel_loop3A_358 = arith.constant 0 : i32
        %parallel_loop3A_359 = arith.index_cast %parallel_loop3A_358 : i32 to index
        %parallel_loop3A_360 = arith.index_cast %parallel_loop3A_269 : i32 to index
        %parallel_loop3A_361 = arith.constant 64 : index
        %parallel_loop3A_362 = tpu.vector_load %arg9[%parallel_loop3A_359, %parallel_loop3A_360, %parallel_loop3A_361] {strides = array<i32>} : memref<2x64x128xi32, #tpu.memory_space<vmem>>, vector<16xi32>,
        %parallel_loop3A_363 = vector.bitcast %parallel_loop3A_362 : vector<16xi32> to vector<32xbf16>
        %parallel_loop3A_364 = arith.constant 0 : i32
        %parallel_loop3A_365 = arith.index_cast %parallel_loop3A_364 : i32 to index
        %parallel_loop3A_366 = arith.index_cast %parallel_loop3A_269 : i32 to index
        %parallel_loop3A_367 = arith.constant 64 : index
        %parallel_loop3A_368 = tpu.vector_load %arg10[%parallel_loop3A_365, %parallel_loop3A_366, %parallel_loop3A_367] {strides = array<i32>} : memref<2x64x128xi32, #tpu.memory_space<vmem>>, vector<16xi32>,
        %parallel_loop3A_369 = vector.bitcast %parallel_loop3A_368 : vector<16xi32> to vector<32xbf16>
        %parallel_loop3A_370 = arith.addf %parallel_loop3A_363, %parallel_loop3A_369 : vector<32xbf16>
        %parallel_loop3A_371 = tpu.unpack_subelements %parallel_loop3A_370, 0 {pack_format = #tpu.pack_format<interleaved>} : vector<32xbf16> -> vector<16xf32>
        %parallel_loop3A_372 = tpu.unpack_subelements %parallel_loop3A_370, 1 {pack_format = #tpu.pack_format<interleaved>} : vector<32xbf16> -> vector<16xf32>
        %parallel_loop3A_373 = arith.addf %parallel_loop3A_353, %parallel_loop3A_371 : vector<16xf32>
        %parallel_loop3A_374 = arith.addf %parallel_loop3A_373, %parallel_loop3A_372 : vector<16xf32>
        %parallel_loop3A_375 = arith.mulf %parallel_loop3A_371, %parallel_loop3A_371 : vector<16xf32>
        %parallel_loop3A_376 = arith.addf %parallel_loop3A_357, %parallel_loop3A_375 : vector<16xf32>
        %parallel_loop3A_377 = arith.mulf %parallel_loop3A_372, %parallel_loop3A_372 : vector<16xf32>
        %parallel_loop3A_378 = arith.addf %parallel_loop3A_376, %parallel_loop3A_377 : vector<16xf32>
        %parallel_loop3A_379 = arith.constant 0 : i32
        %parallel_loop3A_380 = arith.index_cast %parallel_loop3A_379 : i32 to index
        %parallel_loop3A_381 = arith.index_cast %parallel_loop3A_269 : i32 to index
        %parallel_loop3A_382 = arith.constant 80 : index
        %parallel_loop3A_383 = tpu.vector_load %arg9[%parallel_loop3A_380, %parallel_loop3A_381, %parallel_loop3A_382] {strides = array<i32>} : memref<2x64x128xi32, #tpu.memory_space<vmem>>, vector<16xi32>,
        %parallel_loop3A_384 = vector.bitcast %parallel_loop3A_383 : vector<16xi32> to vector<32xbf16>
        %parallel_loop3A_385 = arith.constant 0 : i32
        %parallel_loop3A_386 = arith.index_cast %parallel_loop3A_385 : i32 to index
        %parallel_loop3A_387 = arith.index_cast %parallel_loop3A_269 : i32 to index
        %parallel_loop3A_388 = arith.constant 80 : index
        %parallel_loop3A_389 = tpu.vector_load %arg10[%parallel_loop3A_386, %parallel_loop3A_387, %parallel_loop3A_388] {strides = array<i32>} : memref<2x64x128xi32, #tpu.memory_space<vmem>>, vector<16xi32>,
        %parallel_loop3A_390 = vector.bitcast %parallel_loop3A_389 : vector<16xi32> to vector<32xbf16>
        %parallel_loop3A_391 = arith.addf %parallel_loop3A_384, %parallel_loop3A_390 : vector<32xbf16>
        %parallel_loop3A_392 = tpu.unpack_subelements %parallel_loop3A_391, 0 {pack_format = #tpu.pack_format<interleaved>} : vector<32xbf16> -> vector<16xf32>
        %parallel_loop3A_393 = tpu.unpack_subelements %parallel_loop3A_391, 1 {pack_format = #tpu.pack_format<interleaved>} : vector<32xbf16> -> vector<16xf32>
        %parallel_loop3A_394 = arith.addf %parallel_loop3A_374, %parallel_loop3A_392 : vector<16xf32>
        %parallel_loop3A_395 = arith.addf %parallel_loop3A_394, %parallel_loop3A_393 : vector<16xf32>
        %parallel_loop3A_396 = arith.mulf %parallel_loop3A_392, %parallel_loop3A_392 : vector<16xf32>
        %parallel_loop3A_397 = arith.addf %parallel_loop3A_378, %parallel_loop3A_396 : vector<16xf32>
        %parallel_loop3A_398 = arith.mulf %parallel_loop3A_393, %parallel_loop3A_393 : vector<16xf32>
        %parallel_loop3A_399 = arith.addf %parallel_loop3A_397, %parallel_loop3A_398 : vector<16xf32>
        %parallel_loop3A_400 = arith.constant 0 : i32
        %parallel_loop3A_401 = arith.index_cast %parallel_loop3A_400 : i32 to index
        %parallel_loop3A_402 = arith.index_cast %parallel_loop3A_269 : i32 to index
        %parallel_loop3A_403 = arith.constant 96 : index
        %parallel_loop3A_404 = tpu.vector_load %arg9[%parallel_loop3A_401, %parallel_loop3A_402, %parallel_loop3A_403] {strides = array<i32>} : memref<2x64x128xi32, #tpu.memory_space<vmem>>, vector<16xi32>,
        %parallel_loop3A_405 = vector.bitcast %parallel_loop3A_404 : vector<16xi32> to vector<32xbf16>
        %parallel_loop3A_406 = arith.constant 0 : i32
        %parallel_loop3A_407 = arith.index_cast %parallel_loop3A_406 : i32 to index
        %parallel_loop3A_408 = arith.index_cast %parallel_loop3A_269 : i32 to index
        %parallel_loop3A_409 = arith.constant 96 : index
        %parallel_loop3A_410 = tpu.vector_load %arg10[%parallel_loop3A_407, %parallel_loop3A_408, %parallel_loop3A_409] {strides = array<i32>} : memref<2x64x128xi32, #tpu.memory_space<vmem>>, vector<16xi32>,
        %parallel_loop3A_411 = vector.bitcast %parallel_loop3A_410 : vector<16xi32> to vector<32xbf16>
        %parallel_loop3A_412 = arith.addf %parallel_loop3A_405, %parallel_loop3A_411 : vector<32xbf16>
        %parallel_loop3A_413 = tpu.unpack_subelements %parallel_loop3A_412, 0 {pack_format = #tpu.pack_format<interleaved>} : vector<32xbf16> -> vector<16xf32>
        %parallel_loop3A_414 = tpu.unpack_subelements %parallel_loop3A_412, 1 {pack_format = #tpu.pack_format<interleaved>} : vector<32xbf16> -> vector<16xf32>
        %parallel_loop3A_415 = arith.addf %parallel_loop3A_395, %parallel_loop3A_413 : vector<16xf32>
        %parallel_loop3A_416 = arith.addf %parallel_loop3A_415, %parallel_loop3A_414 : vector<16xf32>
        %parallel_loop3A_417 = arith.mulf %parallel_loop3A_413, %parallel_loop3A_413 : vector<16xf32>
        %parallel_loop3A_418 = arith.addf %parallel_loop3A_399, %parallel_loop3A_417 : vector<16xf32>
        %parallel_loop3A_419 = arith.mulf %parallel_loop3A_414, %parallel_loop3A_414 : vector<16xf32>
        %parallel_loop3A_420 = arith.addf %parallel_loop3A_418, %parallel_loop3A_419 : vector<16xf32>
        %parallel_loop3A_421 = arith.constant 0 : i32
        %parallel_loop3A_422 = arith.index_cast %parallel_loop3A_421 : i32 to index
        %parallel_loop3A_423 = arith.index_cast %parallel_loop3A_269 : i32 to index
        %parallel_loop3A_424 = arith.constant 112 : index
        %parallel_loop3A_425 = tpu.vector_load %arg9[%parallel_loop3A_422, %parallel_loop3A_423, %parallel_loop3A_424] {strides = array<i32>} : memref<2x64x128xi32, #tpu.memory_space<vmem>>, vector<16xi32>,
        %parallel_loop3A_426 = vector.bitcast %parallel_loop3A_425 : vector<16xi32> to vector<32xbf16>
        %parallel_loop3A_427 = arith.constant 0 : i32
        %parallel_loop3A_428 = arith.index_cast %parallel_loop3A_427 : i32 to index
        %parallel_loop3A_429 = arith.index_cast %parallel_loop3A_269 : i32 to index
        %parallel_loop3A_430 = arith.constant 112 : index
        %parallel_loop3A_431 = tpu.vector_load %arg10[%parallel_loop3A_428, %parallel_loop3A_429, %parallel_loop3A_430] {strides = array<i32>} : memref<2x64x128xi32, #tpu.memory_space<vmem>>, vector<16xi32>,
        %parallel_loop3A_432 = vector.bitcast %parallel_loop3A_431 : vector<16xi32> to vector<32xbf16>
        %parallel_loop3A_433 = arith.addf %parallel_loop3A_426, %parallel_loop3A_432 : vector<32xbf16>
        %parallel_loop3A_434 = tpu.unpack_subelements %parallel_loop3A_433, 0 {pack_format = #tpu.pack_format<interleaved>} : vector<32xbf16> -> vector<16xf32>
        %parallel_loop3A_435 = tpu.unpack_subelements %parallel_loop3A_433, 1 {pack_format = #tpu.pack_format<interleaved>} : vector<32xbf16> -> vector<16xf32>
        %parallel_loop3A_436 = arith.addf %parallel_loop3A_416, %parallel_loop3A_434 : vector<16xf32>
        %parallel_loop3A_437 = arith.addf %parallel_loop3A_436, %parallel_loop3A_435 : vector<16xf32>
        %parallel_loop3A_438 = arith.mulf %parallel_loop3A_434, %parallel_loop3A_434 : vector<16xf32>
        %parallel_loop3A_439 = arith.addf %parallel_loop3A_420, %parallel_loop3A_438 : vector<16xf32>
        %parallel_loop3A_440 = arith.mulf %parallel_loop3A_435, %parallel_loop3A_435 : vector<16xf32>
        %parallel_loop3A_441 = arith.addf %parallel_loop3A_439, %parallel_loop3A_440 : vector<16xf32>
        %parallel_loop3A_442 = arith.constant true
        %parallel_loop3A_443 = vector.broadcast %parallel_loop3A_442 : i1 to vector<16xi1>
        %parallel_loop3A_444 = tpu.scan <sum>, %parallel_loop3A_437 masked %parallel_loop3A_443 : vector<16xf32>, vector<16xi1> -> vector<16xf32>
        %parallel_loop3A_445 = vector.extract %parallel_loop3A_444[15] : f32 from vector<16xf32>
        %parallel_loop3A_446 = arith.constant true
        %parallel_loop3A_447 = vector.broadcast %parallel_loop3A_446 : i1 to vector<16xi1>
        %parallel_loop3A_448 = tpu.scan <sum>, %parallel_loop3A_441 masked %parallel_loop3A_447 : vector<16xf32>, vector<16xi1> -> vector<16xf32>
        %parallel_loop3A_449 = vector.extract %parallel_loop3A_448[15] : f32 from vector<16xf32>
        %parallel_loop3A_450 = arith.constant 3.906250e-03 : f32
        %parallel_loop3A_451 = arith.mulf %parallel_loop3A_445, %parallel_loop3A_450 : f32
        %parallel_loop3A_452 = arith.constant 3.906250e-03 : f32
        %parallel_loop3A_453 = arith.mulf %parallel_loop3A_449, %parallel_loop3A_452 : f32
        %parallel_loop3A_454 = arith.mulf %parallel_loop3A_451, %parallel_loop3A_451 : f32
        %parallel_loop3A_455 = arith.subf %parallel_loop3A_453, %parallel_loop3A_454 : f32
        %parallel_loop3A_456 = arith.constant 9.99999974E-6 : f32
        %parallel_loop3A_457 = vector.broadcast %parallel_loop3A_456 : f32 to vector<16xf32>
        %parallel_loop3A_458 = vector.broadcast %parallel_loop3A_455 : f32 to vector<16xf32>
        %parallel_loop3A_459 = arith.addf %parallel_loop3A_457, %parallel_loop3A_458 : vector<16xf32>
        %parallel_loop3A_460 = vector.bitcast %parallel_loop3A_459 : vector<16xf32> to vector<16xi32>
        %parallel_loop3A_461 = arith.constant 1 : i32
        %parallel_loop3A_462 = vector.broadcast %parallel_loop3A_461 : i32 to vector<16xi32>
        %parallel_loop3A_463 = arith.shrsi %parallel_loop3A_460, %parallel_loop3A_462 : vector<16xi32>
        %parallel_loop3A_464 = arith.constant 1597463007 : i32
        %parallel_loop3A_465 = vector.broadcast %parallel_loop3A_464 : i32 to vector<16xi32>
        %parallel_loop3A_466 = arith.subi %parallel_loop3A_465, %parallel_loop3A_463 : vector<16xi32>
        %parallel_loop3A_467 = vector.bitcast %parallel_loop3A_466 : vector<16xi32> to vector<16xf32>
        %parallel_loop3A_468 = arith.constant 5.000000e-01 : f32
        %parallel_loop3A_469 = vector.broadcast %parallel_loop3A_468 : f32 to vector<16xf32>
        %parallel_loop3A_470 = arith.mulf %parallel_loop3A_469, %parallel_loop3A_459 : vector<16xf32>
        %parallel_loop3A_471 = arith.mulf %parallel_loop3A_470, %parallel_loop3A_467 : vector<16xf32>
        %parallel_loop3A_472 = arith.mulf %parallel_loop3A_471, %parallel_loop3A_467 : vector<16xf32>
        %parallel_loop3A_473 = arith.constant 1.500000e+00 : f32
        %parallel_loop3A_474 = vector.broadcast %parallel_loop3A_473 : f32 to vector<16xf32>
        %parallel_loop3A_475 = arith.subf %parallel_loop3A_474, %parallel_loop3A_472 : vector<16xf32>
        %parallel_loop3A_476 = arith.mulf %parallel_loop3A_467, %parallel_loop3A_475 : vector<16xf32>
        %parallel_loop3A_477 = arith.constant 5.000000e-01 : f32
        %parallel_loop3A_478 = vector.broadcast %parallel_loop3A_477 : f32 to vector<16xf32>
        %parallel_loop3A_479 = arith.mulf %parallel_loop3A_478, %parallel_loop3A_459 : vector<16xf32>
        %parallel_loop3A_480 = arith.mulf %parallel_loop3A_479, %parallel_loop3A_476 : vector<16xf32>
        %parallel_loop3A_481 = arith.mulf %parallel_loop3A_480, %parallel_loop3A_476 : vector<16xf32>
        %parallel_loop3A_482 = arith.constant 1.500000e+00 : f32
        %parallel_loop3A_483 = vector.broadcast %parallel_loop3A_482 : f32 to vector<16xf32>
        %parallel_loop3A_484 = arith.subf %parallel_loop3A_483, %parallel_loop3A_481 : vector<16xf32>
        %parallel_loop3A_485 = arith.mulf %parallel_loop3A_476, %parallel_loop3A_484 : vector<16xf32>
        %parallel_loop3A_486 = arith.constant 5.000000e-01 : f32
        %parallel_loop3A_487 = vector.broadcast %parallel_loop3A_486 : f32 to vector<16xf32>
        %parallel_loop3A_488 = arith.mulf %parallel_loop3A_487, %parallel_loop3A_459 : vector<16xf32>
        %parallel_loop3A_489 = arith.mulf %parallel_loop3A_488, %parallel_loop3A_485 : vector<16xf32>
        %parallel_loop3A_490 = arith.mulf %parallel_loop3A_489, %parallel_loop3A_485 : vector<16xf32>
        %parallel_loop3A_491 = arith.constant 1.500000e+00 : f32
        %parallel_loop3A_492 = vector.broadcast %parallel_loop3A_491 : f32 to vector<16xf32>
        %parallel_loop3A_493 = arith.subf %parallel_loop3A_492, %parallel_loop3A_490 : vector<16xf32>
        %parallel_loop3A_494 = arith.mulf %parallel_loop3A_485, %parallel_loop3A_493 : vector<16xf32>
        %parallel_loop3A_495 = arith.constant 0.000000e+00 : f32
        %parallel_loop3A_496 = vector.broadcast %parallel_loop3A_495 : f32 to vector<16xf32>
        %parallel_loop3A_497 = vector.broadcast %parallel_loop3A_451 : f32 to vector<16xf32>
        %parallel_loop3A_498 = arith.addf %parallel_loop3A_496, %parallel_loop3A_497 : vector<16xf32>
        %parallel_loop3A_499 = arith.constant 1.000000e+00 : f32
        %parallel_loop3A_500 = vector.broadcast %parallel_loop3A_499 : f32 to vector<16xf32>
        %parallel_loop3A_501 = arith.subf %parallel_loop3A_287, %parallel_loop3A_498 : vector<16xf32>
        %parallel_loop3A_502 = arith.mulf %parallel_loop3A_501, %parallel_loop3A_494 : vector<16xf32>
        %parallel_loop3A_503 = arith.addf %parallel_loop3A_502, %parallel_loop3A_500 : vector<16xf32>
        %parallel_loop3A_504 = arith.constant 0 : i32
        %parallel_loop3A_505 = arith.index_cast %parallel_loop3A_504 : i32 to index
        %parallel_loop3A_506 = arith.index_cast %parallel_loop3A_269 : i32 to index
        %parallel_loop3A_507 = arith.constant 0 : index
        %parallel_loop3A_508 = tpu.vector_load %arg11[%parallel_loop3A_505, %parallel_loop3A_506, %parallel_loop3A_507] {strides = array<i32>} : memref<2x64x128xf32, #tpu.memory_space<vmem>>, vector<16xf32>,
        tpu.vector_store %arg11[%parallel_loop3A_505, %parallel_loop3A_506, %parallel_loop3A_507], %parallel_loop3A_503 {strides = array<i32>} : memref<2x64x128xf32, #tpu.memory_space<vmem>>, vector<16xf32>,
        %parallel_loop3A_509 = arith.subf %parallel_loop3A_288, %parallel_loop3A_498 : vector<16xf32>
        %parallel_loop3A_510 = arith.mulf %parallel_loop3A_509, %parallel_loop3A_494 : vector<16xf32>
        %parallel_loop3A_511 = arith.addf %parallel_loop3A_510, %parallel_loop3A_500 : vector<16xf32>
        %parallel_loop3A_512 = arith.constant 0 : i32
        %parallel_loop3A_513 = arith.index_cast %parallel_loop3A_512 : i32 to index
        %parallel_loop3A_514 = arith.index_cast %parallel_loop3A_269 : i32 to index
        %parallel_loop3A_515 = arith.constant 0 : index
        %parallel_loop3A_516 = tpu.vector_load %arg12[%parallel_loop3A_513, %parallel_loop3A_514, %parallel_loop3A_515] {strides = array<i32>} : memref<2x64x128xf32, #tpu.memory_space<vmem>>, vector<16xf32>,
        tpu.vector_store %arg12[%parallel_loop3A_513, %parallel_loop3A_514, %parallel_loop3A_515], %parallel_loop3A_511 {strides = array<i32>} : memref<2x64x128xf32, #tpu.memory_space<vmem>>, vector<16xf32>,
        %parallel_loop3A_517 = arith.subf %parallel_loop3A_308, %parallel_loop3A_498 : vector<16xf32>
        %parallel_loop3A_518 = arith.mulf %parallel_loop3A_517, %parallel_loop3A_494 : vector<16xf32>
        %parallel_loop3A_519 = arith.addf %parallel_loop3A_518, %parallel_loop3A_500 : vector<16xf32>
        %parallel_loop3A_520 = arith.constant 0 : i32
        %parallel_loop3A_521 = arith.index_cast %parallel_loop3A_520 : i32 to index
        %parallel_loop3A_522 = arith.index_cast %parallel_loop3A_269 : i32 to index
        %parallel_loop3A_523 = arith.constant 16 : index
        %parallel_loop3A_524 = tpu.vector_load %arg11[%parallel_loop3A_521, %parallel_loop3A_522, %parallel_loop3A_523] {strides = array<i32>} : memref<2x64x128xf32, #tpu.memory_space<vmem>>, vector<16xf32>,
        tpu.vector_store %arg11[%parallel_loop3A_521, %parallel_loop3A_522, %parallel_loop3A_523], %parallel_loop3A_519 {strides = array<i32>} : memref<2x64x128xf32, #tpu.memory_space<vmem>>, vector<16xf32>,
        %parallel_loop3A_525 = arith.subf %parallel_loop3A_309, %parallel_loop3A_498 : vector<16xf32>
        %parallel_loop3A_526 = arith.mulf %parallel_loop3A_525, %parallel_loop3A_494 : vector<16xf32>
        %parallel_loop3A_527 = arith.addf %parallel_loop3A_526, %parallel_loop3A_500 : vector<16xf32>
        %parallel_loop3A_528 = arith.constant 0 : i32
        %parallel_loop3A_529 = arith.index_cast %parallel_loop3A_528 : i32 to index
        %parallel_loop3A_530 = arith.index_cast %parallel_loop3A_269 : i32 to index
        %parallel_loop3A_531 = arith.constant 16 : index
        %parallel_loop3A_532 = tpu.vector_load %arg12[%parallel_loop3A_529, %parallel_loop3A_530, %parallel_loop3A_531] {strides = array<i32>} : memref<2x64x128xf32, #tpu.memory_space<vmem>>, vector<16xf32>,
        tpu.vector_store %arg12[%parallel_loop3A_529, %parallel_loop3A_530, %parallel_loop3A_531], %parallel_loop3A_527 {strides = array<i32>} : memref<2x64x128xf32, #tpu.memory_space<vmem>>, vector<16xf32>,
        %parallel_loop3A_533 = arith.subf %parallel_loop3A_329, %parallel_loop3A_498 : vector<16xf32>
        %parallel_loop3A_534 = arith.mulf %parallel_loop3A_533, %parallel_loop3A_494 : vector<16xf32>
        %parallel_loop3A_535 = arith.addf %parallel_loop3A_534, %parallel_loop3A_500 : vector<16xf32>
        %parallel_loop3A_536 = arith.constant 0 : i32
        %parallel_loop3A_537 = arith.index_cast %parallel_loop3A_536 : i32 to index
        %parallel_loop3A_538 = arith.index_cast %parallel_loop3A_269 : i32 to index
        %parallel_loop3A_539 = arith.constant 32 : index
        %parallel_loop3A_540 = tpu.vector_load %arg11[%parallel_loop3A_537, %parallel_loop3A_538, %parallel_loop3A_539] {strides = array<i32>} : memref<2x64x128xf32, #tpu.memory_space<vmem>>, vector<16xf32>,
        tpu.vector_store %arg11[%parallel_loop3A_537, %parallel_loop3A_538, %parallel_loop3A_539], %parallel_loop3A_535 {strides = array<i32>} : memref<2x64x128xf32, #tpu.memory_space<vmem>>, vector<16xf32>,
        %parallel_loop3A_541 = arith.subf %parallel_loop3A_330, %parallel_loop3A_498 : vector<16xf32>
        %parallel_loop3A_542 = arith.mulf %parallel_loop3A_541, %parallel_loop3A_494 : vector<16xf32>
        %parallel_loop3A_543 = arith.addf %parallel_loop3A_542, %parallel_loop3A_500 : vector<16xf32>
        %parallel_loop3A_544 = arith.constant 0 : i32
        %parallel_loop3A_545 = arith.index_cast %parallel_loop3A_544 : i32 to index
        %parallel_loop3A_546 = arith.index_cast %parallel_loop3A_269 : i32 to index
        %parallel_loop3A_547 = arith.constant 32 : index
        %parallel_loop3A_548 = tpu.vector_load %arg12[%parallel_loop3A_545, %parallel_loop3A_546, %parallel_loop3A_547] {strides = array<i32>} : memref<2x64x128xf32, #tpu.memory_space<vmem>>, vector<16xf32>,
        tpu.vector_store %arg12[%parallel_loop3A_545, %parallel_loop3A_546, %parallel_loop3A_547], %parallel_loop3A_543 {strides = array<i32>} : memref<2x64x128xf32, #tpu.memory_space<vmem>>, vector<16xf32>,
        %parallel_loop3A_549 = arith.subf %parallel_loop3A_350, %parallel_loop3A_498 : vector<16xf32>
        %parallel_loop3A_550 = arith.mulf %parallel_loop3A_549, %parallel_loop3A_494 : vector<16xf32>
        %parallel_loop3A_551 = arith.addf %parallel_loop3A_550, %parallel_loop3A_500 : vector<16xf32>
        %parallel_loop3A_552 = arith.constant 0 : i32
        %parallel_loop3A_553 = arith.index_cast %parallel_loop3A_552 : i32 to index
        %parallel_loop3A_554 = arith.index_cast %parallel_loop3A_269 : i32 to index
        %parallel_loop3A_555 = arith.constant 48 : index
        %parallel_loop3A_556 = tpu.vector_load %arg11[%parallel_loop3A_553, %parallel_loop3A_554, %parallel_loop3A_555] {strides = array<i32>} : memref<2x64x128xf32, #tpu.memory_space<vmem>>, vector<16xf32>,
        tpu.vector_store %arg11[%parallel_loop3A_553, %parallel_loop3A_554, %parallel_loop3A_555], %parallel_loop3A_551 {strides = array<i32>} : memref<2x64x128xf32, #tpu.memory_space<vmem>>, vector<16xf32>,
        %parallel_loop3A_557 = arith.subf %parallel_loop3A_351, %parallel_loop3A_498 : vector<16xf32>
        %parallel_loop3A_558 = arith.mulf %parallel_loop3A_557, %parallel_loop3A_494 : vector<16xf32>
        %parallel_loop3A_559 = arith.addf %parallel_loop3A_558, %parallel_loop3A_500 : vector<16xf32>
        %parallel_loop3A_560 = arith.constant 0 : i32
        %parallel_loop3A_561 = arith.index_cast %parallel_loop3A_560 : i32 to index
        %parallel_loop3A_562 = arith.index_cast %parallel_loop3A_269 : i32 to index
        %parallel_loop3A_563 = arith.constant 48 : index
        %parallel_loop3A_564 = tpu.vector_load %arg12[%parallel_loop3A_561, %parallel_loop3A_562, %parallel_loop3A_563] {strides = array<i32>} : memref<2x64x128xf32, #tpu.memory_space<vmem>>, vector<16xf32>,
        tpu.vector_store %arg12[%parallel_loop3A_561, %parallel_loop3A_562, %parallel_loop3A_563], %parallel_loop3A_559 {strides = array<i32>} : memref<2x64x128xf32, #tpu.memory_space<vmem>>, vector<16xf32>,
        %parallel_loop3A_565 = arith.subf %parallel_loop3A_371, %parallel_loop3A_498 : vector<16xf32>
        %parallel_loop3A_566 = arith.mulf %parallel_loop3A_565, %parallel_loop3A_494 : vector<16xf32>
        %parallel_loop3A_567 = arith.addf %parallel_loop3A_566, %parallel_loop3A_500 : vector<16xf32>
        %parallel_loop3A_568 = arith.constant 0 : i32
        %parallel_loop3A_569 = arith.index_cast %parallel_loop3A_568 : i32 to index
        %parallel_loop3A_570 = arith.index_cast %parallel_loop3A_269 : i32 to index
        %parallel_loop3A_571 = arith.constant 64 : index
        %parallel_loop3A_572 = tpu.vector_load %arg11[%parallel_loop3A_569, %parallel_loop3A_570, %parallel_loop3A_571] {strides = array<i32>} : memref<2x64x128xf32, #tpu.memory_space<vmem>>, vector<16xf32>,
        tpu.vector_store %arg11[%parallel_loop3A_569, %parallel_loop3A_570, %parallel_loop3A_571], %parallel_loop3A_567 {strides = array<i32>} : memref<2x64x128xf32, #tpu.memory_space<vmem>>, vector<16xf32>,
        %parallel_loop3A_573 = arith.subf %parallel_loop3A_372, %parallel_loop3A_498 : vector<16xf32>
        %parallel_loop3A_574 = arith.mulf %parallel_loop3A_573, %parallel_loop3A_494 : vector<16xf32>
        %parallel_loop3A_575 = arith.addf %parallel_loop3A_574, %parallel_loop3A_500 : vector<16xf32>
        %parallel_loop3A_576 = arith.constant 0 : i32
        %parallel_loop3A_577 = arith.index_cast %parallel_loop3A_576 : i32 to index
        %parallel_loop3A_578 = arith.index_cast %parallel_loop3A_269 : i32 to index
        %parallel_loop3A_579 = arith.constant 64 : index
        %parallel_loop3A_580 = tpu.vector_load %arg12[%parallel_loop3A_577, %parallel_loop3A_578, %parallel_loop3A_579] {strides = array<i32>} : memref<2x64x128xf32, #tpu.memory_space<vmem>>, vector<16xf32>,
        tpu.vector_store %arg12[%parallel_loop3A_577, %parallel_loop3A_578, %parallel_loop3A_579], %parallel_loop3A_575 {strides = array<i32>} : memref<2x64x128xf32, #tpu.memory_space<vmem>>, vector<16xf32>,
        %parallel_loop3A_581 = arith.subf %parallel_loop3A_392, %parallel_loop3A_498 : vector<16xf32>
        %parallel_loop3A_582 = arith.mulf %parallel_loop3A_581, %parallel_loop3A_494 : vector<16xf32>
        %parallel_loop3A_583 = arith.addf %parallel_loop3A_582, %parallel_loop3A_500 : vector<16xf32>
        %parallel_loop3A_584 = arith.constant 0 : i32
        %parallel_loop3A_585 = arith.index_cast %parallel_loop3A_584 : i32 to index
        %parallel_loop3A_586 = arith.index_cast %parallel_loop3A_269 : i32 to index
        %parallel_loop3A_587 = arith.constant 80 : index
        %parallel_loop3A_588 = tpu.vector_load %arg11[%parallel_loop3A_585, %parallel_loop3A_586, %parallel_loop3A_587] {strides = array<i32>} : memref<2x64x128xf32, #tpu.memory_space<vmem>>, vector<16xf32>,
        tpu.vector_store %arg11[%parallel_loop3A_585, %parallel_loop3A_586, %parallel_loop3A_587], %parallel_loop3A_583 {strides = array<i32>} : memref<2x64x128xf32, #tpu.memory_space<vmem>>, vector<16xf32>,
        %parallel_loop3A_589 = arith.subf %parallel_loop3A_393, %parallel_loop3A_498 : vector<16xf32>
        %parallel_loop3A_590 = arith.mulf %parallel_loop3A_589, %parallel_loop3A_494 : vector<16xf32>
        %parallel_loop3A_591 = arith.addf %parallel_loop3A_590, %parallel_loop3A_500 : vector<16xf32>
        %parallel_loop3A_592 = arith.constant 0 : i32
        %parallel_loop3A_593 = arith.index_cast %parallel_loop3A_592 : i32 to index
        %parallel_loop3A_594 = arith.index_cast %parallel_loop3A_269 : i32 to index
        %parallel_loop3A_595 = arith.constant 80 : index
        %parallel_loop3A_596 = tpu.vector_load %arg12[%parallel_loop3A_593, %parallel_loop3A_594, %parallel_loop3A_595] {strides = array<i32>} : memref<2x64x128xf32, #tpu.memory_space<vmem>>, vector<16xf32>,
        tpu.vector_store %arg12[%parallel_loop3A_593, %parallel_loop3A_594, %parallel_loop3A_595], %parallel_loop3A_591 {strides = array<i32>} : memref<2x64x128xf32, #tpu.memory_space<vmem>>, vector<16xf32>,
        %parallel_loop3A_597 = arith.subf %parallel_loop3A_413, %parallel_loop3A_498 : vector<16xf32>
        %parallel_loop3A_598 = arith.mulf %parallel_loop3A_597, %parallel_loop3A_494 : vector<16xf32>
        %parallel_loop3A_599 = arith.addf %parallel_loop3A_598, %parallel_loop3A_500 : vector<16xf32>
        %parallel_loop3A_600 = arith.constant 0 : i32
        %parallel_loop3A_601 = arith.index_cast %parallel_loop3A_600 : i32 to index
        %parallel_loop3A_602 = arith.index_cast %parallel_loop3A_269 : i32 to index
        %parallel_loop3A_603 = arith.constant 96 : index
        %parallel_loop3A_604 = tpu.vector_load %arg11[%parallel_loop3A_601, %parallel_loop3A_602, %parallel_loop3A_603] {strides = array<i32>} : memref<2x64x128xf32, #tpu.memory_space<vmem>>, vector<16xf32>,
        tpu.vector_store %arg11[%parallel_loop3A_601, %parallel_loop3A_602, %parallel_loop3A_603], %parallel_loop3A_599 {strides = array<i32>} : memref<2x64x128xf32, #tpu.memory_space<vmem>>, vector<16xf32>,
        %parallel_loop3A_605 = arith.subf %parallel_loop3A_414, %parallel_loop3A_498 : vector<16xf32>
        %parallel_loop3A_606 = arith.mulf %parallel_loop3A_605, %parallel_loop3A_494 : vector<16xf32>
        %parallel_loop3A_607 = arith.addf %parallel_loop3A_606, %parallel_loop3A_500 : vector<16xf32>
        %parallel_loop3A_608 = arith.constant 0 : i32
        %parallel_loop3A_609 = arith.index_cast %parallel_loop3A_608 : i32 to index
        %parallel_loop3A_610 = arith.index_cast %parallel_loop3A_269 : i32 to index
        %parallel_loop3A_611 = arith.constant 96 : index
        %parallel_loop3A_612 = tpu.vector_load %arg12[%parallel_loop3A_609, %parallel_loop3A_610, %parallel_loop3A_611] {strides = array<i32>} : memref<2x64x128xf32, #tpu.memory_space<vmem>>, vector<16xf32>,
        tpu.vector_store %arg12[%parallel_loop3A_609, %parallel_loop3A_610, %parallel_loop3A_611], %parallel_loop3A_607 {strides = array<i32>} : memref<2x64x128xf32, #tpu.memory_space<vmem>>, vector<16xf32>,
        %parallel_loop3A_613 = arith.subf %parallel_loop3A_434, %parallel_loop3A_498 : vector<16xf32>
        %parallel_loop3A_614 = arith.mulf %parallel_loop3A_613, %parallel_loop3A_494 : vector<16xf32>
        %parallel_loop3A_615 = arith.addf %parallel_loop3A_614, %parallel_loop3A_500 : vector<16xf32>
        %parallel_loop3A_616 = arith.constant 0 : i32
        %parallel_loop3A_617 = arith.index_cast %parallel_loop3A_616 : i32 to index
        %parallel_loop3A_618 = arith.index_cast %parallel_loop3A_269 : i32 to index
        %parallel_loop3A_619 = arith.constant 112 : index
        %parallel_loop3A_620 = tpu.vector_load %arg11[%parallel_loop3A_617, %parallel_loop3A_618, %parallel_loop3A_619] {strides = array<i32>} : memref<2x64x128xf32, #tpu.memory_space<vmem>>, vector<16xf32>,
        tpu.vector_store %arg11[%parallel_loop3A_617, %parallel_loop3A_618, %parallel_loop3A_619], %parallel_loop3A_615 {strides = array<i32>} : memref<2x64x128xf32, #tpu.memory_space<vmem>>, vector<16xf32>,
        %parallel_loop3A_621 = arith.subf %parallel_loop3A_435, %parallel_loop3A_498 : vector<16xf32>
        %parallel_loop3A_622 = arith.mulf %parallel_loop3A_621, %parallel_loop3A_494 : vector<16xf32>
        %parallel_loop3A_623 = arith.addf %parallel_loop3A_622, %parallel_loop3A_500 : vector<16xf32>
        %parallel_loop3A_624 = arith.constant 0 : i32
        %parallel_loop3A_625 = arith.index_cast %parallel_loop3A_624 : i32 to index
        %parallel_loop3A_626 = arith.index_cast %parallel_loop3A_269 : i32 to index
        %parallel_loop3A_627 = arith.constant 112 : index
        %parallel_loop3A_628 = tpu.vector_load %arg12[%parallel_loop3A_625, %parallel_loop3A_626, %parallel_loop3A_627] {strides = array<i32>} : memref<2x64x128xf32, #tpu.memory_space<vmem>>, vector<16xf32>,
        tpu.vector_store %arg12[%parallel_loop3A_625, %parallel_loop3A_626, %parallel_loop3A_627], %parallel_loop3A_623 {strides = array<i32>} : memref<2x64x128xf32, #tpu.memory_space<vmem>>, vector<16xf32>,
      } {sc.loop_unroll_factor = 2 : i64, sc.parallel_access}
      %dma_start3A_172 = arith.constant 0 : i32
      %dma_start3A_173 = arith.constant 0 : i32
      %dma_start3A_174 = arith.constant 0 : i32
      %dma_start3A_175 = tpu.memref_slice %arg11[%dma_start3A_172, %dma_start3A_173, %dma_start3A_174] : memref<2x64x128xf32, #tpu.memory_space<vmem>> -> memref<1x64x128xf32, #tpu.memory_space<vmem>>
      %dma_start3A_176 = tpu.memref_squeeze %dma_start3A_175 : memref<1x64x128xf32, #tpu.memory_space<vmem>> -> memref<64x128xf32, #tpu.memory_space<vmem>>
      %dma_start3A_177 = arith.constant 0 : i32
      %dma_start3A_178 = tpu.memref_slice %arg6[%add3A_140, %dma_start3A_177] : memref<327680x128xf32, #tpu.memory_space<hbm>> -> memref<64x128xf32, #tpu.memory_space<hbm>>
      %dma_start3A_179 = arith.constant 0 : i32
      %dma_start3A_180 = tpu.memref_slice %arg6[%add3A_140, %dma_start3A_179] : memref<327680x128xf32, #tpu.memory_space<hbm>> -> memref<64x128xf32, #tpu.memory_space<hbm>>
      %dma_start3A_181 = arith.constant 0 : i32
      %dma_start3A_182 = arith.constant 0 : i32
      %dma_start3A_183 = tpu.memref_slice %arg11[%dma_start3A_172, %dma_start3A_181, %dma_start3A_182] : memref<2x64x128xf32, #tpu.memory_space<vmem>> -> memref<1x64x128xf32, #tpu.memory_space<vmem>>
      %dma_start3A_184 = tpu.memref_squeeze %dma_start3A_183 : memref<1x64x128xf32, #tpu.memory_space<vmem>> -> memref<64x128xf32, #tpu.memory_space<vmem>>
      tpu.enqueue_dma source(%dma_start3A_184 : memref<64x128xf32, #tpu.memory_space<vmem>>) target(%dma_start3A_180 : memref<64x128xf32, #tpu.memory_space<hbm>>) target_semaphore(%arg17 : memref<!tpu.dma_semaphore, #tpu.memory_space<semaphore_mem>>)
      %add3A_185 = arith.constant 163840 : i32
      %add3A_186 = arith.addi %add3A_185, %add3A_140 : i32
      %dma_start3A_187 = arith.constant 0 : i32
      %dma_start3A_188 = arith.constant 0 : i32
      %dma_start3A_189 = arith.constant 0 : i32
      %dma_start3A_190 = tpu.memref_slice %arg12[%dma_start3A_187, %dma_start3A_188, %dma_start3A_189] : memref<2x64x128xf32, #tpu.memory_space<vmem>> -> memref<1x64x128xf32, #tpu.memory_space<vmem>>
      %dma_start3A_191 = tpu.memref_squeeze %dma_start3A_190 : memref<1x64x128xf32, #tpu.memory_space<vmem>> -> memref<64x128xf32, #tpu.memory_space<vmem>>
      %dma_start3A_192 = arith.constant 0 : i32
      %dma_start3A_193 = tpu.memref_slice %arg6[%add3A_186, %dma_start3A_192] : memref<327680x128xf32, #tpu.memory_space<hbm>> -> memref<64x128xf32, #tpu.memory_space<hbm>>
      %dma_start3A_194 = arith.constant 0 : i32
      %dma_start3A_195 = tpu.memref_slice %arg6[%add3A_186, %dma_start3A_194] : memref<327680x128xf32, #tpu.memory_space<hbm>> -> memref<64x128xf32, #tpu.memory_space<hbm>>
      %dma_start3A_196 = arith.constant 0 : i32
      %dma_start3A_197 = arith.constant 0 : i32
      %dma_start3A_198 = tpu.memref_slice %arg12[%dma_start3A_187, %dma_start3A_196, %dma_start3A_197] : memref<2x64x128xf32, #tpu.memory_space<vmem>> -> memref<1x64x128xf32, #tpu.memory_space<vmem>>
      %dma_start3A_199 = tpu.memref_squeeze %dma_start3A_198 : memref<1x64x128xf32, #tpu.memory_space<vmem>> -> memref<64x128xf32, #tpu.memory_space<vmem>>
      tpu.enqueue_dma source(%dma_start3A_199 : memref<64x128xf32, #tpu.memory_space<vmem>>) target(%dma_start3A_195 : memref<64x128xf32, #tpu.memory_space<hbm>>) target_semaphore(%arg17 : memref<!tpu.dma_semaphore, #tpu.memory_space<semaphore_mem>>)
      %mul3A_200 = arith.constant 2 : i32
      %mul3A_201 = arith.muli %mul3A_200, %while3A_133 : i32
      %add3A_202 = arith.constant 1 : i32
      %add3A_203 = arith.addi %mul3A_201, %add3A_202 : i32
      %mul3A_204 = arith.constant 64 : i32
      %mul3A_205 = arith.muli %add3A_203, %mul3A_204 : i32
      %add3A_206 = arith.addi %select_n3A_6, %mul3A_205 : i32
      %dma_wait3A_207 = arith.constant 1 : i32
      %dma_wait3A_208 = arith.constant 0 : i32
      %dma_wait3A_209 = arith.constant 0 : i32
      %dma_wait3A_210 = tpu.memref_slice %arg9[%dma_wait3A_207, %dma_wait3A_208, %dma_wait3A_209] : memref<2x64x128xi32, #tpu.memory_space<vmem>> -> memref<1x64x128xi32, #tpu.memory_space<vmem>>
      %dma_wait3A_211 = tpu.memref_squeeze %dma_wait3A_210 : memref<1x64x128xi32, #tpu.memory_space<vmem>> -> memref<64x128xi32, #tpu.memory_space<vmem>>
      %dma_wait3A_212 = arith.constant 0 : i32
      %dma_wait3A_213 = tpu.memref_slice %arg7[%dma_wait3A_212] : memref<6912xi32, #tpu.memory_space<vmem>> -> memref<64xi32, #tpu.memory_space<vmem>>
      %dma_wait3A_214 = arith.constant 0 : i32
      %dma_wait3A_215 = arith.constant 0 : i32
      %dma_wait3A_216 = tpu.memref_slice %arg2[%dma_wait3A_214, %dma_wait3A_215] : memref<10240x128xi32, #tpu.memory_space<hbm>> -> memref<10240x128xi32, #tpu.memory_space<hbm>>
      tpu.wait_indirect_dma semaphore(%arg14 : memref<!tpu.dma_semaphore, #tpu.memory_space<semaphore_mem>>) src(%dma_wait3A_216 : memref<10240x128xi32, #tpu.memory_space<hbm>>) dst(%dma_wait3A_211 : memref<64x128xi32, #tpu.memory_space<vmem>>)
      %dma_wait3A_217 = arith.constant 1 : i32
      %dma_wait3A_218 = arith.constant 0 : i32
      %dma_wait3A_219 = arith.constant 0 : i32
      %dma_wait3A_220 = tpu.memref_slice %arg10[%dma_wait3A_217, %dma_wait3A_218, %dma_wait3A_219] : memref<2x64x128xi32, #tpu.memory_space<vmem>> -> memref<1x64x128xi32, #tpu.memory_space<vmem>>
      %dma_wait3A_221 = tpu.memref_squeeze %dma_wait3A_220 : memref<1x64x128xi32, #tpu.memory_space<vmem>> -> memref<64x128xi32, #tpu.memory_space<vmem>>
      %dma_wait3A_222 = arith.constant 0 : i32
      %dma_wait3A_223 = tpu.memref_slice %arg8[%dma_wait3A_222] : memref<6912xi32, #tpu.memory_space<vmem>> -> memref<64xi32, #tpu.memory_space<vmem>>
      %dma_wait3A_224 = arith.constant 0 : i32
      %dma_wait3A_225 = arith.constant 0 : i32
      %dma_wait3A_226 = tpu.memref_slice %arg3[%dma_wait3A_224, %dma_wait3A_225] : memref<10240x128xi32, #tpu.memory_space<hbm>> -> memref<10240x128xi32, #tpu.memory_space<hbm>>
      tpu.wait_indirect_dma semaphore(%arg16 : memref<!tpu.dma_semaphore, #tpu.memory_space<semaphore_mem>>) src(%dma_wait3A_226 : memref<10240x128xi32, #tpu.memory_space<hbm>>) dst(%dma_wait3A_221 : memref<64x128xi32, #tpu.memory_space<vmem>>)
      %add3A_227 = arith.constant 1 : i32
      %add3A_228 = arith.addi %add3A_203, %add3A_227 : i32
      %lt3A_229 = arith.cmpi slt, %add3A_228, %select_n3A_24 : i32
      %convert_element_type3A_230 = arith.extui %lt3A_229 : i1 to i32
      %cond3A_231 = arith.constant 0 : i32
      %cond3A_232 = arith.cmpi ne, %convert_element_type3A_230, %cond3A_231 : i32
      scf.if %cond3A_232 {
        %mul3A_269 = arith.constant 64 : i32
        %mul3A_270 = arith.muli %add3A_228, %mul3A_269 : i32
        %dma_start3A_271 = arith.constant 0 : i32
        %dma_start3A_272 = arith.constant 0 : i32
        %dma_start3A_273 = arith.constant 0 : i32
        %dma_start3A_274 = tpu.memref_slice %arg9[%dma_start3A_271, %dma_start3A_272, %dma_start3A_273] : memref<2x64x128xi32, #tpu.memory_space<vmem>> -> memref<1x64x128xi32, #tpu.memory_space<vmem>>
        %dma_start3A_275 = tpu.memref_squeeze %dma_start3A_274 : memref<1x64x128xi32, #tpu.memory_space<vmem>> -> memref<64x128xi32, #tpu.memory_space<vmem>>
        %dma_start3A_276 = tpu.memref_slice %arg7[%mul3A_270] : memref<6912xi32, #tpu.memory_space<vmem>> -> memref<64xi32, #tpu.memory_space<vmem>>
        %dma_start3A_277 = arith.constant 0 : i32
        %dma_start3A_278 = arith.constant 0 : i32
        %dma_start3A_279 = tpu.memref_slice %arg2[%dma_start3A_277, %dma_start3A_278] : memref<10240x128xi32, #tpu.memory_space<hbm>> -> memref<10240x128xi32, #tpu.memory_space<hbm>>
        tpu.enqueue_indirect_dma source(%dma_start3A_279 : memref<10240x128xi32, #tpu.memory_space<hbm>>) target(%dma_start3A_275 : memref<64x128xi32, #tpu.memory_space<vmem>>) offsets(%dma_start3A_276 : memref<64xi32, #tpu.memory_space<vmem>>) semaphore(%arg13 : memref<!tpu.dma_semaphore, #tpu.memory_space<semaphore_mem>>)
        %mul3A_280 = arith.constant 64 : i32
        %mul3A_281 = arith.muli %add3A_228, %mul3A_280 : i32
        %dma_start3A_282 = arith.constant 0 : i32
        %dma_start3A_283 = arith.constant 0 : i32
        %dma_start3A_284 = arith.constant 0 : i32
        %dma_start3A_285 = tpu.memref_slice %arg10[%dma_start3A_282, %dma_start3A_283, %dma_start3A_284] : memref<2x64x128xi32, #tpu.memory_space<vmem>> -> memref<1x64x128xi32, #tpu.memory_space<vmem>>
        %dma_start3A_286 = tpu.memref_squeeze %dma_start3A_285 : memref<1x64x128xi32, #tpu.memory_space<vmem>> -> memref<64x128xi32, #tpu.memory_space<vmem>>
        %dma_start3A_287 = tpu.memref_slice %arg8[%mul3A_281] : memref<6912xi32, #tpu.memory_space<vmem>> -> memref<64xi32, #tpu.memory_space<vmem>>
        %dma_start3A_288 = arith.constant 0 : i32
        %dma_start3A_289 = arith.constant 0 : i32
        %dma_start3A_290 = tpu.memref_slice %arg3[%dma_start3A_288, %dma_start3A_289] : memref<10240x128xi32, #tpu.memory_space<hbm>> -> memref<10240x128xi32, #tpu.memory_space<hbm>>
        tpu.enqueue_indirect_dma source(%dma_start3A_290 : memref<10240x128xi32, #tpu.memory_space<hbm>>) target(%dma_start3A_286 : memref<64x128xi32, #tpu.memory_space<vmem>>) offsets(%dma_start3A_287 : memref<64xi32, #tpu.memory_space<vmem>>) semaphore(%arg15 : memref<!tpu.dma_semaphore, #tpu.memory_space<semaphore_mem>>)
      } else {
      }
      %ge3A_233 = arith.constant 2 : i32
      %ge3A_234 = arith.cmpi sge, %add3A_203, %ge3A_233 : i32
      %convert_element_type3A_235 = arith.extui %ge3A_234 : i1 to i32
      %cond3A_236 = arith.constant 0 : i32
      %cond3A_237 = arith.cmpi ne, %convert_element_type3A_235, %cond3A_236 : i32
      scf.if %cond3A_237 {
        %dma_wait3A_269 = arith.constant 1 : i32
        %dma_wait3A_270 = arith.constant 0 : i32
        %dma_wait3A_271 = arith.constant 0 : i32
        %dma_wait3A_272 = tpu.memref_slice %arg11[%dma_wait3A_269, %dma_wait3A_270, %dma_wait3A_271] : memref<2x64x128xf32, #tpu.memory_space<vmem>> -> memref<1x64x128xf32, #tpu.memory_space<vmem>>
        %dma_wait3A_273 = tpu.memref_squeeze %dma_wait3A_272 : memref<1x64x128xf32, #tpu.memory_space<vmem>> -> memref<64x128xf32, #tpu.memory_space<vmem>>
        %dma_wait3A_274 = arith.constant 0 : i32
        %dma_wait3A_275 = tpu.memref_slice %arg6[%select_n3A_6, %dma_wait3A_274] : memref<327680x128xf32, #tpu.memory_space<hbm>> -> memref<64x128xf32, #tpu.memory_space<hbm>>
        %dma_wait3A_276 = arith.constant 0 : i32
        %dma_wait3A_277 = tpu.memref_slice %arg6[%select_n3A_6, %dma_wait3A_276] : memref<327680x128xf32, #tpu.memory_space<hbm>> -> memref<64x128xf32, #tpu.memory_space<hbm>>
        %dma_wait3A_278 = arith.constant 0 : i32
        %dma_wait3A_279 = arith.constant 0 : i32
        %dma_wait3A_280 = tpu.memref_slice %arg11[%dma_wait3A_269, %dma_wait3A_278, %dma_wait3A_279] : memref<2x64x128xf32, #tpu.memory_space<vmem>> -> memref<1x64x128xf32, #tpu.memory_space<vmem>>
        %dma_wait3A_281 = tpu.memref_squeeze %dma_wait3A_280 : memref<1x64x128xf32, #tpu.memory_space<vmem>> -> memref<64x128xf32, #tpu.memory_space<vmem>>
        tpu.wait_dma2 semaphore(%arg18 : memref<!tpu.dma_semaphore, #tpu.memory_space<semaphore_mem>>) src(%dma_wait3A_281 : memref<64x128xf32, #tpu.memory_space<vmem>>) dst(%dma_wait3A_277 : memref<64x128xf32, #tpu.memory_space<hbm>>)
        %dma_wait3A_282 = arith.constant 1 : i32
        %dma_wait3A_283 = arith.constant 0 : i32
        %dma_wait3A_284 = arith.constant 0 : i32
        %dma_wait3A_285 = tpu.memref_slice %arg12[%dma_wait3A_282, %dma_wait3A_283, %dma_wait3A_284] : memref<2x64x128xf32, #tpu.memory_space<vmem>> -> memref<1x64x128xf32, #tpu.memory_space<vmem>>
        %dma_wait3A_286 = tpu.memref_squeeze %dma_wait3A_285 : memref<1x64x128xf32, #tpu.memory_space<vmem>> -> memref<64x128xf32, #tpu.memory_space<vmem>>
        %dma_wait3A_287 = arith.constant 0 : i32
        %dma_wait3A_288 = tpu.memref_slice %arg6[%select_n3A_6, %dma_wait3A_287] : memref<327680x128xf32, #tpu.memory_space<hbm>> -> memref<64x128xf32, #tpu.memory_space<hbm>>
        %dma_wait3A_289 = arith.constant 0 : i32
        %dma_wait3A_290 = tpu.memref_slice %arg6[%select_n3A_6, %dma_wait3A_289] : memref<327680x128xf32, #tpu.memory_space<hbm>> -> memref<64x128xf32, #tpu.memory_space<hbm>>
        %dma_wait3A_291 = arith.constant 0 : i32
        %dma_wait3A_292 = arith.constant 0 : i32
        %dma_wait3A_293 = tpu.memref_slice %arg12[%dma_wait3A_282, %dma_wait3A_291, %dma_wait3A_292] : memref<2x64x128xf32, #tpu.memory_space<vmem>> -> memref<1x64x128xf32, #tpu.memory_space<vmem>>
        %dma_wait3A_294 = tpu.memref_squeeze %dma_wait3A_293 : memref<1x64x128xf32, #tpu.memory_space<vmem>> -> memref<64x128xf32, #tpu.memory_space<vmem>>
        tpu.wait_dma2 semaphore(%arg18 : memref<!tpu.dma_semaphore, #tpu.memory_space<semaphore_mem>>) src(%dma_wait3A_294 : memref<64x128xf32, #tpu.memory_space<vmem>>) dst(%dma_wait3A_290 : memref<64x128xf32, #tpu.memory_space<hbm>>)
      } else {
      }
      %parallel_loop3A_238 = arith.constant 0 : i32
      %parallel_loop3A_239 = arith.constant 64 : i32
      %parallel_loop3A_240 = arith.constant 1 : i32
      scf.for %parallel_loop3A_269 = %parallel_loop3A_238 to %parallel_loop3A_239 step %parallel_loop3A_240  : i32 {
        %parallel_loop3A_270 = arith.constant 0.000000e+00 : f32
        %parallel_loop3A_271 = vector.broadcast %parallel_loop3A_270 : f32 to vector<16xf32>
        %parallel_loop3A_272 = arith.constant 0.000000e+00 : f32
        %parallel_loop3A_273 = vector.broadcast %parallel_loop3A_272 : f32 to vector<16xf32>
        %parallel_loop3A_274 = arith.constant 1 : i32
        %parallel_loop3A_275 = arith.index_cast %parallel_loop3A_274 : i32 to index
        %parallel_loop3A_276 = arith.index_cast %parallel_loop3A_269 : i32 to index
        %parallel_loop3A_277 = arith.constant 0 : index
        %parallel_loop3A_278 = tpu.vector_load %arg9[%parallel_loop3A_275, %parallel_loop3A_276, %parallel_loop3A_277] {strides = array<i32>} : memref<2x64x128xi32, #tpu.memory_space<vmem>>, vector<16xi32>,
        %parallel_loop3A_279 = vector.bitcast %parallel_loop3A_278 : vector<16xi32> to vector<32xbf16>
        %parallel_loop3A_280 = arith.constant 1 : i32
        %parallel_loop3A_281 = arith.index_cast %parallel_loop3A_280 : i32 to index
        %parallel_loop3A_282 = arith.index_cast %parallel_loop3A_269 : i32 to index
        %parallel_loop3A_283 = arith.constant 0 : index
        %parallel_loop3A_284 = tpu.vector_load %arg10[%parallel_loop3A_281, %parallel_loop3A_282, %parallel_loop3A_283] {strides = array<i32>} : memref<2x64x128xi32, #tpu.memory_space<vmem>>, vector<16xi32>,
        %parallel_loop3A_285 = vector.bitcast %parallel_loop3A_284 : vector<16xi32> to vector<32xbf16>
        %parallel_loop3A_286 = arith.addf %parallel_loop3A_279, %parallel_loop3A_285 : vector<32xbf16>
        %parallel_loop3A_287 = tpu.unpack_subelements %parallel_loop3A_286, 0 {pack_format = #tpu.pack_format<interleaved>} : vector<32xbf16> -> vector<16xf32>
        %parallel_loop3A_288 = tpu.unpack_subelements %parallel_loop3A_286, 1 {pack_format = #tpu.pack_format<interleaved>} : vector<32xbf16> -> vector<16xf32>
        %parallel_loop3A_289 = arith.addf %parallel_loop3A_271, %parallel_loop3A_287 : vector<16xf32>
        %parallel_loop3A_290 = arith.addf %parallel_loop3A_289, %parallel_loop3A_288 : vector<16xf32>
        %parallel_loop3A_291 = arith.mulf %parallel_loop3A_287, %parallel_loop3A_287 : vector<16xf32>
        %parallel_loop3A_292 = arith.addf %parallel_loop3A_273, %parallel_loop3A_291 : vector<16xf32>
        %parallel_loop3A_293 = arith.mulf %parallel_loop3A_288, %parallel_loop3A_288 : vector<16xf32>
        %parallel_loop3A_294 = arith.addf %parallel_loop3A_292, %parallel_loop3A_293 : vector<16xf32>
        %parallel_loop3A_295 = arith.constant 1 : i32
        %parallel_loop3A_296 = arith.index_cast %parallel_loop3A_295 : i32 to index
        %parallel_loop3A_297 = arith.index_cast %parallel_loop3A_269 : i32 to index
        %parallel_loop3A_298 = arith.constant 16 : index
        %parallel_loop3A_299 = tpu.vector_load %arg9[%parallel_loop3A_296, %parallel_loop3A_297, %parallel_loop3A_298] {strides = array<i32>} : memref<2x64x128xi32, #tpu.memory_space<vmem>>, vector<16xi32>,
        %parallel_loop3A_300 = vector.bitcast %parallel_loop3A_299 : vector<16xi32> to vector<32xbf16>
        %parallel_loop3A_301 = arith.constant 1 : i32
        %parallel_loop3A_302 = arith.index_cast %parallel_loop3A_301 : i32 to index
        %parallel_loop3A_303 = arith.index_cast %parallel_loop3A_269 : i32 to index
        %parallel_loop3A_304 = arith.constant 16 : index
        %parallel_loop3A_305 = tpu.vector_load %arg10[%parallel_loop3A_302, %parallel_loop3A_303, %parallel_loop3A_304] {strides = array<i32>} : memref<2x64x128xi32, #tpu.memory_space<vmem>>, vector<16xi32>,
        %parallel_loop3A_306 = vector.bitcast %parallel_loop3A_305 : vector<16xi32> to vector<32xbf16>
        %parallel_loop3A_307 = arith.addf %parallel_loop3A_300, %parallel_loop3A_306 : vector<32xbf16>
        %parallel_loop3A_308 = tpu.unpack_subelements %parallel_loop3A_307, 0 {pack_format = #tpu.pack_format<interleaved>} : vector<32xbf16> -> vector<16xf32>
        %parallel_loop3A_309 = tpu.unpack_subelements %parallel_loop3A_307, 1 {pack_format = #tpu.pack_format<interleaved>} : vector<32xbf16> -> vector<16xf32>
        %parallel_loop3A_310 = arith.addf %parallel_loop3A_290, %parallel_loop3A_308 : vector<16xf32>
        %parallel_loop3A_311 = arith.addf %parallel_loop3A_310, %parallel_loop3A_309 : vector<16xf32>
        %parallel_loop3A_312 = arith.mulf %parallel_loop3A_308, %parallel_loop3A_308 : vector<16xf32>
        %parallel_loop3A_313 = arith.addf %parallel_loop3A_294, %parallel_loop3A_312 : vector<16xf32>
        %parallel_loop3A_314 = arith.mulf %parallel_loop3A_309, %parallel_loop3A_309 : vector<16xf32>
        %parallel_loop3A_315 = arith.addf %parallel_loop3A_313, %parallel_loop3A_314 : vector<16xf32>
        %parallel_loop3A_316 = arith.constant 1 : i32
        %parallel_loop3A_317 = arith.index_cast %parallel_loop3A_316 : i32 to index
        %parallel_loop3A_318 = arith.index_cast %parallel_loop3A_269 : i32 to index
        %parallel_loop3A_319 = arith.constant 32 : index
        %parallel_loop3A_320 = tpu.vector_load %arg9[%parallel_loop3A_317, %parallel_loop3A_318, %parallel_loop3A_319] {strides = array<i32>} : memref<2x64x128xi32, #tpu.memory_space<vmem>>, vector<16xi32>,
        %parallel_loop3A_321 = vector.bitcast %parallel_loop3A_320 : vector<16xi32> to vector<32xbf16>
        %parallel_loop3A_322 = arith.constant 1 : i32
        %parallel_loop3A_323 = arith.index_cast %parallel_loop3A_322 : i32 to index
        %parallel_loop3A_324 = arith.index_cast %parallel_loop3A_269 : i32 to index
        %parallel_loop3A_325 = arith.constant 32 : index
        %parallel_loop3A_326 = tpu.vector_load %arg10[%parallel_loop3A_323, %parallel_loop3A_324, %parallel_loop3A_325] {strides = array<i32>} : memref<2x64x128xi32, #tpu.memory_space<vmem>>, vector<16xi32>,
        %parallel_loop3A_327 = vector.bitcast %parallel_loop3A_326 : vector<16xi32> to vector<32xbf16>
        %parallel_loop3A_328 = arith.addf %parallel_loop3A_321, %parallel_loop3A_327 : vector<32xbf16>
        %parallel_loop3A_329 = tpu.unpack_subelements %parallel_loop3A_328, 0 {pack_format = #tpu.pack_format<interleaved>} : vector<32xbf16> -> vector<16xf32>
        %parallel_loop3A_330 = tpu.unpack_subelements %parallel_loop3A_328, 1 {pack_format = #tpu.pack_format<interleaved>} : vector<32xbf16> -> vector<16xf32>
        %parallel_loop3A_331 = arith.addf %parallel_loop3A_311, %parallel_loop3A_329 : vector<16xf32>
        %parallel_loop3A_332 = arith.addf %parallel_loop3A_331, %parallel_loop3A_330 : vector<16xf32>
        %parallel_loop3A_333 = arith.mulf %parallel_loop3A_329, %parallel_loop3A_329 : vector<16xf32>
        %parallel_loop3A_334 = arith.addf %parallel_loop3A_315, %parallel_loop3A_333 : vector<16xf32>
        %parallel_loop3A_335 = arith.mulf %parallel_loop3A_330, %parallel_loop3A_330 : vector<16xf32>
        %parallel_loop3A_336 = arith.addf %parallel_loop3A_334, %parallel_loop3A_335 : vector<16xf32>
        %parallel_loop3A_337 = arith.constant 1 : i32
        %parallel_loop3A_338 = arith.index_cast %parallel_loop3A_337 : i32 to index
        %parallel_loop3A_339 = arith.index_cast %parallel_loop3A_269 : i32 to index
        %parallel_loop3A_340 = arith.constant 48 : index
        %parallel_loop3A_341 = tpu.vector_load %arg9[%parallel_loop3A_338, %parallel_loop3A_339, %parallel_loop3A_340] {strides = array<i32>} : memref<2x64x128xi32, #tpu.memory_space<vmem>>, vector<16xi32>,
        %parallel_loop3A_342 = vector.bitcast %parallel_loop3A_341 : vector<16xi32> to vector<32xbf16>
        %parallel_loop3A_343 = arith.constant 1 : i32
        %parallel_loop3A_344 = arith.index_cast %parallel_loop3A_343 : i32 to index
        %parallel_loop3A_345 = arith.index_cast %parallel_loop3A_269 : i32 to index
        %parallel_loop3A_346 = arith.constant 48 : index
        %parallel_loop3A_347 = tpu.vector_load %arg10[%parallel_loop3A_344, %parallel_loop3A_345, %parallel_loop3A_346] {strides = array<i32>} : memref<2x64x128xi32, #tpu.memory_space<vmem>>, vector<16xi32>,
        %parallel_loop3A_348 = vector.bitcast %parallel_loop3A_347 : vector<16xi32> to vector<32xbf16>
        %parallel_loop3A_349 = arith.addf %parallel_loop3A_342, %parallel_loop3A_348 : vector<32xbf16>
        %parallel_loop3A_350 = tpu.unpack_subelements %parallel_loop3A_349, 0 {pack_format = #tpu.pack_format<interleaved>} : vector<32xbf16> -> vector<16xf32>
        %parallel_loop3A_351 = tpu.unpack_subelements %parallel_loop3A_349, 1 {pack_format = #tpu.pack_format<interleaved>} : vector<32xbf16> -> vector<16xf32>
        %parallel_loop3A_352 = arith.addf %parallel_loop3A_332, %parallel_loop3A_350 : vector<16xf32>
        %parallel_loop3A_353 = arith.addf %parallel_loop3A_352, %parallel_loop3A_351 : vector<16xf32>
        %parallel_loop3A_354 = arith.mulf %parallel_loop3A_350, %parallel_loop3A_350 : vector<16xf32>
        %parallel_loop3A_355 = arith.addf %parallel_loop3A_336, %parallel_loop3A_354 : vector<16xf32>
        %parallel_loop3A_356 = arith.mulf %parallel_loop3A_351, %parallel_loop3A_351 : vector<16xf32>
        %parallel_loop3A_357 = arith.addf %parallel_loop3A_355, %parallel_loop3A_356 : vector<16xf32>
        %parallel_loop3A_358 = arith.constant 1 : i32
        %parallel_loop3A_359 = arith.index_cast %parallel_loop3A_358 : i32 to index
        %parallel_loop3A_360 = arith.index_cast %parallel_loop3A_269 : i32 to index
        %parallel_loop3A_361 = arith.constant 64 : index
        %parallel_loop3A_362 = tpu.vector_load %arg9[%parallel_loop3A_359, %parallel_loop3A_360, %parallel_loop3A_361] {strides = array<i32>} : memref<2x64x128xi32, #tpu.memory_space<vmem>>, vector<16xi32>,
        %parallel_loop3A_363 = vector.bitcast %parallel_loop3A_362 : vector<16xi32> to vector<32xbf16>
        %parallel_loop3A_364 = arith.constant 1 : i32
        %parallel_loop3A_365 = arith.index_cast %parallel_loop3A_364 : i32 to index
        %parallel_loop3A_366 = arith.index_cast %parallel_loop3A_269 : i32 to index
        %parallel_loop3A_367 = arith.constant 64 : index
        %parallel_loop3A_368 = tpu.vector_load %arg10[%parallel_loop3A_365, %parallel_loop3A_366, %parallel_loop3A_367] {strides = array<i32>} : memref<2x64x128xi32, #tpu.memory_space<vmem>>, vector<16xi32>,
        %parallel_loop3A_369 = vector.bitcast %parallel_loop3A_368 : vector<16xi32> to vector<32xbf16>
        %parallel_loop3A_370 = arith.addf %parallel_loop3A_363, %parallel_loop3A_369 : vector<32xbf16>
        %parallel_loop3A_371 = tpu.unpack_subelements %parallel_loop3A_370, 0 {pack_format = #tpu.pack_format<interleaved>} : vector<32xbf16> -> vector<16xf32>
        %parallel_loop3A_372 = tpu.unpack_subelements %parallel_loop3A_370, 1 {pack_format = #tpu.pack_format<interleaved>} : vector<32xbf16> -> vector<16xf32>
        %parallel_loop3A_373 = arith.addf %parallel_loop3A_353, %parallel_loop3A_371 : vector<16xf32>
        %parallel_loop3A_374 = arith.addf %parallel_loop3A_373, %parallel_loop3A_372 : vector<16xf32>
        %parallel_loop3A_375 = arith.mulf %parallel_loop3A_371, %parallel_loop3A_371 : vector<16xf32>
        %parallel_loop3A_376 = arith.addf %parallel_loop3A_357, %parallel_loop3A_375 : vector<16xf32>
        %parallel_loop3A_377 = arith.mulf %parallel_loop3A_372, %parallel_loop3A_372 : vector<16xf32>
        %parallel_loop3A_378 = arith.addf %parallel_loop3A_376, %parallel_loop3A_377 : vector<16xf32>
        %parallel_loop3A_379 = arith.constant 1 : i32
        %parallel_loop3A_380 = arith.index_cast %parallel_loop3A_379 : i32 to index
        %parallel_loop3A_381 = arith.index_cast %parallel_loop3A_269 : i32 to index
        %parallel_loop3A_382 = arith.constant 80 : index
        %parallel_loop3A_383 = tpu.vector_load %arg9[%parallel_loop3A_380, %parallel_loop3A_381, %parallel_loop3A_382] {strides = array<i32>} : memref<2x64x128xi32, #tpu.memory_space<vmem>>, vector<16xi32>,
        %parallel_loop3A_384 = vector.bitcast %parallel_loop3A_383 : vector<16xi32> to vector<32xbf16>
        %parallel_loop3A_385 = arith.constant 1 : i32
        %parallel_loop3A_386 = arith.index_cast %parallel_loop3A_385 : i32 to index
        %parallel_loop3A_387 = arith.index_cast %parallel_loop3A_269 : i32 to index
        %parallel_loop3A_388 = arith.constant 80 : index
        %parallel_loop3A_389 = tpu.vector_load %arg10[%parallel_loop3A_386, %parallel_loop3A_387, %parallel_loop3A_388] {strides = array<i32>} : memref<2x64x128xi32, #tpu.memory_space<vmem>>, vector<16xi32>,
        %parallel_loop3A_390 = vector.bitcast %parallel_loop3A_389 : vector<16xi32> to vector<32xbf16>
        %parallel_loop3A_391 = arith.addf %parallel_loop3A_384, %parallel_loop3A_390 : vector<32xbf16>
        %parallel_loop3A_392 = tpu.unpack_subelements %parallel_loop3A_391, 0 {pack_format = #tpu.pack_format<interleaved>} : vector<32xbf16> -> vector<16xf32>
        %parallel_loop3A_393 = tpu.unpack_subelements %parallel_loop3A_391, 1 {pack_format = #tpu.pack_format<interleaved>} : vector<32xbf16> -> vector<16xf32>
        %parallel_loop3A_394 = arith.addf %parallel_loop3A_374, %parallel_loop3A_392 : vector<16xf32>
        %parallel_loop3A_395 = arith.addf %parallel_loop3A_394, %parallel_loop3A_393 : vector<16xf32>
        %parallel_loop3A_396 = arith.mulf %parallel_loop3A_392, %parallel_loop3A_392 : vector<16xf32>
        %parallel_loop3A_397 = arith.addf %parallel_loop3A_378, %parallel_loop3A_396 : vector<16xf32>
        %parallel_loop3A_398 = arith.mulf %parallel_loop3A_393, %parallel_loop3A_393 : vector<16xf32>
        %parallel_loop3A_399 = arith.addf %parallel_loop3A_397, %parallel_loop3A_398 : vector<16xf32>
        %parallel_loop3A_400 = arith.constant 1 : i32
        %parallel_loop3A_401 = arith.index_cast %parallel_loop3A_400 : i32 to index
        %parallel_loop3A_402 = arith.index_cast %parallel_loop3A_269 : i32 to index
        %parallel_loop3A_403 = arith.constant 96 : index
        %parallel_loop3A_404 = tpu.vector_load %arg9[%parallel_loop3A_401, %parallel_loop3A_402, %parallel_loop3A_403] {strides = array<i32>} : memref<2x64x128xi32, #tpu.memory_space<vmem>>, vector<16xi32>,
        %parallel_loop3A_405 = vector.bitcast %parallel_loop3A_404 : vector<16xi32> to vector<32xbf16>
        %parallel_loop3A_406 = arith.constant 1 : i32
        %parallel_loop3A_407 = arith.index_cast %parallel_loop3A_406 : i32 to index
        %parallel_loop3A_408 = arith.index_cast %parallel_loop3A_269 : i32 to index
        %parallel_loop3A_409 = arith.constant 96 : index
        %parallel_loop3A_410 = tpu.vector_load %arg10[%parallel_loop3A_407, %parallel_loop3A_408, %parallel_loop3A_409] {strides = array<i32>} : memref<2x64x128xi32, #tpu.memory_space<vmem>>, vector<16xi32>,
        %parallel_loop3A_411 = vector.bitcast %parallel_loop3A_410 : vector<16xi32> to vector<32xbf16>
        %parallel_loop3A_412 = arith.addf %parallel_loop3A_405, %parallel_loop3A_411 : vector<32xbf16>
        %parallel_loop3A_413 = tpu.unpack_subelements %parallel_loop3A_412, 0 {pack_format = #tpu.pack_format<interleaved>} : vector<32xbf16> -> vector<16xf32>
        %parallel_loop3A_414 = tpu.unpack_subelements %parallel_loop3A_412, 1 {pack_format = #tpu.pack_format<interleaved>} : vector<32xbf16> -> vector<16xf32>
        %parallel_loop3A_415 = arith.addf %parallel_loop3A_395, %parallel_loop3A_413 : vector<16xf32>
        %parallel_loop3A_416 = arith.addf %parallel_loop3A_415, %parallel_loop3A_414 : vector<16xf32>
        %parallel_loop3A_417 = arith.mulf %parallel_loop3A_413, %parallel_loop3A_413 : vector<16xf32>
        %parallel_loop3A_418 = arith.addf %parallel_loop3A_399, %parallel_loop3A_417 : vector<16xf32>
        %parallel_loop3A_419 = arith.mulf %parallel_loop3A_414, %parallel_loop3A_414 : vector<16xf32>
        %parallel_loop3A_420 = arith.addf %parallel_loop3A_418, %parallel_loop3A_419 : vector<16xf32>
        %parallel_loop3A_421 = arith.constant 1 : i32
        %parallel_loop3A_422 = arith.index_cast %parallel_loop3A_421 : i32 to index
        %parallel_loop3A_423 = arith.index_cast %parallel_loop3A_269 : i32 to index
        %parallel_loop3A_424 = arith.constant 112 : index
        %parallel_loop3A_425 = tpu.vector_load %arg9[%parallel_loop3A_422, %parallel_loop3A_423, %parallel_loop3A_424] {strides = array<i32>} : memref<2x64x128xi32, #tpu.memory_space<vmem>>, vector<16xi32>,
        %parallel_loop3A_426 = vector.bitcast %parallel_loop3A_425 : vector<16xi32> to vector<32xbf16>
        %parallel_loop3A_427 = arith.constant 1 : i32
        %parallel_loop3A_428 = arith.index_cast %parallel_loop3A_427 : i32 to index
        %parallel_loop3A_429 = arith.index_cast %parallel_loop3A_269 : i32 to index
        %parallel_loop3A_430 = arith.constant 112 : index
        %parallel_loop3A_431 = tpu.vector_load %arg10[%parallel_loop3A_428, %parallel_loop3A_429, %parallel_loop3A_430] {strides = array<i32>} : memref<2x64x128xi32, #tpu.memory_space<vmem>>, vector<16xi32>,
        %parallel_loop3A_432 = vector.bitcast %parallel_loop3A_431 : vector<16xi32> to vector<32xbf16>
        %parallel_loop3A_433 = arith.addf %parallel_loop3A_426, %parallel_loop3A_432 : vector<32xbf16>
        %parallel_loop3A_434 = tpu.unpack_subelements %parallel_loop3A_433, 0 {pack_format = #tpu.pack_format<interleaved>} : vector<32xbf16> -> vector<16xf32>
        %parallel_loop3A_435 = tpu.unpack_subelements %parallel_loop3A_433, 1 {pack_format = #tpu.pack_format<interleaved>} : vector<32xbf16> -> vector<16xf32>
        %parallel_loop3A_436 = arith.addf %parallel_loop3A_416, %parallel_loop3A_434 : vector<16xf32>
        %parallel_loop3A_437 = arith.addf %parallel_loop3A_436, %parallel_loop3A_435 : vector<16xf32>
        %parallel_loop3A_438 = arith.mulf %parallel_loop3A_434, %parallel_loop3A_434 : vector<16xf32>
        %parallel_loop3A_439 = arith.addf %parallel_loop3A_420, %parallel_loop3A_438 : vector<16xf32>
        %parallel_loop3A_440 = arith.mulf %parallel_loop3A_435, %parallel_loop3A_435 : vector<16xf32>
        %parallel_loop3A_441 = arith.addf %parallel_loop3A_439, %parallel_loop3A_440 : vector<16xf32>
        %parallel_loop3A_442 = arith.constant true
        %parallel_loop3A_443 = vector.broadcast %parallel_loop3A_442 : i1 to vector<16xi1>
        %parallel_loop3A_444 = tpu.scan <sum>, %parallel_loop3A_437 masked %parallel_loop3A_443 : vector<16xf32>, vector<16xi1> -> vector<16xf32>
        %parallel_loop3A_445 = vector.extract %parallel_loop3A_444[15] : f32 from vector<16xf32>
        %parallel_loop3A_446 = arith.constant true
        %parallel_loop3A_447 = vector.broadcast %parallel_loop3A_446 : i1 to vector<16xi1>
        %parallel_loop3A_448 = tpu.scan <sum>, %parallel_loop3A_441 masked %parallel_loop3A_447 : vector<16xf32>, vector<16xi1> -> vector<16xf32>
        %parallel_loop3A_449 = vector.extract %parallel_loop3A_448[15] : f32 from vector<16xf32>
        %parallel_loop3A_450 = arith.constant 3.906250e-03 : f32
        %parallel_loop3A_451 = arith.mulf %parallel_loop3A_445, %parallel_loop3A_450 : f32
        %parallel_loop3A_452 = arith.constant 3.906250e-03 : f32
        %parallel_loop3A_453 = arith.mulf %parallel_loop3A_449, %parallel_loop3A_452 : f32
        %parallel_loop3A_454 = arith.mulf %parallel_loop3A_451, %parallel_loop3A_451 : f32
        %parallel_loop3A_455 = arith.subf %parallel_loop3A_453, %parallel_loop3A_454 : f32
        %parallel_loop3A_456 = arith.constant 9.99999974E-6 : f32
        %parallel_loop3A_457 = vector.broadcast %parallel_loop3A_456 : f32 to vector<16xf32>
        %parallel_loop3A_458 = vector.broadcast %parallel_loop3A_455 : f32 to vector<16xf32>
        %parallel_loop3A_459 = arith.addf %parallel_loop3A_457, %parallel_loop3A_458 : vector<16xf32>
        %parallel_loop3A_460 = vector.bitcast %parallel_loop3A_459 : vector<16xf32> to vector<16xi32>
        %parallel_loop3A_461 = arith.constant 1 : i32
        %parallel_loop3A_462 = vector.broadcast %parallel_loop3A_461 : i32 to vector<16xi32>
        %parallel_loop3A_463 = arith.shrsi %parallel_loop3A_460, %parallel_loop3A_462 : vector<16xi32>
        %parallel_loop3A_464 = arith.constant 1597463007 : i32
        %parallel_loop3A_465 = vector.broadcast %parallel_loop3A_464 : i32 to vector<16xi32>
        %parallel_loop3A_466 = arith.subi %parallel_loop3A_465, %parallel_loop3A_463 : vector<16xi32>
        %parallel_loop3A_467 = vector.bitcast %parallel_loop3A_466 : vector<16xi32> to vector<16xf32>
        %parallel_loop3A_468 = arith.constant 5.000000e-01 : f32
        %parallel_loop3A_469 = vector.broadcast %parallel_loop3A_468 : f32 to vector<16xf32>
        %parallel_loop3A_470 = arith.mulf %parallel_loop3A_469, %parallel_loop3A_459 : vector<16xf32>
        %parallel_loop3A_471 = arith.mulf %parallel_loop3A_470, %parallel_loop3A_467 : vector<16xf32>
        %parallel_loop3A_472 = arith.mulf %parallel_loop3A_471, %parallel_loop3A_467 : vector<16xf32>
        %parallel_loop3A_473 = arith.constant 1.500000e+00 : f32
        %parallel_loop3A_474 = vector.broadcast %parallel_loop3A_473 : f32 to vector<16xf32>
        %parallel_loop3A_475 = arith.subf %parallel_loop3A_474, %parallel_loop3A_472 : vector<16xf32>
        %parallel_loop3A_476 = arith.mulf %parallel_loop3A_467, %parallel_loop3A_475 : vector<16xf32>
        %parallel_loop3A_477 = arith.constant 5.000000e-01 : f32
        %parallel_loop3A_478 = vector.broadcast %parallel_loop3A_477 : f32 to vector<16xf32>
        %parallel_loop3A_479 = arith.mulf %parallel_loop3A_478, %parallel_loop3A_459 : vector<16xf32>
        %parallel_loop3A_480 = arith.mulf %parallel_loop3A_479, %parallel_loop3A_476 : vector<16xf32>
        %parallel_loop3A_481 = arith.mulf %parallel_loop3A_480, %parallel_loop3A_476 : vector<16xf32>
        %parallel_loop3A_482 = arith.constant 1.500000e+00 : f32
        %parallel_loop3A_483 = vector.broadcast %parallel_loop3A_482 : f32 to vector<16xf32>
        %parallel_loop3A_484 = arith.subf %parallel_loop3A_483, %parallel_loop3A_481 : vector<16xf32>
        %parallel_loop3A_485 = arith.mulf %parallel_loop3A_476, %parallel_loop3A_484 : vector<16xf32>
        %parallel_loop3A_486 = arith.constant 5.000000e-01 : f32
        %parallel_loop3A_487 = vector.broadcast %parallel_loop3A_486 : f32 to vector<16xf32>
        %parallel_loop3A_488 = arith.mulf %parallel_loop3A_487, %parallel_loop3A_459 : vector<16xf32>
        %parallel_loop3A_489 = arith.mulf %parallel_loop3A_488, %parallel_loop3A_485 : vector<16xf32>
        %parallel_loop3A_490 = arith.mulf %parallel_loop3A_489, %parallel_loop3A_485 : vector<16xf32>
        %parallel_loop3A_491 = arith.constant 1.500000e+00 : f32
        %parallel_loop3A_492 = vector.broadcast %parallel_loop3A_491 : f32 to vector<16xf32>
        %parallel_loop3A_493 = arith.subf %parallel_loop3A_492, %parallel_loop3A_490 : vector<16xf32>
        %parallel_loop3A_494 = arith.mulf %parallel_loop3A_485, %parallel_loop3A_493 : vector<16xf32>
        %parallel_loop3A_495 = arith.constant 0.000000e+00 : f32
        %parallel_loop3A_496 = vector.broadcast %parallel_loop3A_495 : f32 to vector<16xf32>
        %parallel_loop3A_497 = vector.broadcast %parallel_loop3A_451 : f32 to vector<16xf32>
        %parallel_loop3A_498 = arith.addf %parallel_loop3A_496, %parallel_loop3A_497 : vector<16xf32>
        %parallel_loop3A_499 = arith.constant 1.000000e+00 : f32
        %parallel_loop3A_500 = vector.broadcast %parallel_loop3A_499 : f32 to vector<16xf32>
        %parallel_loop3A_501 = arith.subf %parallel_loop3A_287, %parallel_loop3A_498 : vector<16xf32>
        %parallel_loop3A_502 = arith.mulf %parallel_loop3A_501, %parallel_loop3A_494 : vector<16xf32>
        %parallel_loop3A_503 = arith.addf %parallel_loop3A_502, %parallel_loop3A_500 : vector<16xf32>
        %parallel_loop3A_504 = arith.constant 1 : i32
        %parallel_loop3A_505 = arith.index_cast %parallel_loop3A_504 : i32 to index
        %parallel_loop3A_506 = arith.index_cast %parallel_loop3A_269 : i32 to index
        %parallel_loop3A_507 = arith.constant 0 : index
        %parallel_loop3A_508 = tpu.vector_load %arg11[%parallel_loop3A_505, %parallel_loop3A_506, %parallel_loop3A_507] {strides = array<i32>} : memref<2x64x128xf32, #tpu.memory_space<vmem>>, vector<16xf32>,
        tpu.vector_store %arg11[%parallel_loop3A_505, %parallel_loop3A_506, %parallel_loop3A_507], %parallel_loop3A_503 {strides = array<i32>} : memref<2x64x128xf32, #tpu.memory_space<vmem>>, vector<16xf32>,
        %parallel_loop3A_509 = arith.subf %parallel_loop3A_288, %parallel_loop3A_498 : vector<16xf32>
        %parallel_loop3A_510 = arith.mulf %parallel_loop3A_509, %parallel_loop3A_494 : vector<16xf32>
        %parallel_loop3A_511 = arith.addf %parallel_loop3A_510, %parallel_loop3A_500 : vector<16xf32>
        %parallel_loop3A_512 = arith.constant 1 : i32
        %parallel_loop3A_513 = arith.index_cast %parallel_loop3A_512 : i32 to index
        %parallel_loop3A_514 = arith.index_cast %parallel_loop3A_269 : i32 to index
        %parallel_loop3A_515 = arith.constant 0 : index
        %parallel_loop3A_516 = tpu.vector_load %arg12[%parallel_loop3A_513, %parallel_loop3A_514, %parallel_loop3A_515] {strides = array<i32>} : memref<2x64x128xf32, #tpu.memory_space<vmem>>, vector<16xf32>,
        tpu.vector_store %arg12[%parallel_loop3A_513, %parallel_loop3A_514, %parallel_loop3A_515], %parallel_loop3A_511 {strides = array<i32>} : memref<2x64x128xf32, #tpu.memory_space<vmem>>, vector<16xf32>,
        %parallel_loop3A_517 = arith.subf %parallel_loop3A_308, %parallel_loop3A_498 : vector<16xf32>
        %parallel_loop3A_518 = arith.mulf %parallel_loop3A_517, %parallel_loop3A_494 : vector<16xf32>
        %parallel_loop3A_519 = arith.addf %parallel_loop3A_518, %parallel_loop3A_500 : vector<16xf32>
        %parallel_loop3A_520 = arith.constant 1 : i32
        %parallel_loop3A_521 = arith.index_cast %parallel_loop3A_520 : i32 to index
        %parallel_loop3A_522 = arith.index_cast %parallel_loop3A_269 : i32 to index
        %parallel_loop3A_523 = arith.constant 16 : index
        %parallel_loop3A_524 = tpu.vector_load %arg11[%parallel_loop3A_521, %parallel_loop3A_522, %parallel_loop3A_523] {strides = array<i32>} : memref<2x64x128xf32, #tpu.memory_space<vmem>>, vector<16xf32>,
        tpu.vector_store %arg11[%parallel_loop3A_521, %parallel_loop3A_522, %parallel_loop3A_523], %parallel_loop3A_519 {strides = array<i32>} : memref<2x64x128xf32, #tpu.memory_space<vmem>>, vector<16xf32>,
        %parallel_loop3A_525 = arith.subf %parallel_loop3A_309, %parallel_loop3A_498 : vector<16xf32>
        %parallel_loop3A_526 = arith.mulf %parallel_loop3A_525, %parallel_loop3A_494 : vector<16xf32>
        %parallel_loop3A_527 = arith.addf %parallel_loop3A_526, %parallel_loop3A_500 : vector<16xf32>
        %parallel_loop3A_528 = arith.constant 1 : i32
        %parallel_loop3A_529 = arith.index_cast %parallel_loop3A_528 : i32 to index
        %parallel_loop3A_530 = arith.index_cast %parallel_loop3A_269 : i32 to index
        %parallel_loop3A_531 = arith.constant 16 : index
        %parallel_loop3A_532 = tpu.vector_load %arg12[%parallel_loop3A_529, %parallel_loop3A_530, %parallel_loop3A_531] {strides = array<i32>} : memref<2x64x128xf32, #tpu.memory_space<vmem>>, vector<16xf32>,
        tpu.vector_store %arg12[%parallel_loop3A_529, %parallel_loop3A_530, %parallel_loop3A_531], %parallel_loop3A_527 {strides = array<i32>} : memref<2x64x128xf32, #tpu.memory_space<vmem>>, vector<16xf32>,
        %parallel_loop3A_533 = arith.subf %parallel_loop3A_329, %parallel_loop3A_498 : vector<16xf32>
        %parallel_loop3A_534 = arith.mulf %parallel_loop3A_533, %parallel_loop3A_494 : vector<16xf32>
        %parallel_loop3A_535 = arith.addf %parallel_loop3A_534, %parallel_loop3A_500 : vector<16xf32>
        %parallel_loop3A_536 = arith.constant 1 : i32
        %parallel_loop3A_537 = arith.index_cast %parallel_loop3A_536 : i32 to index
        %parallel_loop3A_538 = arith.index_cast %parallel_loop3A_269 : i32 to index
        %parallel_loop3A_539 = arith.constant 32 : index
        %parallel_loop3A_540 = tpu.vector_load %arg11[%parallel_loop3A_537, %parallel_loop3A_538, %parallel_loop3A_539] {strides = array<i32>} : memref<2x64x128xf32, #tpu.memory_space<vmem>>, vector<16xf32>,
        tpu.vector_store %arg11[%parallel_loop3A_537, %parallel_loop3A_538, %parallel_loop3A_539], %parallel_loop3A_535 {strides = array<i32>} : memref<2x64x128xf32, #tpu.memory_space<vmem>>, vector<16xf32>,
        %parallel_loop3A_541 = arith.subf %parallel_loop3A_330, %parallel_loop3A_498 : vector<16xf32>
        %parallel_loop3A_542 = arith.mulf %parallel_loop3A_541, %parallel_loop3A_494 : vector<16xf32>
        %parallel_loop3A_543 = arith.addf %parallel_loop3A_542, %parallel_loop3A_500 : vector<16xf32>
        %parallel_loop3A_544 = arith.constant 1 : i32
        %parallel_loop3A_545 = arith.index_cast %parallel_loop3A_544 : i32 to index
        %parallel_loop3A_546 = arith.index_cast %parallel_loop3A_269 : i32 to index
        %parallel_loop3A_547 = arith.constant 32 : index
        %parallel_loop3A_548 = tpu.vector_load %arg12[%parallel_loop3A_545, %parallel_loop3A_546, %parallel_loop3A_547] {strides = array<i32>} : memref<2x64x128xf32, #tpu.memory_space<vmem>>, vector<16xf32>,
        tpu.vector_store %arg12[%parallel_loop3A_545, %parallel_loop3A_546, %parallel_loop3A_547], %parallel_loop3A_543 {strides = array<i32>} : memref<2x64x128xf32, #tpu.memory_space<vmem>>, vector<16xf32>,
        %parallel_loop3A_549 = arith.subf %parallel_loop3A_350, %parallel_loop3A_498 : vector<16xf32>
        %parallel_loop3A_550 = arith.mulf %parallel_loop3A_549, %parallel_loop3A_494 : vector<16xf32>
        %parallel_loop3A_551 = arith.addf %parallel_loop3A_550, %parallel_loop3A_500 : vector<16xf32>
        %parallel_loop3A_552 = arith.constant 1 : i32
        %parallel_loop3A_553 = arith.index_cast %parallel_loop3A_552 : i32 to index
        %parallel_loop3A_554 = arith.index_cast %parallel_loop3A_269 : i32 to index
        %parallel_loop3A_555 = arith.constant 48 : index
        %parallel_loop3A_556 = tpu.vector_load %arg11[%parallel_loop3A_553, %parallel_loop3A_554, %parallel_loop3A_555] {strides = array<i32>} : memref<2x64x128xf32, #tpu.memory_space<vmem>>, vector<16xf32>,
        tpu.vector_store %arg11[%parallel_loop3A_553, %parallel_loop3A_554, %parallel_loop3A_555], %parallel_loop3A_551 {strides = array<i32>} : memref<2x64x128xf32, #tpu.memory_space<vmem>>, vector<16xf32>,
        %parallel_loop3A_557 = arith.subf %parallel_loop3A_351, %parallel_loop3A_498 : vector<16xf32>
        %parallel_loop3A_558 = arith.mulf %parallel_loop3A_557, %parallel_loop3A_494 : vector<16xf32>
        %parallel_loop3A_559 = arith.addf %parallel_loop3A_558, %parallel_loop3A_500 : vector<16xf32>
        %parallel_loop3A_560 = arith.constant 1 : i32
        %parallel_loop3A_561 = arith.index_cast %parallel_loop3A_560 : i32 to index
        %parallel_loop3A_562 = arith.index_cast %parallel_loop3A_269 : i32 to index
        %parallel_loop3A_563 = arith.constant 48 : index
        %parallel_loop3A_564 = tpu.vector_load %arg12[%parallel_loop3A_561, %parallel_loop3A_562, %parallel_loop3A_563] {strides = array<i32>} : memref<2x64x128xf32, #tpu.memory_space<vmem>>, vector<16xf32>,
        tpu.vector_store %arg12[%parallel_loop3A_561, %parallel_loop3A_562, %parallel_loop3A_563], %parallel_loop3A_559 {strides = array<i32>} : memref<2x64x128xf32, #tpu.memory_space<vmem>>, vector<16xf32>,
        %parallel_loop3A_565 = arith.subf %parallel_loop3A_371, %parallel_loop3A_498 : vector<16xf32>
        %parallel_loop3A_566 = arith.mulf %parallel_loop3A_565, %parallel_loop3A_494 : vector<16xf32>
        %parallel_loop3A_567 = arith.addf %parallel_loop3A_566, %parallel_loop3A_500 : vector<16xf32>
        %parallel_loop3A_568 = arith.constant 1 : i32
        %parallel_loop3A_569 = arith.index_cast %parallel_loop3A_568 : i32 to index
        %parallel_loop3A_570 = arith.index_cast %parallel_loop3A_269 : i32 to index
        %parallel_loop3A_571 = arith.constant 64 : index
        %parallel_loop3A_572 = tpu.vector_load %arg11[%parallel_loop3A_569, %parallel_loop3A_570, %parallel_loop3A_571] {strides = array<i32>} : memref<2x64x128xf32, #tpu.memory_space<vmem>>, vector<16xf32>,
        tpu.vector_store %arg11[%parallel_loop3A_569, %parallel_loop3A_570, %parallel_loop3A_571], %parallel_loop3A_567 {strides = array<i32>} : memref<2x64x128xf32, #tpu.memory_space<vmem>>, vector<16xf32>,
        %parallel_loop3A_573 = arith.subf %parallel_loop3A_372, %parallel_loop3A_498 : vector<16xf32>
        %parallel_loop3A_574 = arith.mulf %parallel_loop3A_573, %parallel_loop3A_494 : vector<16xf32>
        %parallel_loop3A_575 = arith.addf %parallel_loop3A_574, %parallel_loop3A_500 : vector<16xf32>
        %parallel_loop3A_576 = arith.constant 1 : i32
        %parallel_loop3A_577 = arith.index_cast %parallel_loop3A_576 : i32 to index
        %parallel_loop3A_578 = arith.index_cast %parallel_loop3A_269 : i32 to index
        %parallel_loop3A_579 = arith.constant 64 : index
        %parallel_loop3A_580 = tpu.vector_load %arg12[%parallel_loop3A_577, %parallel_loop3A_578, %parallel_loop3A_579] {strides = array<i32>} : memref<2x64x128xf32, #tpu.memory_space<vmem>>, vector<16xf32>,
        tpu.vector_store %arg12[%parallel_loop3A_577, %parallel_loop3A_578, %parallel_loop3A_579], %parallel_loop3A_575 {strides = array<i32>} : memref<2x64x128xf32, #tpu.memory_space<vmem>>, vector<16xf32>,
        %parallel_loop3A_581 = arith.subf %parallel_loop3A_392, %parallel_loop3A_498 : vector<16xf32>
        %parallel_loop3A_582 = arith.mulf %parallel_loop3A_581, %parallel_loop3A_494 : vector<16xf32>
        %parallel_loop3A_583 = arith.addf %parallel_loop3A_582, %parallel_loop3A_500 : vector<16xf32>
        %parallel_loop3A_584 = arith.constant 1 : i32
        %parallel_loop3A_585 = arith.index_cast %parallel_loop3A_584 : i32 to index
        %parallel_loop3A_586 = arith.index_cast %parallel_loop3A_269 : i32 to index
        %parallel_loop3A_587 = arith.constant 80 : index
        %parallel_loop3A_588 = tpu.vector_load %arg11[%parallel_loop3A_585, %parallel_loop3A_586, %parallel_loop3A_587] {strides = array<i32>} : memref<2x64x128xf32, #tpu.memory_space<vmem>>, vector<16xf32>,
        tpu.vector_store %arg11[%parallel_loop3A_585, %parallel_loop3A_586, %parallel_loop3A_587], %parallel_loop3A_583 {strides = array<i32>} : memref<2x64x128xf32, #tpu.memory_space<vmem>>, vector<16xf32>,
        %parallel_loop3A_589 = arith.subf %parallel_loop3A_393, %parallel_loop3A_498 : vector<16xf32>
        %parallel_loop3A_590 = arith.mulf %parallel_loop3A_589, %parallel_loop3A_494 : vector<16xf32>
        %parallel_loop3A_591 = arith.addf %parallel_loop3A_590, %parallel_loop3A_500 : vector<16xf32>
        %parallel_loop3A_592 = arith.constant 1 : i32
        %parallel_loop3A_593 = arith.index_cast %parallel_loop3A_592 : i32 to index
        %parallel_loop3A_594 = arith.index_cast %parallel_loop3A_269 : i32 to index
        %parallel_loop3A_595 = arith.constant 80 : index
        %parallel_loop3A_596 = tpu.vector_load %arg12[%parallel_loop3A_593, %parallel_loop3A_594, %parallel_loop3A_595] {strides = array<i32>} : memref<2x64x128xf32, #tpu.memory_space<vmem>>, vector<16xf32>,
        tpu.vector_store %arg12[%parallel_loop3A_593, %parallel_loop3A_594, %parallel_loop3A_595], %parallel_loop3A_591 {strides = array<i32>} : memref<2x64x128xf32, #tpu.memory_space<vmem>>, vector<16xf32>,
        %parallel_loop3A_597 = arith.subf %parallel_loop3A_413, %parallel_loop3A_498 : vector<16xf32>
        %parallel_loop3A_598 = arith.mulf %parallel_loop3A_597, %parallel_loop3A_494 : vector<16xf32>
        %parallel_loop3A_599 = arith.addf %parallel_loop3A_598, %parallel_loop3A_500 : vector<16xf32>
        %parallel_loop3A_600 = arith.constant 1 : i32
        %parallel_loop3A_601 = arith.index_cast %parallel_loop3A_600 : i32 to index
        %parallel_loop3A_602 = arith.index_cast %parallel_loop3A_269 : i32 to index
        %parallel_loop3A_603 = arith.constant 96 : index
        %parallel_loop3A_604 = tpu.vector_load %arg11[%parallel_loop3A_601, %parallel_loop3A_602, %parallel_loop3A_603] {strides = array<i32>} : memref<2x64x128xf32, #tpu.memory_space<vmem>>, vector<16xf32>,
        tpu.vector_store %arg11[%parallel_loop3A_601, %parallel_loop3A_602, %parallel_loop3A_603], %parallel_loop3A_599 {strides = array<i32>} : memref<2x64x128xf32, #tpu.memory_space<vmem>>, vector<16xf32>,
        %parallel_loop3A_605 = arith.subf %parallel_loop3A_414, %parallel_loop3A_498 : vector<16xf32>
        %parallel_loop3A_606 = arith.mulf %parallel_loop3A_605, %parallel_loop3A_494 : vector<16xf32>
        %parallel_loop3A_607 = arith.addf %parallel_loop3A_606, %parallel_loop3A_500 : vector<16xf32>
        %parallel_loop3A_608 = arith.constant 1 : i32
        %parallel_loop3A_609 = arith.index_cast %parallel_loop3A_608 : i32 to index
        %parallel_loop3A_610 = arith.index_cast %parallel_loop3A_269 : i32 to index
        %parallel_loop3A_611 = arith.constant 96 : index
        %parallel_loop3A_612 = tpu.vector_load %arg12[%parallel_loop3A_609, %parallel_loop3A_610, %parallel_loop3A_611] {strides = array<i32>} : memref<2x64x128xf32, #tpu.memory_space<vmem>>, vector<16xf32>,
        tpu.vector_store %arg12[%parallel_loop3A_609, %parallel_loop3A_610, %parallel_loop3A_611], %parallel_loop3A_607 {strides = array<i32>} : memref<2x64x128xf32, #tpu.memory_space<vmem>>, vector<16xf32>,
        %parallel_loop3A_613 = arith.subf %parallel_loop3A_434, %parallel_loop3A_498 : vector<16xf32>
        %parallel_loop3A_614 = arith.mulf %parallel_loop3A_613, %parallel_loop3A_494 : vector<16xf32>
        %parallel_loop3A_615 = arith.addf %parallel_loop3A_614, %parallel_loop3A_500 : vector<16xf32>
        %parallel_loop3A_616 = arith.constant 1 : i32
        %parallel_loop3A_617 = arith.index_cast %parallel_loop3A_616 : i32 to index
        %parallel_loop3A_618 = arith.index_cast %parallel_loop3A_269 : i32 to index
        %parallel_loop3A_619 = arith.constant 112 : index
        %parallel_loop3A_620 = tpu.vector_load %arg11[%parallel_loop3A_617, %parallel_loop3A_618, %parallel_loop3A_619] {strides = array<i32>} : memref<2x64x128xf32, #tpu.memory_space<vmem>>, vector<16xf32>,
        tpu.vector_store %arg11[%parallel_loop3A_617, %parallel_loop3A_618, %parallel_loop3A_619], %parallel_loop3A_615 {strides = array<i32>} : memref<2x64x128xf32, #tpu.memory_space<vmem>>, vector<16xf32>,
        %parallel_loop3A_621 = arith.subf %parallel_loop3A_435, %parallel_loop3A_498 : vector<16xf32>
        %parallel_loop3A_622 = arith.mulf %parallel_loop3A_621, %parallel_loop3A_494 : vector<16xf32>
        %parallel_loop3A_623 = arith.addf %parallel_loop3A_622, %parallel_loop3A_500 : vector<16xf32>
        %parallel_loop3A_624 = arith.constant 1 : i32
        %parallel_loop3A_625 = arith.index_cast %parallel_loop3A_624 : i32 to index
        %parallel_loop3A_626 = arith.index_cast %parallel_loop3A_269 : i32 to index
        %parallel_loop3A_627 = arith.constant 112 : index
        %parallel_loop3A_628 = tpu.vector_load %arg12[%parallel_loop3A_625, %parallel_loop3A_626, %parallel_loop3A_627] {strides = array<i32>} : memref<2x64x128xf32, #tpu.memory_space<vmem>>, vector<16xf32>,
        tpu.vector_store %arg12[%parallel_loop3A_625, %parallel_loop3A_626, %parallel_loop3A_627], %parallel_loop3A_623 {strides = array<i32>} : memref<2x64x128xf32, #tpu.memory_space<vmem>>, vector<16xf32>,
      } {sc.loop_unroll_factor = 2 : i64, sc.parallel_access}
      %dma_start3A_241 = arith.constant 1 : i32
      %dma_start3A_242 = arith.constant 0 : i32
      %dma_start3A_243 = arith.constant 0 : i32
      %dma_start3A_244 = tpu.memref_slice %arg11[%dma_start3A_241, %dma_start3A_242, %dma_start3A_243] : memref<2x64x128xf32, #tpu.memory_space<vmem>> -> memref<1x64x128xf32, #tpu.memory_space<vmem>>
      %dma_start3A_245 = tpu.memref_squeeze %dma_start3A_244 : memref<1x64x128xf32, #tpu.memory_space<vmem>> -> memref<64x128xf32, #tpu.memory_space<vmem>>
      %dma_start3A_246 = arith.constant 0 : i32
      %dma_start3A_247 = tpu.memref_slice %arg6[%add3A_206, %dma_start3A_246] : memref<327680x128xf32, #tpu.memory_space<hbm>> -> memref<64x128xf32, #tpu.memory_space<hbm>>
      %dma_start3A_248 = arith.constant 0 : i32
      %dma_start3A_249 = tpu.memref_slice %arg6[%add3A_206, %dma_start3A_248] : memref<327680x128xf32, #tpu.memory_space<hbm>> -> memref<64x128xf32, #tpu.memory_space<hbm>>
      %dma_start3A_250 = arith.constant 0 : i32
      %dma_start3A_251 = arith.constant 0 : i32
      %dma_start3A_252 = tpu.memref_slice %arg11[%dma_start3A_241, %dma_start3A_250, %dma_start3A_251] : memref<2x64x128xf32, #tpu.memory_space<vmem>> -> memref<1x64x128xf32, #tpu.memory_space<vmem>>
      %dma_start3A_253 = tpu.memref_squeeze %dma_start3A_252 : memref<1x64x128xf32, #tpu.memory_space<vmem>> -> memref<64x128xf32, #tpu.memory_space<vmem>>
      tpu.enqueue_dma source(%dma_start3A_253 : memref<64x128xf32, #tpu.memory_space<vmem>>) target(%dma_start3A_249 : memref<64x128xf32, #tpu.memory_space<hbm>>) target_semaphore(%arg18 : memref<!tpu.dma_semaphore, #tpu.memory_space<semaphore_mem>>)
      %add3A_254 = arith.constant 163840 : i32
      %add3A_255 = arith.addi %add3A_254, %add3A_206 : i32
      %dma_start3A_256 = arith.constant 1 : i32
      %dma_start3A_257 = arith.constant 0 : i32
      %dma_start3A_258 = arith.constant 0 : i32
      %dma_start3A_259 = tpu.memref_slice %arg12[%dma_start3A_256, %dma_start3A_257, %dma_start3A_258] : memref<2x64x128xf32, #tpu.memory_space<vmem>> -> memref<1x64x128xf32, #tpu.memory_space<vmem>>
      %dma_start3A_260 = tpu.memref_squeeze %dma_start3A_259 : memref<1x64x128xf32, #tpu.memory_space<vmem>> -> memref<64x128xf32, #tpu.memory_space<vmem>>
      %dma_start3A_261 = arith.constant 0 : i32
      %dma_start3A_262 = tpu.memref_slice %arg6[%add3A_255, %dma_start3A_261] : memref<327680x128xf32, #tpu.memory_space<hbm>> -> memref<64x128xf32, #tpu.memory_space<hbm>>
      %dma_start3A_263 = arith.constant 0 : i32
      %dma_start3A_264 = tpu.memref_slice %arg6[%add3A_255, %dma_start3A_263] : memref<327680x128xf32, #tpu.memory_space<hbm>> -> memref<64x128xf32, #tpu.memory_space<hbm>>
      %dma_start3A_265 = arith.constant 0 : i32
      %dma_start3A_266 = arith.constant 0 : i32
      %dma_start3A_267 = tpu.memref_slice %arg12[%dma_start3A_256, %dma_start3A_265, %dma_start3A_266] : memref<2x64x128xf32, #tpu.memory_space<vmem>> -> memref<1x64x128xf32, #tpu.memory_space<vmem>>
      %dma_start3A_268 = tpu.memref_squeeze %dma_start3A_267 : memref<1x64x128xf32, #tpu.memory_space<vmem>> -> memref<64x128xf32, #tpu.memory_space<vmem>>
      tpu.enqueue_dma source(%dma_start3A_268 : memref<64x128xf32, #tpu.memory_space<vmem>>) target(%dma_start3A_264 : memref<64x128xf32, #tpu.memory_space<hbm>>) target_semaphore(%arg18 : memref<!tpu.dma_semaphore, #tpu.memory_space<semaphore_mem>>)
    }
    %while3A_81 = arith.constant 1 : i32
    scf.for %while3A_133 = %while3A_79 to %while3A_75 step %while3A_81  : i32 {
      %mul3A_134 = arith.constant 2 : i32
      %mul3A_135 = arith.muli %mul3A_134, %while3A_133 : i32
      %add3A_136 = arith.constant 0 : i32
      %add3A_137 = arith.addi %mul3A_135, %add3A_136 : i32
      %mul3A_138 = arith.constant 64 : i32
      %mul3A_139 = arith.muli %add3A_137, %mul3A_138 : i32
      %add3A_140 = arith.addi %select_n3A_6, %mul3A_139 : i32
      %dma_wait3A_141 = arith.constant 0 : i32
      %dma_wait3A_142 = arith.constant 0 : i32
      %dma_wait3A_143 = arith.constant 0 : i32
      %dma_wait3A_144 = tpu.memref_slice %arg9[%dma_wait3A_141, %dma_wait3A_142, %dma_wait3A_143] : memref<2x64x128xi32, #tpu.memory_space<vmem>> -> memref<1x64x128xi32, #tpu.memory_space<vmem>>
      %dma_wait3A_145 = tpu.memref_squeeze %dma_wait3A_144 : memref<1x64x128xi32, #tpu.memory_space<vmem>> -> memref<64x128xi32, #tpu.memory_space<vmem>>
      %dma_wait3A_146 = arith.constant 0 : i32
      %dma_wait3A_147 = tpu.memref_slice %arg7[%dma_wait3A_146] : memref<6912xi32, #tpu.memory_space<vmem>> -> memref<64xi32, #tpu.memory_space<vmem>>
      %dma_wait3A_148 = arith.constant 0 : i32
      %dma_wait3A_149 = arith.constant 0 : i32
      %dma_wait3A_150 = tpu.memref_slice %arg2[%dma_wait3A_148, %dma_wait3A_149] : memref<10240x128xi32, #tpu.memory_space<hbm>> -> memref<10240x128xi32, #tpu.memory_space<hbm>>
      tpu.wait_indirect_dma semaphore(%arg13 : memref<!tpu.dma_semaphore, #tpu.memory_space<semaphore_mem>>) src(%dma_wait3A_150 : memref<10240x128xi32, #tpu.memory_space<hbm>>) dst(%dma_wait3A_145 : memref<64x128xi32, #tpu.memory_space<vmem>>)
      %dma_wait3A_151 = arith.constant 0 : i32
      %dma_wait3A_152 = arith.constant 0 : i32
      %dma_wait3A_153 = arith.constant 0 : i32
      %dma_wait3A_154 = tpu.memref_slice %arg10[%dma_wait3A_151, %dma_wait3A_152, %dma_wait3A_153] : memref<2x64x128xi32, #tpu.memory_space<vmem>> -> memref<1x64x128xi32, #tpu.memory_space<vmem>>
      %dma_wait3A_155 = tpu.memref_squeeze %dma_wait3A_154 : memref<1x64x128xi32, #tpu.memory_space<vmem>> -> memref<64x128xi32, #tpu.memory_space<vmem>>
      %dma_wait3A_156 = arith.constant 0 : i32
      %dma_wait3A_157 = tpu.memref_slice %arg8[%dma_wait3A_156] : memref<6912xi32, #tpu.memory_space<vmem>> -> memref<64xi32, #tpu.memory_space<vmem>>
      %dma_wait3A_158 = arith.constant 0 : i32
      %dma_wait3A_159 = arith.constant 0 : i32
      %dma_wait3A_160 = tpu.memref_slice %arg3[%dma_wait3A_158, %dma_wait3A_159] : memref<10240x128xi32, #tpu.memory_space<hbm>> -> memref<10240x128xi32, #tpu.memory_space<hbm>>
      tpu.wait_indirect_dma semaphore(%arg15 : memref<!tpu.dma_semaphore, #tpu.memory_space<semaphore_mem>>) src(%dma_wait3A_160 : memref<10240x128xi32, #tpu.memory_space<hbm>>) dst(%dma_wait3A_155 : memref<64x128xi32, #tpu.memory_space<vmem>>)
      %add3A_161 = arith.constant 1 : i32
      %add3A_162 = arith.addi %add3A_137, %add3A_161 : i32
      %lt3A = arith.cmpi slt, %add3A_162, %select_n3A_24 : i32
      %convert_element_type3A_163 = arith.extui %lt3A : i1 to i32
      %cond3A_164 = arith.constant 0 : i32
      %cond3A_165 = arith.cmpi ne, %convert_element_type3A_163, %cond3A_164 : i32
      scf.if %cond3A_165 {
        %mul3A_269 = arith.constant 64 : i32
        %mul3A_270 = arith.muli %add3A_162, %mul3A_269 : i32
        %dma_start3A_271 = arith.constant 1 : i32
        %dma_start3A_272 = arith.constant 0 : i32
        %dma_start3A_273 = arith.constant 0 : i32
        %dma_start3A_274 = tpu.memref_slice %arg9[%dma_start3A_271, %dma_start3A_272, %dma_start3A_273] : memref<2x64x128xi32, #tpu.memory_space<vmem>> -> memref<1x64x128xi32, #tpu.memory_space<vmem>>
        %dma_start3A_275 = tpu.memref_squeeze %dma_start3A_274 : memref<1x64x128xi32, #tpu.memory_space<vmem>> -> memref<64x128xi32, #tpu.memory_space<vmem>>
        %dma_start3A_276 = tpu.memref_slice %arg7[%mul3A_270] : memref<6912xi32, #tpu.memory_space<vmem>> -> memref<64xi32, #tpu.memory_space<vmem>>
        %dma_start3A_277 = arith.constant 0 : i32
        %dma_start3A_278 = arith.constant 0 : i32
        %dma_start3A_279 = tpu.memref_slice %arg2[%dma_start3A_277, %dma_start3A_278] : memref<10240x128xi32, #tpu.memory_space<hbm>> -> memref<10240x128xi32, #tpu.memory_space<hbm>>
        tpu.enqueue_indirect_dma source(%dma_start3A_279 : memref<10240x128xi32, #tpu.memory_space<hbm>>) target(%dma_start3A_275 : memref<64x128xi32, #tpu.memory_space<vmem>>) offsets(%dma_start3A_276 : memref<64xi32, #tpu.memory_space<vmem>>) semaphore(%arg14 : memref<!tpu.dma_semaphore, #tpu.memory_space<semaphore_mem>>)
        %mul3A_280 = arith.constant 64 : i32
        %mul3A_281 = arith.muli %add3A_162, %mul3A_280 : i32
        %dma_start3A_282 = arith.constant 1 : i32
        %dma_start3A_283 = arith.constant 0 : i32
        %dma_start3A_284 = arith.constant 0 : i32
        %dma_start3A_285 = tpu.memref_slice %arg10[%dma_start3A_282, %dma_start3A_283, %dma_start3A_284] : memref<2x64x128xi32, #tpu.memory_space<vmem>> -> memref<1x64x128xi32, #tpu.memory_space<vmem>>
        %dma_start3A_286 = tpu.memref_squeeze %dma_start3A_285 : memref<1x64x128xi32, #tpu.memory_space<vmem>> -> memref<64x128xi32, #tpu.memory_space<vmem>>
        %dma_start3A_287 = tpu.memref_slice %arg8[%mul3A_281] : memref<6912xi32, #tpu.memory_space<vmem>> -> memref<64xi32, #tpu.memory_space<vmem>>
        %dma_start3A_288 = arith.constant 0 : i32
        %dma_start3A_289 = arith.constant 0 : i32
        %dma_start3A_290 = tpu.memref_slice %arg3[%dma_start3A_288, %dma_start3A_289] : memref<10240x128xi32, #tpu.memory_space<hbm>> -> memref<10240x128xi32, #tpu.memory_space<hbm>>
        tpu.enqueue_indirect_dma source(%dma_start3A_290 : memref<10240x128xi32, #tpu.memory_space<hbm>>) target(%dma_start3A_286 : memref<64x128xi32, #tpu.memory_space<vmem>>) offsets(%dma_start3A_287 : memref<64xi32, #tpu.memory_space<vmem>>) semaphore(%arg16 : memref<!tpu.dma_semaphore, #tpu.memory_space<semaphore_mem>>)
      } else {
      }
      %ge3A = arith.constant 2 : i32
      %ge3A_166 = arith.cmpi sge, %add3A_137, %ge3A : i32
      %convert_element_type3A_167 = arith.extui %ge3A_166 : i1 to i32
      %cond3A_168 = arith.constant 0 : i32
      %cond3A_169 = arith.cmpi ne, %convert_element_type3A_167, %cond3A_168 : i32
      scf.if %cond3A_169 {
        %dma_wait3A_269 = arith.constant 0 : i32
        %dma_wait3A_270 = arith.constant 0 : i32
        %dma_wait3A_271 = arith.constant 0 : i32
        %dma_wait3A_272 = tpu.memref_slice %arg11[%dma_wait3A_269, %dma_wait3A_270, %dma_wait3A_271] : memref<2x64x128xf32, #tpu.memory_space<vmem>> -> memref<1x64x128xf32, #tpu.memory_space<vmem>>
        %dma_wait3A_273 = tpu.memref_squeeze %dma_wait3A_272 : memref<1x64x128xf32, #tpu.memory_space<vmem>> -> memref<64x128xf32, #tpu.memory_space<vmem>>
        %dma_wait3A_274 = arith.constant 0 : i32
        %dma_wait3A_275 = tpu.memref_slice %arg6[%select_n3A_6, %dma_wait3A_274] : memref<327680x128xf32, #tpu.memory_space<hbm>> -> memref<64x128xf32, #tpu.memory_space<hbm>>
        %dma_wait3A_276 = arith.constant 0 : i32
        %dma_wait3A_277 = tpu.memref_slice %arg6[%select_n3A_6, %dma_wait3A_276] : memref<327680x128xf32, #tpu.memory_space<hbm>> -> memref<64x128xf32, #tpu.memory_space<hbm>>
        %dma_wait3A_278 = arith.constant 0 : i32
        %dma_wait3A_279 = arith.constant 0 : i32
        %dma_wait3A_280 = tpu.memref_slice %arg11[%dma_wait3A_269, %dma_wait3A_278, %dma_wait3A_279] : memref<2x64x128xf32, #tpu.memory_space<vmem>> -> memref<1x64x128xf32, #tpu.memory_space<vmem>>
        %dma_wait3A_281 = tpu.memref_squeeze %dma_wait3A_280 : memref<1x64x128xf32, #tpu.memory_space<vmem>> -> memref<64x128xf32, #tpu.memory_space<vmem>>
        tpu.wait_dma2 semaphore(%arg17 : memref<!tpu.dma_semaphore, #tpu.memory_space<semaphore_mem>>) src(%dma_wait3A_281 : memref<64x128xf32, #tpu.memory_space<vmem>>) dst(%dma_wait3A_277 : memref<64x128xf32, #tpu.memory_space<hbm>>)
        %dma_wait3A_282 = arith.constant 0 : i32
        %dma_wait3A_283 = arith.constant 0 : i32
        %dma_wait3A_284 = arith.constant 0 : i32
        %dma_wait3A_285 = tpu.memref_slice %arg12[%dma_wait3A_282, %dma_wait3A_283, %dma_wait3A_284] : memref<2x64x128xf32, #tpu.memory_space<vmem>> -> memref<1x64x128xf32, #tpu.memory_space<vmem>>
        %dma_wait3A_286 = tpu.memref_squeeze %dma_wait3A_285 : memref<1x64x128xf32, #tpu.memory_space<vmem>> -> memref<64x128xf32, #tpu.memory_space<vmem>>
        %dma_wait3A_287 = arith.constant 0 : i32
        %dma_wait3A_288 = tpu.memref_slice %arg6[%select_n3A_6, %dma_wait3A_287] : memref<327680x128xf32, #tpu.memory_space<hbm>> -> memref<64x128xf32, #tpu.memory_space<hbm>>
        %dma_wait3A_289 = arith.constant 0 : i32
        %dma_wait3A_290 = tpu.memref_slice %arg6[%select_n3A_6, %dma_wait3A_289] : memref<327680x128xf32, #tpu.memory_space<hbm>> -> memref<64x128xf32, #tpu.memory_space<hbm>>
        %dma_wait3A_291 = arith.constant 0 : i32
        %dma_wait3A_292 = arith.constant 0 : i32
        %dma_wait3A_293 = tpu.memref_slice %arg12[%dma_wait3A_282, %dma_wait3A_291, %dma_wait3A_292] : memref<2x64x128xf32, #tpu.memory_space<vmem>> -> memref<1x64x128xf32, #tpu.memory_space<vmem>>
        %dma_wait3A_294 = tpu.memref_squeeze %dma_wait3A_293 : memref<1x64x128xf32, #tpu.memory_space<vmem>> -> memref<64x128xf32, #tpu.memory_space<vmem>>
        tpu.wait_dma2 semaphore(%arg17 : memref<!tpu.dma_semaphore, #tpu.memory_space<semaphore_mem>>) src(%dma_wait3A_294 : memref<64x128xf32, #tpu.memory_space<vmem>>) dst(%dma_wait3A_290 : memref<64x128xf32, #tpu.memory_space<hbm>>)
      } else {
      }
      %parallel_loop3A = arith.constant 0 : i32
      %parallel_loop3A_170 = arith.constant 64 : i32
      %parallel_loop3A_171 = arith.constant 1 : i32
      scf.for %parallel_loop3A_269 = %parallel_loop3A to %parallel_loop3A_170 step %parallel_loop3A_171  : i32 {
        %parallel_loop3A_270 = arith.constant 0.000000e+00 : f32
        %parallel_loop3A_271 = vector.broadcast %parallel_loop3A_270 : f32 to vector<16xf32>
        %parallel_loop3A_272 = arith.constant 0.000000e+00 : f32
        %parallel_loop3A_273 = vector.broadcast %parallel_loop3A_272 : f32 to vector<16xf32>
        %parallel_loop3A_274 = arith.constant 0 : i32
        %parallel_loop3A_275 = arith.index_cast %parallel_loop3A_274 : i32 to index
        %parallel_loop3A_276 = arith.index_cast %parallel_loop3A_269 : i32 to index
        %parallel_loop3A_277 = arith.constant 0 : index
        %parallel_loop3A_278 = tpu.vector_load %arg9[%parallel_loop3A_275, %parallel_loop3A_276, %parallel_loop3A_277] {strides = array<i32>} : memref<2x64x128xi32, #tpu.memory_space<vmem>>, vector<16xi32>,
        %parallel_loop3A_279 = vector.bitcast %parallel_loop3A_278 : vector<16xi32> to vector<32xbf16>
        %parallel_loop3A_280 = arith.constant 0 : i32
        %parallel_loop3A_281 = arith.index_cast %parallel_loop3A_280 : i32 to index
        %parallel_loop3A_282 = arith.index_cast %parallel_loop3A_269 : i32 to index
        %parallel_loop3A_283 = arith.constant 0 : index
        %parallel_loop3A_284 = tpu.vector_load %arg10[%parallel_loop3A_281, %parallel_loop3A_282, %parallel_loop3A_283] {strides = array<i32>} : memref<2x64x128xi32, #tpu.memory_space<vmem>>, vector<16xi32>,
        %parallel_loop3A_285 = vector.bitcast %parallel_loop3A_284 : vector<16xi32> to vector<32xbf16>
        %parallel_loop3A_286 = arith.addf %parallel_loop3A_279, %parallel_loop3A_285 : vector<32xbf16>
        %parallel_loop3A_287 = tpu.unpack_subelements %parallel_loop3A_286, 0 {pack_format = #tpu.pack_format<interleaved>} : vector<32xbf16> -> vector<16xf32>
        %parallel_loop3A_288 = tpu.unpack_subelements %parallel_loop3A_286, 1 {pack_format = #tpu.pack_format<interleaved>} : vector<32xbf16> -> vector<16xf32>
        %parallel_loop3A_289 = arith.addf %parallel_loop3A_271, %parallel_loop3A_287 : vector<16xf32>
        %parallel_loop3A_290 = arith.addf %parallel_loop3A_289, %parallel_loop3A_288 : vector<16xf32>
        %parallel_loop3A_291 = arith.mulf %parallel_loop3A_287, %parallel_loop3A_287 : vector<16xf32>
        %parallel_loop3A_292 = arith.addf %parallel_loop3A_273, %parallel_loop3A_291 : vector<16xf32>
        %parallel_loop3A_293 = arith.mulf %parallel_loop3A_288, %parallel_loop3A_288 : vector<16xf32>
        %parallel_loop3A_294 = arith.addf %parallel_loop3A_292, %parallel_loop3A_293 : vector<16xf32>
        %parallel_loop3A_295 = arith.constant 0 : i32
        %parallel_loop3A_296 = arith.index_cast %parallel_loop3A_295 : i32 to index
        %parallel_loop3A_297 = arith.index_cast %parallel_loop3A_269 : i32 to index
        %parallel_loop3A_298 = arith.constant 16 : index
        %parallel_loop3A_299 = tpu.vector_load %arg9[%parallel_loop3A_296, %parallel_loop3A_297, %parallel_loop3A_298] {strides = array<i32>} : memref<2x64x128xi32, #tpu.memory_space<vmem>>, vector<16xi32>,
        %parallel_loop3A_300 = vector.bitcast %parallel_loop3A_299 : vector<16xi32> to vector<32xbf16>
        %parallel_loop3A_301 = arith.constant 0 : i32
        %parallel_loop3A_302 = arith.index_cast %parallel_loop3A_301 : i32 to index
        %parallel_loop3A_303 = arith.index_cast %parallel_loop3A_269 : i32 to index
        %parallel_loop3A_304 = arith.constant 16 : index
        %parallel_loop3A_305 = tpu.vector_load %arg10[%parallel_loop3A_302, %parallel_loop3A_303, %parallel_loop3A_304] {strides = array<i32>} : memref<2x64x128xi32, #tpu.memory_space<vmem>>, vector<16xi32>,
        %parallel_loop3A_306 = vector.bitcast %parallel_loop3A_305 : vector<16xi32> to vector<32xbf16>
        %parallel_loop3A_307 = arith.addf %parallel_loop3A_300, %parallel_loop3A_306 : vector<32xbf16>
        %parallel_loop3A_308 = tpu.unpack_subelements %parallel_loop3A_307, 0 {pack_format = #tpu.pack_format<interleaved>} : vector<32xbf16> -> vector<16xf32>
        %parallel_loop3A_309 = tpu.unpack_subelements %parallel_loop3A_307, 1 {pack_format = #tpu.pack_format<interleaved>} : vector<32xbf16> -> vector<16xf32>
        %parallel_loop3A_310 = arith.addf %parallel_loop3A_290, %parallel_loop3A_308 : vector<16xf32>
        %parallel_loop3A_311 = arith.addf %parallel_loop3A_310, %parallel_loop3A_309 : vector<16xf32>
        %parallel_loop3A_312 = arith.mulf %parallel_loop3A_308, %parallel_loop3A_308 : vector<16xf32>
        %parallel_loop3A_313 = arith.addf %parallel_loop3A_294, %parallel_loop3A_312 : vector<16xf32>
        %parallel_loop3A_314 = arith.mulf %parallel_loop3A_309, %parallel_loop3A_309 : vector<16xf32>
        %parallel_loop3A_315 = arith.addf %parallel_loop3A_313, %parallel_loop3A_314 : vector<16xf32>
        %parallel_loop3A_316 = arith.constant 0 : i32
        %parallel_loop3A_317 = arith.index_cast %parallel_loop3A_316 : i32 to index
        %parallel_loop3A_318 = arith.index_cast %parallel_loop3A_269 : i32 to index
        %parallel_loop3A_319 = arith.constant 32 : index
        %parallel_loop3A_320 = tpu.vector_load %arg9[%parallel_loop3A_317, %parallel_loop3A_318, %parallel_loop3A_319] {strides = array<i32>} : memref<2x64x128xi32, #tpu.memory_space<vmem>>, vector<16xi32>,
        %parallel_loop3A_321 = vector.bitcast %parallel_loop3A_320 : vector<16xi32> to vector<32xbf16>
        %parallel_loop3A_322 = arith.constant 0 : i32
        %parallel_loop3A_323 = arith.index_cast %parallel_loop3A_322 : i32 to index
        %parallel_loop3A_324 = arith.index_cast %parallel_loop3A_269 : i32 to index
        %parallel_loop3A_325 = arith.constant 32 : index
        %parallel_loop3A_326 = tpu.vector_load %arg10[%parallel_loop3A_323, %parallel_loop3A_324, %parallel_loop3A_325] {strides = array<i32>} : memref<2x64x128xi32, #tpu.memory_space<vmem>>, vector<16xi32>,
        %parallel_loop3A_327 = vector.bitcast %parallel_loop3A_326 : vector<16xi32> to vector<32xbf16>
        %parallel_loop3A_328 = arith.addf %parallel_loop3A_321, %parallel_loop3A_327 : vector<32xbf16>
        %parallel_loop3A_329 = tpu.unpack_subelements %parallel_loop3A_328, 0 {pack_format = #tpu.pack_format<interleaved>} : vector<32xbf16> -> vector<16xf32>
        %parallel_loop3A_330 = tpu.unpack_subelements %parallel_loop3A_328, 1 {pack_format = #tpu.pack_format<interleaved>} : vector<32xbf16> -> vector<16xf32>
        %parallel_loop3A_331 = arith.addf %parallel_loop3A_311, %parallel_loop3A_329 : vector<16xf32>
        %parallel_loop3A_332 = arith.addf %parallel_loop3A_331, %parallel_loop3A_330 : vector<16xf32>
        %parallel_loop3A_333 = arith.mulf %parallel_loop3A_329, %parallel_loop3A_329 : vector<16xf32>
        %parallel_loop3A_334 = arith.addf %parallel_loop3A_315, %parallel_loop3A_333 : vector<16xf32>
        %parallel_loop3A_335 = arith.mulf %parallel_loop3A_330, %parallel_loop3A_330 : vector<16xf32>
        %parallel_loop3A_336 = arith.addf %parallel_loop3A_334, %parallel_loop3A_335 : vector<16xf32>
        %parallel_loop3A_337 = arith.constant 0 : i32
        %parallel_loop3A_338 = arith.index_cast %parallel_loop3A_337 : i32 to index
        %parallel_loop3A_339 = arith.index_cast %parallel_loop3A_269 : i32 to index
        %parallel_loop3A_340 = arith.constant 48 : index
        %parallel_loop3A_341 = tpu.vector_load %arg9[%parallel_loop3A_338, %parallel_loop3A_339, %parallel_loop3A_340] {strides = array<i32>} : memref<2x64x128xi32, #tpu.memory_space<vmem>>, vector<16xi32>,
        %parallel_loop3A_342 = vector.bitcast %parallel_loop3A_341 : vector<16xi32> to vector<32xbf16>
        %parallel_loop3A_343 = arith.constant 0 : i32
        %parallel_loop3A_344 = arith.index_cast %parallel_loop3A_343 : i32 to index
        %parallel_loop3A_345 = arith.index_cast %parallel_loop3A_269 : i32 to index
        %parallel_loop3A_346 = arith.constant 48 : index
        %parallel_loop3A_347 = tpu.vector_load %arg10[%parallel_loop3A_344, %parallel_loop3A_345, %parallel_loop3A_346] {strides = array<i32>} : memref<2x64x128xi32, #tpu.memory_space<vmem>>, vector<16xi32>,
        %parallel_loop3A_348 = vector.bitcast %parallel_loop3A_347 : vector<16xi32> to vector<32xbf16>
        %parallel_loop3A_349 = arith.addf %parallel_loop3A_342, %parallel_loop3A_348 : vector<32xbf16>
        %parallel_loop3A_350 = tpu.unpack_subelements %parallel_loop3A_349, 0 {pack_format = #tpu.pack_format<interleaved>} : vector<32xbf16> -> vector<16xf32>
        %parallel_loop3A_351 = tpu.unpack_subelements %parallel_loop3A_349, 1 {pack_format = #tpu.pack_format<interleaved>} : vector<32xbf16> -> vector<16xf32>
        %parallel_loop3A_352 = arith.addf %parallel_loop3A_332, %parallel_loop3A_350 : vector<16xf32>
        %parallel_loop3A_353 = arith.addf %parallel_loop3A_352, %parallel_loop3A_351 : vector<16xf32>
        %parallel_loop3A_354 = arith.mulf %parallel_loop3A_350, %parallel_loop3A_350 : vector<16xf32>
        %parallel_loop3A_355 = arith.addf %parallel_loop3A_336, %parallel_loop3A_354 : vector<16xf32>
        %parallel_loop3A_356 = arith.mulf %parallel_loop3A_351, %parallel_loop3A_351 : vector<16xf32>
        %parallel_loop3A_357 = arith.addf %parallel_loop3A_355, %parallel_loop3A_356 : vector<16xf32>
        %parallel_loop3A_358 = arith.constant 0 : i32
        %parallel_loop3A_359 = arith.index_cast %parallel_loop3A_358 : i32 to index
        %parallel_loop3A_360 = arith.index_cast %parallel_loop3A_269 : i32 to index
        %parallel_loop3A_361 = arith.constant 64 : index
        %parallel_loop3A_362 = tpu.vector_load %arg9[%parallel_loop3A_359, %parallel_loop3A_360, %parallel_loop3A_361] {strides = array<i32>} : memref<2x64x128xi32, #tpu.memory_space<vmem>>, vector<16xi32>,
        %parallel_loop3A_363 = vector.bitcast %parallel_loop3A_362 : vector<16xi32> to vector<32xbf16>
        %parallel_loop3A_364 = arith.constant 0 : i32
        %parallel_loop3A_365 = arith.index_cast %parallel_loop3A_364 : i32 to index
        %parallel_loop3A_366 = arith.index_cast %parallel_loop3A_269 : i32 to index
        %parallel_loop3A_367 = arith.constant 64 : index
        %parallel_loop3A_368 = tpu.vector_load %arg10[%parallel_loop3A_365, %parallel_loop3A_366, %parallel_loop3A_367] {strides = array<i32>} : memref<2x64x128xi32, #tpu.memory_space<vmem>>, vector<16xi32>,
        %parallel_loop3A_369 = vector.bitcast %parallel_loop3A_368 : vector<16xi32> to vector<32xbf16>
        %parallel_loop3A_370 = arith.addf %parallel_loop3A_363, %parallel_loop3A_369 : vector<32xbf16>
        %parallel_loop3A_371 = tpu.unpack_subelements %parallel_loop3A_370, 0 {pack_format = #tpu.pack_format<interleaved>} : vector<32xbf16> -> vector<16xf32>
        %parallel_loop3A_372 = tpu.unpack_subelements %parallel_loop3A_370, 1 {pack_format = #tpu.pack_format<interleaved>} : vector<32xbf16> -> vector<16xf32>
        %parallel_loop3A_373 = arith.addf %parallel_loop3A_353, %parallel_loop3A_371 : vector<16xf32>
        %parallel_loop3A_374 = arith.addf %parallel_loop3A_373, %parallel_loop3A_372 : vector<16xf32>
        %parallel_loop3A_375 = arith.mulf %parallel_loop3A_371, %parallel_loop3A_371 : vector<16xf32>
        %parallel_loop3A_376 = arith.addf %parallel_loop3A_357, %parallel_loop3A_375 : vector<16xf32>
        %parallel_loop3A_377 = arith.mulf %parallel_loop3A_372, %parallel_loop3A_372 : vector<16xf32>
        %parallel_loop3A_378 = arith.addf %parallel_loop3A_376, %parallel_loop3A_377 : vector<16xf32>
        %parallel_loop3A_379 = arith.constant 0 : i32
        %parallel_loop3A_380 = arith.index_cast %parallel_loop3A_379 : i32 to index
        %parallel_loop3A_381 = arith.index_cast %parallel_loop3A_269 : i32 to index
        %parallel_loop3A_382 = arith.constant 80 : index
        %parallel_loop3A_383 = tpu.vector_load %arg9[%parallel_loop3A_380, %parallel_loop3A_381, %parallel_loop3A_382] {strides = array<i32>} : memref<2x64x128xi32, #tpu.memory_space<vmem>>, vector<16xi32>,
        %parallel_loop3A_384 = vector.bitcast %parallel_loop3A_383 : vector<16xi32> to vector<32xbf16>
        %parallel_loop3A_385 = arith.constant 0 : i32
        %parallel_loop3A_386 = arith.index_cast %parallel_loop3A_385 : i32 to index
        %parallel_loop3A_387 = arith.index_cast %parallel_loop3A_269 : i32 to index
        %parallel_loop3A_388 = arith.constant 80 : index
        %parallel_loop3A_389 = tpu.vector_load %arg10[%parallel_loop3A_386, %parallel_loop3A_387, %parallel_loop3A_388] {strides = array<i32>} : memref<2x64x128xi32, #tpu.memory_space<vmem>>, vector<16xi32>,
        %parallel_loop3A_390 = vector.bitcast %parallel_loop3A_389 : vector<16xi32> to vector<32xbf16>
        %parallel_loop3A_391 = arith.addf %parallel_loop3A_384, %parallel_loop3A_390 : vector<32xbf16>
        %parallel_loop3A_392 = tpu.unpack_subelements %parallel_loop3A_391, 0 {pack_format = #tpu.pack_format<interleaved>} : vector<32xbf16> -> vector<16xf32>
        %parallel_loop3A_393 = tpu.unpack_subelements %parallel_loop3A_391, 1 {pack_format = #tpu.pack_format<interleaved>} : vector<32xbf16> -> vector<16xf32>
        %parallel_loop3A_394 = arith.addf %parallel_loop3A_374, %parallel_loop3A_392 : vector<16xf32>
        %parallel_loop3A_395 = arith.addf %parallel_loop3A_394, %parallel_loop3A_393 : vector<16xf32>
        %parallel_loop3A_396 = arith.mulf %parallel_loop3A_392, %parallel_loop3A_392 : vector<16xf32>
        %parallel_loop3A_397 = arith.addf %parallel_loop3A_378, %parallel_loop3A_396 : vector<16xf32>
        %parallel_loop3A_398 = arith.mulf %parallel_loop3A_393, %parallel_loop3A_393 : vector<16xf32>
        %parallel_loop3A_399 = arith.addf %parallel_loop3A_397, %parallel_loop3A_398 : vector<16xf32>
        %parallel_loop3A_400 = arith.constant 0 : i32
        %parallel_loop3A_401 = arith.index_cast %parallel_loop3A_400 : i32 to index
        %parallel_loop3A_402 = arith.index_cast %parallel_loop3A_269 : i32 to index
        %parallel_loop3A_403 = arith.constant 96 : index
        %parallel_loop3A_404 = tpu.vector_load %arg9[%parallel_loop3A_401, %parallel_loop3A_402, %parallel_loop3A_403] {strides = array<i32>} : memref<2x64x128xi32, #tpu.memory_space<vmem>>, vector<16xi32>,
        %parallel_loop3A_405 = vector.bitcast %parallel_loop3A_404 : vector<16xi32> to vector<32xbf16>
        %parallel_loop3A_406 = arith.constant 0 : i32
        %parallel_loop3A_407 = arith.index_cast %parallel_loop3A_406 : i32 to index
        %parallel_loop3A_408 = arith.index_cast %parallel_loop3A_269 : i32 to index
        %parallel_loop3A_409 = arith.constant 96 : index
        %parallel_loop3A_410 = tpu.vector_load %arg10[%parallel_loop3A_407, %parallel_loop3A_408, %parallel_loop3A_409] {strides = array<i32>} : memref<2x64x128xi32, #tpu.memory_space<vmem>>, vector<16xi32>,
        %parallel_loop3A_411 = vector.bitcast %parallel_loop3A_410 : vector<16xi32> to vector<32xbf16>
        %parallel_loop3A_412 = arith.addf %parallel_loop3A_405, %parallel_loop3A_411 : vector<32xbf16>
        %parallel_loop3A_413 = tpu.unpack_subelements %parallel_loop3A_412, 0 {pack_format = #tpu.pack_format<interleaved>} : vector<32xbf16> -> vector<16xf32>
        %parallel_loop3A_414 = tpu.unpack_subelements %parallel_loop3A_412, 1 {pack_format = #tpu.pack_format<interleaved>} : vector<32xbf16> -> vector<16xf32>
        %parallel_loop3A_415 = arith.addf %parallel_loop3A_395, %parallel_loop3A_413 : vector<16xf32>
        %parallel_loop3A_416 = arith.addf %parallel_loop3A_415, %parallel_loop3A_414 : vector<16xf32>
        %parallel_loop3A_417 = arith.mulf %parallel_loop3A_413, %parallel_loop3A_413 : vector<16xf32>
        %parallel_loop3A_418 = arith.addf %parallel_loop3A_399, %parallel_loop3A_417 : vector<16xf32>
        %parallel_loop3A_419 = arith.mulf %parallel_loop3A_414, %parallel_loop3A_414 : vector<16xf32>
        %parallel_loop3A_420 = arith.addf %parallel_loop3A_418, %parallel_loop3A_419 : vector<16xf32>
        %parallel_loop3A_421 = arith.constant 0 : i32
        %parallel_loop3A_422 = arith.index_cast %parallel_loop3A_421 : i32 to index
        %parallel_loop3A_423 = arith.index_cast %parallel_loop3A_269 : i32 to index
        %parallel_loop3A_424 = arith.constant 112 : index
        %parallel_loop3A_425 = tpu.vector_load %arg9[%parallel_loop3A_422, %parallel_loop3A_423, %parallel_loop3A_424] {strides = array<i32>} : memref<2x64x128xi32, #tpu.memory_space<vmem>>, vector<16xi32>,
        %parallel_loop3A_426 = vector.bitcast %parallel_loop3A_425 : vector<16xi32> to vector<32xbf16>
        %parallel_loop3A_427 = arith.constant 0 : i32
        %parallel_loop3A_428 = arith.index_cast %parallel_loop3A_427 : i32 to index
        %parallel_loop3A_429 = arith.index_cast %parallel_loop3A_269 : i32 to index
        %parallel_loop3A_430 = arith.constant 112 : index
        %parallel_loop3A_431 = tpu.vector_load %arg10[%parallel_loop3A_428, %parallel_loop3A_429, %parallel_loop3A_430] {strides = array<i32>} : memref<2x64x128xi32, #tpu.memory_space<vmem>>, vector<16xi32>,
        %parallel_loop3A_432 = vector.bitcast %parallel_loop3A_431 : vector<16xi32> to vector<32xbf16>
        %parallel_loop3A_433 = arith.addf %parallel_loop3A_426, %parallel_loop3A_432 : vector<32xbf16>
        %parallel_loop3A_434 = tpu.unpack_subelements %parallel_loop3A_433, 0 {pack_format = #tpu.pack_format<interleaved>} : vector<32xbf16> -> vector<16xf32>
        %parallel_loop3A_435 = tpu.unpack_subelements %parallel_loop3A_433, 1 {pack_format = #tpu.pack_format<interleaved>} : vector<32xbf16> -> vector<16xf32>
        %parallel_loop3A_436 = arith.addf %parallel_loop3A_416, %parallel_loop3A_434 : vector<16xf32>
        %parallel_loop3A_437 = arith.addf %parallel_loop3A_436, %parallel_loop3A_435 : vector<16xf32>
        %parallel_loop3A_438 = arith.mulf %parallel_loop3A_434, %parallel_loop3A_434 : vector<16xf32>
        %parallel_loop3A_439 = arith.addf %parallel_loop3A_420, %parallel_loop3A_438 : vector<16xf32>
        %parallel_loop3A_440 = arith.mulf %parallel_loop3A_435, %parallel_loop3A_435 : vector<16xf32>
        %parallel_loop3A_441 = arith.addf %parallel_loop3A_439, %parallel_loop3A_440 : vector<16xf32>
        %parallel_loop3A_442 = arith.constant true
        %parallel_loop3A_443 = vector.broadcast %parallel_loop3A_442 : i1 to vector<16xi1>
        %parallel_loop3A_444 = tpu.scan <sum>, %parallel_loop3A_437 masked %parallel_loop3A_443 : vector<16xf32>, vector<16xi1> -> vector<16xf32>
        %parallel_loop3A_445 = vector.extract %parallel_loop3A_444[15] : f32 from vector<16xf32>
        %parallel_loop3A_446 = arith.constant true
        %parallel_loop3A_447 = vector.broadcast %parallel_loop3A_446 : i1 to vector<16xi1>
        %parallel_loop3A_448 = tpu.scan <sum>, %parallel_loop3A_441 masked %parallel_loop3A_447 : vector<16xf32>, vector<16xi1> -> vector<16xf32>
        %parallel_loop3A_449 = vector.extract %parallel_loop3A_448[15] : f32 from vector<16xf32>
        %parallel_loop3A_450 = arith.constant 3.906250e-03 : f32
        %parallel_loop3A_451 = arith.mulf %parallel_loop3A_445, %parallel_loop3A_450 : f32
        %parallel_loop3A_452 = arith.constant 3.906250e-03 : f32
        %parallel_loop3A_453 = arith.mulf %parallel_loop3A_449, %parallel_loop3A_452 : f32
        %parallel_loop3A_454 = arith.mulf %parallel_loop3A_451, %parallel_loop3A_451 : f32
        %parallel_loop3A_455 = arith.subf %parallel_loop3A_453, %parallel_loop3A_454 : f32
        %parallel_loop3A_456 = arith.constant 9.99999974E-6 : f32
        %parallel_loop3A_457 = vector.broadcast %parallel_loop3A_456 : f32 to vector<16xf32>
        %parallel_loop3A_458 = vector.broadcast %parallel_loop3A_455 : f32 to vector<16xf32>
        %parallel_loop3A_459 = arith.addf %parallel_loop3A_457, %parallel_loop3A_458 : vector<16xf32>
        %parallel_loop3A_460 = vector.bitcast %parallel_loop3A_459 : vector<16xf32> to vector<16xi32>
        %parallel_loop3A_461 = arith.constant 1 : i32
        %parallel_loop3A_462 = vector.broadcast %parallel_loop3A_461 : i32 to vector<16xi32>
        %parallel_loop3A_463 = arith.shrsi %parallel_loop3A_460, %parallel_loop3A_462 : vector<16xi32>
        %parallel_loop3A_464 = arith.constant 1597463007 : i32
        %parallel_loop3A_465 = vector.broadcast %parallel_loop3A_464 : i32 to vector<16xi32>
        %parallel_loop3A_466 = arith.subi %parallel_loop3A_465, %parallel_loop3A_463 : vector<16xi32>
        %parallel_loop3A_467 = vector.bitcast %parallel_loop3A_466 : vector<16xi32> to vector<16xf32>
        %parallel_loop3A_468 = arith.constant 5.000000e-01 : f32
        %parallel_loop3A_469 = vector.broadcast %parallel_loop3A_468 : f32 to vector<16xf32>
        %parallel_loop3A_470 = arith.mulf %parallel_loop3A_469, %parallel_loop3A_459 : vector<16xf32>
        %parallel_loop3A_471 = arith.mulf %parallel_loop3A_470, %parallel_loop3A_467 : vector<16xf32>
        %parallel_loop3A_472 = arith.mulf %parallel_loop3A_471, %parallel_loop3A_467 : vector<16xf32>
        %parallel_loop3A_473 = arith.constant 1.500000e+00 : f32
        %parallel_loop3A_474 = vector.broadcast %parallel_loop3A_473 : f32 to vector<16xf32>
        %parallel_loop3A_475 = arith.subf %parallel_loop3A_474, %parallel_loop3A_472 : vector<16xf32>
        %parallel_loop3A_476 = arith.mulf %parallel_loop3A_467, %parallel_loop3A_475 : vector<16xf32>
        %parallel_loop3A_477 = arith.constant 5.000000e-01 : f32
        %parallel_loop3A_478 = vector.broadcast %parallel_loop3A_477 : f32 to vector<16xf32>
        %parallel_loop3A_479 = arith.mulf %parallel_loop3A_478, %parallel_loop3A_459 : vector<16xf32>
        %parallel_loop3A_480 = arith.mulf %parallel_loop3A_479, %parallel_loop3A_476 : vector<16xf32>
        %parallel_loop3A_481 = arith.mulf %parallel_loop3A_480, %parallel_loop3A_476 : vector<16xf32>
        %parallel_loop3A_482 = arith.constant 1.500000e+00 : f32
        %parallel_loop3A_483 = vector.broadcast %parallel_loop3A_482 : f32 to vector<16xf32>
        %parallel_loop3A_484 = arith.subf %parallel_loop3A_483, %parallel_loop3A_481 : vector<16xf32>
        %parallel_loop3A_485 = arith.mulf %parallel_loop3A_476, %parallel_loop3A_484 : vector<16xf32>
        %parallel_loop3A_486 = arith.constant 5.000000e-01 : f32
        %parallel_loop3A_487 = vector.broadcast %parallel_loop3A_486 : f32 to vector<16xf32>
        %parallel_loop3A_488 = arith.mulf %parallel_loop3A_487, %parallel_loop3A_459 : vector<16xf32>
        %parallel_loop3A_489 = arith.mulf %parallel_loop3A_488, %parallel_loop3A_485 : vector<16xf32>
        %parallel_loop3A_490 = arith.mulf %parallel_loop3A_489, %parallel_loop3A_485 : vector<16xf32>
        %parallel_loop3A_491 = arith.constant 1.500000e+00 : f32
        %parallel_loop3A_492 = vector.broadcast %parallel_loop3A_491 : f32 to vector<16xf32>
        %parallel_loop3A_493 = arith.subf %parallel_loop3A_492, %parallel_loop3A_490 : vector<16xf32>
        %parallel_loop3A_494 = arith.mulf %parallel_loop3A_485, %parallel_loop3A_493 : vector<16xf32>
        %parallel_loop3A_495 = arith.constant 0.000000e+00 : f32
        %parallel_loop3A_496 = vector.broadcast %parallel_loop3A_495 : f32 to vector<16xf32>
        %parallel_loop3A_497 = vector.broadcast %parallel_loop3A_451 : f32 to vector<16xf32>
        %parallel_loop3A_498 = arith.addf %parallel_loop3A_496, %parallel_loop3A_497 : vector<16xf32>
        %parallel_loop3A_499 = arith.constant 1.000000e+00 : f32
        %parallel_loop3A_500 = vector.broadcast %parallel_loop3A_499 : f32 to vector<16xf32>
        %parallel_loop3A_501 = arith.subf %parallel_loop3A_287, %parallel_loop3A_498 : vector<16xf32>
        %parallel_loop3A_502 = arith.mulf %parallel_loop3A_501, %parallel_loop3A_494 : vector<16xf32>
        %parallel_loop3A_503 = arith.addf %parallel_loop3A_502, %parallel_loop3A_500 : vector<16xf32>
        %parallel_loop3A_504 = arith.constant 0 : i32
        %parallel_loop3A_505 = arith.index_cast %parallel_loop3A_504 : i32 to index
        %parallel_loop3A_506 = arith.index_cast %parallel_loop3A_269 : i32 to index
        %parallel_loop3A_507 = arith.constant 0 : index
        %parallel_loop3A_508 = tpu.vector_load %arg11[%parallel_loop3A_505, %parallel_loop3A_506, %parallel_loop3A_507] {strides = array<i32>} : memref<2x64x128xf32, #tpu.memory_space<vmem>>, vector<16xf32>,
        tpu.vector_store %arg11[%parallel_loop3A_505, %parallel_loop3A_506, %parallel_loop3A_507], %parallel_loop3A_503 {strides = array<i32>} : memref<2x64x128xf32, #tpu.memory_space<vmem>>, vector<16xf32>,
        %parallel_loop3A_509 = arith.subf %parallel_loop3A_288, %parallel_loop3A_498 : vector<16xf32>
        %parallel_loop3A_510 = arith.mulf %parallel_loop3A_509, %parallel_loop3A_494 : vector<16xf32>
        %parallel_loop3A_511 = arith.addf %parallel_loop3A_510, %parallel_loop3A_500 : vector<16xf32>
        %parallel_loop3A_512 = arith.constant 0 : i32
        %parallel_loop3A_513 = arith.index_cast %parallel_loop3A_512 : i32 to index
        %parallel_loop3A_514 = arith.index_cast %parallel_loop3A_269 : i32 to index
        %parallel_loop3A_515 = arith.constant 0 : index
        %parallel_loop3A_516 = tpu.vector_load %arg12[%parallel_loop3A_513, %parallel_loop3A_514, %parallel_loop3A_515] {strides = array<i32>} : memref<2x64x128xf32, #tpu.memory_space<vmem>>, vector<16xf32>,
        tpu.vector_store %arg12[%parallel_loop3A_513, %parallel_loop3A_514, %parallel_loop3A_515], %parallel_loop3A_511 {strides = array<i32>} : memref<2x64x128xf32, #tpu.memory_space<vmem>>, vector<16xf32>,
        %parallel_loop3A_517 = arith.subf %parallel_loop3A_308, %parallel_loop3A_498 : vector<16xf32>
        %parallel_loop3A_518 = arith.mulf %parallel_loop3A_517, %parallel_loop3A_494 : vector<16xf32>
        %parallel_loop3A_519 = arith.addf %parallel_loop3A_518, %parallel_loop3A_500 : vector<16xf32>
        %parallel_loop3A_520 = arith.constant 0 : i32
        %parallel_loop3A_521 = arith.index_cast %parallel_loop3A_520 : i32 to index
        %parallel_loop3A_522 = arith.index_cast %parallel_loop3A_269 : i32 to index
        %parallel_loop3A_523 = arith.constant 16 : index
        %parallel_loop3A_524 = tpu.vector_load %arg11[%parallel_loop3A_521, %parallel_loop3A_522, %parallel_loop3A_523] {strides = array<i32>} : memref<2x64x128xf32, #tpu.memory_space<vmem>>, vector<16xf32>,
        tpu.vector_store %arg11[%parallel_loop3A_521, %parallel_loop3A_522, %parallel_loop3A_523], %parallel_loop3A_519 {strides = array<i32>} : memref<2x64x128xf32, #tpu.memory_space<vmem>>, vector<16xf32>,
        %parallel_loop3A_525 = arith.subf %parallel_loop3A_309, %parallel_loop3A_498 : vector<16xf32>
        %parallel_loop3A_526 = arith.mulf %parallel_loop3A_525, %parallel_loop3A_494 : vector<16xf32>
        %parallel_loop3A_527 = arith.addf %parallel_loop3A_526, %parallel_loop3A_500 : vector<16xf32>
        %parallel_loop3A_528 = arith.constant 0 : i32
        %parallel_loop3A_529 = arith.index_cast %parallel_loop3A_528 : i32 to index
        %parallel_loop3A_530 = arith.index_cast %parallel_loop3A_269 : i32 to index
        %parallel_loop3A_531 = arith.constant 16 : index
        %parallel_loop3A_532 = tpu.vector_load %arg12[%parallel_loop3A_529, %parallel_loop3A_530, %parallel_loop3A_531] {strides = array<i32>} : memref<2x64x128xf32, #tpu.memory_space<vmem>>, vector<16xf32>,
        tpu.vector_store %arg12[%parallel_loop3A_529, %parallel_loop3A_530, %parallel_loop3A_531], %parallel_loop3A_527 {strides = array<i32>} : memref<2x64x128xf32, #tpu.memory_space<vmem>>, vector<16xf32>,
        %parallel_loop3A_533 = arith.subf %parallel_loop3A_329, %parallel_loop3A_498 : vector<16xf32>
        %parallel_loop3A_534 = arith.mulf %parallel_loop3A_533, %parallel_loop3A_494 : vector<16xf32>
        %parallel_loop3A_535 = arith.addf %parallel_loop3A_534, %parallel_loop3A_500 : vector<16xf32>
        %parallel_loop3A_536 = arith.constant 0 : i32
        %parallel_loop3A_537 = arith.index_cast %parallel_loop3A_536 : i32 to index
        %parallel_loop3A_538 = arith.index_cast %parallel_loop3A_269 : i32 to index
        %parallel_loop3A_539 = arith.constant 32 : index
        %parallel_loop3A_540 = tpu.vector_load %arg11[%parallel_loop3A_537, %parallel_loop3A_538, %parallel_loop3A_539] {strides = array<i32>} : memref<2x64x128xf32, #tpu.memory_space<vmem>>, vector<16xf32>,
        tpu.vector_store %arg11[%parallel_loop3A_537, %parallel_loop3A_538, %parallel_loop3A_539], %parallel_loop3A_535 {strides = array<i32>} : memref<2x64x128xf32, #tpu.memory_space<vmem>>, vector<16xf32>,
        %parallel_loop3A_541 = arith.subf %parallel_loop3A_330, %parallel_loop3A_498 : vector<16xf32>
        %parallel_loop3A_542 = arith.mulf %parallel_loop3A_541, %parallel_loop3A_494 : vector<16xf32>
        %parallel_loop3A_543 = arith.addf %parallel_loop3A_542, %parallel_loop3A_500 : vector<16xf32>
        %parallel_loop3A_544 = arith.constant 0 : i32
        %parallel_loop3A_545 = arith.index_cast %parallel_loop3A_544 : i32 to index
        %parallel_loop3A_546 = arith.index_cast %parallel_loop3A_269 : i32 to index
        %parallel_loop3A_547 = arith.constant 32 : index
        %parallel_loop3A_548 = tpu.vector_load %arg12[%parallel_loop3A_545, %parallel_loop3A_546, %parallel_loop3A_547] {strides = array<i32>} : memref<2x64x128xf32, #tpu.memory_space<vmem>>, vector<16xf32>,
        tpu.vector_store %arg12[%parallel_loop3A_545, %parallel_loop3A_546, %parallel_loop3A_547], %parallel_loop3A_543 {strides = array<i32>} : memref<2x64x128xf32, #tpu.memory_space<vmem>>, vector<16xf32>,
        %parallel_loop3A_549 = arith.subf %parallel_loop3A_350, %parallel_loop3A_498 : vector<16xf32>
        %parallel_loop3A_550 = arith.mulf %parallel_loop3A_549, %parallel_loop3A_494 : vector<16xf32>
        %parallel_loop3A_551 = arith.addf %parallel_loop3A_550, %parallel_loop3A_500 : vector<16xf32>
        %parallel_loop3A_552 = arith.constant 0 : i32
        %parallel_loop3A_553 = arith.index_cast %parallel_loop3A_552 : i32 to index
        %parallel_loop3A_554 = arith.index_cast %parallel_loop3A_269 : i32 to index
        %parallel_loop3A_555 = arith.constant 48 : index
        %parallel_loop3A_556 = tpu.vector_load %arg11[%parallel_loop3A_553, %parallel_loop3A_554, %parallel_loop3A_555] {strides = array<i32>} : memref<2x64x128xf32, #tpu.memory_space<vmem>>, vector<16xf32>,
        tpu.vector_store %arg11[%parallel_loop3A_553, %parallel_loop3A_554, %parallel_loop3A_555], %parallel_loop3A_551 {strides = array<i32>} : memref<2x64x128xf32, #tpu.memory_space<vmem>>, vector<16xf32>,
        %parallel_loop3A_557 = arith.subf %parallel_loop3A_351, %parallel_loop3A_498 : vector<16xf32>
        %parallel_loop3A_558 = arith.mulf %parallel_loop3A_557, %parallel_loop3A_494 : vector<16xf32>
        %parallel_loop3A_559 = arith.addf %parallel_loop3A_558, %parallel_loop3A_500 : vector<16xf32>
        %parallel_loop3A_560 = arith.constant 0 : i32
        %parallel_loop3A_561 = arith.index_cast %parallel_loop3A_560 : i32 to index
        %parallel_loop3A_562 = arith.index_cast %parallel_loop3A_269 : i32 to index
        %parallel_loop3A_563 = arith.constant 48 : index
        %parallel_loop3A_564 = tpu.vector_load %arg12[%parallel_loop3A_561, %parallel_loop3A_562, %parallel_loop3A_563] {strides = array<i32>} : memref<2x64x128xf32, #tpu.memory_space<vmem>>, vector<16xf32>,
        tpu.vector_store %arg12[%parallel_loop3A_561, %parallel_loop3A_562, %parallel_loop3A_563], %parallel_loop3A_559 {strides = array<i32>} : memref<2x64x128xf32, #tpu.memory_space<vmem>>, vector<16xf32>,
        %parallel_loop3A_565 = arith.subf %parallel_loop3A_371, %parallel_loop3A_498 : vector<16xf32>
        %parallel_loop3A_566 = arith.mulf %parallel_loop3A_565, %parallel_loop3A_494 : vector<16xf32>
        %parallel_loop3A_567 = arith.addf %parallel_loop3A_566, %parallel_loop3A_500 : vector<16xf32>
        %parallel_loop3A_568 = arith.constant 0 : i32
        %parallel_loop3A_569 = arith.index_cast %parallel_loop3A_568 : i32 to index
        %parallel_loop3A_570 = arith.index_cast %parallel_loop3A_269 : i32 to index
        %parallel_loop3A_571 = arith.constant 64 : index
        %parallel_loop3A_572 = tpu.vector_load %arg11[%parallel_loop3A_569, %parallel_loop3A_570, %parallel_loop3A_571] {strides = array<i32>} : memref<2x64x128xf32, #tpu.memory_space<vmem>>, vector<16xf32>,
        tpu.vector_store %arg11[%parallel_loop3A_569, %parallel_loop3A_570, %parallel_loop3A_571], %parallel_loop3A_567 {strides = array<i32>} : memref<2x64x128xf32, #tpu.memory_space<vmem>>, vector<16xf32>,
        %parallel_loop3A_573 = arith.subf %parallel_loop3A_372, %parallel_loop3A_498 : vector<16xf32>
        %parallel_loop3A_574 = arith.mulf %parallel_loop3A_573, %parallel_loop3A_494 : vector<16xf32>
        %parallel_loop3A_575 = arith.addf %parallel_loop3A_574, %parallel_loop3A_500 : vector<16xf32>
        %parallel_loop3A_576 = arith.constant 0 : i32
        %parallel_loop3A_577 = arith.index_cast %parallel_loop3A_576 : i32 to index
        %parallel_loop3A_578 = arith.index_cast %parallel_loop3A_269 : i32 to index
        %parallel_loop3A_579 = arith.constant 64 : index
        %parallel_loop3A_580 = tpu.vector_load %arg12[%parallel_loop3A_577, %parallel_loop3A_578, %parallel_loop3A_579] {strides = array<i32>} : memref<2x64x128xf32, #tpu.memory_space<vmem>>, vector<16xf32>,
        tpu.vector_store %arg12[%parallel_loop3A_577, %parallel_loop3A_578, %parallel_loop3A_579], %parallel_loop3A_575 {strides = array<i32>} : memref<2x64x128xf32, #tpu.memory_space<vmem>>, vector<16xf32>,
        %parallel_loop3A_581 = arith.subf %parallel_loop3A_392, %parallel_loop3A_498 : vector<16xf32>
        %parallel_loop3A_582 = arith.mulf %parallel_loop3A_581, %parallel_loop3A_494 : vector<16xf32>
        %parallel_loop3A_583 = arith.addf %parallel_loop3A_582, %parallel_loop3A_500 : vector<16xf32>
        %parallel_loop3A_584 = arith.constant 0 : i32
        %parallel_loop3A_585 = arith.index_cast %parallel_loop3A_584 : i32 to index
        %parallel_loop3A_586 = arith.index_cast %parallel_loop3A_269 : i32 to index
        %parallel_loop3A_587 = arith.constant 80 : index
        %parallel_loop3A_588 = tpu.vector_load %arg11[%parallel_loop3A_585, %parallel_loop3A_586, %parallel_loop3A_587] {strides = array<i32>} : memref<2x64x128xf32, #tpu.memory_space<vmem>>, vector<16xf32>,
        tpu.vector_store %arg11[%parallel_loop3A_585, %parallel_loop3A_586, %parallel_loop3A_587], %parallel_loop3A_583 {strides = array<i32>} : memref<2x64x128xf32, #tpu.memory_space<vmem>>, vector<16xf32>,
        %parallel_loop3A_589 = arith.subf %parallel_loop3A_393, %parallel_loop3A_498 : vector<16xf32>
        %parallel_loop3A_590 = arith.mulf %parallel_loop3A_589, %parallel_loop3A_494 : vector<16xf32>
        %parallel_loop3A_591 = arith.addf %parallel_loop3A_590, %parallel_loop3A_500 : vector<16xf32>
        %parallel_loop3A_592 = arith.constant 0 : i32
        %parallel_loop3A_593 = arith.index_cast %parallel_loop3A_592 : i32 to index
        %parallel_loop3A_594 = arith.index_cast %parallel_loop3A_269 : i32 to index
        %parallel_loop3A_595 = arith.constant 80 : index
        %parallel_loop3A_596 = tpu.vector_load %arg12[%parallel_loop3A_593, %parallel_loop3A_594, %parallel_loop3A_595] {strides = array<i32>} : memref<2x64x128xf32, #tpu.memory_space<vmem>>, vector<16xf32>,
        tpu.vector_store %arg12[%parallel_loop3A_593, %parallel_loop3A_594, %parallel_loop3A_595], %parallel_loop3A_591 {strides = array<i32>} : memref<2x64x128xf32, #tpu.memory_space<vmem>>, vector<16xf32>,
        %parallel_loop3A_597 = arith.subf %parallel_loop3A_413, %parallel_loop3A_498 : vector<16xf32>
        %parallel_loop3A_598 = arith.mulf %parallel_loop3A_597, %parallel_loop3A_494 : vector<16xf32>
        %parallel_loop3A_599 = arith.addf %parallel_loop3A_598, %parallel_loop3A_500 : vector<16xf32>
        %parallel_loop3A_600 = arith.constant 0 : i32
        %parallel_loop3A_601 = arith.index_cast %parallel_loop3A_600 : i32 to index
        %parallel_loop3A_602 = arith.index_cast %parallel_loop3A_269 : i32 to index
        %parallel_loop3A_603 = arith.constant 96 : index
        %parallel_loop3A_604 = tpu.vector_load %arg11[%parallel_loop3A_601, %parallel_loop3A_602, %parallel_loop3A_603] {strides = array<i32>} : memref<2x64x128xf32, #tpu.memory_space<vmem>>, vector<16xf32>,
        tpu.vector_store %arg11[%parallel_loop3A_601, %parallel_loop3A_602, %parallel_loop3A_603], %parallel_loop3A_599 {strides = array<i32>} : memref<2x64x128xf32, #tpu.memory_space<vmem>>, vector<16xf32>,
        %parallel_loop3A_605 = arith.subf %parallel_loop3A_414, %parallel_loop3A_498 : vector<16xf32>
        %parallel_loop3A_606 = arith.mulf %parallel_loop3A_605, %parallel_loop3A_494 : vector<16xf32>
        %parallel_loop3A_607 = arith.addf %parallel_loop3A_606, %parallel_loop3A_500 : vector<16xf32>
        %parallel_loop3A_608 = arith.constant 0 : i32
        %parallel_loop3A_609 = arith.index_cast %parallel_loop3A_608 : i32 to index
        %parallel_loop3A_610 = arith.index_cast %parallel_loop3A_269 : i32 to index
        %parallel_loop3A_611 = arith.constant 96 : index
        %parallel_loop3A_612 = tpu.vector_load %arg12[%parallel_loop3A_609, %parallel_loop3A_610, %parallel_loop3A_611] {strides = array<i32>} : memref<2x64x128xf32, #tpu.memory_space<vmem>>, vector<16xf32>,
        tpu.vector_store %arg12[%parallel_loop3A_609, %parallel_loop3A_610, %parallel_loop3A_611], %parallel_loop3A_607 {strides = array<i32>} : memref<2x64x128xf32, #tpu.memory_space<vmem>>, vector<16xf32>,
        %parallel_loop3A_613 = arith.subf %parallel_loop3A_434, %parallel_loop3A_498 : vector<16xf32>
        %parallel_loop3A_614 = arith.mulf %parallel_loop3A_613, %parallel_loop3A_494 : vector<16xf32>
        %parallel_loop3A_615 = arith.addf %parallel_loop3A_614, %parallel_loop3A_500 : vector<16xf32>
        %parallel_loop3A_616 = arith.constant 0 : i32
        %parallel_loop3A_617 = arith.index_cast %parallel_loop3A_616 : i32 to index
        %parallel_loop3A_618 = arith.index_cast %parallel_loop3A_269 : i32 to index
        %parallel_loop3A_619 = arith.constant 112 : index
        %parallel_loop3A_620 = tpu.vector_load %arg11[%parallel_loop3A_617, %parallel_loop3A_618, %parallel_loop3A_619] {strides = array<i32>} : memref<2x64x128xf32, #tpu.memory_space<vmem>>, vector<16xf32>,
        tpu.vector_store %arg11[%parallel_loop3A_617, %parallel_loop3A_618, %parallel_loop3A_619], %parallel_loop3A_615 {strides = array<i32>} : memref<2x64x128xf32, #tpu.memory_space<vmem>>, vector<16xf32>,
        %parallel_loop3A_621 = arith.subf %parallel_loop3A_435, %parallel_loop3A_498 : vector<16xf32>
        %parallel_loop3A_622 = arith.mulf %parallel_loop3A_621, %parallel_loop3A_494 : vector<16xf32>
        %parallel_loop3A_623 = arith.addf %parallel_loop3A_622, %parallel_loop3A_500 : vector<16xf32>
        %parallel_loop3A_624 = arith.constant 0 : i32
        %parallel_loop3A_625 = arith.index_cast %parallel_loop3A_624 : i32 to index
        %parallel_loop3A_626 = arith.index_cast %parallel_loop3A_269 : i32 to index
        %parallel_loop3A_627 = arith.constant 112 : index
        %parallel_loop3A_628 = tpu.vector_load %arg12[%parallel_loop3A_625, %parallel_loop3A_626, %parallel_loop3A_627] {strides = array<i32>} : memref<2x64x128xf32, #tpu.memory_space<vmem>>, vector<16xf32>,
        tpu.vector_store %arg12[%parallel_loop3A_625, %parallel_loop3A_626, %parallel_loop3A_627], %parallel_loop3A_623 {strides = array<i32>} : memref<2x64x128xf32, #tpu.memory_space<vmem>>, vector<16xf32>,
      } {sc.loop_unroll_factor = 2 : i64, sc.parallel_access}
      %dma_start3A_172 = arith.constant 0 : i32
      %dma_start3A_173 = arith.constant 0 : i32
      %dma_start3A_174 = arith.constant 0 : i32
      %dma_start3A_175 = tpu.memref_slice %arg11[%dma_start3A_172, %dma_start3A_173, %dma_start3A_174] : memref<2x64x128xf32, #tpu.memory_space<vmem>> -> memref<1x64x128xf32, #tpu.memory_space<vmem>>
      %dma_start3A_176 = tpu.memref_squeeze %dma_start3A_175 : memref<1x64x128xf32, #tpu.memory_space<vmem>> -> memref<64x128xf32, #tpu.memory_space<vmem>>
      %dma_start3A_177 = arith.constant 0 : i32
      %dma_start3A_178 = tpu.memref_slice %arg6[%add3A_140, %dma_start3A_177] : memref<327680x128xf32, #tpu.memory_space<hbm>> -> memref<64x128xf32, #tpu.memory_space<hbm>>
      %dma_start3A_179 = arith.constant 0 : i32
      %dma_start3A_180 = tpu.memref_slice %arg6[%add3A_140, %dma_start3A_179] : memref<327680x128xf32, #tpu.memory_space<hbm>> -> memref<64x128xf32, #tpu.memory_space<hbm>>
      %dma_start3A_181 = arith.constant 0 : i32
      %dma_start3A_182 = arith.constant 0 : i32
      %dma_start3A_183 = tpu.memref_slice %arg11[%dma_start3A_172, %dma_start3A_181, %dma_start3A_182] : memref<2x64x128xf32, #tpu.memory_space<vmem>> -> memref<1x64x128xf32, #tpu.memory_space<vmem>>
      %dma_start3A_184 = tpu.memref_squeeze %dma_start3A_183 : memref<1x64x128xf32, #tpu.memory_space<vmem>> -> memref<64x128xf32, #tpu.memory_space<vmem>>
      tpu.enqueue_dma source(%dma_start3A_184 : memref<64x128xf32, #tpu.memory_space<vmem>>) target(%dma_start3A_180 : memref<64x128xf32, #tpu.memory_space<hbm>>) target_semaphore(%arg17 : memref<!tpu.dma_semaphore, #tpu.memory_space<semaphore_mem>>)
      %add3A_185 = arith.constant 163840 : i32
      %add3A_186 = arith.addi %add3A_185, %add3A_140 : i32
      %dma_start3A_187 = arith.constant 0 : i32
      %dma_start3A_188 = arith.constant 0 : i32
      %dma_start3A_189 = arith.constant 0 : i32
      %dma_start3A_190 = tpu.memref_slice %arg12[%dma_start3A_187, %dma_start3A_188, %dma_start3A_189] : memref<2x64x128xf32, #tpu.memory_space<vmem>> -> memref<1x64x128xf32, #tpu.memory_space<vmem>>
      %dma_start3A_191 = tpu.memref_squeeze %dma_start3A_190 : memref<1x64x128xf32, #tpu.memory_space<vmem>> -> memref<64x128xf32, #tpu.memory_space<vmem>>
      %dma_start3A_192 = arith.constant 0 : i32
      %dma_start3A_193 = tpu.memref_slice %arg6[%add3A_186, %dma_start3A_192] : memref<327680x128xf32, #tpu.memory_space<hbm>> -> memref<64x128xf32, #tpu.memory_space<hbm>>
      %dma_start3A_194 = arith.constant 0 : i32
      %dma_start3A_195 = tpu.memref_slice %arg6[%add3A_186, %dma_start3A_194] : memref<327680x128xf32, #tpu.memory_space<hbm>> -> memref<64x128xf32, #tpu.memory_space<hbm>>
      %dma_start3A_196 = arith.constant 0 : i32
      %dma_start3A_197 = arith.constant 0 : i32
      %dma_start3A_198 = tpu.memref_slice %arg12[%dma_start3A_187, %dma_start3A_196, %dma_start3A_197] : memref<2x64x128xf32, #tpu.memory_space<vmem>> -> memref<1x64x128xf32, #tpu.memory_space<vmem>>
      %dma_start3A_199 = tpu.memref_squeeze %dma_start3A_198 : memref<1x64x128xf32, #tpu.memory_space<vmem>> -> memref<64x128xf32, #tpu.memory_space<vmem>>
      tpu.enqueue_dma source(%dma_start3A_199 : memref<64x128xf32, #tpu.memory_space<vmem>>) target(%dma_start3A_195 : memref<64x128xf32, #tpu.memory_space<hbm>>) target_semaphore(%arg17 : memref<!tpu.dma_semaphore, #tpu.memory_space<semaphore_mem>>)
      %mul3A_200 = arith.constant 2 : i32
      %mul3A_201 = arith.muli %mul3A_200, %while3A_133 : i32
      %add3A_202 = arith.constant 1 : i32
      %add3A_203 = arith.addi %mul3A_201, %add3A_202 : i32
      %mul3A_204 = arith.constant 64 : i32
      %mul3A_205 = arith.muli %add3A_203, %mul3A_204 : i32
      %add3A_206 = arith.addi %select_n3A_6, %mul3A_205 : i32
      %dma_wait3A_207 = arith.constant 1 : i32
      %dma_wait3A_208 = arith.constant 0 : i32
      %dma_wait3A_209 = arith.constant 0 : i32
      %dma_wait3A_210 = tpu.memref_slice %arg9[%dma_wait3A_207, %dma_wait3A_208, %dma_wait3A_209] : memref<2x64x128xi32, #tpu.memory_space<vmem>> -> memref<1x64x128xi32, #tpu.memory_space<vmem>>
      %dma_wait3A_211 = tpu.memref_squeeze %dma_wait3A_210 : memref<1x64x128xi32, #tpu.memory_space<vmem>> -> memref<64x128xi32, #tpu.memory_space<vmem>>
      %dma_wait3A_212 = arith.constant 0 : i32
      %dma_wait3A_213 = tpu.memref_slice %arg7[%dma_wait3A_212] : memref<6912xi32, #tpu.memory_space<vmem>> -> memref<64xi32, #tpu.memory_space<vmem>>
      %dma_wait3A_214 = arith.constant 0 : i32
      %dma_wait3A_215 = arith.constant 0 : i32
      %dma_wait3A_216 = tpu.memref_slice %arg2[%dma_wait3A_214, %dma_wait3A_215] : memref<10240x128xi32, #tpu.memory_space<hbm>> -> memref<10240x128xi32, #tpu.memory_space<hbm>>
      tpu.wait_indirect_dma semaphore(%arg14 : memref<!tpu.dma_semaphore, #tpu.memory_space<semaphore_mem>>) src(%dma_wait3A_216 : memref<10240x128xi32, #tpu.memory_space<hbm>>) dst(%dma_wait3A_211 : memref<64x128xi32, #tpu.memory_space<vmem>>)
      %dma_wait3A_217 = arith.constant 1 : i32
      %dma_wait3A_218 = arith.constant 0 : i32
      %dma_wait3A_219 = arith.constant 0 : i32
      %dma_wait3A_220 = tpu.memref_slice %arg10[%dma_wait3A_217, %dma_wait3A_218, %dma_wait3A_219] : memref<2x64x128xi32, #tpu.memory_space<vmem>> -> memref<1x64x128xi32, #tpu.memory_space<vmem>>
      %dma_wait3A_221 = tpu.memref_squeeze %dma_wait3A_220 : memref<1x64x128xi32, #tpu.memory_space<vmem>> -> memref<64x128xi32, #tpu.memory_space<vmem>>
      %dma_wait3A_222 = arith.constant 0 : i32
      %dma_wait3A_223 = tpu.memref_slice %arg8[%dma_wait3A_222] : memref<6912xi32, #tpu.memory_space<vmem>> -> memref<64xi32, #tpu.memory_space<vmem>>
      %dma_wait3A_224 = arith.constant 0 : i32
      %dma_wait3A_225 = arith.constant 0 : i32
      %dma_wait3A_226 = tpu.memref_slice %arg3[%dma_wait3A_224, %dma_wait3A_225] : memref<10240x128xi32, #tpu.memory_space<hbm>> -> memref<10240x128xi32, #tpu.memory_space<hbm>>
      tpu.wait_indirect_dma semaphore(%arg16 : memref<!tpu.dma_semaphore, #tpu.memory_space<semaphore_mem>>) src(%dma_wait3A_226 : memref<10240x128xi32, #tpu.memory_space<hbm>>) dst(%dma_wait3A_221 : memref<64x128xi32, #tpu.memory_space<vmem>>)
      %add3A_227 = arith.constant 1 : i32
      %add3A_228 = arith.addi %add3A_203, %add3A_227 : i32
      %lt3A_229 = arith.cmpi slt, %add3A_228, %select_n3A_24 : i32
      %convert_element_type3A_230 = arith.extui %lt3A_229 : i1 to i32
      %cond3A_231 = arith.constant 0 : i32
      %cond3A_232 = arith.cmpi ne, %convert_element_type3A_230, %cond3A_231 : i32
      scf.if %cond3A_232 {
        %mul3A_269 = arith.constant 64 : i32
        %mul3A_270 = arith.muli %add3A_228, %mul3A_269 : i32
        %dma_start3A_271 = arith.constant 0 : i32
        %dma_start3A_272 = arith.constant 0 : i32
        %dma_start3A_273 = arith.constant 0 : i32
        %dma_start3A_274 = tpu.memref_slice %arg9[%dma_start3A_271, %dma_start3A_272, %dma_start3A_273] : memref<2x64x128xi32, #tpu.memory_space<vmem>> -> memref<1x64x128xi32, #tpu.memory_space<vmem>>
        %dma_start3A_275 = tpu.memref_squeeze %dma_start3A_274 : memref<1x64x128xi32, #tpu.memory_space<vmem>> -> memref<64x128xi32, #tpu.memory_space<vmem>>
        %dma_start3A_276 = tpu.memref_slice %arg7[%mul3A_270] : memref<6912xi32, #tpu.memory_space<vmem>> -> memref<64xi32, #tpu.memory_space<vmem>>
        %dma_start3A_277 = arith.constant 0 : i32
        %dma_start3A_278 = arith.constant 0 : i32
        %dma_start3A_279 = tpu.memref_slice %arg2[%dma_start3A_277, %dma_start3A_278] : memref<10240x128xi32, #tpu.memory_space<hbm>> -> memref<10240x128xi32, #tpu.memory_space<hbm>>
        tpu.enqueue_indirect_dma source(%dma_start3A_279 : memref<10240x128xi32, #tpu.memory_space<hbm>>) target(%dma_start3A_275 : memref<64x128xi32, #tpu.memory_space<vmem>>) offsets(%dma_start3A_276 : memref<64xi32, #tpu.memory_space<vmem>>) semaphore(%arg13 : memref<!tpu.dma_semaphore, #tpu.memory_space<semaphore_mem>>)
        %mul3A_280 = arith.constant 64 : i32
        %mul3A_281 = arith.muli %add3A_228, %mul3A_280 : i32
        %dma_start3A_282 = arith.constant 0 : i32
        %dma_start3A_283 = arith.constant 0 : i32
        %dma_start3A_284 = arith.constant 0 : i32
        %dma_start3A_285 = tpu.memref_slice %arg10[%dma_start3A_282, %dma_start3A_283, %dma_start3A_284] : memref<2x64x128xi32, #tpu.memory_space<vmem>> -> memref<1x64x128xi32, #tpu.memory_space<vmem>>
        %dma_start3A_286 = tpu.memref_squeeze %dma_start3A_285 : memref<1x64x128xi32, #tpu.memory_space<vmem>> -> memref<64x128xi32, #tpu.memory_space<vmem>>
        %dma_start3A_287 = tpu.memref_slice %arg8[%mul3A_281] : memref<6912xi32, #tpu.memory_space<vmem>> -> memref<64xi32, #tpu.memory_space<vmem>>
        %dma_start3A_288 = arith.constant 0 : i32
        %dma_start3A_289 = arith.constant 0 : i32
        %dma_start3A_290 = tpu.memref_slice %arg3[%dma_start3A_288, %dma_start3A_289] : memref<10240x128xi32, #tpu.memory_space<hbm>> -> memref<10240x128xi32, #tpu.memory_space<hbm>>
        tpu.enqueue_indirect_dma source(%dma_start3A_290 : memref<10240x128xi32, #tpu.memory_space<hbm>>) target(%dma_start3A_286 : memref<64x128xi32, #tpu.memory_space<vmem>>) offsets(%dma_start3A_287 : memref<64xi32, #tpu.memory_space<vmem>>) semaphore(%arg15 : memref<!tpu.dma_semaphore, #tpu.memory_space<semaphore_mem>>)
      } else {
      }
      %ge3A_233 = arith.constant 2 : i32
      %ge3A_234 = arith.cmpi sge, %add3A_203, %ge3A_233 : i32
      %convert_element_type3A_235 = arith.extui %ge3A_234 : i1 to i32
      %cond3A_236 = arith.constant 0 : i32
      %cond3A_237 = arith.cmpi ne, %convert_element_type3A_235, %cond3A_236 : i32
      scf.if %cond3A_237 {
        %dma_wait3A_269 = arith.constant 1 : i32
        %dma_wait3A_270 = arith.constant 0 : i32
        %dma_wait3A_271 = arith.constant 0 : i32
        %dma_wait3A_272 = tpu.memref_slice %arg11[%dma_wait3A_269, %dma_wait3A_270, %dma_wait3A_271] : memref<2x64x128xf32, #tpu.memory_space<vmem>> -> memref<1x64x128xf32, #tpu.memory_space<vmem>>
        %dma_wait3A_273 = tpu.memref_squeeze %dma_wait3A_272 : memref<1x64x128xf32, #tpu.memory_space<vmem>> -> memref<64x128xf32, #tpu.memory_space<vmem>>
        %dma_wait3A_274 = arith.constant 0 : i32
        %dma_wait3A_275 = tpu.memref_slice %arg6[%select_n3A_6, %dma_wait3A_274] : memref<327680x128xf32, #tpu.memory_space<hbm>> -> memref<64x128xf32, #tpu.memory_space<hbm>>
        %dma_wait3A_276 = arith.constant 0 : i32
        %dma_wait3A_277 = tpu.memref_slice %arg6[%select_n3A_6, %dma_wait3A_276] : memref<327680x128xf32, #tpu.memory_space<hbm>> -> memref<64x128xf32, #tpu.memory_space<hbm>>
        %dma_wait3A_278 = arith.constant 0 : i32
        %dma_wait3A_279 = arith.constant 0 : i32
        %dma_wait3A_280 = tpu.memref_slice %arg11[%dma_wait3A_269, %dma_wait3A_278, %dma_wait3A_279] : memref<2x64x128xf32, #tpu.memory_space<vmem>> -> memref<1x64x128xf32, #tpu.memory_space<vmem>>
        %dma_wait3A_281 = tpu.memref_squeeze %dma_wait3A_280 : memref<1x64x128xf32, #tpu.memory_space<vmem>> -> memref<64x128xf32, #tpu.memory_space<vmem>>
        tpu.wait_dma2 semaphore(%arg18 : memref<!tpu.dma_semaphore, #tpu.memory_space<semaphore_mem>>) src(%dma_wait3A_281 : memref<64x128xf32, #tpu.memory_space<vmem>>) dst(%dma_wait3A_277 : memref<64x128xf32, #tpu.memory_space<hbm>>)
        %dma_wait3A_282 = arith.constant 1 : i32
        %dma_wait3A_283 = arith.constant 0 : i32
        %dma_wait3A_284 = arith.constant 0 : i32
        %dma_wait3A_285 = tpu.memref_slice %arg12[%dma_wait3A_282, %dma_wait3A_283, %dma_wait3A_284] : memref<2x64x128xf32, #tpu.memory_space<vmem>> -> memref<1x64x128xf32, #tpu.memory_space<vmem>>
        %dma_wait3A_286 = tpu.memref_squeeze %dma_wait3A_285 : memref<1x64x128xf32, #tpu.memory_space<vmem>> -> memref<64x128xf32, #tpu.memory_space<vmem>>
        %dma_wait3A_287 = arith.constant 0 : i32
        %dma_wait3A_288 = tpu.memref_slice %arg6[%select_n3A_6, %dma_wait3A_287] : memref<327680x128xf32, #tpu.memory_space<hbm>> -> memref<64x128xf32, #tpu.memory_space<hbm>>
        %dma_wait3A_289 = arith.constant 0 : i32
        %dma_wait3A_290 = tpu.memref_slice %arg6[%select_n3A_6, %dma_wait3A_289] : memref<327680x128xf32, #tpu.memory_space<hbm>> -> memref<64x128xf32, #tpu.memory_space<hbm>>
        %dma_wait3A_291 = arith.constant 0 : i32
        %dma_wait3A_292 = arith.constant 0 : i32
        %dma_wait3A_293 = tpu.memref_slice %arg12[%dma_wait3A_282, %dma_wait3A_291, %dma_wait3A_292] : memref<2x64x128xf32, #tpu.memory_space<vmem>> -> memref<1x64x128xf32, #tpu.memory_space<vmem>>
        %dma_wait3A_294 = tpu.memref_squeeze %dma_wait3A_293 : memref<1x64x128xf32, #tpu.memory_space<vmem>> -> memref<64x128xf32, #tpu.memory_space<vmem>>
        tpu.wait_dma2 semaphore(%arg18 : memref<!tpu.dma_semaphore, #tpu.memory_space<semaphore_mem>>) src(%dma_wait3A_294 : memref<64x128xf32, #tpu.memory_space<vmem>>) dst(%dma_wait3A_290 : memref<64x128xf32, #tpu.memory_space<hbm>>)
      } else {
      }
      %parallel_loop3A_238 = arith.constant 0 : i32
      %parallel_loop3A_239 = arith.constant 64 : i32
      %parallel_loop3A_240 = arith.constant 1 : i32
      scf.for %parallel_loop3A_269 = %parallel_loop3A_238 to %parallel_loop3A_239 step %parallel_loop3A_240  : i32 {
        %parallel_loop3A_270 = arith.constant 0.000000e+00 : f32
        %parallel_loop3A_271 = vector.broadcast %parallel_loop3A_270 : f32 to vector<16xf32>
        %parallel_loop3A_272 = arith.constant 0.000000e+00 : f32
        %parallel_loop3A_273 = vector.broadcast %parallel_loop3A_272 : f32 to vector<16xf32>
        %parallel_loop3A_274 = arith.constant 1 : i32
        %parallel_loop3A_275 = arith.index_cast %parallel_loop3A_274 : i32 to index
        %parallel_loop3A_276 = arith.index_cast %parallel_loop3A_269 : i32 to index
        %parallel_loop3A_277 = arith.constant 0 : index
        %parallel_loop3A_278 = tpu.vector_load %arg9[%parallel_loop3A_275, %parallel_loop3A_276, %parallel_loop3A_277] {strides = array<i32>} : memref<2x64x128xi32, #tpu.memory_space<vmem>>, vector<16xi32>,
        %parallel_loop3A_279 = vector.bitcast %parallel_loop3A_278 : vector<16xi32> to vector<32xbf16>
        %parallel_loop3A_280 = arith.constant 1 : i32
        %parallel_loop3A_281 = arith.index_cast %parallel_loop3A_280 : i32 to index
        %parallel_loop3A_282 = arith.index_cast %parallel_loop3A_269 : i32 to index
        %parallel_loop3A_283 = arith.constant 0 : index
        %parallel_loop3A_284 = tpu.vector_load %arg10[%parallel_loop3A_281, %parallel_loop3A_282, %parallel_loop3A_283] {strides = array<i32>} : memref<2x64x128xi32, #tpu.memory_space<vmem>>, vector<16xi32>,
        %parallel_loop3A_285 = vector.bitcast %parallel_loop3A_284 : vector<16xi32> to vector<32xbf16>
        %parallel_loop3A_286 = arith.addf %parallel_loop3A_279, %parallel_loop3A_285 : vector<32xbf16>
        %parallel_loop3A_287 = tpu.unpack_subelements %parallel_loop3A_286, 0 {pack_format = #tpu.pack_format<interleaved>} : vector<32xbf16> -> vector<16xf32>
        %parallel_loop3A_288 = tpu.unpack_subelements %parallel_loop3A_286, 1 {pack_format = #tpu.pack_format<interleaved>} : vector<32xbf16> -> vector<16xf32>
        %parallel_loop3A_289 = arith.addf %parallel_loop3A_271, %parallel_loop3A_287 : vector<16xf32>
        %parallel_loop3A_290 = arith.addf %parallel_loop3A_289, %parallel_loop3A_288 : vector<16xf32>
        %parallel_loop3A_291 = arith.mulf %parallel_loop3A_287, %parallel_loop3A_287 : vector<16xf32>
        %parallel_loop3A_292 = arith.addf %parallel_loop3A_273, %parallel_loop3A_291 : vector<16xf32>
        %parallel_loop3A_293 = arith.mulf %parallel_loop3A_288, %parallel_loop3A_288 : vector<16xf32>
        %parallel_loop3A_294 = arith.addf %parallel_loop3A_292, %parallel_loop3A_293 : vector<16xf32>
        %parallel_loop3A_295 = arith.constant 1 : i32
        %parallel_loop3A_296 = arith.index_cast %parallel_loop3A_295 : i32 to index
        %parallel_loop3A_297 = arith.index_cast %parallel_loop3A_269 : i32 to index
        %parallel_loop3A_298 = arith.constant 16 : index
        %parallel_loop3A_299 = tpu.vector_load %arg9[%parallel_loop3A_296, %parallel_loop3A_297, %parallel_loop3A_298] {strides = array<i32>} : memref<2x64x128xi32, #tpu.memory_space<vmem>>, vector<16xi32>,
        %parallel_loop3A_300 = vector.bitcast %parallel_loop3A_299 : vector<16xi32> to vector<32xbf16>
        %parallel_loop3A_301 = arith.constant 1 : i32
        %parallel_loop3A_302 = arith.index_cast %parallel_loop3A_301 : i32 to index
        %parallel_loop3A_303 = arith.index_cast %parallel_loop3A_269 : i32 to index
        %parallel_loop3A_304 = arith.constant 16 : index
        %parallel_loop3A_305 = tpu.vector_load %arg10[%parallel_loop3A_302, %parallel_loop3A_303, %parallel_loop3A_304] {strides = array<i32>} : memref<2x64x128xi32, #tpu.memory_space<vmem>>, vector<16xi32>,
        %parallel_loop3A_306 = vector.bitcast %parallel_loop3A_305 : vector<16xi32> to vector<32xbf16>
        %parallel_loop3A_307 = arith.addf %parallel_loop3A_300, %parallel_loop3A_306 : vector<32xbf16>
        %parallel_loop3A_308 = tpu.unpack_subelements %parallel_loop3A_307, 0 {pack_format = #tpu.pack_format<interleaved>} : vector<32xbf16> -> vector<16xf32>
        %parallel_loop3A_309 = tpu.unpack_subelements %parallel_loop3A_307, 1 {pack_format = #tpu.pack_format<interleaved>} : vector<32xbf16> -> vector<16xf32>
        %parallel_loop3A_310 = arith.addf %parallel_loop3A_290, %parallel_loop3A_308 : vector<16xf32>
        %parallel_loop3A_311 = arith.addf %parallel_loop3A_310, %parallel_loop3A_309 : vector<16xf32>
        %parallel_loop3A_312 = arith.mulf %parallel_loop3A_308, %parallel_loop3A_308 : vector<16xf32>
        %parallel_loop3A_313 = arith.addf %parallel_loop3A_294, %parallel_loop3A_312 : vector<16xf32>
        %parallel_loop3A_314 = arith.mulf %parallel_loop3A_309, %parallel_loop3A_309 : vector<16xf32>
        %parallel_loop3A_315 = arith.addf %parallel_loop3A_313, %parallel_loop3A_314 : vector<16xf32>
        %parallel_loop3A_316 = arith.constant 1 : i32
        %parallel_loop3A_317 = arith.index_cast %parallel_loop3A_316 : i32 to index
        %parallel_loop3A_318 = arith.index_cast %parallel_loop3A_269 : i32 to index
        %parallel_loop3A_319 = arith.constant 32 : index
        %parallel_loop3A_320 = tpu.vector_load %arg9[%parallel_loop3A_317, %parallel_loop3A_318, %parallel_loop3A_319] {strides = array<i32>} : memref<2x64x128xi32, #tpu.memory_space<vmem>>, vector<16xi32>,
        %parallel_loop3A_321 = vector.bitcast %parallel_loop3A_320 : vector<16xi32> to vector<32xbf16>
        %parallel_loop3A_322 = arith.constant 1 : i32
        %parallel_loop3A_323 = arith.index_cast %parallel_loop3A_322 : i32 to index
        %parallel_loop3A_324 = arith.index_cast %parallel_loop3A_269 : i32 to index
        %parallel_loop3A_325 = arith.constant 32 : index
        %parallel_loop3A_326 = tpu.vector_load %arg10[%parallel_loop3A_323, %parallel_loop3A_324, %parallel_loop3A_325] {strides = array<i32>} : memref<2x64x128xi32, #tpu.memory_space<vmem>>, vector<16xi32>,
        %parallel_loop3A_327 = vector.bitcast %parallel_loop3A_326 : vector<16xi32> to vector<32xbf16>
        %parallel_loop3A_328 = arith.addf %parallel_loop3A_321, %parallel_loop3A_327 : vector<32xbf16>
        %parallel_loop3A_329 = tpu.unpack_subelements %parallel_loop3A_328, 0 {pack_format = #tpu.pack_format<interleaved>} : vector<32xbf16> -> vector<16xf32>
        %parallel_loop3A_330 = tpu.unpack_subelements %parallel_loop3A_328, 1 {pack_format = #tpu.pack_format<interleaved>} : vector<32xbf16> -> vector<16xf32>
        %parallel_loop3A_331 = arith.addf %parallel_loop3A_311, %parallel_loop3A_329 : vector<16xf32>
        %parallel_loop3A_332 = arith.addf %parallel_loop3A_331, %parallel_loop3A_330 : vector<16xf32>
        %parallel_loop3A_333 = arith.mulf %parallel_loop3A_329, %parallel_loop3A_329 : vector<16xf32>
        %parallel_loop3A_334 = arith.addf %parallel_loop3A_315, %parallel_loop3A_333 : vector<16xf32>
        %parallel_loop3A_335 = arith.mulf %parallel_loop3A_330, %parallel_loop3A_330 : vector<16xf32>
        %parallel_loop3A_336 = arith.addf %parallel_loop3A_334, %parallel_loop3A_335 : vector<16xf32>
        %parallel_loop3A_337 = arith.constant 1 : i32
        %parallel_loop3A_338 = arith.index_cast %parallel_loop3A_337 : i32 to index
        %parallel_loop3A_339 = arith.index_cast %parallel_loop3A_269 : i32 to index
        %parallel_loop3A_340 = arith.constant 48 : index
        %parallel_loop3A_341 = tpu.vector_load %arg9[%parallel_loop3A_338, %parallel_loop3A_339, %parallel_loop3A_340] {strides = array<i32>} : memref<2x64x128xi32, #tpu.memory_space<vmem>>, vector<16xi32>,
        %parallel_loop3A_342 = vector.bitcast %parallel_loop3A_341 : vector<16xi32> to vector<32xbf16>
        %parallel_loop3A_343 = arith.constant 1 : i32
        %parallel_loop3A_344 = arith.index_cast %parallel_loop3A_343 : i32 to index
        %parallel_loop3A_345 = arith.index_cast %parallel_loop3A_269 : i32 to index
        %parallel_loop3A_346 = arith.constant 48 : index
        %parallel_loop3A_347 = tpu.vector_load %arg10[%parallel_loop3A_344, %parallel_loop3A_345, %parallel_loop3A_346] {strides = array<i32>} : memref<2x64x128xi32, #tpu.memory_space<vmem>>, vector<16xi32>,
        %parallel_loop3A_348 = vector.bitcast %parallel_loop3A_347 : vector<16xi32> to vector<32xbf16>
        %parallel_loop3A_349 = arith.addf %parallel_loop3A_342, %parallel_loop3A_348 : vector<32xbf16>
        %parallel_loop3A_350 = tpu.unpack_subelements %parallel_loop3A_349, 0 {pack_format = #tpu.pack_format<interleaved>} : vector<32xbf16> -> vector<16xf32>
        %parallel_loop3A_351 = tpu.unpack_subelements %parallel_loop3A_349, 1 {pack_format = #tpu.pack_format<interleaved>} : vector<32xbf16> -> vector<16xf32>
        %parallel_loop3A_352 = arith.addf %parallel_loop3A_332, %parallel_loop3A_350 : vector<16xf32>
        %parallel_loop3A_353 = arith.addf %parallel_loop3A_352, %parallel_loop3A_351 : vector<16xf32>
        %parallel_loop3A_354 = arith.mulf %parallel_loop3A_350, %parallel_loop3A_350 : vector<16xf32>
        %parallel_loop3A_355 = arith.addf %parallel_loop3A_336, %parallel_loop3A_354 : vector<16xf32>
        %parallel_loop3A_356 = arith.mulf %parallel_loop3A_351, %parallel_loop3A_351 : vector<16xf32>
        %parallel_loop3A_357 = arith.addf %parallel_loop3A_355, %parallel_loop3A_356 : vector<16xf32>
        %parallel_loop3A_358 = arith.constant 1 : i32
        %parallel_loop3A_359 = arith.index_cast %parallel_loop3A_358 : i32 to index
        %parallel_loop3A_360 = arith.index_cast %parallel_loop3A_269 : i32 to index
        %parallel_loop3A_361 = arith.constant 64 : index
        %parallel_loop3A_362 = tpu.vector_load %arg9[%parallel_loop3A_359, %parallel_loop3A_360, %parallel_loop3A_361] {strides = array<i32>} : memref<2x64x128xi32, #tpu.memory_space<vmem>>, vector<16xi32>,
        %parallel_loop3A_363 = vector.bitcast %parallel_loop3A_362 : vector<16xi32> to vector<32xbf16>
        %parallel_loop3A_364 = arith.constant 1 : i32
        %parallel_loop3A_365 = arith.index_cast %parallel_loop3A_364 : i32 to index
        %parallel_loop3A_366 = arith.index_cast %parallel_loop3A_269 : i32 to index
        %parallel_loop3A_367 = arith.constant 64 : index
        %parallel_loop3A_368 = tpu.vector_load %arg10[%parallel_loop3A_365, %parallel_loop3A_366, %parallel_loop3A_367] {strides = array<i32>} : memref<2x64x128xi32, #tpu.memory_space<vmem>>, vector<16xi32>,
        %parallel_loop3A_369 = vector.bitcast %parallel_loop3A_368 : vector<16xi32> to vector<32xbf16>
        %parallel_loop3A_370 = arith.addf %parallel_loop3A_363, %parallel_loop3A_369 : vector<32xbf16>
        %parallel_loop3A_371 = tpu.unpack_subelements %parallel_loop3A_370, 0 {pack_format = #tpu.pack_format<interleaved>} : vector<32xbf16> -> vector<16xf32>
        %parallel_loop3A_372 = tpu.unpack_subelements %parallel_loop3A_370, 1 {pack_format = #tpu.pack_format<interleaved>} : vector<32xbf16> -> vector<16xf32>
        %parallel_loop3A_373 = arith.addf %parallel_loop3A_353, %parallel_loop3A_371 : vector<16xf32>
        %parallel_loop3A_374 = arith.addf %parallel_loop3A_373, %parallel_loop3A_372 : vector<16xf32>
        %parallel_loop3A_375 = arith.mulf %parallel_loop3A_371, %parallel_loop3A_371 : vector<16xf32>
        %parallel_loop3A_376 = arith.addf %parallel_loop3A_357, %parallel_loop3A_375 : vector<16xf32>
        %parallel_loop3A_377 = arith.mulf %parallel_loop3A_372, %parallel_loop3A_372 : vector<16xf32>
        %parallel_loop3A_378 = arith.addf %parallel_loop3A_376, %parallel_loop3A_377 : vector<16xf32>
        %parallel_loop3A_379 = arith.constant 1 : i32
        %parallel_loop3A_380 = arith.index_cast %parallel_loop3A_379 : i32 to index
        %parallel_loop3A_381 = arith.index_cast %parallel_loop3A_269 : i32 to index
        %parallel_loop3A_382 = arith.constant 80 : index
        %parallel_loop3A_383 = tpu.vector_load %arg9[%parallel_loop3A_380, %parallel_loop3A_381, %parallel_loop3A_382] {strides = array<i32>} : memref<2x64x128xi32, #tpu.memory_space<vmem>>, vector<16xi32>,
        %parallel_loop3A_384 = vector.bitcast %parallel_loop3A_383 : vector<16xi32> to vector<32xbf16>
        %parallel_loop3A_385 = arith.constant 1 : i32
        %parallel_loop3A_386 = arith.index_cast %parallel_loop3A_385 : i32 to index
        %parallel_loop3A_387 = arith.index_cast %parallel_loop3A_269 : i32 to index
        %parallel_loop3A_388 = arith.constant 80 : index
        %parallel_loop3A_389 = tpu.vector_load %arg10[%parallel_loop3A_386, %parallel_loop3A_387, %parallel_loop3A_388] {strides = array<i32>} : memref<2x64x128xi32, #tpu.memory_space<vmem>>, vector<16xi32>,
        %parallel_loop3A_390 = vector.bitcast %parallel_loop3A_389 : vector<16xi32> to vector<32xbf16>
        %parallel_loop3A_391 = arith.addf %parallel_loop3A_384, %parallel_loop3A_390 : vector<32xbf16>
        %parallel_loop3A_392 = tpu.unpack_subelements %parallel_loop3A_391, 0 {pack_format = #tpu.pack_format<interleaved>} : vector<32xbf16> -> vector<16xf32>
        %parallel_loop3A_393 = tpu.unpack_subelements %parallel_loop3A_391, 1 {pack_format = #tpu.pack_format<interleaved>} : vector<32xbf16> -> vector<16xf32>
        %parallel_loop3A_394 = arith.addf %parallel_loop3A_374, %parallel_loop3A_392 : vector<16xf32>
        %parallel_loop3A_395 = arith.addf %parallel_loop3A_394, %parallel_loop3A_393 : vector<16xf32>
        %parallel_loop3A_396 = arith.mulf %parallel_loop3A_392, %parallel_loop3A_392 : vector<16xf32>
        %parallel_loop3A_397 = arith.addf %parallel_loop3A_378, %parallel_loop3A_396 : vector<16xf32>
        %parallel_loop3A_398 = arith.mulf %parallel_loop3A_393, %parallel_loop3A_393 : vector<16xf32>
        %parallel_loop3A_399 = arith.addf %parallel_loop3A_397, %parallel_loop3A_398 : vector<16xf32>
        %parallel_loop3A_400 = arith.constant 1 : i32
        %parallel_loop3A_401 = arith.index_cast %parallel_loop3A_400 : i32 to index
        %parallel_loop3A_402 = arith.index_cast %parallel_loop3A_269 : i32 to index
        %parallel_loop3A_403 = arith.constant 96 : index
        %parallel_loop3A_404 = tpu.vector_load %arg9[%parallel_loop3A_401, %parallel_loop3A_402, %parallel_loop3A_403] {strides = array<i32>} : memref<2x64x128xi32, #tpu.memory_space<vmem>>, vector<16xi32>,
        %parallel_loop3A_405 = vector.bitcast %parallel_loop3A_404 : vector<16xi32> to vector<32xbf16>
        %parallel_loop3A_406 = arith.constant 1 : i32
        %parallel_loop3A_407 = arith.index_cast %parallel_loop3A_406 : i32 to index
        %parallel_loop3A_408 = arith.index_cast %parallel_loop3A_269 : i32 to index
        %parallel_loop3A_409 = arith.constant 96 : index
        %parallel_loop3A_410 = tpu.vector_load %arg10[%parallel_loop3A_407, %parallel_loop3A_408, %parallel_loop3A_409] {strides = array<i32>} : memref<2x64x128xi32, #tpu.memory_space<vmem>>, vector<16xi32>,
        %parallel_loop3A_411 = vector.bitcast %parallel_loop3A_410 : vector<16xi32> to vector<32xbf16>
        %parallel_loop3A_412 = arith.addf %parallel_loop3A_405, %parallel_loop3A_411 : vector<32xbf16>
        %parallel_loop3A_413 = tpu.unpack_subelements %parallel_loop3A_412, 0 {pack_format = #tpu.pack_format<interleaved>} : vector<32xbf16> -> vector<16xf32>
        %parallel_loop3A_414 = tpu.unpack_subelements %parallel_loop3A_412, 1 {pack_format = #tpu.pack_format<interleaved>} : vector<32xbf16> -> vector<16xf32>
        %parallel_loop3A_415 = arith.addf %parallel_loop3A_395, %parallel_loop3A_413 : vector<16xf32>
        %parallel_loop3A_416 = arith.addf %parallel_loop3A_415, %parallel_loop3A_414 : vector<16xf32>
        %parallel_loop3A_417 = arith.mulf %parallel_loop3A_413, %parallel_loop3A_413 : vector<16xf32>
        %parallel_loop3A_418 = arith.addf %parallel_loop3A_399, %parallel_loop3A_417 : vector<16xf32>
        %parallel_loop3A_419 = arith.mulf %parallel_loop3A_414, %parallel_loop3A_414 : vector<16xf32>
        %parallel_loop3A_420 = arith.addf %parallel_loop3A_418, %parallel_loop3A_419 : vector<16xf32>
        %parallel_loop3A_421 = arith.constant 1 : i32
        %parallel_loop3A_422 = arith.index_cast %parallel_loop3A_421 : i32 to index
        %parallel_loop3A_423 = arith.index_cast %parallel_loop3A_269 : i32 to index
        %parallel_loop3A_424 = arith.constant 112 : index
        %parallel_loop3A_425 = tpu.vector_load %arg9[%parallel_loop3A_422, %parallel_loop3A_423, %parallel_loop3A_424] {strides = array<i32>} : memref<2x64x128xi32, #tpu.memory_space<vmem>>, vector<16xi32>,
        %parallel_loop3A_426 = vector.bitcast %parallel_loop3A_425 : vector<16xi32> to vector<32xbf16>
        %parallel_loop3A_427 = arith.constant 1 : i32
        %parallel_loop3A_428 = arith.index_cast %parallel_loop3A_427 : i32 to index
        %parallel_loop3A_429 = arith.index_cast %parallel_loop3A_269 : i32 to index
        %parallel_loop3A_430 = arith.constant 112 : index
        %parallel_loop3A_431 = tpu.vector_load %arg10[%parallel_loop3A_428, %parallel_loop3A_429, %parallel_loop3A_430] {strides = array<i32>} : memref<2x64x128xi32, #tpu.memory_space<vmem>>, vector<16xi32>,
        %parallel_loop3A_432 = vector.bitcast %parallel_loop3A_431 : vector<16xi32> to vector<32xbf16>
        %parallel_loop3A_433 = arith.addf %parallel_loop3A_426, %parallel_loop3A_432 : vector<32xbf16>
        %parallel_loop3A_434 = tpu.unpack_subelements %parallel_loop3A_433, 0 {pack_format = #tpu.pack_format<interleaved>} : vector<32xbf16> -> vector<16xf32>
        %parallel_loop3A_435 = tpu.unpack_subelements %parallel_loop3A_433, 1 {pack_format = #tpu.pack_format<interleaved>} : vector<32xbf16> -> vector<16xf32>
        %parallel_loop3A_436 = arith.addf %parallel_loop3A_416, %parallel_loop3A_434 : vector<16xf32>
        %parallel_loop3A_437 = arith.addf %parallel_loop3A_436, %parallel_loop3A_435 : vector<16xf32>
        %parallel_loop3A_438 = arith.mulf %parallel_loop3A_434, %parallel_loop3A_434 : vector<16xf32>
        %parallel_loop3A_439 = arith.addf %parallel_loop3A_420, %parallel_loop3A_438 : vector<16xf32>
        %parallel_loop3A_440 = arith.mulf %parallel_loop3A_435, %parallel_loop3A_435 : vector<16xf32>
        %parallel_loop3A_441 = arith.addf %parallel_loop3A_439, %parallel_loop3A_440 : vector<16xf32>
        %parallel_loop3A_442 = arith.constant true
        %parallel_loop3A_443 = vector.broadcast %parallel_loop3A_442 : i1 to vector<16xi1>
        %parallel_loop3A_444 = tpu.scan <sum>, %parallel_loop3A_437 masked %parallel_loop3A_443 : vector<16xf32>, vector<16xi1> -> vector<16xf32>
        %parallel_loop3A_445 = vector.extract %parallel_loop3A_444[15] : f32 from vector<16xf32>
        %parallel_loop3A_446 = arith.constant true
        %parallel_loop3A_447 = vector.broadcast %parallel_loop3A_446 : i1 to vector<16xi1>
        %parallel_loop3A_448 = tpu.scan <sum>, %parallel_loop3A_441 masked %parallel_loop3A_447 : vector<16xf32>, vector<16xi1> -> vector<16xf32>
        %parallel_loop3A_449 = vector.extract %parallel_loop3A_448[15] : f32 from vector<16xf32>
        %parallel_loop3A_450 = arith.constant 3.906250e-03 : f32
        %parallel_loop3A_451 = arith.mulf %parallel_loop3A_445, %parallel_loop3A_450 : f32
        %parallel_loop3A_452 = arith.constant 3.906250e-03 : f32
        %parallel_loop3A_453 = arith.mulf %parallel_loop3A_449, %parallel_loop3A_452 : f32
        %parallel_loop3A_454 = arith.mulf %parallel_loop3A_451, %parallel_loop3A_451 : f32
        %parallel_loop3A_455 = arith.subf %parallel_loop3A_453, %parallel_loop3A_454 : f32
        %parallel_loop3A_456 = arith.constant 9.99999974E-6 : f32
        %parallel_loop3A_457 = vector.broadcast %parallel_loop3A_456 : f32 to vector<16xf32>
        %parallel_loop3A_458 = vector.broadcast %parallel_loop3A_455 : f32 to vector<16xf32>
        %parallel_loop3A_459 = arith.addf %parallel_loop3A_457, %parallel_loop3A_458 : vector<16xf32>
        %parallel_loop3A_460 = vector.bitcast %parallel_loop3A_459 : vector<16xf32> to vector<16xi32>
        %parallel_loop3A_461 = arith.constant 1 : i32
        %parallel_loop3A_462 = vector.broadcast %parallel_loop3A_461 : i32 to vector<16xi32>
        %parallel_loop3A_463 = arith.shrsi %parallel_loop3A_460, %parallel_loop3A_462 : vector<16xi32>
        %parallel_loop3A_464 = arith.constant 1597463007 : i32
        %parallel_loop3A_465 = vector.broadcast %parallel_loop3A_464 : i32 to vector<16xi32>
        %parallel_loop3A_466 = arith.subi %parallel_loop3A_465, %parallel_loop3A_463 : vector<16xi32>
        %parallel_loop3A_467 = vector.bitcast %parallel_loop3A_466 : vector<16xi32> to vector<16xf32>
        %parallel_loop3A_468 = arith.constant 5.000000e-01 : f32
        %parallel_loop3A_469 = vector.broadcast %parallel_loop3A_468 : f32 to vector<16xf32>
        %parallel_loop3A_470 = arith.mulf %parallel_loop3A_469, %parallel_loop3A_459 : vector<16xf32>
        %parallel_loop3A_471 = arith.mulf %parallel_loop3A_470, %parallel_loop3A_467 : vector<16xf32>
        %parallel_loop3A_472 = arith.mulf %parallel_loop3A_471, %parallel_loop3A_467 : vector<16xf32>
        %parallel_loop3A_473 = arith.constant 1.500000e+00 : f32
        %parallel_loop3A_474 = vector.broadcast %parallel_loop3A_473 : f32 to vector<16xf32>
        %parallel_loop3A_475 = arith.subf %parallel_loop3A_474, %parallel_loop3A_472 : vector<16xf32>
        %parallel_loop3A_476 = arith.mulf %parallel_loop3A_467, %parallel_loop3A_475 : vector<16xf32>
        %parallel_loop3A_477 = arith.constant 5.000000e-01 : f32
        %parallel_loop3A_478 = vector.broadcast %parallel_loop3A_477 : f32 to vector<16xf32>
        %parallel_loop3A_479 = arith.mulf %parallel_loop3A_478, %parallel_loop3A_459 : vector<16xf32>
        %parallel_loop3A_480 = arith.mulf %parallel_loop3A_479, %parallel_loop3A_476 : vector<16xf32>
        %parallel_loop3A_481 = arith.mulf %parallel_loop3A_480, %parallel_loop3A_476 : vector<16xf32>
        %parallel_loop3A_482 = arith.constant 1.500000e+00 : f32
        %parallel_loop3A_483 = vector.broadcast %parallel_loop3A_482 : f32 to vector<16xf32>
        %parallel_loop3A_484 = arith.subf %parallel_loop3A_483, %parallel_loop3A_481 : vector<16xf32>
        %parallel_loop3A_485 = arith.mulf %parallel_loop3A_476, %parallel_loop3A_484 : vector<16xf32>
        %parallel_loop3A_486 = arith.constant 5.000000e-01 : f32
        %parallel_loop3A_487 = vector.broadcast %parallel_loop3A_486 : f32 to vector<16xf32>
        %parallel_loop3A_488 = arith.mulf %parallel_loop3A_487, %parallel_loop3A_459 : vector<16xf32>
        %parallel_loop3A_489 = arith.mulf %parallel_loop3A_488, %parallel_loop3A_485 : vector<16xf32>
        %parallel_loop3A_490 = arith.mulf %parallel_loop3A_489, %parallel_loop3A_485 : vector<16xf32>
        %parallel_loop3A_491 = arith.constant 1.500000e+00 : f32
        %parallel_loop3A_492 = vector.broadcast %parallel_loop3A_491 : f32 to vector<16xf32>
        %parallel_loop3A_493 = arith.subf %parallel_loop3A_492, %parallel_loop3A_490 : vector<16xf32>
        %parallel_loop3A_494 = arith.mulf %parallel_loop3A_485, %parallel_loop3A_493 : vector<16xf32>
        %parallel_loop3A_495 = arith.constant 0.000000e+00 : f32
        %parallel_loop3A_496 = vector.broadcast %parallel_loop3A_495 : f32 to vector<16xf32>
        %parallel_loop3A_497 = vector.broadcast %parallel_loop3A_451 : f32 to vector<16xf32>
        %parallel_loop3A_498 = arith.addf %parallel_loop3A_496, %parallel_loop3A_497 : vector<16xf32>
        %parallel_loop3A_499 = arith.constant 1.000000e+00 : f32
        %parallel_loop3A_500 = vector.broadcast %parallel_loop3A_499 : f32 to vector<16xf32>
        %parallel_loop3A_501 = arith.subf %parallel_loop3A_287, %parallel_loop3A_498 : vector<16xf32>
        %parallel_loop3A_502 = arith.mulf %parallel_loop3A_501, %parallel_loop3A_494 : vector<16xf32>
        %parallel_loop3A_503 = arith.addf %parallel_loop3A_502, %parallel_loop3A_500 : vector<16xf32>
        %parallel_loop3A_504 = arith.constant 1 : i32
        %parallel_loop3A_505 = arith.index_cast %parallel_loop3A_504 : i32 to index
        %parallel_loop3A_506 = arith.index_cast %parallel_loop3A_269 : i32 to index
        %parallel_loop3A_507 = arith.constant 0 : index
        %parallel_loop3A_508 = tpu.vector_load %arg11[%parallel_loop3A_505, %parallel_loop3A_506, %parallel_loop3A_507] {strides = array<i32>} : memref<2x64x128xf32, #tpu.memory_space<vmem>>, vector<16xf32>,
        tpu.vector_store %arg11[%parallel_loop3A_505, %parallel_loop3A_506, %parallel_loop3A_507], %parallel_loop3A_503 {strides = array<i32>} : memref<2x64x128xf32, #tpu.memory_space<vmem>>, vector<16xf32>,
        %parallel_loop3A_509 = arith.subf %parallel_loop3A_288, %parallel_loop3A_498 : vector<16xf32>
        %parallel_loop3A_510 = arith.mulf %parallel_loop3A_509, %parallel_loop3A_494 : vector<16xf32>
        %parallel_loop3A_511 = arith.addf %parallel_loop3A_510, %parallel_loop3A_500 : vector<16xf32>
        %parallel_loop3A_512 = arith.constant 1 : i32
        %parallel_loop3A_513 = arith.index_cast %parallel_loop3A_512 : i32 to index
        %parallel_loop3A_514 = arith.index_cast %parallel_loop3A_269 : i32 to index
        %parallel_loop3A_515 = arith.constant 0 : index
        %parallel_loop3A_516 = tpu.vector_load %arg12[%parallel_loop3A_513, %parallel_loop3A_514, %parallel_loop3A_515] {strides = array<i32>} : memref<2x64x128xf32, #tpu.memory_space<vmem>>, vector<16xf32>,
        tpu.vector_store %arg12[%parallel_loop3A_513, %parallel_loop3A_514, %parallel_loop3A_515], %parallel_loop3A_511 {strides = array<i32>} : memref<2x64x128xf32, #tpu.memory_space<vmem>>, vector<16xf32>,
        %parallel_loop3A_517 = arith.subf %parallel_loop3A_308, %parallel_loop3A_498 : vector<16xf32>
        %parallel_loop3A_518 = arith.mulf %parallel_loop3A_517, %parallel_loop3A_494 : vector<16xf32>
        %parallel_loop3A_519 = arith.addf %parallel_loop3A_518, %parallel_loop3A_500 : vector<16xf32>
        %parallel_loop3A_520 = arith.constant 1 : i32
        %parallel_loop3A_521 = arith.index_cast %parallel_loop3A_520 : i32 to index
        %parallel_loop3A_522 = arith.index_cast %parallel_loop3A_269 : i32 to index
        %parallel_loop3A_523 = arith.constant 16 : index
        %parallel_loop3A_524 = tpu.vector_load %arg11[%parallel_loop3A_521, %parallel_loop3A_522, %parallel_loop3A_523] {strides = array<i32>} : memref<2x64x128xf32, #tpu.memory_space<vmem>>, vector<16xf32>,
        tpu.vector_store %arg11[%parallel_loop3A_521, %parallel_loop3A_522, %parallel_loop3A_523], %parallel_loop3A_519 {strides = array<i32>} : memref<2x64x128xf32, #tpu.memory_space<vmem>>, vector<16xf32>,
        %parallel_loop3A_525 = arith.subf %parallel_loop3A_309, %parallel_loop3A_498 : vector<16xf32>
        %parallel_loop3A_526 = arith.mulf %parallel_loop3A_525, %parallel_loop3A_494 : vector<16xf32>
        %parallel_loop3A_527 = arith.addf %parallel_loop3A_526, %parallel_loop3A_500 : vector<16xf32>
        %parallel_loop3A_528 = arith.constant 1 : i32
        %parallel_loop3A_529 = arith.index_cast %parallel_loop3A_528 : i32 to index
        %parallel_loop3A_530 = arith.index_cast %parallel_loop3A_269 : i32 to index
        %parallel_loop3A_531 = arith.constant 16 : index
        %parallel_loop3A_532 = tpu.vector_load %arg12[%parallel_loop3A_529, %parallel_loop3A_530, %parallel_loop3A_531] {strides = array<i32>} : memref<2x64x128xf32, #tpu.memory_space<vmem>>, vector<16xf32>,
        tpu.vector_store %arg12[%parallel_loop3A_529, %parallel_loop3A_530, %parallel_loop3A_531], %parallel_loop3A_527 {strides = array<i32>} : memref<2x64x128xf32, #tpu.memory_space<vmem>>, vector<16xf32>,
        %parallel_loop3A_533 = arith.subf %parallel_loop3A_329, %parallel_loop3A_498 : vector<16xf32>
        %parallel_loop3A_534 = arith.mulf %parallel_loop3A_533, %parallel_loop3A_494 : vector<16xf32>
        %parallel_loop3A_535 = arith.addf %parallel_loop3A_534, %parallel_loop3A_500 : vector<16xf32>
        %parallel_loop3A_536 = arith.constant 1 : i32
        %parallel_loop3A_537 = arith.index_cast %parallel_loop3A_536 : i32 to index
        %parallel_loop3A_538 = arith.index_cast %parallel_loop3A_269 : i32 to index
        %parallel_loop3A_539 = arith.constant 32 : index
        %parallel_loop3A_540 = tpu.vector_load %arg11[%parallel_loop3A_537, %parallel_loop3A_538, %parallel_loop3A_539] {strides = array<i32>} : memref<2x64x128xf32, #tpu.memory_space<vmem>>, vector<16xf32>,
        tpu.vector_store %arg11[%parallel_loop3A_537, %parallel_loop3A_538, %parallel_loop3A_539], %parallel_loop3A_535 {strides = array<i32>} : memref<2x64x128xf32, #tpu.memory_space<vmem>>, vector<16xf32>,
        %parallel_loop3A_541 = arith.subf %parallel_loop3A_330, %parallel_loop3A_498 : vector<16xf32>
        %parallel_loop3A_542 = arith.mulf %parallel_loop3A_541, %parallel_loop3A_494 : vector<16xf32>
        %parallel_loop3A_543 = arith.addf %parallel_loop3A_542, %parallel_loop3A_500 : vector<16xf32>
        %parallel_loop3A_544 = arith.constant 1 : i32
        %parallel_loop3A_545 = arith.index_cast %parallel_loop3A_544 : i32 to index
        %parallel_loop3A_546 = arith.index_cast %parallel_loop3A_269 : i32 to index
        %parallel_loop3A_547 = arith.constant 32 : index
        %parallel_loop3A_548 = tpu.vector_load %arg12[%parallel_loop3A_545, %parallel_loop3A_546, %parallel_loop3A_547] {strides = array<i32>} : memref<2x64x128xf32, #tpu.memory_space<vmem>>, vector<16xf32>,
        tpu.vector_store %arg12[%parallel_loop3A_545, %parallel_loop3A_546, %parallel_loop3A_547], %parallel_loop3A_543 {strides = array<i32>} : memref<2x64x128xf32, #tpu.memory_space<vmem>>, vector<16xf32>,
        %parallel_loop3A_549 = arith.subf %parallel_loop3A_350, %parallel_loop3A_498 : vector<16xf32>
        %parallel_loop3A_550 = arith.mulf %parallel_loop3A_549, %parallel_loop3A_494 : vector<16xf32>
        %parallel_loop3A_551 = arith.addf %parallel_loop3A_550, %parallel_loop3A_500 : vector<16xf32>
        %parallel_loop3A_552 = arith.constant 1 : i32
        %parallel_loop3A_553 = arith.index_cast %parallel_loop3A_552 : i32 to index
        %parallel_loop3A_554 = arith.index_cast %parallel_loop3A_269 : i32 to index
        %parallel_loop3A_555 = arith.constant 48 : index
        %parallel_loop3A_556 = tpu.vector_load %arg11[%parallel_loop3A_553, %parallel_loop3A_554, %parallel_loop3A_555] {strides = array<i32>} : memref<2x64x128xf32, #tpu.memory_space<vmem>>, vector<16xf32>,
        tpu.vector_store %arg11[%parallel_loop3A_553, %parallel_loop3A_554, %parallel_loop3A_555], %parallel_loop3A_551 {strides = array<i32>} : memref<2x64x128xf32, #tpu.memory_space<vmem>>, vector<16xf32>,
        %parallel_loop3A_557 = arith.subf %parallel_loop3A_351, %parallel_loop3A_498 : vector<16xf32>
        %parallel_loop3A_558 = arith.mulf %parallel_loop3A_557, %parallel_loop3A_494 : vector<16xf32>
        %parallel_loop3A_559 = arith.addf %parallel_loop3A_558, %parallel_loop3A_500 : vector<16xf32>
        %parallel_loop3A_560 = arith.constant 1 : i32
        %parallel_loop3A_561 = arith.index_cast %parallel_loop3A_560 : i32 to index
        %parallel_loop3A_562 = arith.index_cast %parallel_loop3A_269 : i32 to index
        %parallel_loop3A_563 = arith.constant 48 : index
        %parallel_loop3A_564 = tpu.vector_load %arg12[%parallel_loop3A_561, %parallel_loop3A_562, %parallel_loop3A_563] {strides = array<i32>} : memref<2x64x128xf32, #tpu.memory_space<vmem>>, vector<16xf32>,
        tpu.vector_store %arg12[%parallel_loop3A_561, %parallel_loop3A_562, %parallel_loop3A_563], %parallel_loop3A_559 {strides = array<i32>} : memref<2x64x128xf32, #tpu.memory_space<vmem>>, vector<16xf32>,
        %parallel_loop3A_565 = arith.subf %parallel_loop3A_371, %parallel_loop3A_498 : vector<16xf32>
        %parallel_loop3A_566 = arith.mulf %parallel_loop3A_565, %parallel_loop3A_494 : vector<16xf32>
        %parallel_loop3A_567 = arith.addf %parallel_loop3A_566, %parallel_loop3A_500 : vector<16xf32>
        %parallel_loop3A_568 = arith.constant 1 : i32
        %parallel_loop3A_569 = arith.index_cast %parallel_loop3A_568 : i32 to index
        %parallel_loop3A_570 = arith.index_cast %parallel_loop3A_269 : i32 to index
        %parallel_loop3A_571 = arith.constant 64 : index
        %parallel_loop3A_572 = tpu.vector_load %arg11[%parallel_loop3A_569, %parallel_loop3A_570, %parallel_loop3A_571] {strides = array<i32>} : memref<2x64x128xf32, #tpu.memory_space<vmem>>, vector<16xf32>,
        tpu.vector_store %arg11[%parallel_loop3A_569, %parallel_loop3A_570, %parallel_loop3A_571], %parallel_loop3A_567 {strides = array<i32>} : memref<2x64x128xf32, #tpu.memory_space<vmem>>, vector<16xf32>,
        %parallel_loop3A_573 = arith.subf %parallel_loop3A_372, %parallel_loop3A_498 : vector<16xf32>
        %parallel_loop3A_574 = arith.mulf %parallel_loop3A_573, %parallel_loop3A_494 : vector<16xf32>
        %parallel_loop3A_575 = arith.addf %parallel_loop3A_574, %parallel_loop3A_500 : vector<16xf32>
        %parallel_loop3A_576 = arith.constant 1 : i32
        %parallel_loop3A_577 = arith.index_cast %parallel_loop3A_576 : i32 to index
        %parallel_loop3A_578 = arith.index_cast %parallel_loop3A_269 : i32 to index
        %parallel_loop3A_579 = arith.constant 64 : index
        %parallel_loop3A_580 = tpu.vector_load %arg12[%parallel_loop3A_577, %parallel_loop3A_578, %parallel_loop3A_579] {strides = array<i32>} : memref<2x64x128xf32, #tpu.memory_space<vmem>>, vector<16xf32>,
        tpu.vector_store %arg12[%parallel_loop3A_577, %parallel_loop3A_578, %parallel_loop3A_579], %parallel_loop3A_575 {strides = array<i32>} : memref<2x64x128xf32, #tpu.memory_space<vmem>>, vector<16xf32>,
        %parallel_loop3A_581 = arith.subf %parallel_loop3A_392, %parallel_loop3A_498 : vector<16xf32>
        %parallel_loop3A_582 = arith.mulf %parallel_loop3A_581, %parallel_loop3A_494 : vector<16xf32>
        %parallel_loop3A_583 = arith.addf %parallel_loop3A_582, %parallel_loop3A_500 : vector<16xf32>
        %parallel_loop3A_584 = arith.constant 1 : i32
        %parallel_loop3A_585 = arith.index_cast %parallel_loop3A_584 : i32 to index
        %parallel_loop3A_586 = arith.index_cast %parallel_loop3A_269 : i32 to index
        %parallel_loop3A_587 = arith.constant 80 : index
        %parallel_loop3A_588 = tpu.vector_load %arg11[%parallel_loop3A_585, %parallel_loop3A_586, %parallel_loop3A_587] {strides = array<i32>} : memref<2x64x128xf32, #tpu.memory_space<vmem>>, vector<16xf32>,
        tpu.vector_store %arg11[%parallel_loop3A_585, %parallel_loop3A_586, %parallel_loop3A_587], %parallel_loop3A_583 {strides = array<i32>} : memref<2x64x128xf32, #tpu.memory_space<vmem>>, vector<16xf32>,
        %parallel_loop3A_589 = arith.subf %parallel_loop3A_393, %parallel_loop3A_498 : vector<16xf32>
        %parallel_loop3A_590 = arith.mulf %parallel_loop3A_589, %parallel_loop3A_494 : vector<16xf32>
        %parallel_loop3A_591 = arith.addf %parallel_loop3A_590, %parallel_loop3A_500 : vector<16xf32>
        %parallel_loop3A_592 = arith.constant 1 : i32
        %parallel_loop3A_593 = arith.index_cast %parallel_loop3A_592 : i32 to index
        %parallel_loop3A_594 = arith.index_cast %parallel_loop3A_269 : i32 to index
        %parallel_loop3A_595 = arith.constant 80 : index
        %parallel_loop3A_596 = tpu.vector_load %arg12[%parallel_loop3A_593, %parallel_loop3A_594, %parallel_loop3A_595] {strides = array<i32>} : memref<2x64x128xf32, #tpu.memory_space<vmem>>, vector<16xf32>,
        tpu.vector_store %arg12[%parallel_loop3A_593, %parallel_loop3A_594, %parallel_loop3A_595], %parallel_loop3A_591 {strides = array<i32>} : memref<2x64x128xf32, #tpu.memory_space<vmem>>, vector<16xf32>,
        %parallel_loop3A_597 = arith.subf %parallel_loop3A_413, %parallel_loop3A_498 : vector<16xf32>
        %parallel_loop3A_598 = arith.mulf %parallel_loop3A_597, %parallel_loop3A_494 : vector<16xf32>
        %parallel_loop3A_599 = arith.addf %parallel_loop3A_598, %parallel_loop3A_500 : vector<16xf32>
        %parallel_loop3A_600 = arith.constant 1 : i32
        %parallel_loop3A_601 = arith.index_cast %parallel_loop3A_600 : i32 to index
        %parallel_loop3A_602 = arith.index_cast %parallel_loop3A_269 : i32 to index
        %parallel_loop3A_603 = arith.constant 96 : index
        %parallel_loop3A_604 = tpu.vector_load %arg11[%parallel_loop3A_601, %parallel_loop3A_602, %parallel_loop3A_603] {strides = array<i32>} : memref<2x64x128xf32, #tpu.memory_space<vmem>>, vector<16xf32>,
        tpu.vector_store %arg11[%parallel_loop3A_601, %parallel_loop3A_602, %parallel_loop3A_603], %parallel_loop3A_599 {strides = array<i32>} : memref<2x64x128xf32, #tpu.memory_space<vmem>>, vector<16xf32>,
        %parallel_loop3A_605 = arith.subf %parallel_loop3A_414, %parallel_loop3A_498 : vector<16xf32>
        %parallel_loop3A_606 = arith.mulf %parallel_loop3A_605, %parallel_loop3A_494 : vector<16xf32>
        %parallel_loop3A_607 = arith.addf %parallel_loop3A_606, %parallel_loop3A_500 : vector<16xf32>
        %parallel_loop3A_608 = arith.constant 1 : i32
        %parallel_loop3A_609 = arith.index_cast %parallel_loop3A_608 : i32 to index
        %parallel_loop3A_610 = arith.index_cast %parallel_loop3A_269 : i32 to index
        %parallel_loop3A_611 = arith.constant 96 : index
        %parallel_loop3A_612 = tpu.vector_load %arg12[%parallel_loop3A_609, %parallel_loop3A_610, %parallel_loop3A_611] {strides = array<i32>} : memref<2x64x128xf32, #tpu.memory_space<vmem>>, vector<16xf32>,
        tpu.vector_store %arg12[%parallel_loop3A_609, %parallel_loop3A_610, %parallel_loop3A_611], %parallel_loop3A_607 {strides = array<i32>} : memref<2x64x128xf32, #tpu.memory_space<vmem>>, vector<16xf32>,
        %parallel_loop3A_613 = arith.subf %parallel_loop3A_434, %parallel_loop3A_498 : vector<16xf32>
        %parallel_loop3A_614 = arith.mulf %parallel_loop3A_613, %parallel_loop3A_494 : vector<16xf32>
        %parallel_loop3A_615 = arith.addf %parallel_loop3A_614, %parallel_loop3A_500 : vector<16xf32>
        %parallel_loop3A_616 = arith.constant 1 : i32
        %parallel_loop3A_617 = arith.index_cast %parallel_loop3A_616 : i32 to index
        %parallel_loop3A_618 = arith.index_cast %parallel_loop3A_269 : i32 to index
        %parallel_loop3A_619 = arith.constant 112 : index
        %parallel_loop3A_620 = tpu.vector_load %arg11[%parallel_loop3A_617, %parallel_loop3A_618, %parallel_loop3A_619] {strides = array<i32>} : memref<2x64x128xf32, #tpu.memory_space<vmem>>, vector<16xf32>,
        tpu.vector_store %arg11[%parallel_loop3A_617, %parallel_loop3A_618, %parallel_loop3A_619], %parallel_loop3A_615 {strides = array<i32>} : memref<2x64x128xf32, #tpu.memory_space<vmem>>, vector<16xf32>,
        %parallel_loop3A_621 = arith.subf %parallel_loop3A_435, %parallel_loop3A_498 : vector<16xf32>
        %parallel_loop3A_622 = arith.mulf %parallel_loop3A_621, %parallel_loop3A_494 : vector<16xf32>
        %parallel_loop3A_623 = arith.addf %parallel_loop3A_622, %parallel_loop3A_500 : vector<16xf32>
        %parallel_loop3A_624 = arith.constant 1 : i32
        %parallel_loop3A_625 = arith.index_cast %parallel_loop3A_624 : i32 to index
        %parallel_loop3A_626 = arith.index_cast %parallel_loop3A_269 : i32 to index
        %parallel_loop3A_627 = arith.constant 112 : index
        %parallel_loop3A_628 = tpu.vector_load %arg12[%parallel_loop3A_625, %parallel_loop3A_626, %parallel_loop3A_627] {strides = array<i32>} : memref<2x64x128xf32, #tpu.memory_space<vmem>>, vector<16xf32>,
        tpu.vector_store %arg12[%parallel_loop3A_625, %parallel_loop3A_626, %parallel_loop3A_627], %parallel_loop3A_623 {strides = array<i32>} : memref<2x64x128xf32, #tpu.memory_space<vmem>>, vector<16xf32>,
      } {sc.loop_unroll_factor = 2 : i64, sc.parallel_access}
      %dma_start3A_241 = arith.constant 1 : i32
      %dma_start3A_242 = arith.constant 0 : i32
      %dma_start3A_243 = arith.constant 0 : i32
      %dma_start3A_244 = tpu.memref_slice %arg11[%dma_start3A_241, %dma_start3A_242, %dma_start3A_243] : memref<2x64x128xf32, #tpu.memory_space<vmem>> -> memref<1x64x128xf32, #tpu.memory_space<vmem>>
      %dma_start3A_245 = tpu.memref_squeeze %dma_start3A_244 : memref<1x64x128xf32, #tpu.memory_space<vmem>> -> memref<64x128xf32, #tpu.memory_space<vmem>>
      %dma_start3A_246 = arith.constant 0 : i32
      %dma_start3A_247 = tpu.memref_slice %arg6[%add3A_206, %dma_start3A_246] : memref<327680x128xf32, #tpu.memory_space<hbm>> -> memref<64x128xf32, #tpu.memory_space<hbm>>
      %dma_start3A_248 = arith.constant 0 : i32
      %dma_start3A_249 = tpu.memref_slice %arg6[%add3A_206, %dma_start3A_248] : memref<327680x128xf32, #tpu.memory_space<hbm>> -> memref<64x128xf32, #tpu.memory_space<hbm>>
      %dma_start3A_250 = arith.constant 0 : i32
      %dma_start3A_251 = arith.constant 0 : i32
      %dma_start3A_252 = tpu.memref_slice %arg11[%dma_start3A_241, %dma_start3A_250, %dma_start3A_251] : memref<2x64x128xf32, #tpu.memory_space<vmem>> -> memref<1x64x128xf32, #tpu.memory_space<vmem>>
      %dma_start3A_253 = tpu.memref_squeeze %dma_start3A_252 : memref<1x64x128xf32, #tpu.memory_space<vmem>> -> memref<64x128xf32, #tpu.memory_space<vmem>>
      tpu.enqueue_dma source(%dma_start3A_253 : memref<64x128xf32, #tpu.memory_space<vmem>>) target(%dma_start3A_249 : memref<64x128xf32, #tpu.memory_space<hbm>>) target_semaphore(%arg18 : memref<!tpu.dma_semaphore, #tpu.memory_space<semaphore_mem>>)
      %add3A_254 = arith.constant 163840 : i32
      %add3A_255 = arith.addi %add3A_254, %add3A_206 : i32
      %dma_start3A_256 = arith.constant 1 : i32
      %dma_start3A_257 = arith.constant 0 : i32
      %dma_start3A_258 = arith.constant 0 : i32
      %dma_start3A_259 = tpu.memref_slice %arg12[%dma_start3A_256, %dma_start3A_257, %dma_start3A_258] : memref<2x64x128xf32, #tpu.memory_space<vmem>> -> memref<1x64x128xf32, #tpu.memory_space<vmem>>
      %dma_start3A_260 = tpu.memref_squeeze %dma_start3A_259 : memref<1x64x128xf32, #tpu.memory_space<vmem>> -> memref<64x128xf32, #tpu.memory_space<vmem>>
      %dma_start3A_261 = arith.constant 0 : i32
      %dma_start3A_262 = tpu.memref_slice %arg6[%add3A_255, %dma_start3A_261] : memref<327680x128xf32, #tpu.memory_space<hbm>> -> memref<64x128xf32, #tpu.memory_space<hbm>>
      %dma_start3A_263 = arith.constant 0 : i32
      %dma_start3A_264 = tpu.memref_slice %arg6[%add3A_255, %dma_start3A_263] : memref<327680x128xf32, #tpu.memory_space<hbm>> -> memref<64x128xf32, #tpu.memory_space<hbm>>
      %dma_start3A_265 = arith.constant 0 : i32
      %dma_start3A_266 = arith.constant 0 : i32
      %dma_start3A_267 = tpu.memref_slice %arg12[%dma_start3A_256, %dma_start3A_265, %dma_start3A_266] : memref<2x64x128xf32, #tpu.memory_space<vmem>> -> memref<1x64x128xf32, #tpu.memory_space<vmem>>
      %dma_start3A_268 = tpu.memref_squeeze %dma_start3A_267 : memref<1x64x128xf32, #tpu.memory_space<vmem>> -> memref<64x128xf32, #tpu.memory_space<vmem>>
      tpu.enqueue_dma source(%dma_start3A_268 : memref<64x128xf32, #tpu.memory_space<vmem>>) target(%dma_start3A_264 : memref<64x128xf32, #tpu.memory_space<hbm>>) target_semaphore(%arg18 : memref<!tpu.dma_semaphore, #tpu.memory_space<semaphore_mem>>)
    }
    %dma_wait3A = arith.constant 0 : i32
    %dma_wait3A_82 = arith.constant 0 : i32
    %dma_wait3A_83 = arith.constant 0 : i32
    %dma_wait3A_84 = tpu.memref_slice %arg11[%dma_wait3A, %dma_wait3A_82, %dma_wait3A_83] : memref<2x64x128xf32, #tpu.memory_space<vmem>> -> memref<1x64x128xf32, #tpu.memory_space<vmem>>
    %dma_wait3A_85 = tpu.memref_squeeze %dma_wait3A_84 : memref<1x64x128xf32, #tpu.memory_space<vmem>> -> memref<64x128xf32, #tpu.memory_space<vmem>>
    %dma_wait3A_86 = arith.constant 0 : i32
    %dma_wait3A_87 = tpu.memref_slice %arg6[%select_n3A_6, %dma_wait3A_86] : memref<327680x128xf32, #tpu.memory_space<hbm>> -> memref<64x128xf32, #tpu.memory_space<hbm>>
    %dma_wait3A_88 = arith.constant 0 : i32
    %dma_wait3A_89 = tpu.memref_slice %arg6[%select_n3A_6, %dma_wait3A_88] : memref<327680x128xf32, #tpu.memory_space<hbm>> -> memref<64x128xf32, #tpu.memory_space<hbm>>
    %dma_wait3A_90 = arith.constant 0 : i32
    %dma_wait3A_91 = arith.constant 0 : i32
    %dma_wait3A_92 = tpu.memref_slice %arg11[%dma_wait3A, %dma_wait3A_90, %dma_wait3A_91] : memref<2x64x128xf32, #tpu.memory_space<vmem>> -> memref<1x64x128xf32, #tpu.memory_space<vmem>>
    %dma_wait3A_93 = tpu.memref_squeeze %dma_wait3A_92 : memref<1x64x128xf32, #tpu.memory_space<vmem>> -> memref<64x128xf32, #tpu.memory_space<vmem>>
    tpu.wait_dma2 semaphore(%arg17 : memref<!tpu.dma_semaphore, #tpu.memory_space<semaphore_mem>>) src(%dma_wait3A_93 : memref<64x128xf32, #tpu.memory_space<vmem>>) dst(%dma_wait3A_89 : memref<64x128xf32, #tpu.memory_space<hbm>>)
    %dma_wait3A_94 = arith.constant 0 : i32
    %dma_wait3A_95 = arith.constant 0 : i32
    %dma_wait3A_96 = arith.constant 0 : i32
    %dma_wait3A_97 = tpu.memref_slice %arg12[%dma_wait3A_94, %dma_wait3A_95, %dma_wait3A_96] : memref<2x64x128xf32, #tpu.memory_space<vmem>> -> memref<1x64x128xf32, #tpu.memory_space<vmem>>
    %dma_wait3A_98 = tpu.memref_squeeze %dma_wait3A_97 : memref<1x64x128xf32, #tpu.memory_space<vmem>> -> memref<64x128xf32, #tpu.memory_space<vmem>>
    %dma_wait3A_99 = arith.constant 0 : i32
    %dma_wait3A_100 = tpu.memref_slice %arg6[%select_n3A_6, %dma_wait3A_99] : memref<327680x128xf32, #tpu.memory_space<hbm>> -> memref<64x128xf32, #tpu.memory_space<hbm>>
    %dma_wait3A_101 = arith.constant 0 : i32
    %dma_wait3A_102 = tpu.memref_slice %arg6[%select_n3A_6, %dma_wait3A_101] : memref<327680x128xf32, #tpu.memory_space<hbm>> -> memref<64x128xf32, #tpu.memory_space<hbm>>
    %dma_wait3A_103 = arith.constant 0 : i32
    %dma_wait3A_104 = arith.constant 0 : i32
    %dma_wait3A_105 = tpu.memref_slice %arg12[%dma_wait3A_94, %dma_wait3A_103, %dma_wait3A_104] : memref<2x64x128xf32, #tpu.memory_space<vmem>> -> memref<1x64x128xf32, #tpu.memory_space<vmem>>
    %dma_wait3A_106 = tpu.memref_squeeze %dma_wait3A_105 : memref<1x64x128xf32, #tpu.memory_space<vmem>> -> memref<64x128xf32, #tpu.memory_space<vmem>>
    tpu.wait_dma2 semaphore(%arg17 : memref<!tpu.dma_semaphore, #tpu.memory_space<semaphore_mem>>) src(%dma_wait3A_106 : memref<64x128xf32, #tpu.memory_space<vmem>>) dst(%dma_wait3A_102 : memref<64x128xf32, #tpu.memory_space<hbm>>)
    %dma_wait3A_107 = arith.constant 1 : i32
    %dma_wait3A_108 = arith.constant 0 : i32
    %dma_wait3A_109 = arith.constant 0 : i32
    %dma_wait3A_110 = tpu.memref_slice %arg11[%dma_wait3A_107, %dma_wait3A_108, %dma_wait3A_109] : memref<2x64x128xf32, #tpu.memory_space<vmem>> -> memref<1x64x128xf32, #tpu.memory_space<vmem>>
    %dma_wait3A_111 = tpu.memref_squeeze %dma_wait3A_110 : memref<1x64x128xf32, #tpu.memory_space<vmem>> -> memref<64x128xf32, #tpu.memory_space<vmem>>
    %dma_wait3A_112 = arith.constant 0 : i32
    %dma_wait3A_113 = tpu.memref_slice %arg6[%select_n3A_6, %dma_wait3A_112] : memref<327680x128xf32, #tpu.memory_space<hbm>> -> memref<64x128xf32, #tpu.memory_space<hbm>>
    %dma_wait3A_114 = arith.constant 0 : i32
    %dma_wait3A_115 = tpu.memref_slice %arg6[%select_n3A_6, %dma_wait3A_114] : memref<327680x128xf32, #tpu.memory_space<hbm>> -> memref<64x128xf32, #tpu.memory_space<hbm>>
    %dma_wait3A_116 = arith.constant 0 : i32
    %dma_wait3A_117 = arith.constant 0 : i32
    %dma_wait3A_118 = tpu.memref_slice %arg11[%dma_wait3A_107, %dma_wait3A_116, %dma_wait3A_117] : memref<2x64x128xf32, #tpu.memory_space<vmem>> -> memref<1x64x128xf32, #tpu.memory_space<vmem>>
    %dma_wait3A_119 = tpu.memref_squeeze %dma_wait3A_118 : memref<1x64x128xf32, #tpu.memory_space<vmem>> -> memref<64x128xf32, #tpu.memory_space<vmem>>
    tpu.wait_dma2 semaphore(%arg18 : memref<!tpu.dma_semaphore, #tpu.memory_space<semaphore_mem>>) src(%dma_wait3A_119 : memref<64x128xf32, #tpu.memory_space<vmem>>) dst(%dma_wait3A_115 : memref<64x128xf32, #tpu.memory_space<hbm>>)
    %dma_wait3A_120 = arith.constant 1 : i32
    %dma_wait3A_121 = arith.constant 0 : i32
    %dma_wait3A_122 = arith.constant 0 : i32
    %dma_wait3A_123 = tpu.memref_slice %arg12[%dma_wait3A_120, %dma_wait3A_121, %dma_wait3A_122] : memref<2x64x128xf32, #tpu.memory_space<vmem>> -> memref<1x64x128xf32, #tpu.memory_space<vmem>>
    %dma_wait3A_124 = tpu.memref_squeeze %dma_wait3A_123 : memref<1x64x128xf32, #tpu.memory_space<vmem>> -> memref<64x128xf32, #tpu.memory_space<vmem>>
    %dma_wait3A_125 = arith.constant 0 : i32
    %dma_wait3A_126 = tpu.memref_slice %arg6[%select_n3A_6, %dma_wait3A_125] : memref<327680x128xf32, #tpu.memory_space<hbm>> -> memref<64x128xf32, #tpu.memory_space<hbm>>
    %dma_wait3A_127 = arith.constant 0 : i32
    %dma_wait3A_128 = tpu.memref_slice %arg6[%select_n3A_6, %dma_wait3A_127] : memref<327680x128xf32, #tpu.memory_space<hbm>> -> memref<64x128xf32, #tpu.memory_space<hbm>>
    %dma_wait3A_129 = arith.constant 0 : i32
    %dma_wait3A_130 = arith.constant 0 : i32
    %dma_wait3A_131 = tpu.memref_slice %arg12[%dma_wait3A_120, %dma_wait3A_129, %dma_wait3A_130] : memref<2x64x128xf32, #tpu.memory_space<vmem>> -> memref<1x64x128xf32, #tpu.memory_space<vmem>>
    %dma_wait3A_132 = tpu.memref_squeeze %dma_wait3A_131 : memref<1x64x128xf32, #tpu.memory_space<vmem>> -> memref<64x128xf32, #tpu.memory_space<vmem>>
    tpu.wait_dma2 semaphore(%arg18 : memref<!tpu.dma_semaphore, #tpu.memory_space<semaphore_mem>>) src(%dma_wait3A_132 : memref<64x128xf32, #tpu.memory_space<vmem>>) dst(%dma_wait3A_128 : memref<64x128xf32, #tpu.memory_space<hbm>>)
    return
  }
}

module attributes {stable_mosaic.version = 14 : i64} {
  func.func @_proj_body(%arg0: i32, %arg1: memref<1024x256xf32, #tpu.memory_space<vmem>>, %arg2: memref<256x256xf32, #tpu.memory_space<vmem>>, %arg3: memref<256x256xf32, #tpu.memory_space<vmem>>, %arg4: memref<1x256xf32, #tpu.memory_space<vmem>>, %arg5: memref<1024x128xi32, #tpu.memory_space<vmem>>, %arg6: memref<1024x128xi32, #tpu.memory_space<vmem>>) attributes {dimension_semantics = [#tpu.dimension_semantics<arbitrary>], iteration_bounds = array<i64: 10>, scalar_prefetch = 0 : i64, scratch_operands = 0 : i64, tpu.core_type = #tpu.core_type<tc>, window_params = [{transform_indices = @transform_0, window_bounds = array<i64: 1024, 256>}, {pipeline_mode = #tpu.pipeline_mode<synchronous>, transform_indices = @transform_1, window_bounds = array<i64: 256, 256>}, {pipeline_mode = #tpu.pipeline_mode<synchronous>, transform_indices = @transform_2, window_bounds = array<i64: 256, 256>}, {pipeline_mode = #tpu.pipeline_mode<synchronous>, transform_indices = @transform_3, window_bounds = array<i64: 1, 256>}, {transform_indices = @transform_4, window_bounds = array<i64: 1024, 128>}, {transform_indices = @transform_5, window_bounds = array<i64: 1024, 128>}]} {
    %get3A = arith.constant 0 : index
    %get3A_0 = arith.constant 0 : index
    %get3A_1 = vector.load %arg1[%get3A, %get3A_0] : memref<1024x256xf32, #tpu.memory_space<vmem>>, vector<1024x256xf32>
    %get3A_2 = arith.constant 0 : index
    %get3A_3 = arith.constant 0 : index
    %get3A_4 = vector.load %arg2[%get3A_2, %get3A_3] : memref<256x256xf32, #tpu.memory_space<vmem>>, vector<256x256xf32>
    %dot_general3A = arith.constant dense<0.000000e+00> : vector<1024x256xf32>
    %dot_general3A_5 = tpu.matmul %get3A_1, %get3A_4, %dot_general3A {dimension_numbers = #tpu.dot_dimension_numbers<[1], [0], [0], [1], [0, 0, 1, 1], [], []>, transpose_lhs_hint = false} : vector<1024x256xf32>, vector<256x256xf32>, vector<1024x256xf32> -> vector<1024x256xf32>
    %get3A_6 = arith.constant 0 : index
    %get3A_7 = arith.constant 0 : index
    %get3A_8 = vector.load %arg4[%get3A_6, %get3A_7] : memref<1x256xf32, #tpu.memory_space<vmem>>, vector<1x256xf32>
    %add3A = vector.broadcast %get3A_8 : vector<1x256xf32> to vector<1024x256xf32>
    %add3A_9 = arith.addf %dot_general3A_5, %add3A : vector<1024x256xf32>
    %get3A_10 = arith.constant 0 : index
    %get3A_11 = arith.constant 0 : index
    %get3A_12 = vector.load %arg1[%get3A_10, %get3A_11] : memref<1024x256xf32, #tpu.memory_space<vmem>>, vector<1024x256xf32>
    %get3A_13 = arith.constant 0 : index
    %get3A_14 = arith.constant 0 : index
    %get3A_15 = vector.load %arg3[%get3A_13, %get3A_14] : memref<256x256xf32, #tpu.memory_space<vmem>>, vector<256x256xf32>
    %dot_general3A_16 = arith.constant dense<0.000000e+00> : vector<1024x256xf32>
    %dot_general3A_17 = tpu.matmul %get3A_12, %get3A_15, %dot_general3A_16 {dimension_numbers = #tpu.dot_dimension_numbers<[1], [0], [0], [1], [0, 0, 1, 1], [], []>, transpose_lhs_hint = false} : vector<1024x256xf32>, vector<256x256xf32>, vector<1024x256xf32> -> vector<1024x256xf32>
    %slice3A = vector.extract_strided_slice %add3A_9 {offsets = [0, 0], sizes = [1024, 128], strides = [1, 1]} : vector<1024x256xf32> to vector<1024x128xf32>
    %convert_element_type3A = arith.truncf %slice3A : vector<1024x128xf32> to vector<1024x128xbf16>
    %bitcast_convert_type3A = tpu.bitcast %convert_element_type3A : vector<1024x128xbf16> -> vector<1024x128xi16>
    %convert_element_type3A_18 = arith.extui %bitcast_convert_type3A : vector<1024x128xi16> to vector<1024x128xi32>
    %slice3A_19 = vector.extract_strided_slice %add3A_9 {offsets = [0, 128], sizes = [1024, 128], strides = [1, 1]} : vector<1024x256xf32> to vector<1024x128xf32>
    %convert_element_type3A_20 = arith.truncf %slice3A_19 : vector<1024x128xf32> to vector<1024x128xbf16>
    %bitcast_convert_type3A_21 = tpu.bitcast %convert_element_type3A_20 : vector<1024x128xbf16> -> vector<1024x128xi16>
    %convert_element_type3A_22 = arith.extui %bitcast_convert_type3A_21 : vector<1024x128xi16> to vector<1024x128xi32>
    %shift_left3A = arith.constant 16 : i32
    %shift_left3A_23 = vector.broadcast %shift_left3A : i32 to vector<1024x128xi32>
    %shift_left3A_24 = arith.shli %convert_element_type3A_22, %shift_left3A_23 : vector<1024x128xi32>
    %or3A = arith.ori %convert_element_type3A_18, %shift_left3A_24 : vector<1024x128xi32>
    %swap3A = arith.constant 0 : index
    %swap3A_25 = arith.constant 0 : index
    %swap3A_26 = vector.load %arg5[%swap3A, %swap3A_25] : memref<1024x128xi32, #tpu.memory_space<vmem>>, vector<1024x128xi32>
    tpu.vector_store %arg5[%swap3A, %swap3A_25], %or3A {strides = array<i32>} : memref<1024x128xi32, #tpu.memory_space<vmem>>, vector<1024x128xi32>,
    %slice3A_27 = vector.extract_strided_slice %dot_general3A_17 {offsets = [0, 0], sizes = [1024, 128], strides = [1, 1]} : vector<1024x256xf32> to vector<1024x128xf32>
    %convert_element_type3A_28 = arith.truncf %slice3A_27 : vector<1024x128xf32> to vector<1024x128xbf16>
    %bitcast_convert_type3A_29 = tpu.bitcast %convert_element_type3A_28 : vector<1024x128xbf16> -> vector<1024x128xi16>
    %convert_element_type3A_30 = arith.extui %bitcast_convert_type3A_29 : vector<1024x128xi16> to vector<1024x128xi32>
    %slice3A_31 = vector.extract_strided_slice %dot_general3A_17 {offsets = [0, 128], sizes = [1024, 128], strides = [1, 1]} : vector<1024x256xf32> to vector<1024x128xf32>
    %convert_element_type3A_32 = arith.truncf %slice3A_31 : vector<1024x128xf32> to vector<1024x128xbf16>
    %bitcast_convert_type3A_33 = tpu.bitcast %convert_element_type3A_32 : vector<1024x128xbf16> -> vector<1024x128xi16>
    %convert_element_type3A_34 = arith.extui %bitcast_convert_type3A_33 : vector<1024x128xi16> to vector<1024x128xi32>
    %shift_left3A_35 = arith.constant 16 : i32
    %shift_left3A_36 = vector.broadcast %shift_left3A_35 : i32 to vector<1024x128xi32>
    %shift_left3A_37 = arith.shli %convert_element_type3A_34, %shift_left3A_36 : vector<1024x128xi32>
    %or3A_38 = arith.ori %convert_element_type3A_30, %shift_left3A_37 : vector<1024x128xi32>
    %swap3A_39 = arith.constant 0 : index
    %swap3A_40 = arith.constant 0 : index
    %swap3A_41 = vector.load %arg6[%swap3A_39, %swap3A_40] : memref<1024x128xi32, #tpu.memory_space<vmem>>, vector<1024x128xi32>
    tpu.vector_store %arg6[%swap3A_39, %swap3A_40], %or3A_38 {strides = array<i32>} : memref<1024x128xi32, #tpu.memory_space<vmem>>, vector<1024x128xi32>,
    return
  }
  func.func @transform_0(%arg0: i32) -> (i32, i32) {
    %c0_i32 = arith.constant 0 : i32
    %c0_i32_0 = arith.constant 0 : i32
    return %arg0, %c0_i32 : i32, i32
  }
  func.func @transform_1(%arg0: i32) -> (i32, i32) {
    %c0_i32 = arith.constant 0 : i32
    %c0_i32_0 = arith.constant 0 : i32
    %c0_i32_1 = arith.constant 0 : i32
    return %c0_i32, %c0_i32_0 : i32, i32
  }
  func.func @transform_2(%arg0: i32) -> (i32, i32) {
    %c0_i32 = arith.constant 0 : i32
    %c0_i32_0 = arith.constant 0 : i32
    %c0_i32_1 = arith.constant 0 : i32
    return %c0_i32, %c0_i32_0 : i32, i32
  }
  func.func @transform_3(%arg0: i32) -> (i32, i32) {
    %c0_i32 = arith.constant 0 : i32
    %c0_i32_0 = arith.constant 0 : i32
    %c0_i32_1 = arith.constant 0 : i32
    return %c0_i32, %c0_i32_0 : i32, i32
  }
  func.func @transform_4(%arg0: i32) -> (i32, i32) {
    %c0_i32 = arith.constant 0 : i32
    %c0_i32_0 = arith.constant 0 : i32
    return %arg0, %c0_i32 : i32, i32
  }
  func.func @transform_5(%arg0: i32) -> (i32, i32) {
    %c0_i32 = arith.constant 0 : i32
    %c0_i32_0 = arith.constant 0 : i32
    return %arg0, %c0_i32 : i32, i32
  }
}

module attributes {stable_mosaic.version = 14 : i64} {
  func.func @_update_body(%arg0: i32, %arg1: memref<1024x256xf32, #tpu.memory_space<vmem>>, %arg2: memref<1024x128xf32, #tpu.memory_space<vmem>>, %arg3: memref<1024x128xf32, #tpu.memory_space<vmem>>, %arg4: memref<256x256xf32, #tpu.memory_space<vmem>>, %arg5: memref<128x256xf32, #tpu.memory_space<vmem>>, %arg6: memref<128x256xf32, #tpu.memory_space<vmem>>, %arg7: memref<1x256xf32, #tpu.memory_space<vmem>>, %arg8: memref<1x256xf32, #tpu.memory_space<vmem>>, %arg9: memref<1x256xf32, #tpu.memory_space<vmem>>, %arg10: memref<1x256xf32, #tpu.memory_space<vmem>>, %arg11: memref<1x256xf32, #tpu.memory_space<vmem>>, %arg12: memref<1024x256xf32, #tpu.memory_space<vmem>>) attributes {dimension_semantics = [#tpu.dimension_semantics<arbitrary>], iteration_bounds = array<i64: 10>, scalar_prefetch = 0 : i64, scratch_operands = 0 : i64, tpu.core_type = #tpu.core_type<tc>, window_params = [{transform_indices = @transform_0, window_bounds = array<i64: 1024, 256>}, {transform_indices = @transform_1, window_bounds = array<i64: 1024, 128>}, {transform_indices = @transform_2, window_bounds = array<i64: 1024, 128>}, {pipeline_mode = #tpu.pipeline_mode<synchronous>, transform_indices = @transform_3, window_bounds = array<i64: 256, 256>}, {pipeline_mode = #tpu.pipeline_mode<synchronous>, transform_indices = @transform_4, window_bounds = array<i64: 128, 256>}, {pipeline_mode = #tpu.pipeline_mode<synchronous>, transform_indices = @transform_5, window_bounds = array<i64: 128, 256>}, {pipeline_mode = #tpu.pipeline_mode<synchronous>, transform_indices = @transform_6, window_bounds = array<i64: 1, 256>}, {pipeline_mode = #tpu.pipeline_mode<synchronous>, transform_indices = @transform_7, window_bounds = array<i64: 1, 256>}, {pipeline_mode = #tpu.pipeline_mode<synchronous>, transform_indices = @transform_8, window_bounds = array<i64: 1, 256>}, {pipeline_mode = #tpu.pipeline_mode<synchronous>, transform_indices = @transform_9, window_bounds = array<i64: 1, 256>}, {pipeline_mode = #tpu.pipeline_mode<synchronous>, transform_indices = @transform_10, window_bounds = array<i64: 1, 256>}, {transform_indices = @transform_11, window_bounds = array<i64: 1024, 256>}]} {
    %get3A = arith.constant 0 : index
    %get3A_0 = arith.constant 0 : index
    %get3A_1 = vector.load %arg7[%get3A, %get3A_0] : memref<1x256xf32, #tpu.memory_space<vmem>>, vector<1x256xf32>
    %get3A_2 = arith.constant 0 : index
    %get3A_3 = arith.constant 0 : index
    %get3A_4 = vector.load %arg5[%get3A_2, %get3A_3] : memref<128x256xf32, #tpu.memory_space<vmem>>, vector<128x256xf32>
    %get3A_5 = arith.constant 0 : index
    %get3A_6 = arith.constant 0 : index
    %get3A_7 = vector.load %arg6[%get3A_5, %get3A_6] : memref<128x256xf32, #tpu.memory_space<vmem>>, vector<128x256xf32>
    %get3A_8 = arith.constant 0 : index
    %get3A_9 = arith.constant 0 : index
    %get3A_10 = vector.load %arg2[%get3A_8, %get3A_9] : memref<1024x128xf32, #tpu.memory_space<vmem>>, vector<1024x128xf32>
    %get3A_11 = arith.constant 0 : index
    %get3A_12 = arith.constant 0 : index
    %get3A_13 = vector.load %arg3[%get3A_11, %get3A_12] : memref<1024x128xf32, #tpu.memory_space<vmem>>, vector<1024x128xf32>
    %reduce_sum3A = arith.constant dense<0.000000e+00> : vector<1024xf32>
    %reduce_sum3A_14 = vector.multi_reduction <add>, %get3A_10, %reduce_sum3A [1] : vector<1024x128xf32> to vector<1024xf32>
    %broadcast_in_dim3A = vector.shape_cast %reduce_sum3A_14 : vector<1024xf32> to vector<1024x1xf32>
    %reduce_sum3A_15 = arith.constant dense<0.000000e+00> : vector<1024xf32>
    %reduce_sum3A_16 = vector.multi_reduction <add>, %get3A_13, %reduce_sum3A_15 [1] : vector<1024x128xf32> to vector<1024xf32>
    %broadcast_in_dim3A_17 = vector.shape_cast %reduce_sum3A_16 : vector<1024xf32> to vector<1024x1xf32>
    %add3A = arith.addf %broadcast_in_dim3A, %broadcast_in_dim3A_17 : vector<1024x1xf32>
    %mul3A = arith.constant 3.906250e-03 : f32
    %mul3A_18 = vector.broadcast %mul3A : f32 to vector<1024x1xf32>
    %mul3A_19 = arith.mulf %add3A, %mul3A_18 : vector<1024x1xf32>
    %get3A_20 = arith.constant 0 : index
    %get3A_21 = arith.constant 0 : index
    %get3A_22 = vector.load %arg1[%get3A_20, %get3A_21] : memref<1024x256xf32, #tpu.memory_space<vmem>>, vector<1024x256xf32>
    %get3A_23 = arith.constant 0 : index
    %get3A_24 = arith.constant 0 : index
    %get3A_25 = vector.load %arg4[%get3A_23, %get3A_24] : memref<256x256xf32, #tpu.memory_space<vmem>>, vector<256x256xf32>
    %dot_general3A = arith.constant dense<0.000000e+00> : vector<1024x256xf32>
    %dot_general3A_26 = tpu.matmul %get3A_22, %get3A_25, %dot_general3A {dimension_numbers = #tpu.dot_dimension_numbers<[1], [0], [0], [1], [0, 0, 1, 1], [], []>, transpose_lhs_hint = false} : vector<1024x256xf32>, vector<256x256xf32>, vector<1024x256xf32> -> vector<1024x256xf32>
    %sub3A = vector.broadcast %mul3A_19 : vector<1024x1xf32> to vector<1024x128xf32>
    %sub3A_27 = arith.subf %get3A_10, %sub3A : vector<1024x128xf32>
    %slice3A = vector.extract_strided_slice %get3A_1 {offsets = [0, 0], sizes = [1, 128], strides = [1, 1]} : vector<1x256xf32> to vector<1x128xf32>
    %squeeze3A = vector.shape_cast %slice3A : vector<1x128xf32> to vector<128xf32>
    %broadcast_in_dim3A_28 = vector.shape_cast %squeeze3A : vector<128xf32> to vector<1x128xf32>
    %mul3A_29 = vector.broadcast %broadcast_in_dim3A_28 : vector<1x128xf32> to vector<1024x128xf32>
    %mul3A_30 = arith.mulf %sub3A_27, %mul3A_29 : vector<1024x128xf32>
    %dot_general3A_31 = arith.constant dense<0.000000e+00> : vector<1024x256xf32>
    %dot_general3A_32 = tpu.matmul %mul3A_30, %get3A_4, %dot_general3A_31 {dimension_numbers = #tpu.dot_dimension_numbers<[1], [0], [0], [1], [0, 0, 1, 1], [], []>, transpose_lhs_hint = false} : vector<1024x128xf32>, vector<128x256xf32>, vector<1024x256xf32> -> vector<1024x256xf32>
    %add3A_33 = arith.addf %dot_general3A_26, %dot_general3A_32 : vector<1024x256xf32>
    %sub3A_34 = vector.broadcast %mul3A_19 : vector<1024x1xf32> to vector<1024x128xf32>
    %sub3A_35 = arith.subf %get3A_13, %sub3A_34 : vector<1024x128xf32>
    %slice3A_36 = vector.extract_strided_slice %get3A_1 {offsets = [0, 128], sizes = [1, 128], strides = [1, 1]} : vector<1x256xf32> to vector<1x128xf32>
    %squeeze3A_37 = vector.shape_cast %slice3A_36 : vector<1x128xf32> to vector<128xf32>
    %broadcast_in_dim3A_38 = vector.shape_cast %squeeze3A_37 : vector<128xf32> to vector<1x128xf32>
    %mul3A_39 = vector.broadcast %broadcast_in_dim3A_38 : vector<1x128xf32> to vector<1024x128xf32>
    %mul3A_40 = arith.mulf %sub3A_35, %mul3A_39 : vector<1024x128xf32>
    %dot_general3A_41 = arith.constant dense<0.000000e+00> : vector<1024x256xf32>
    %dot_general3A_42 = tpu.matmul %mul3A_40, %get3A_7, %dot_general3A_41 {dimension_numbers = #tpu.dot_dimension_numbers<[1], [0], [0], [1], [0, 0, 1, 1], [], []>, transpose_lhs_hint = false} : vector<1024x128xf32>, vector<128x256xf32>, vector<1024x256xf32> -> vector<1024x256xf32>
    %add3A_43 = arith.addf %add3A_33, %dot_general3A_42 : vector<1024x256xf32>
    %get3A_44 = arith.constant 0 : index
    %get3A_45 = arith.constant 0 : index
    %get3A_46 = vector.load %arg8[%get3A_44, %get3A_45] : memref<1x256xf32, #tpu.memory_space<vmem>>, vector<1x256xf32>
    %slice3A_47 = vector.extract_strided_slice %get3A_46 {offsets = [0, 0], sizes = [1, 128], strides = [1, 1]} : vector<1x256xf32> to vector<1x128xf32>
    %dot_general3A_48 = arith.constant dense<0.000000e+00> : vector<1x256xf32>
    %dot_general3A_49 = tpu.matmul %slice3A_47, %get3A_4, %dot_general3A_48 {dimension_numbers = #tpu.dot_dimension_numbers<[1], [0], [0], [1], [0, 0, 1, 1], [], []>, transpose_lhs_hint = false} : vector<1x128xf32>, vector<128x256xf32>, vector<1x256xf32> -> vector<1x256xf32>
    %slice3A_50 = vector.extract_strided_slice %get3A_46 {offsets = [0, 128], sizes = [1, 128], strides = [1, 1]} : vector<1x256xf32> to vector<1x128xf32>
    %dot_general3A_51 = arith.constant dense<0.000000e+00> : vector<1x256xf32>
    %dot_general3A_52 = tpu.matmul %slice3A_50, %get3A_7, %dot_general3A_51 {dimension_numbers = #tpu.dot_dimension_numbers<[1], [0], [0], [1], [0, 0, 1, 1], [], []>, transpose_lhs_hint = false} : vector<1x128xf32>, vector<128x256xf32>, vector<1x256xf32> -> vector<1x256xf32>
    %add3A_53 = arith.addf %dot_general3A_49, %dot_general3A_52 : vector<1x256xf32>
    %get3A_54 = arith.constant 0 : index
    %get3A_55 = arith.constant 0 : index
    %get3A_56 = vector.load %arg9[%get3A_54, %get3A_55] : memref<1x256xf32, #tpu.memory_space<vmem>>, vector<1x256xf32>
    %add3A_57 = vector.broadcast %get3A_56 : vector<1x256xf32> to vector<1024x256xf32>
    %add3A_58 = arith.addf %add3A_43, %add3A_57 : vector<1024x256xf32>
    %mul3A_59 = vector.broadcast %mul3A_19 : vector<1024x1xf32> to vector<1024x256xf32>
    %mul3A_60 = vector.broadcast %add3A_53 : vector<1x256xf32> to vector<1024x256xf32>
    %mul3A_61 = arith.mulf %mul3A_59, %mul3A_60 : vector<1024x256xf32>
    %add3A_62 = arith.addf %add3A_58, %mul3A_61 : vector<1024x256xf32>
    %reduce_sum3A_63 = arith.constant dense<0.000000e+00> : vector<1024xf32>
    %reduce_sum3A_64 = vector.multi_reduction <add>, %add3A_62, %reduce_sum3A_63 [1] : vector<1024x256xf32> to vector<1024xf32>
    %broadcast_in_dim3A_65 = vector.shape_cast %reduce_sum3A_64 : vector<1024xf32> to vector<1024x1xf32>
    %div3A = arith.constant 2.560000e+02 : f32
    %div3A_66 = vector.broadcast %div3A : f32 to vector<1024x1xf32>
    %div3A_67 = arith.divf %broadcast_in_dim3A_65, %div3A_66 : vector<1024x1xf32>
    %sub3A_68 = vector.broadcast %div3A_67 : vector<1024x1xf32> to vector<1024x256xf32>
    %sub3A_69 = arith.subf %add3A_62, %sub3A_68 : vector<1024x256xf32>
    %integer_pow3A = arith.mulf %sub3A_69, %sub3A_69 : vector<1024x256xf32>
    %reduce_sum3A_70 = arith.constant dense<0.000000e+00> : vector<1024xf32>
    %reduce_sum3A_71 = vector.multi_reduction <add>, %integer_pow3A, %reduce_sum3A_70 [1] : vector<1024x256xf32> to vector<1024xf32>
    %broadcast_in_dim3A_72 = vector.shape_cast %reduce_sum3A_71 : vector<1024xf32> to vector<1024x1xf32>
    %div3A_73 = arith.constant 2.560000e+02 : f32
    %div3A_74 = vector.broadcast %div3A_73 : f32 to vector<1024x1xf32>
    %div3A_75 = arith.divf %broadcast_in_dim3A_72, %div3A_74 : vector<1024x1xf32>
    %sub3A_76 = vector.broadcast %div3A_67 : vector<1024x1xf32> to vector<1024x256xf32>
    %sub3A_77 = arith.subf %add3A_62, %sub3A_76 : vector<1024x256xf32>
    %add3A_78 = arith.constant 9.99999974E-6 : f32
    %add3A_79 = vector.broadcast %add3A_78 : f32 to vector<1024x1xf32>
    %add3A_80 = arith.addf %div3A_75, %add3A_79 : vector<1024x1xf32>
    %rsqrt3A = math.rsqrt %add3A_80 : vector<1024x1xf32>
    %mul3A_81 = vector.broadcast %rsqrt3A : vector<1024x1xf32> to vector<1024x256xf32>
    %mul3A_82 = arith.mulf %sub3A_77, %mul3A_81 : vector<1024x256xf32>
    %get3A_83 = arith.constant 0 : index
    %get3A_84 = arith.constant 0 : index
    %get3A_85 = vector.load %arg10[%get3A_83, %get3A_84] : memref<1x256xf32, #tpu.memory_space<vmem>>, vector<1x256xf32>
    %mul3A_86 = vector.broadcast %get3A_85 : vector<1x256xf32> to vector<1024x256xf32>
    %mul3A_87 = arith.mulf %mul3A_82, %mul3A_86 : vector<1024x256xf32>
    %get3A_88 = arith.constant 0 : index
    %get3A_89 = arith.constant 0 : index
    %get3A_90 = vector.load %arg11[%get3A_88, %get3A_89] : memref<1x256xf32, #tpu.memory_space<vmem>>, vector<1x256xf32>
    %add3A_91 = vector.broadcast %get3A_90 : vector<1x256xf32> to vector<1024x256xf32>
    %add3A_92 = arith.addf %mul3A_87, %add3A_91 : vector<1024x256xf32>
    %swap3A = arith.constant 0 : index
    %swap3A_93 = arith.constant 0 : index
    %swap3A_94 = vector.load %arg12[%swap3A, %swap3A_93] : memref<1024x256xf32, #tpu.memory_space<vmem>>, vector<1024x256xf32>
    tpu.vector_store %arg12[%swap3A, %swap3A_93], %add3A_92 {strides = array<i32>} : memref<1024x256xf32, #tpu.memory_space<vmem>>, vector<1024x256xf32>,
    return
  }
  func.func @transform_0(%arg0: i32) -> (i32, i32) {
    %c0_i32 = arith.constant 0 : i32
    %c0_i32_0 = arith.constant 0 : i32
    return %arg0, %c0_i32 : i32, i32
  }
  func.func @transform_1(%arg0: i32) -> (i32, i32) {
    %c0_i32 = arith.constant 0 : i32
    %c0_i32_0 = arith.constant 0 : i32
    return %arg0, %c0_i32 : i32, i32
  }
  func.func @transform_2(%arg0: i32) -> (i32, i32) {
    %add3A = arith.constant 10 : i32
    %add3A_0 = arith.addi %arg0, %add3A : i32
    %c0_i32 = arith.constant 0 : i32
    %c0_i32_1 = arith.constant 0 : i32
    return %add3A_0, %c0_i32 : i32, i32
  }
  func.func @transform_3(%arg0: i32) -> (i32, i32) {
    %c0_i32 = arith.constant 0 : i32
    %c0_i32_0 = arith.constant 0 : i32
    %c0_i32_1 = arith.constant 0 : i32
    return %c0_i32, %c0_i32_0 : i32, i32
  }
  func.func @transform_4(%arg0: i32) -> (i32, i32) {
    %c0_i32 = arith.constant 0 : i32
    %c0_i32_0 = arith.constant 0 : i32
    %c0_i32_1 = arith.constant 0 : i32
    return %c0_i32, %c0_i32_0 : i32, i32
  }
  func.func @transform_5(%arg0: i32) -> (i32, i32) {
    %c0_i32 = arith.constant 0 : i32
    %c0_i32_0 = arith.constant 0 : i32
    %c0_i32_1 = arith.constant 0 : i32
    return %c0_i32, %c0_i32_0 : i32, i32
  }
  func.func @transform_6(%arg0: i32) -> (i32, i32) {
    %c0_i32 = arith.constant 0 : i32
    %c0_i32_0 = arith.constant 0 : i32
    %c0_i32_1 = arith.constant 0 : i32
    return %c0_i32, %c0_i32_0 : i32, i32
  }
  func.func @transform_7(%arg0: i32) -> (i32, i32) {
    %c0_i32 = arith.constant 0 : i32
    %c0_i32_0 = arith.constant 0 : i32
    %c0_i32_1 = arith.constant 0 : i32
    return %c0_i32, %c0_i32_0 : i32, i32
  }
  func.func @transform_8(%arg0: i32) -> (i32, i32) {
    %c0_i32 = arith.constant 0 : i32
    %c0_i32_0 = arith.constant 0 : i32
    %c0_i32_1 = arith.constant 0 : i32
    return %c0_i32, %c0_i32_0 : i32, i32
  }
  func.func @transform_9(%arg0: i32) -> (i32, i32) {
    %c0_i32 = arith.constant 0 : i32
    %c0_i32_0 = arith.constant 0 : i32
    %c0_i32_1 = arith.constant 0 : i32
    return %c0_i32, %c0_i32_0 : i32, i32
  }
  func.func @transform_10(%arg0: i32) -> (i32, i32) {
    %c0_i32 = arith.constant 0 : i32
    %c0_i32_0 = arith.constant 0 : i32
    %c0_i32_1 = arith.constant 0 : i32
    return %c0_i32, %c0_i32_0 : i32, i32
  }
  func.func @transform_11(%arg0: i32) -> (i32, i32) {
    %c0_i32 = arith.constant 0 : i32
    %c0_i32_0 = arith.constant 0 : i32
    return %arg0, %c0_i32 : i32, i32
  }
}

</mosaic_0001>

<sc_bundles>
// kernel: kernel.6.cloned.1.call-start
scs
__scs_entry_jumppad:
0x0: {  	(pc) =	sbr.rel $0x88, $3  }
0x1: {  	(tag) =	ssettag $0x0;
	lr =	simm.s32 $0x1  }
0x2: {  	[smem:$0x3F96] =	sst lr;
	_ =	strace $0xD0000000  }
0x3: {  	_ = 	snop  }
0x4: {  	_ = 	snop  }
0x5: {  	_ = 	snop  }
0x6: {  	_ = 	snop  }
0x7: {  	_ = 	snop  }
__scs_overlays_trampoline_lowered:
0x8: {  	[smem:$0x3FA5] =	sst s0  }
0x9: {  	[smem:$0x3FA6] =	sst s1  }
0xa: {  	[smem:$0x3FA7] =	sst s2  }
0xb: {  	[smem:$0x3FA8] =	sst s3  }
0xc: {  	[smem:$0x3FA9] =	sst s4  }
0xd: {  	[smem:$0x3FAA] =	sst s5  }
0xe: {  	[smem:$0x3FAB] =	sst s6  }
0xf: {  	[smem:$0x3FAC] =	sst s7  }
0x10: {  	[smem:$0x3FAD] =	sst s8  }
0x11: {  	[smem:$0x3FAE] =	sst s9;
	s0 =	simm.s32 @!p0 $0x0  }
0x12: {  	s1 =	sld [smem:$0x3F94];
	s0 =	simm.s32 @p0 $0x1  }
0x13: {  	[smem:$0x3FAF] =	sst s0;
	s0 =	simm.s32 @!p1 $0x0  }
0x14: {  	s2 =	sld [smem:$0x3F93];
	s0 =	simm.s32 @p1 $0x1  }
0x15: {  	[smem:$0x3FB0] =	sst s0;
	s0 =	simm.s32 @!p2 $0x0  }
0x16: {  	s3 =	sld [smem:$0x3FDB];
	s0 =	simm.s32 @p2 $0x1  }
0x17: {  	s4 =	simm.s32 $0x1BF5;
	[smem:$0x3FB2] =	sst s0  }
0x18: {  	s0 =	sld [smem:$0x3F95];
	_ =	swait.ge [sflag:s4], $0x0  }
0x19: {  	s7 =	sld [smem:$0x3F96]  }
0x1a: {  	s8 =	sadd.s32 $0xFFFFE003, lr  }
0x1b: {  	s9 =	sadd.s32 $0xFFFFFEF7, lr;
	s5 =	simm.s32 $0xFFFFFFFF;
	p2 =	slt.u32 s8, $0xFFFFF086  }
0x1c: {  	p1 =	slt.u32 s9, $0xF7A;
	s5 =	simm.s32 @!p2 $0x0  }
0x1d: {  	s5 =	simm.s32 @p1 $0x1;
	p0 =	seq.s32 s7, s2  }
0x1e: {  	s7 =	smul.u32 @!p0 $0xF7A, s2;
	p2 =	seq.s32 @!p0 s5, $0x0  }
0x1f: {  	s9 =	smul.u32 $0xF7A, s1;
	s8 =	simm.s32 @!p0 $0x1BF5;
	p2 =	por !p2, p0  }
0x20: {  	[sflag:s8] =	ssyncset.s32 @!p0 $0xFFFFF086;
	s6 =	sadd.s32 @!p0 s3, s7;
	s7 =	simm.s32 @!p0 $0x108  }
0x21: {  	s3 =	sadd.s32 s3, s9;
	s6 =	sadd.s32 @!p0 $0x88, s6;
	s7 =	simm.s32 @p2 $0x1082  }
0x22: {  	[simem:s7], [sflag:s8] =	dma.local @!p0 [hbm:s6], $0xF7A  }
0x23: {  	s9 =	sor.u32 $0xD0000000, s2;
	s6 =	simm.s32 $0x108;
	_ =	swait.ge @!p0 [sflag:s8], $0x0  }
0x24: {  	s3 =	sadd.s32 $0x88, s3;
	s6 =	simm.s32 @!p1 $0x1082;
	[sflag:s4] =	ssyncset.s32 $0xFFFFF086  }
0x25: {  	[simem:s6], [sflag:s4] =	dma.local [hbm:s3], $0xF7A  }
0x26: {  	[smem:$0x3F96] =	sst s1;
	(tag) =	ssettag s2;
	_ =	strace s9  }
0x27: {  	s1 =	sld [smem:$0x3FA6]  }
0x28: {  	s2 =	sld [smem:$0x3FA7]  }
0x29: {  	s4 =	sld [smem:$0x3FA9]  }
0x2a: {  	p0 =	seq.s32 s5, $0x0;
	s5 =	sld [smem:$0x3FAA]  }
0x2b: {  	s6 =	sld [smem:$0x3FAB]  }
0x2c: {  	s7 =	sld [smem:$0x3FAC]  }
0x2d: {  	s3 =	simm.s32 $0x108;
	s8 =	sld [smem:$0x3FAD]  }
0x2e: {  	s3 =	simm.s32 @!p0 $0x1082;
	s9 =	sld [smem:$0x3FAE]  }
0x2f: {  	lr =	sadd.s32 s0, s3;
	s0 =	sld [smem:$0x3FA5]  }
0x30: {  	s3 =	sld [smem:$0x3FA8]  }
0x31: {  	[smem:$0x3FB1] =	sst s10  }
0x32: {  	s10 =	sld [smem:$0x3FAF];
	_ =	sdelay $0x3  }
0x33: {  	p0 =	seq.s32 s10, $0x1;
	s10 =	sld [smem:$0x3FB1];
	_ =	sdelay $0x3  }
0x34: {  	[smem:$0x3FB1] =	sst s10  }
0x35: {  	s10 =	sld [smem:$0x3FB0];
	_ =	sdelay $0x3  }
0x36: {  	p1 =	seq.s32 s10, $0x1;
	s10 =	sld [smem:$0x3FB1];
	_ =	sdelay $0x3  }
0x37: {  	[smem:$0x3FB1] =	sst s10  }
0x38: {  	s10 =	sld [smem:$0x3FB2]  }
0x39: {  	_ = 	snop;
	(pc) =	sbr.ind lr, $3  }
0x3a: {  	_ = 	snop  }
0x3b: {  	_ = 	snop  }
0x3c: {  	p2 =	seq.s32 s10, $0x1;
	s10 =	sld [smem:$0x3FB1]  }
0x3d: {  	_ =	shalt  }
0x3e: {  	_ =	shalt  }
0x3f: {  	_ =	shalt  }
0x40: {  	_ =	shalt  }
0x41: {  	_ =	shalt  }
0x42: {  	_ =	shalt  }
0x43: {  	_ =	shalt  }
0x44: {  	_ =	shalt  }
0x45: {  	_ =	shalt  }
0x46: {  	_ =	shalt  }
0x47: {  	_ =	shalt  }
0x48: {  	_ =	shalt  }
0x49: {  	_ =	shalt  }
0x4a: {  	_ =	shalt  }
0x4b: {  	_ =	shalt  }
0x4c: {  	_ =	shalt  }
0x4d: {  	_ =	shalt  }
0x4e: {  	_ =	shalt  }
0x4f: {  	_ =	shalt  }
0x50: {  	_ =	shalt  }
0x51: {  	_ =	shalt  }
0x52: {  	_ =	shalt  }
0x53: {  	_ =	shalt  }
0x54: {  	_ =	shalt  }
0x55: {  	_ =	shalt  }
0x56: {  	_ =	shalt  }
0x57: {  	_ =	shalt  }
0x58: {  	_ =	shalt  }
0x59: {  	_ =	shalt  }
0x5a: {  	_ =	shalt  }
0x5b: {  	_ =	shalt  }
0x5c: {  	_ =	shalt  }
0x5d: {  	_ =	shalt  }
0x5e: {  	_ =	shalt  }
0x5f: {  	_ =	shalt  }
0x60: {  	_ =	shalt  }
0x61: {  	_ =	shalt  }
0x62: {  	_ =	shalt  }
0x63: {  	_ =	shalt  }
0x64: {  	_ =	shalt  }
0x65: {  	_ =	shalt  }
0x66: {  	_ =	shalt  }
0x67: {  	_ =	shalt  }
0x68: {  	_ =	shalt  }
0x69: {  	_ =	shalt  }
0x6a: {  	_ =	shalt  }
0x6b: {  	_ =	shalt  }
0x6c: {  	_ =	shalt  }
0x6d: {  	_ =	shalt  }
0x6e: {  	_ =	shalt  }
0x6f: {  	_ =	shalt  }
0x70: {  	_ =	shalt  }
0x71: {  	_ =	shalt  }
0x72: {  	_ =	shalt  }
0x73: {  	_ =	shalt  }
0x74: {  	_ =	shalt  }
0x75: {  	_ =	shalt  }
0x76: {  	_ =	shalt  }
0x77: {  	_ =	shalt  }
0x78: {  	_ =	shalt  }
0x79: {  	_ =	shalt  }
0x7a: {  	_ =	shalt  }
0x7b: {  	_ =	shalt  }
0x7c: {  	_ =	shalt  }
0x7d: {  	_ =	shalt  }
0x7e: {  	_ =	shalt  }
0x7f: {  	_ =	shalt  }
0x80: {  	_ =	shalt  }
0x81: {  	_ =	shalt  }
0x82: {  	_ =	shalt  }
0x83: {  	_ =	shalt  }
0x84: {  	_ =	shalt  }
0x85: {  	_ =	shalt  }
0x86: {  	_ =	shalt  }
0x87: {  	_ =	shalt  }
.Lfunc_end0:
.L_simem_size_0:
called_computation_lowered:
.L_overlay_start_0:
0x88: {  	s2 =	sld [smem:$0x3FD9]  }
0x89: {  	s3 =	sld [smem:$0x3FFE];
	_ =	sdelay $0x1  }
0x8a: {  	s1 =	srdreg.scid  }
0x8b: {  	s0 =	sand.u32 $0x1, s1  }
0x8c: {  	s17 =	sshll.u32 s0, $0xA;
	s2 =	sadd.s32 s3, s2  }
0x8d: {  	s2 =	sadd.s32 s2, s17  }
0x8e: {  	[smem:$0x3FBD] =	sst s2  }
0x8f: {  	_ = 	snop  }
0x90: {  	s2 =	sld [smem:$0x3FD0];
	(tm) =	ssettm $0x1  }
0x91: {  	s18 =	sld [smem:$0x3FFB];
	_ =	sdelay $0x3  }
0x92: {  	_ =	strace s18  }
0x93: {  	s3 =	sld [smem:$0x3FFC];
	_ =	sdelay $0x3  }
0x94: {  	_ =	strace s3  }
0x95: {  	s3 =	sld [smem:$0x3FFD];
	_ =	sdelay $0x3  }
0x96: {  	_ =	strace s3  }
0x97: {  	_ =	strace $0x8FFFFFFF  }
0x98: {  	s19 =	sld [smem:$0x3FDB];
	_ =	sdelay $0x1  }
0x99: {  	s4 =	simm.s32 $_scs_section_size  }
0x9a: {  	s5 =	simm.s32 $_size__tile_overlayer_lowered;
	s6 =	simm.s32 $_tile_overlayer_lowered  }
0x9b: {  	s22 =	simm.s32 $0x1BFF;
	s21 =	sshll.u32 s6, $0x1;
	s3 =	sadd.s32 s4, s19  }
0x9c: {  	s7 =	simm.s32 $0x0;
	s20 =	sshll.u32 s5, $0x1;
	s5 =	sadd.s32 s21, s3  }
0x9d: {  	[timem:s7], [sflag:s22] =	dma.local [hbm:s5], s20  }
0x9e: {  	_ =	swait.ge [sflag:s22], s20  }
0x9f: {  	s4 =	ssub.s32 $0x0, s20;
	[sflag:s22] =	ssyncset.done $0x0  }
0xa0: {  	[sflag:s22] =	ssyncadd.s32 s4;
	_ =	sdelay $0x1  }
0xa1: {  	s23 =	simm.s32 $0x1B8B  }
0xa2: {  	_ =	swait.ge [sflag:s23], $0x1  }
0xa3: {  	[sflag:s23] =	ssyncset.done $0x0  }
0xa4: {  	s25 =	simm.s32 $0x1B8E;
	s24 =	sld [smem:$0x3FFE];
	[sflag:s23] =	ssyncadd.s32 $0xFFFFFFFF  }
0xa5: {  	s26 =	simm.s32 $execute0_lowered;
	[smem:$0x3FD2] =	sst s25  }
0xa6: {  	s5 =	sshll.u32 s26, $0x1;
	_ =	strace $0x80000046;
	[dreg:$0x1] =	wrdreg $0xFFFFFFFF  }
0xa7: {  	s28 =	simm.s32 $_size_execute0_lowered;
	s3 =	sadd.s32 s3, s5;
	[dreg:$0x0] =	wrdreg $0x0  }
0xa8: {  	s5 =	sshll.u32 s28, $0x1;
	[dreg:$0x2] =	wrdreg s3  }
0xa9: {  	[dreg:$0x3] =	wrdreg s5  }
0xaa: {  	[dreg:$0x4] =	wrdreg $0xC0  }
0xab: {  	_ =	task [dreg:s7], $0x5FFFF  }
0xac: {  	[dreg:$0x1] =	wrdreg $0xFFFFFFFF  }
0xad: {  	[dreg:$0x0] =	wrdreg $0x60  }
0xae: {  	[dreg:$0x2] =	wrdreg s2  }
0xaf: {  	[dreg:$0x3] =	wrdreg s24  }
0xb0: {  	[dreg:$0x4] =	wrdreg $0x9  }
0xb1: {  	_ =	task.clear_ibuf [dreg:s7], $0x5FFFF;
	_ =	strace $0x90000046  }
0xb2: {  	s29 =	simm.s32 $0x9;
	_ =	strace $0x80000048  }
0xb3: {  	_ =	swait.ge [sflag:s29], $0x1  }
0xb4: {  	[sflag:s29] =	ssyncadd.s32 $0xFFFFFFFF  }
0xb5: {  	_ =	strace $0x90000048  }
0xb6: {  	_ =	sfence  }
0xb7: {  	s30 =	sld [smem:$0x0];
	_ =	sdelay $0x2  }
0xb8: {  	s31 =	sshll.u32 s1, $0xD;
	s1 =	sshrl.u32 s1, $0x2  }
0xb9: {  	s3 =	sand.u32 $0x4000, s31;
	s1 =	sadd.s32 s1, s30  }
0xba: {  	s0 =	sor.u32 s3, s0;
	s1 =	sshll.u32 s1, $0x11  }
0xbb: {  	s0 =	sor.u32 s1, s0  }
0xbc: {  	s0 =	sadd.s32 $0x8F2B, s0  }
0xbd: {  	[sflag:s0] =	ssyncadd.remote.s32 $0x1  }
0xbe: {  	_ =	sfence.sel $0xFFFF  }
0xbf: {  	[dreg:$0x0] =	wrdreg $0xFFFFFFFF;
	(pc) =	sbr.abs _section_cstart, $3  }
0xc0: {  	[dreg:$0x1] =	wrdreg $0xFFFFFFFF  }
0xc1: {  	_ =	task.clear_ibuf [dreg:s7], $0x2FFFF;
	_ =	strace $0x9FFFFFFF  }
0xc2: {  	(tm) =	ssettm $0x7FFFFFFF  }
0xc3: {  	_ =	shalt  }
tec
execute0_lowered:
.L_overlay_start_1:
0x0: {  	(tag) =	ssettag $0x1  }
0x1: {  	s1 =	rddreg [dreg:$0x0]  }
0x2: {  	s0 =	rddreg [dreg:$0x1];
	s3 =	simm.s32 $0x0  }
0x3: {  	s10 =	stileid.u32;
	s6 =	srdreg.scid;
	s18 =	simm.s32 $0x1  }
0x4: {  	s19 =	simm.s32 $0x3;
	s20 =	simm.s32 $0xB600;
	s21 =	simm.s32 $0xF600  }
0x5: {  	s22 =	simm.s32 $0x2;
	s23 =	simm.s32 $0x4;
	s24 =	simm.s32 $0xD600  }
0x6: {  	s25 =	simm.s32 $0x11600;
	s29 =	simm.s32 $0x0;
	[smem:$0x7FF] =	sst s3  }
0x7: {  	s4 =	sadd.s32 $0x5C800, s0;
	s2 =	sadd.s32 $0x52800, s0;
	s7 =	smul.u32 $0xD00, s10  }
0x8: {  	s8 =	sadd.s32 $0x57800, s0;
	s5 =	sadd.s32 $0x84800, s0;
	s26 =	sand.u32 $0x1, s6  }
0x9: {  	s10 =	smul.u32 $0x1B00, s10;
	_ =	strace $0x80000047;
	s6 =	sadd.s32 $0x1B000, s7  }
0xa: {  	s9 =	ssub.s32 $0x2, s26;
	p0 =	seq.s32 s26, $0x0;
	s11 =	sshrl.u32 s6, $0x3  }
0xb: {  	s28 =	sshrl.u32 s9, $0x1;
	s6 =	smov.u32 @p0 s10;
	s12 =	sadd.s32 s2, s11  }
0xc: {  	s10 =	sshrl.u32 s10, $0x3;
	s11 =	sadd.s32 s8, s11;
	[dreg:$0x3] =	wrdreg s12  }
0xd: {  	s7 =	simm.s32 $0x6C;
	s2 =	sadd.s32 s2, s10;
	[dreg:$0x4] =	wrdreg s11  }
0xe: {  	s9 =	ssub.s32 s9, s28;
	s30 =	sadd.s32 s8, s10;
	[dreg:$0x5] =	wrdreg s2  }
0xf: {  	s7 =	simm.s32 @!p0 $0x34;
	s31 =	smax.u32 s9, $0x1;
	[dreg:$0x6] =	wrdreg s30  }
0x10: {  	p0 =	sne.s32 s26, $0x0;
	s12 =	sshrl.u32 s7, $0x1;
	[dreg:$0x7] =	wrdreg s31  }
.LBB2_1:
0x11: {  	s0 =	simm.s32 @p0 $0x0;
	s2 =	rddreg [dreg:$0x3]  }
0x12: {  	[tilespmem:s0], [sflag:$0x7] =	stream.linear.gather @p0 [hbm4b:s2+s0], $0xD00, $0x38;
	[tilespmem:$0x13600] =	vst v63  }
0x13: {  	s2 =	simm.s32 @p0 $0x7  }
0x14: {  	_ =	swait.ge @p0 [sflag:s2], $0xD00  }
0x15: {  	[sflag:s2] =	ssyncset.done @p0 $0x0  }
0x16: {  	s8 =	simm.s32 @p0 $0x1B00;
	s9 =	rddreg [dreg:$0x4];
	[sflag:s2] =	ssyncadd.s32 @p0 $0xFFFFF300  }
0x17: {  	[tilespmem:s8], [sflag:$0x7] =	stream.linear.gather @p0 [hbm4b:s9+s0], $0xD00, $0x38;
	[tilespmem:$0x13600] =	vst v63  }
0x18: {  	_ =	swait.ge @p0 [sflag:s2], $0xD00  }
0x19: {  	[sflag:s2] =	ssyncset.done @p0 $0x0  }
0x1a: {  	s0 =	simm.s32 @!p0 $0x0;
	[sflag:s2] =	ssyncadd.s32 @p0 $0xFFFFF300;
	s2 =	rddreg [dreg:$0x5]  }
0x1b: {  	[tilespmem:s0], [sflag:$0x7] =	stream.linear.gather @!p0 [hbm4b:s2+s0], $0x1B00, $0x38;
	[tilespmem:$0x13600] =	vst v63  }
0x1c: {  	s2 =	simm.s32 @!p0 $0x7  }
0x1d: {  	_ =	swait.ge @!p0 [sflag:s2], $0x1B00  }
0x1e: {  	[sflag:s2] =	ssyncset.done @!p0 $0x0  }
0x1f: {  	s8 =	simm.s32 @!p0 $0x1B00;
	s9 =	rddreg [dreg:$0x6];
	[sflag:s2] =	ssyncadd.s32 @!p0 $0xFFFFE500  }
0x20: {  	[tilespmem:s8], [sflag:$0x7] =	stream.linear.gather @!p0 [hbm4b:s9+s0], $0x1B00, $0x38;
	[tilespmem:$0x13600] =	vst v63  }
0x21: {  	_ =	swait.ge @!p0 [sflag:s2], $0x1B00  }
0x22: {  	[sflag:s2] =	ssyncset.done @!p0 $0x0  }
0x23: {  	s17 =	simm.s32 $0x40;
	s26 =	simm.s32 $0x3600;
	[sflag:s2] =	ssyncadd.s32 @!p0 $0xFFFFE500  }
0x24: {  	[tilespmem:s26], [sflag:$0x1] =	stream.indirect.gather [hbm4b:s1+s17], $0x80, s3, s17, $0xb8;
	[tilespmem:$0x13600] =	vst v63  }
0x25: {  	s28 =	simm.s32 $0x1B00;
	s31 =	simm.s32 $0x7600;
	s30 =	simm.s32 $0x0  }
0x26: {  	[tilespmem:s31], [sflag:$0x3] =	stream.indirect.gather [hbm4b:s4+s17], $0x80, s28, s17, $0xb8;
	[tilespmem:$0x13600] =	vst v63  }
.LBB2_2:
0x27: {  	_ =	swait.ge [sflag:s18], $0x2000  }
0x28: {  	[sflag:s18] =	ssyncset.done $0x0  }
0x29: {  	s31 =	sshllo.u32 s30, $0x1;
	[sflag:s18] =	ssyncadd.s32 $0xFFFFE000  }
0x2a: {  	p1 =	sge.u32 s31, s7;
	_ =	swait.ge [sflag:s19], $0x2000  }
0x2b: {  	s0 =	sshll.u32 @!p1 s31, $0x6;
	[sflag:s19] =	ssyncset.done $0x0  }
0x2c: {  	s2 =	simm.s32 @!p1 $0x40;
	s8 =	simm.s32 @!p1 $0x5600;
	[sflag:s19] =	ssyncadd.s32 $0xFFFFE000  }
0x2d: {  	[tilespmem:s8], [sflag:$0x2] =	stream.indirect.gather @!p1 [hbm4b:s1+s2], $0x80, s0, s2, $0xb8;
	[tilespmem:$0x13600] =	vst v63  }
0x2e: {  	s0 =	sadd.s32 @!p1 $0x1B00, s0;
	s8 =	simm.s32 @!p1 $0x9600  }
0x2f: {  	[tilespmem:s8], [sflag:$0x4] =	stream.indirect.gather @!p1 [hbm4b:s4+s2], $0x80, s0, s2, $0xb8;
	[tilespmem:$0x13600] =	vst v63  }
0x30: {  	p1 =	seq.s32 s30, $0x0  }
0x31: {  	s0 =	simm.s32 @!p1 $0x5  }
0x32: {  	_ =	swait.ge @!p1 [sflag:s0], $0x2000  }
0x33: {  	[sflag:s0] =	ssyncset.done @!p1 $0x0  }
0x34: {  	[sflag:s0] =	ssyncadd.s32 @!p1 $0xFFFFE000  }
0x35: {  	_ =	swait.ge @!p1 [sflag:s0], $0x2000  }
0x36: {  	[sflag:s0] =	ssyncset.done @!p1 $0x0  }
0x37: {  	s26 =	simm.s32 $0x3680;
	[sflag:s0] =	ssyncadd.s32 @!p1 $0xFFFFE000  }
0x38: {  	s28 =	simm.s32 $0x7680;
	v0 =	vld [tilespmem:s26+$0x0]  }
0x39: {  	v1 =	vld [tilespmem:s28+$0x0]  }
0x3a: {  	v2 =	vld [tilespmem:s26+$0x10]  }
0x3b: {  	v3 =	vld [tilespmem:s28+$0x10]  }
0x3c: {  	v4 =	vld [tilespmem:s26+$0x20]  }
0x3d: {  	v5 =	vld [tilespmem:s28+$0x20]  }
0x3e: {  	v1 =	vadd.bf16 v1, v0;
	_ =	sdelay $0x1  }
0x3f: {  	v2 =	vadd.bf16 v3, v2;
	v0 =	vunpack.i.u.bf16.f32 v1;
	v3 =	vunpack.i.l.bf16.f32 v1  }
0x40: {  	v6 =	vmul.f32 v3, v3;
	v7 =	vmul.f32 v0, v0  }
0x41: {  	v8 =	vld [tilespmem:s26+$0x30];
	v4 =	vadd.bf16 v5, v4;
	v1 =	vunpack.i.l.bf16.f32 v2;
	v5 =	vadd.f32 $0.0e+00, v3  }
0x42: {  	v11 =	vld [tilespmem:s28+$0x30];
	v6 =	vadd.f32 v6, v7;
	v7 =	vmul.f32 v1, v1  }
0x43: {  	v9 =	vunpack.i.u.bf16.f32 v2;
	v5 =	vadd.f32 v5, v0  }
0x44: {  	v12 =	vld [tilespmem:s28+$0x40];
	v2 =	vadd.f32 v7, v6;
	v6 =	vmul.f32 v9, v9  }
0x45: {  	v10 =	vunpack.i.l.bf16.f32 v4;
	v7 =	vld [tilespmem:s26+$0x40];
	v5 =	vadd.f32 v1, v5  }
0x46: {  	v2 =	vadd.f32 v2, v6;
	v6 =	vmul.f32 v10, v10  }
0x47: {  	v16 =	vld [tilespmem:s28+$0x50];
	v8 =	vadd.bf16 v11, v8;
	v11 =	vunpack.i.u.bf16.f32 v4;
	v5 =	vadd.f32 v5, v9  }
0x48: {  	v4 =	vmul.f32 v11, v11;
	v2 =	vadd.f32 v6, v2;
	v6 =	vld [tilespmem:s26+$0x50]  }
0x49: {  	v13 =	vunpack.i.l.bf16.f32 v8;
	v14 =	vunpack.i.u.bf16.f32 v8;
	v8 =	vld [tilespmem:s26+$0x60];
	v5 =	vadd.f32 v10, v5  }
0x4a: {  	v7 =	vadd.bf16 v12, v7;
	v12 =	vld [tilespmem:s28+$0x60];
	v2 =	vadd.f32 v2, v4;
	v4 =	vmul.f32 v13, v13  }
0x4b: {  	v17 =	vld [tilespmem:s28+$0xFFFFFF80];
	v5 =	vadd.f32 v5, v11  }
0x4c: {  	v18 =	vld [tilespmem:s26+$0xFFFFFF80];
	v2 =	vadd.f32 v4, v2;
	v4 =	vmul.f32 v14, v14  }
0x4d: {  	v22 =	vld [tilespmem:s26+$0x70];
	v15 =	vunpack.i.l.bf16.f32 v7;
	v5 =	vadd.f32 v13, v5;
	v6 =	vadd.bf16 v16, v6  }
0x4e: {  	v16 =	vunpack.i.u.bf16.f32 v7;
	v7 =	vld [tilespmem:s26+$0xFFFFFF90];
	v2 =	vadd.f32 v2, v4;
	v4 =	vmul.f32 v15, v15  }
0x4f: {  	v5 =	vadd.f32 v5, v14;
	v8 =	vadd.bf16 v12, v8;
	v12 =	vld [tilespmem:s28+$0x70]  }
0x50: {  	v20 =	vmul.f32 v16, v16;
	v2 =	vadd.f32 v4, v2;
	v4 =	vld [tilespmem:s28+$0xFFFFFF90]  }
0x51: {  	v17 =	vadd.bf16 v17, v18;
	v19 =	vunpack.i.l.bf16.f32 v6;
	v5 =	vadd.f32 v15, v5  }
0x52: {  	v21 =	vmul.f32 v19, v19;
	v28 =	vunpack.i.l.bf16.f32 v8;
	v2 =	vadd.f32 v2, v20  }
0x53: {  	v29 =	vunpack.i.u.bf16.f32 v8;
	v20 =	vunpack.i.u.bf16.f32 v6;
	v5 =	vadd.f32 v5, v16  }
0x54: {  	v6 =	vmul.f32 v20, v20;
	v12 =	vadd.bf16 v12, v22;
	v2 =	vadd.f32 v21, v2  }
0x55: {  	v8 =	vld [tilespmem:s28+$0xFFFFFFA0];
	v18 =	vmul.f32 v28, v28;
	v5 =	vadd.f32 v19, v5;
	v7 =	vadd.bf16 v4, v7  }
0x56: {  	v21 =	vld [tilespmem:s26+$0xFFFFFFA0];
	v4 =	vunpack.i.u.bf16.f32 v17;
	v6 =	vadd.f32 v2, v6;
	v2 =	vunpack.i.l.bf16.f32 v17  }
0x57: {  	v31 =	vunpack.i.l.bf16.f32 v12;
	v24 =	vmul.f32 v4, v4;
	v22 =	vadd.f32 $0.0e+00, v2  }
0x58: {  	v23 =	vmul.f32 v2, v2;
	v6 =	vadd.f32 v18, v6;
	v18 =	vmul.f32 v29, v29  }
0x59: {  	v25 =	vld [tilespmem:s26+$0xFFFFFFB0];
	v17 =	vadd.f32 v5, v20;
	v5 =	vunpack.i.l.bf16.f32 v7;
	v22 =	vadd.f32 v22, v4  }
0x5a: {  	v26 =	vld [tilespmem:s28+$0xFFFFFFB0];
	v23 =	vadd.f32 v23, v24;
	v27 =	vadd.f32 v6, v18;
	v18 =	vmul.f32 v5, v5  }
0x5b: {  	v8 =	vadd.bf16 v8, v21;
	v6 =	vunpack.i.u.bf16.f32 v7;
	v22 =	vadd.f32 v5, v22  }
0x5c: {  	v17 =	vadd.f32 v28, v17;
	v24 =	vmul.f32 v6, v6;
	v23 =	vadd.f32 v18, v23  }
0x5d: {  	v30 =	vld [tilespmem:s26+$0xFFFFFFC0];
	v21 =	vmul.f32 v31, v31;
	v7 =	vunpack.i.l.bf16.f32 v8;
	v22 =	vadd.f32 v22, v6  }
0x5e: {  	v32 =	vld [tilespmem:s28+$0xFFFFFFC0];
	v18 =	vunpack.i.u.bf16.f32 v12;
	v12 =	vadd.f32 v23, v24;
	v23 =	vmul.f32 v7, v7  }
0x5f: {  	v8 =	vunpack.i.u.bf16.f32 v8;
	v24 =	vadd.bf16 v26, v25;
	v22 =	vadd.f32 v7, v22  }
0x60: {  	v34 =	vadd.f32 v17, v29;
	v25 =	vmul.f32 v8, v8;
	v23 =	vadd.f32 v23, v12  }
0x61: {  	v33 =	vld [tilespmem:s28+$0xFFFFFFD0];
	v21 =	vadd.f32 v21, v27;
	v12 =	vunpack.i.l.bf16.f32 v24;
	v22 =	vadd.f32 v22, v8  }
0x62: {  	v27 =	vmul.f32 v18, v18;
	v26 =	vld [tilespmem:s26+$0xFFFFFFD0];
	v35 =	vmul.f32 v12, v12;
	v23 =	vadd.f32 v23, v25  }
0x63: {  	v17 =	vunpack.i.u.bf16.f32 v24;
	v24 =	vadd.bf16 v32, v30;
	v22 =	vadd.f32 v12, v22  }
0x64: {  	v30 =	vmul.f32 v17, v17;
	v25 =	vadd.f32 v31, v34;
	v23 =	vadd.f32 v35, v23  }
0x65: {  	v50 =	vld [tilespmem:s26+$0xFFFFFFE0];
	v27 =	vadd.f32 v21, v27;
	v21 =	vunpack.i.l.bf16.f32 v24;
	v51 =	vadd.f32 v22, v17  }
0x66: {  	v52 =	vld [tilespmem:s28+$0xFFFFFFE0];
	v36 =	vmul.f32 v21, v21;
	v25 =	vadd.f32 v25, v18;
	v23 =	vadd.f32 v23, v30  }
0x67: {  	(xrf2) =	vadd.scan.msk.f32 $0xffff, v27;
	v26 =	vadd.bf16 v33, v26;
	v22 =	vunpack.i.u.bf16.f32 v24;
	v24 =	vadd.f32 v21, v51  }
0x68: {  	v27 =	vmul.f32 v22, v22;
	(xrf2) =	vadd.scan.msk.f32 $0xffff, v25;
	v30 =	vadd.f32 v36, v23  }
0x69: {  	v53 =	vld [tilespmem:s26+$0xFFFFFFF0];
	v23 =	vunpack.i.l.bf16.f32 v26;
	v25 =	vadd.f32 v24, v22  }
0x6a: {  	v54 =	vld [tilespmem:s28+$0xFFFFFFF0];
	v55 =	vmul.f32 v23, v23;
	v27 =	vadd.f32 v30, v27  }
0x6b: {  	v24 =	vunpack.i.u.bf16.f32 v26;
	v26 =	vadd.bf16 v52, v50;
	v30 =	vadd.f32 v23, v25  }
0x6c: {  	v56 =	vmul.f32 v24, v24;
	v27 =	vadd.f32 v55, v27  }
0x6d: {  	v25 =	vunpack.i.l.bf16.f32 v26;
	v30 =	vadd.f32 v30, v24  }
0x6e: {  	v57 =	vmul.f32 v25, v25;
	v27 =	vadd.f32 v27, v56  }
0x6f: {  	v58 =	vadd.bf16 v54, v53;
	v26 =	vunpack.i.u.bf16.f32 v26;
	v30 =	vadd.f32 v25, v30  }
0x70: {  	v59 =	vmul.f32 v26, v26;
	v60 =	vadd.f32 v57, v27  }
0x71: {  	v62, _, _ =	vpop (xrf2);
	v27 =	vunpack.i.l.bf16.f32 v58;
	v61 =	vadd.f32 v30, v26  }
0x72: {  	v63, _, _ =	vpop (xrf2);
	v37 =	vmul.f32 v27, v27;
	v33 =	vadd.f32 v60, v59  }
0x73: {  	v30 =	vunpack.i.u.bf16.f32 v58;
	(v2sf) =	vpush v63, $0xF;
	v38 =	vadd.f32 v27, v61  }
0x74: {  	s9 =	simm.s32 $0x3780;
	v39 =	vmul.f32 v30, v30;
	v33 =	vadd.f32 v37, v33  }
0x75: {  	s2 =	simm.s32 $0x7780;
	v40 =	vld [tilespmem:s9+$0x0];
	v32 =	vadd.f32 v38, v30  }
0x76: {  	v41 =	vld [tilespmem:s2+$0x0];
	v33 =	vadd.f32 v33, v39  }
0x77: {  	v42 =	vld [tilespmem:s9+$0x10];
	(xrf2) =	vadd.scan.msk.f32 $0xffff, v32  }
0x78: {  	v43 =	vld [tilespmem:s2+$0x10];
	(xrf2) =	vadd.scan.msk.f32 $0xffff, v33  }
0x79: {  	v44 =	vld [tilespmem:s9+$0x20]  }
0x7a: {  	v45 =	vld [tilespmem:s2+$0x20]  }
0x7b: {  	v47 =	vld [tilespmem:s2+$0x30];
	v34 =	vadd.bf16 v41, v40  }
0x7c: {  	v40 =	vld [tilespmem:s9+$0x30]  }
0x7d: {  	v54 =	vunpack.i.u.bf16.f32 v34;
	v53 =	vunpack.i.l.bf16.f32 v34;
	v32 =	vadd.bf16 v43, v42  }
0x7e: {  	v34 =	vmul.f32 v53, v53;
	v39 =	vmul.f32 v54, v54  }
0x7f: {  	v46 =	vld [tilespmem:s2+$0x60];
	v51 =	vunpack.i.l.bf16.f32 v32  }
0x80: {  	v35 =	vadd.bf16 v45, v44;
	v38 =	vld [tilespmem:s9+$0x60];
	v34 =	vadd.f32 v34, v39;
	v57 =	vmul.f32 v51, v51  }
0x81: {  	v36 =	vadd.bf16 v47, v40;
	(v2sf) =	vpush v62, $0xF;
	v59 =	vld [tilespmem:s9+$0x40];
	v62 =	vunpack.i.u.bf16.f32 v32;
	v41, _, _ =	vpop (xrf2)  }
0x82: {  	v42 =	vld [tilespmem:s2+$0x40];
	v52 =	vmul.f32 v62, v62;
	v34 =	vadd.f32 v57, v34;
	s11 =	spop (v2sf);
	(v2sf) =	vpush v41, $0xF;
	v50, _, _ =	vpop (xrf2)  }
0x83: {  	v58 =	vadd.f32 $0.0e+00, v53;
	s10 =	smul.f32 $3.906250000e-03, s11;
	(v2sf) =	vpush v50, $0xF;
	v50 =	vunpack.i.l.bf16.f32 v35  }
0x84: {  	v63 =	vunpack.i.u.bf16.f32 v35;
	v34 =	vadd.f32 v34, v52;
	v56 =	vmul.f32 v50, v50  }
0x85: {  	v37 =	vadd.f32 v58, v54;
	v33 =	vadd.bf16 v46, v38;
	v58 =	vmov s10  }
0x86: {  	v35 =	vmul.f32 v63, v63;
	v38 =	vadd.f32 $0.0e+00, v58;
	v34 =	vadd.f32 v56, v34  }
0x87: {  	v47 =	vunpack.i.l.bf16.f32 v36;
	v32 =	vadd.bf16 v42, v59  }
0x88: {  	v59 =	vmul.f32 v47, v47;
	v40 =	vbroadcast v38, $0x0;
	v34 =	vadd.f32 v34, v35  }
0x89: {  	v44 =	vunpack.i.u.bf16.f32 v36  }
0x8a: {  	v61 =	vmul.f32 v44, v44;
	v3 =	vsub.f32 v3, v40;
	v34 =	vadd.f32 v59, v34  }
0x8b: {  	v55 =	vld [tilespmem:s9+$0x50];
	v42 =	vunpack.i.l.bf16.f32 v32  }
0x8c: {  	v57 =	vld [tilespmem:s2+$0x50];
	v38 =	vmul.f32 v42, v42;
	v1 =	vsub.f32 v1, v40;
	[tilespmem:$0x1FD80] =	vst v3;
	v3 =	vadd.f32 v34, v61  }
0x8d: {  	v0 =	vsub.f32 v0, v40  }
0x8e: {  	[tilespmem:$0x1FDA0] =	vst v1;
	v1 =	vadd.f32 v38, v3;
	v3 =	vsub.f32 v9, v40  }
0x8f: {  	v39 =	vsub.f32 v10, v40;
	[tilespmem:$0x1FD90] =	vst v0  }
0x90: {  	v37 =	vadd.f32 v51, v37;
	v43 =	vsub.f32 v11, v40;
	[tilespmem:$0x1FDB0] =	vst v3  }
0x91: {  	v45 =	vsub.f32 v13, v40;
	v3 =	vld [tilespmem:s2+$0xFFFFFF80];
	[tilespmem:$0x1FDC0] =	vst v39  }
0x92: {  	v37 =	vadd.f32 v37, v62;
	v46 =	vsub.f32 v14, v40;
	[tilespmem:$0x1FDD0] =	vst v43  }
0x93: {  	v48 =	vsub.f32 v15, v40;
	v9 =	vld [tilespmem:s9+$0xFFFFFF80];
	[tilespmem:$0x1FDE0] =	vst v45  }
0x94: {  	v60 =	vadd.f32 v50, v37;
	v49 =	vsub.f32 v16, v40;
	[tilespmem:$0x1FDF0] =	vst v46  }
0x95: {  	v14 =	vsub.f32 v19, v40;
	v10 =	vld [tilespmem:s9+$0xFFFFFF90];
	[tilespmem:$0x1FE00] =	vst v48  }
0x96: {  	v36 =	vadd.f32 v60, v63;
	[tilespmem:$0x1FE10] =	vst v49  }
0x97: {  	v11 =	vld [tilespmem:s2+$0xFFFFFF90];
	[tilespmem:$0x1FE20] =	vst v14;
	v14 =	vsub.f32 v20, v40  }
0x98: {  	v15 =	vsub.f32 v28, v40;
	v0 =	vadd.f32 v47, v36  }
0x99: {  	v16 =	vsub.f32 v31, v40;
	[tilespmem:$0x1FE30] =	vst v14  }
0x9a: {  	v0 =	vadd.f32 v0, v44;
	v14 =	vld [tilespmem:s9+$0xFFFFFFA0];
	[tilespmem:$0x1FE40] =	vst v15;
	v15 =	vsub.f32 v29, v40  }
0x9b: {  	v41 =	vadd.bf16 v57, v55;
	v39 =	vunpack.i.u.bf16.f32 v32;
	[tilespmem:$0x1FE60] =	vst v16  }
0x9c: {  	v56 =	vunpack.i.u.bf16.f32 v33;
	v0 =	vadd.f32 v42, v0;
	v13 =	vmul.f32 v39, v39;
	[tilespmem:$0x1FE50] =	vst v15  }
0x9d: {  	v35 =	vunpack.i.l.bf16.f32 v33;
	v36 =	vunpack.i.u.bf16.f32 v41;
	v3 =	vadd.bf16 v3, v9;
	v16 =	vld [tilespmem:s9+$0x70]  }
0x9e: {  	v38 =	vunpack.i.l.bf16.f32 v41;
	v0 =	vadd.f32 v0, v39;
	v1 =	vadd.f32 v1, v13;
	v13 =	vld [tilespmem:s2+$0x70]  }
0x9f: {  	v15 =	vmul.f32 v38, v38;
	v31 =	vunpack.i.l.bf16.f32 v3;
	v28 =	vunpack.i.u.bf16.f32 v3;
	v52 =	vld [tilespmem:s2+$0xFFFFFFA0]  }
0xa0: {  	v10 =	vadd.bf16 v11, v10;
	v3 =	vmul.f32 v31, v31;
	[tilespmem:$0x1FEE0] =	vst v31;
	v60 =	vmul.f32 v28, v28  }
0xa1: {  	v19 =	vmul.f32 v35, v35;
	[tilespmem:$0x1FF00] =	vst v28;
	v1 =	vadd.f32 v15, v1;
	v15 =	vmul.f32 v36, v36  }
0xa2: {  	v0 =	vadd.f32 v38, v0;
	v29 =	vunpack.i.l.bf16.f32 v10;
	v20 =	vld [tilespmem:s2+$0xFFFFFFB0];
	v3 =	vadd.f32 v3, v60  }
0xa3: {  	v1 =	vadd.f32 v1, v15;
	v15 =	vld [tilespmem:s9+$0xFFFFFFB0];
	v13 =	vadd.bf16 v13, v16;
	v16 =	vmul.f32 v29, v29  }
0xa4: {  	v0 =	vadd.f32 v0, v36;
	v61 =	vunpack.i.u.bf16.f32 v10;
	[tilespmem:$0x1FF10] =	vst v29;
	v9 =	vadd.bf16 v52, v14  }
0xa5: {  	v58 =	vadd.f32 $0.0e+00, v31;
	v43 =	vmul.f32 v61, v61;
	[tilespmem:$0x1FF30] =	vst v61;
	v3 =	vadd.f32 v16, v3  }
0xa6: {  	v41 =	vmul.f32 v56, v56;
	v0 =	vadd.f32 v35, v0;
	v14 =	vld [tilespmem:s9+$0xFFFFFFC0];
	v45 =	vunpack.i.l.bf16.f32 v9  }
0xa7: {  	v10 =	vadd.f32 v58, v28;
	v16 =	vld [tilespmem:s2+$0xFFFFFFC0];
	v46 =	vmul.f32 v45, v45;
	v3 =	vadd.f32 v3, v43  }
0xa8: {  	v52 =	vsub.f32 v18, v40;
	v49 =	vunpack.i.u.bf16.f32 v9;
	v15 =	vadd.bf16 v20, v15  }
0xa9: {  	v0 =	vadd.f32 v0, v56;
	[tilespmem:$0x1FF40] =	vst v45;
	v57 =	vmul.f32 v49, v49;
	v3 =	vadd.f32 v46, v3  }
0xaa: {  	v10 =	vadd.f32 v29, v10;
	v1 =	vadd.f32 v19, v1;
	v48 =	vld [tilespmem:s9+$0xFFFFFFD0];
	[tilespmem:$0x1FE70] =	vst v52;
	v20 =	vunpack.i.l.bf16.f32 v15  }
0xab: {  	v55 =	vunpack.i.l.bf16.f32 v13;
	v9 =	vld [tilespmem:s2+$0xFFFFFFD0];
	[tilespmem:$0x1FF50] =	vst v49;
	v18 =	vmul.f32 v20, v20;
	v3 =	vadd.f32 v3, v57  }
0xac: {  	v1 =	vadd.f32 v1, v41;
	[tilespmem:$0x1FF80] =	vst v20;
	v14 =	vadd.bf16 v16, v14;
	v16 =	vunpack.i.u.bf16.f32 v15  }
0xad: {  	v19 =	vmul.f32 v55, v55;
	v15 =	vmul.f32 v16, v16;
	[tilespmem:$0x1FF90] =	vst v16;
	v3 =	vadd.f32 v18, v3  }
0xae: {  	v10 =	vadd.f32 v10, v61;
	v33 =	vunpack.i.u.bf16.f32 v13;
	v59 =	vld [tilespmem:s9+$0xFFFFFFE0];
	v29 =	vunpack.i.l.bf16.f32 v14  }
0xaf: {  	s13 =	simm.s32 $0x3880;
	v1 =	vadd.f32 v19, v1;
	v13 =	vmul.f32 v29, v29;
	v3 =	vadd.f32 v3, v15;
	v15 =	vld [tilespmem:s2+$0xFFFFFFE0];
	[tilespmem:$0x1FFB0] =	vst v29  }
0xb0: {  	v28 =	vmovc v16;
	v60 =	vunpack.i.u.bf16.f32 v14;
	v14 =	vmul.f32 v33, v33;
	v9 =	vadd.bf16 v9, v48;
	v16 =	vld [tilespmem:s13+$0x10]  }
0xb1: {  	s0 =	simm.s32 $0x7880;
	v10 =	vadd.f32 v45, v10;
	v18 =	vld [tilespmem:s13+$0x0];
	[tilespmem:$0x1FFC0] =	vst v60;
	v3 =	vadd.f32 v13, v3;
	v13 =	vmul.f32 v60, v60  }
0xb2: {  	v0 =	vadd.f32 v55, v0;
	v1 =	vadd.f32 v1, v14;
	v31 =	vunpack.i.l.bf16.f32 v9;
	v19 =	vld [tilespmem:s0+$0x0]  }
0xb3: {  	v61 =	vunpack.i.u.bf16.f32 v9;
	v14 =	vld [tilespmem:s0+$0x10];
	[tilespmem:$0x1FFD0] =	vst v31;
	v3 =	vadd.f32 v3, v13;
	v13 =	vmul.f32 v31, v31  }
0xb4: {  	v10 =	vadd.f32 v10, v49;
	v41 =	vld [tilespmem:s13+$0x20];
	[tilespmem:$0x1FFE0] =	vst v61;
	v11 =	vadd.bf16 v15, v59  }
0xb5: {  	v0 =	vadd.f32 v0, v33;
	v15 =	vld [tilespmem:s0+$0x20];
	v3 =	vadd.f32 v13, v3;
	v13 =	vmul.f32 v61, v61  }
0xb6: {  	v10 =	vadd.f32 v20, v10;
	(xrf2) =	vadd.scan.msk.f32 $0xffff, v1;
	v52 =	vunpack.i.l.bf16.f32 v11  }
0xb7: {  	(xrf2) =	vadd.scan.msk.f32 $0xffff, v0;
	v1 =	vadd.bf16 v19, v18;
	v0 =	vadd.f32 v3, v13;
	v13 =	vmul.f32 v52, v52  }
0xb8: {  	v18 =	vadd.f32 v10, v28;
	v43 =	vunpack.i.u.bf16.f32 v11  }
0xb9: {  	v3 =	vadd.bf16 v14, v16;
	v16 =	vld [tilespmem:s9+$0xFFFFFFF0];
	v14 =	vunpack.i.u.bf16.f32 v1;
	v0 =	vadd.f32 v13, v0  }
0xba: {  	v32 =	vunpack.i.l.bf16.f32 v1;
	v1 =	vld [tilespmem:s2+$0xFFFFFFF0];
	v9 =	vadd.bf16 v15, v41;
	v15 =	vadd.f32 v29, v18  }
0xbb: {  	v19 =	vld [tilespmem:s13+$0x30];
	v20 =	vmul.f32 v32, v32;
	v28 =	vmul.f32 v14, v14;
	v13 =	vunpack.i.l.bf16.f32 v3  }
0xbc: {  	v18 =	vld [tilespmem:s0+$0x30];
	v11 =	vunpack.i.u.bf16.f32 v3;
	v3 =	vmul.f32 v43, v43;
	v15 =	vadd.f32 v15, v60  }
0xbd: {  	v20 =	vadd.f32 v20, v28;
	v28 =	vmul.f32 v13, v13  }
0xbe: {  	v0 =	vadd.f32 v0, v3;
	v3 =	vadd.f32 v31, v15  }
0xbf: {  	v1 =	vadd.bf16 v1, v16;
	v16 =	vadd.f32 v28, v20;
	v20 =	vmul.f32 v11, v11  }
0xc0: {  	s14 =	spop (v2sf);
	v28 =	vld [tilespmem:s13+$0x40];
	v3 =	vadd.f32 v3, v61  }
0xc1: {  	s8 =	smul.f32 $3.906250000e-03, s14;
	v19 =	vadd.bf16 v18, v19;
	v18 =	vadd.f32 v16, v20;
	v20 =	vld [tilespmem:s0+$0x40]  }
0xc2: {  	s15 =	smul.f32 s10, s10;
	v34 =	vunpack.i.l.bf16.f32 v9;
	v3 =	vadd.f32 v52, v3  }
0xc3: {  	v37 =	vunpack.i.u.bf16.f32 v9;
	v29 =	vmul.f32 v34, v34;
	v15 =	vmov v43  }
0xc4: {  	s16 =	spop (v2sf);
	s9 =	ssub.f32 s8, s15;
	v46 =	vmul.f32 v37, v37;
	v3 =	vadd.f32 v3, v15  }
0xc5: {  	s8 =	smul.f32 $3.906250000e-03, s16;
	v16 =	vunpack.i.l.bf16.f32 v1;
	v60 =	vunpack.i.u.bf16.f32 v1;
	v45 =	vadd.f32 v29, v18  }
0xc6: {  	v57 =	vadd.bf16 v20, v28;
	v20 =	vmov s9;
	v3 =	vadd.f32 v16, v3  }
0xc7: {  	v9 =	vadd.f32 v45, v46;
	v58 =	vadd.f32 $9.999999740e-06, v20;
	v20 =	vmov s8  }
0xc8: {  	v45 =	vadd.f32 $0.0e+00, v20;
	v3 =	vadd.f32 v3, v60  }
0xc9: {  	v31, _, _ =	vpop (xrf2)  }
0xca: {  	v18, _, _ =	vpop (xrf2);
	(xrf2) =	vadd.scan.msk.f32 $0xffff, v3;
	v3 =	vbroadcast v45, $0x0;
	_ =	sdelay $0x1  }
0xcb: {  	v59 =	vld [tilespmem:s13+$0x50];
	v4 =	vsub.f32 v4, v3  }
0xcc: {  	v43 =	vld [tilespmem:s0+$0x50];
	[tilespmem:$0x1FC90] =	vst v60;
	v2 =	vsub.f32 v2, v3  }
0xcd: {  	[tilespmem:$0x1FE90] =	vst v4;
	v4 =	vsub.f32 v5, v3  }
0xce: {  	[tilespmem:$0x1FE80] =	vst v2;
	v5 =	vsub.f32 v6, v3  }
0xcf: {  	[tilespmem:$0x1FEA0] =	vst v4  }
0xd0: {  	v4 =	vld [tilespmem:s13+$0x60];
	[tilespmem:$0x1FEB0] =	vst v5;
	v5 =	vsub.f32 v7, v3  }
0xd1: {  	v29 =	vmul.f32 v16, v16;
	v7 =	vsub.f32 v8, v3  }
0xd2: {  	v48 =	vunpack.i.l.bf16.f32 v19;
	v49 =	vunpack.i.u.bf16.f32 v19;
	[tilespmem:$0x1FEC0] =	vst v5  }
0xd3: {  	v0 =	vadd.f32 v29, v0;
	v29 =	vmul.f32 v48, v48;
	v6 =	vld [tilespmem:s0+$0x60];
	[tilespmem:$0x1FED0] =	vst v7;
	v7 =	vsub.f32 v12, v3  }
0xd4: {  	v1 =	vmul.f32 v49, v49;
	v8 =	vsub.f32 v17, v3  }
0xd5: {  	v46 =	vmul.f32 v60, v60;
	(v2sf) =	vpush v18, $0xF;
	v29 =	vadd.f32 v29, v9;
	[tilespmem:$0x1FEF0] =	vst v7  }
0xd6: {  	(v2sf) =	vpush v31, $0xF;
	v9 =	vunpack.i.l.bf16.f32 v57;
	v7 =	vld [tilespmem:s0+$0xFFFFFF80];
	[tilespmem:$0x1FF20] =	vst v8;
	v8 =	vsub.f32 v21, v3  }
0xd7: {  	v29 =	vadd.f32 v29, v1;
	v31 =	vmul.f32 v9, v9;
	v12 =	vsub.f32 v22, v3  }
0xd8: {  	v1 =	vadd.f32 v0, v46;
	v0 =	vbroadcast v58, $0x0;
	[tilespmem:$0x1FF60] =	vst v8  }
0xd9: {  	v31 =	vadd.f32 v31, v29;
	v8 =	vld [tilespmem:s13+$0xFFFFFF80];
	[tilespmem:$0x1FF70] =	vst v12;
	v12 =	vsub.f32 v23, v3  }
0xda: {  	v29 =	vshra.s32 v0, $0x1;
	v0 =	vmul.f32 $5.000000000e-01, v0;
	v17 =	vsub.f32 v24, v3  }
0xdb: {  	v2 =	vsub.s32 $0x5F3759DF, v29;
	[tilespmem:$0x1FFA0] =	vst v12  }
0xdc: {  	v5 =	vmul.f32 v2, v0;
	v12 =	vld [tilespmem:s13+$0xFFFFFF90];
	[tilespmem:$0x1FFF0] =	vst v17;
	v17 =	vsub.f32 v25, v3  }
0xdd: {  	v18 =	vsub.f32 v26, v3  }
0xde: {  	v10 =	vunpack.i.u.bf16.f32 v57;
	v5 =	vmul.f32 v2, v5;
	[tilespmem:$0x1FCA0] =	vst v17  }
0xdf: {  	v23 =	vmul.f32 v10, v10;
	v17 =	vld [tilespmem:s0+$0xFFFFFF90];
	[tilespmem:$0x1FCB0] =	vst v18;
	v18 =	vsub.f32 v27, v3  }
0xe0: {  	v61 =	vadd.bf16 v43, v59;
	v5 =	vsub.f32 $1.500000000e+00, v5  }
0xe1: {  	v29 =	vsub.f32 v30, v3;
	[tilespmem:$0x1FCC0] =	vst v18  }
0xe2: {  	v22 =	vunpack.i.l.bf16.f32 v61;
	v2 =	vmul.f32 v2, v5;
	v7 =	vadd.bf16 v7, v8;
	v24 =	vld [tilespmem:s13+$0x70]  }
0xe3: {  	v4 =	vadd.bf16 v6, v4;
	v3 =	vadd.f32 v31, v23;
	v23, _, _ =	vpop (xrf2);
	v27 =	vmul.f32 v22, v22;
	v30 =	vld [tilespmem:s0+$0x70]  }
0xe4: {  	(v2sf) =	vpush v23, $0xF;
	v23 =	vunpack.i.u.bf16.f32 v61;
	v26 =	vunpack.i.l.bf16.f32 v7;
	v8 =	vld [tilespmem:s13+$0xFFFFFFA0]  }
0xe5: {  	v3 =	vadd.f32 v27, v3;
	v27 =	vmul.f32 v23, v23;
	v18 =	vunpack.i.u.bf16.f32 v7;
	v6 =	vld [tilespmem:s0+$0xFFFFFFA0]  }
0xe6: {  	v5 =	vadd.bf16 v17, v12;
	v12 =	vmul.f32 v26, v26;
	v17 =	vmul.f32 v18, v18  }
0xe7: {  	v3 =	vadd.f32 v3, v27;
	v27 =	vadd.f32 $0.0e+00, v32  }
0xe8: {  	s17 =	spop (v2sf);
	v25 =	vunpack.i.l.bf16.f32 v5;
	v12 =	vadd.f32 v12, v17;
	v19 =	vunpack.i.u.bf16.f32 v5  }
0xe9: {  	s9 =	smul.f32 $3.906250000e-03, s17;
	v7 =	vadd.bf16 v30, v24;
	v30 =	vld [tilespmem:s13+$0xFFFFFFB0];
	[tilespmem:$0x1FCD0] =	vst v32;
	v24 =	vunpack.i.l.bf16.f32 v4;
	v32 =	vmul.f32 v25, v25  }
0xea: {  	s8 =	smul.f32 s8, s8;
	v6 =	vadd.bf16 v6, v8;
	v8 =	vadd.f32 v27, v14;
	v17 =	vld [tilespmem:s0+$0xFFFFFFB0];
	v31 =	vmul.f32 v24, v24;
	[tilespmem:$0x1FCE0] =	vst v14  }
0xeb: {  	v27 =	vunpack.i.u.bf16.f32 v4;
	[tilespmem:$0x1FCF0] =	vst v13;
	v5 =	vadd.f32 v32, v12;
	v12 =	vmul.f32 v19, v19  }
0xec: {  	s8 =	ssub.f32 s9, s8;
	s26 =	spop (v2sf);
	v4 =	vld [tilespmem:s13+$0xFFFFFFC0];
	v3 =	vadd.f32 v31, v3;
	v31 =	vmul.f32 v27, v27  }
0xed: {  	s28 =	smul.f32 $3.906250000e-03, s26;
	s10 =	spop (v2sf);
	v8 =	vadd.f32 v13, v8;
	v28 =	vunpack.i.l.bf16.f32 v6;
	v5 =	vadd.f32 v5, v12;
	v12 =	vld [tilespmem:s0+$0xFFFFFFC0];
	[tilespmem:$0x1FD00] =	vst v11  }
0xee: {  	s9 =	smul.f32 $3.906250000e-03, s10;
	v20 =	vunpack.i.u.bf16.f32 v6;
	v45 =	vmul.f32 v28, v28;
	v6 =	vld [tilespmem:s13+$0xFFFFFFD0];
	v3 =	vadd.f32 v3, v31  }
0xef: {  	v58 =	vmov s8;
	s11 =	smul.f32 s28, s28;
	v31 =	vld [tilespmem:s0+$0xFFFFFFD0];
	v30 =	vadd.bf16 v17, v30;
	v17 =	vadd.f32 v8, v11  }
0xf0: {  	v59 =	vadd.f32 $9.999999740e-06, v58;
	v46 =	vmul.f32 v20, v20;
	v5 =	vadd.f32 v45, v5  }
0xf1: {  	s9 =	ssub.f32 s9, s11;
	v11 =	vmul.f32 v2, v0;
	v57 =	vadd.f32 v34, v17;
	v17 =	vunpack.i.l.bf16.f32 v30  }
0xf2: {  	v5 =	vadd.f32 v5, v46;
	v21 =	vunpack.i.u.bf16.f32 v30;
	v30 =	vbroadcast v59, $0x0  }
0xf3: {  	[tilespmem:$0x1FD10] =	vst v34;
	v59 =	vmov s9;
	v60 =	vmul.f32 v17, v17;
	v4 =	vadd.bf16 v12, v4  }
0xf4: {  	[tilespmem:$0x1FD20] =	vst v37;
	v61 =	vmul.f32 v21, v21;
	v41 =	vadd.f32 v57, v37;
	v6 =	vadd.bf16 v31, v6  }
0xf5: {  	[tilespmem:$0x1FD30] =	vst v48;
	v34 =	vshra.s32 v30, $0x1;
	v57 =	vmul.f32 $5.000000000e-01, v30;
	v5 =	vadd.f32 v60, v5  }
0xf6: {  	v30 =	vld [tilespmem:s13+$0xFFFFFFE0];
	[tilespmem:$0x1FD40] =	vst v49;
	v46 =	vsub.s32 $0x5F3759DF, v34;
	v43 =	vunpack.i.l.bf16.f32 v4;
	v31 =	vadd.f32 v48, v41  }
0xf7: {  	v37 =	vld [tilespmem:s0+$0xFFFFFFE0];
	v45 =	vunpack.i.u.bf16.f32 v4;
	v41 =	vmul.f32 v11, v2;
	v58 =	vmul.f32 v46, v57  }
0xf8: {  	v48 =	vadd.f32 $9.999999740e-06, v59;
	v60 =	vmul.f32 v43, v43;
	v31 =	vadd.f32 v31, v49  }
0xf9: {  	v40 =	vunpack.i.l.bf16.f32 v6;
	v5 =	vadd.f32 v5, v61;
	v61 =	vmul.f32 v45, v45  }
0xfa: {  	v59 =	vmul.f32 v40, v40;
	v41 =	vsub.f32 $1.500000000e+00, v41;
	v31 =	vadd.f32 v9, v31  }
0xfb: {  	v58 =	vmul.f32 v46, v58;
	v4 =	vadd.f32 v60, v5;
	v5 =	vbroadcast v48, $0x0  }
0xfc: {  	v32 =	vmul.f32 v41, v2;
	v49 =	vadd.bf16 v37, v30;
	v30 =	vadd.f32 v31, v10  }
0xfd: {  	[tilespmem:$0x1FD50] =	vst v9;
	v41 =	vunpack.i.u.bf16.f32 v6;
	v4 =	vadd.f32 v4, v61;
	v9 =	vshra.s32 v5, $0x1  }
0xfe: {  	[tilespmem:$0x1FD60] =	vst v10;
	v34 =	vmul.f32 $5.000000000e-01, v5;
	v60 =	vmul.f32 v41, v41;
	v10 =	vadd.f32 v22, v30  }
0xff: {  	v31 =	vsub.f32 $1.500000000e+00, v58;
	v58 =	vsub.s32 $0x5F3759DF, v9;
	v4 =	vadd.f32 v59, v4  }
0x100: {  	(xrf2) =	vadd.scan.msk.f32 $0xffff, v1;
	v11 =	vmul.f32 v58, v34;
	v30 =	vunpack.i.l.bf16.f32 v7;
	v1 =	vadd.f32 v10, v23  }
0x101: {  	v61 =	vmul.f32 v46, v31;
	v46 =	vunpack.i.l.bf16.f32 v49;
	v6 =	vmul.f32 v30, v30  }
0x102: {  	[tilespmem:$0x1FD70] =	vst v22;
	v31 =	vunpack.i.u.bf16.f32 v7;
	v4 =	vadd.f32 v4, v60;
	v1 =	vadd.f32 v24, v1  }
0x103: {  	v37 =	vld [tilespmem:s13+$0xFFFFFFF0];
	v48 =	vmul.f32 v58, v11;
	v10 =	vmul.f32 v31, v31;
	v3 =	vadd.f32 v6, v3  }
0x104: {  	v7 =	vmul.f32 v46, v46;
	v11 =	vmov s28;
	v6 =	vld [tilespmem:s0+$0xFFFFFFF0];
	v1 =	vadd.f32 v1, v27  }
0x105: {  	v9 =	vsub.f32 $1.500000000e+00, v48;
	v48 =	vunpack.i.u.bf16.f32 v49;
	v3 =	vadd.f32 v3, v10  }
0x106: {  	v4 =	vadd.f32 v7, v4;
	v7 =	vmul.f32 v48, v48;
	v1 =	vadd.f32 v30, v1  }
0x107: {  	v2 =	vmul.f32 v32, v0;
	(xrf2) =	vadd.scan.msk.f32 $0xffff, v3;
	v3 =	vadd.f32 $0.0e+00, v11  }
0x108: {  	v4 =	vadd.f32 v4, v7;
	v7 =	vmul.f32 v61, v57;
	v1 =	vadd.f32 v1, v31  }
0x109: {  	v6 =	vadd.bf16 v6, v37;
	v3 =	vbroadcast v3, $0x0  }
0x10a: {  	v37, _, _ =	vpop (xrf2);
	(xrf2) =	vadd.scan.msk.f32 $0xffff, v1;
	v1 =	vmul.f32 v2, v32;
	v2 =	vmul.f32 v7, v61  }
0x10b: {  	(v2sf) =	vpush v37, $0xF;
	v49 =	vunpack.i.l.bf16.f32 v6  }
0x10c: {  	v0 =	vmul.f32 v49, v49;
	v37 =	vsub.f32 v53, v3;
	v2 =	vsub.f32 $1.500000000e+00, v2  }
0x10d: {  	v53 =	vsub.f32 v54, v3;
	v54 =	vsub.f32 v50, v3;
	v50 =	vunpack.i.u.bf16.f32 v6  }
0x10e: {  	v0 =	vadd.f32 v0, v4;
	v5 =	vmul.f32 v2, v61;
	v61 =	vmul.f32 v50, v50;
	_ =	sdelay $0x1  }
0x10f: {  	v11 =	vadd.f32 v0, v61;
	v0 =	vld [tilespmem:$0x1FD90]  }
0x110: {  	v1 =	vsub.f32 $1.500000000e+00, v1;
	v2 =	vld [tilespmem:$0x1FD80];
	_ =	sdelay $0x1  }
0x111: {  	v1 =	vmul.f32 v1, v32;
	_ =	sdelay $0x1  }
0x112: {  	v0 =	vmul.f32 v1, v0  }
0x113: {  	v59 =	vsub.f32 v63, v3;
	v63 =	vmul.f32 v1, v2;
	v2 =	vld [tilespmem:$0x1FDA0]  }
0x114: {  	v7 =	vadd.f32 $1.000000000e+00, v0;
	v0 =	vld [tilespmem:$0x1FDC0];
	_ =	sdelay $0x2  }
0x115: {  	v8 =	vsub.f32 v62, v3;
	v62 =	vsub.f32 v56, v3  }
0x116: {  	v56 =	vsub.f32 v55, v3;
	v55 =	vsub.f32 v33, v3;
	v33 =	vmul.f32 v1, v2;
	v2 =	vld [tilespmem:$0x1FDB0]  }
0x117: {  	v58 =	vmul.f32 v58, v9;
	v9 =	vsub.f32 v51, v3;
	v51 =	vmul.f32 v1, v0;
	v0 =	vld [tilespmem:$0x1FDD0];
	_ =	sdelay $0x3  }
0x118: {  	v12 =	vsub.f32 v36, v3;
	v36 =	vmul.f32 v1, v2;
	v2 =	vld [tilespmem:$0x1FE00]  }
0x119: {  	v10 =	vmul.f32 v1, v0;
	v0 =	vld [tilespmem:$0x1FDE0]  }
0x11a: {  	v60 =	vmul.f32 v58, v34  }
0x11b: {  	v44 =	vsub.f32 v44, v3;
	v42 =	vsub.f32 v42, v3  }
0x11c: {  	v39 =	vsub.f32 v39, v3;
	v38 =	vsub.f32 v38, v3;
	v4 =	vmul.f32 v60, v58  }
0x11d: {  	v13 =	vsub.f32 v35, v3;
	v60 =	vsub.f32 v47, v3;
	v3 =	vmul.f32 v1, v2;
	v2 =	vld [tilespmem:$0x1FE10]  }
0x11e: {  	v4 =	vsub.f32 $1.500000000e+00, v4;
	v32 =	vmul.f32 v1, v0;
	v0 =	vld [tilespmem:$0x1FDF0]  }
0x11f: {  	v6, _, _ =	vpop (xrf2)  }
0x120: {  	v4 =	vmul.f32 v4, v58;
	v58, _, _ =	vpop (xrf2)  }
0x121: {  	(v2sf) =	vpush v58, $0xF  }
0x122: {  	(v2sf) =	vpush v6, $0xF;
	v6 =	vadd.f32 $1.000000000e+00, v63  }
0x123: {  	v63 =	vadd.f32 $1.000000000e+00, v32;
	v32 =	vmul.f32 v1, v2;
	v2 =	vld [tilespmem:$0x1FE20];
	v0 =	vmul.f32 v1, v0  }
0x124: {  	s14 =	simm.s32 $0xB680;
	v33 =	vadd.f32 $1.000000000e+00, v33  }
0x125: {  	s8 =	simm.s32 $0xF680;
	v34 =	vmul.f32 v4, v34;
	v47 =	vadd.f32 $1.000000000e+00, v36;
	v36 =	vadd.f32 $1.000000000e+00, v0;
	v0 =	vld [tilespmem:$0x1FE30];
	[tilespmem:s14+$0x0] =	vst v6  }
0x126: {  	v6 =	vld [tilespmem:$0x1FE40];
	[tilespmem:s8+$0x0] =	vst v7  }
0x127: {  	v57 =	vmul.f32 v5, v57;
	v34 =	vmul.f32 v34, v4;
	v58 =	vadd.f32 $1.000000000e+00, v51;
	v7 =	vld [tilespmem:$0x1FE50];
	[tilespmem:s14+$0x10] =	vst v33  }
0x128: {  	v61 =	vadd.f32 $1.000000000e+00, v10;
	v35 =	vmul.f32 v1, v2;
	v2 =	vadd.f32 $0.0e+00, v26;
	v33 =	vld [tilespmem:$0x1FE60];
	[tilespmem:s8+$0x10] =	vst v47  }
0x129: {  	v57 =	vmul.f32 v57, v5;
	v34 =	vsub.f32 $1.500000000e+00, v34;
	v51 =	vld [tilespmem:$0x1FE70];
	[tilespmem:s14+$0x20] =	vst v58  }
0x12a: {  	v2 =	vadd.f32 v2, v18;
	[tilespmem:s8+$0x20] =	vst v61  }
0x12b: {  	v57 =	vsub.f32 $1.500000000e+00, v57;
	v4 =	vmul.f32 v34, v4;
	v3 =	vadd.f32 $1.000000000e+00, v3;
	[tilespmem:s14+$0x30] =	vst v63  }
0x12c: {  	v32 =	vadd.f32 $1.000000000e+00, v32;
	v2 =	vadd.f32 v25, v2;
	v0 =	vmul.f32 v1, v0;
	[tilespmem:s8+$0x30] =	vst v36  }
0x12d: {  	v58 =	vadd.f32 $1.000000000e+00, v35;
	v6 =	vmul.f32 v1, v6;
	v7 =	vmul.f32 v1, v7;
	[tilespmem:s14+$0x40] =	vst v3  }
0x12e: {  	s13 =	spop (v2sf);
	v47 =	vmul.f32 v57, v5;
	v2 =	vadd.f32 v2, v19;
	v0 =	vadd.f32 $1.000000000e+00, v0;
	[tilespmem:s8+$0x40] =	vst v32  }
0x12f: {  	s2 =	smul.f32 $3.906250000e-03, s13;
	v5 =	vadd.f32 $1.000000000e+00, v6;
	v6 =	vadd.f32 $1.000000000e+00, v7;
	v7 =	vmul.f32 v4, v37;
	[tilespmem:s14+$0x50] =	vst v58  }
0x130: {  	v33 =	vmul.f32 v1, v33;
	[tilespmem:s8+$0x50] =	vst v0  }
0x131: {  	s16 =	smul.f32 s2, s2;
	s15 =	spop (v2sf);
	v63 =	vmul.f32 v4, v53;
	v2 =	vadd.f32 v28, v2;
	v3 =	vadd.f32 $1.000000000e+00, v7;
	[tilespmem:s14+$0x60] =	vst v5  }
0x132: {  	s9 =	smul.f32 $3.906250000e-03, s15;
	s15 =	simm.s32 $0xB780;
	v1 =	vmul.f32 v1, v51;
	v33 =	vadd.f32 $1.000000000e+00, v33;
	[tilespmem:s8+$0x60] =	vst v6  }
0x133: {  	v10 =	vmul.f32 v4, v9;
	v53 =	vadd.f32 $1.000000000e+00, v63;
	v2 =	vadd.f32 v2, v20;
	[tilespmem:s15+$0x0] =	vst v3  }
0x134: {  	s9 =	ssub.f32 s9, s16;
	v54 =	vmul.f32 v4, v54;
	s16 =	simm.s32 $0xF780;
	v51 =	vmul.f32 v4, v8;
	v1 =	vadd.f32 $1.000000000e+00, v1;
	[tilespmem:s14+$0x70] =	vst v33  }
0x135: {  	v0 =	vadd.f32 $1.000000000e+00, v10;
	v2 =	vadd.f32 v17, v2;
	[tilespmem:s16+$0x0] =	vst v53  }
0x136: {  	v35 =	vadd.f32 $1.000000000e+00, v54;
	v57 =	vadd.f32 $1.000000000e+00, v51;
	v5 =	vmul.f32 v4, v59;
	[tilespmem:s8+$0x70] =	vst v1  }
0x137: {  	v7 =	vmov s9;
	v6 =	vmul.f32 v4, v60;
	v2 =	vadd.f32 v2, v21;
	[tilespmem:s15+$0x10] =	vst v0  }
0x138: {  	v7 =	vadd.f32 $9.999999740e-06, v7;
	v5 =	vadd.f32 $1.000000000e+00, v5;
	v1 =	vmul.f32 v4, v44;
	[tilespmem:s16+$0x10] =	vst v57  }
0x139: {  	v59 =	vadd.f32 $1.000000000e+00, v6;
	v2 =	vadd.f32 v43, v2;
	[tilespmem:s15+$0x20] =	vst v35  }
0x13a: {  	v7 =	vbroadcast v7, $0x0;
	v1 =	vadd.f32 $1.000000000e+00, v1;
	[tilespmem:s16+$0x20] =	vst v5  }
0x13b: {  	v2 =	vadd.f32 v2, v45;
	[tilespmem:s15+$0x30] =	vst v59  }
0x13c: {  	v58 =	vshra.s32 v7, $0x1;
	v61 =	vmul.f32 $5.000000000e-01, v7;
	[tilespmem:s16+$0x30] =	vst v1  }
0x13d: {  	v3 =	vmul.f32 v4, v42;
	v7 =	vsub.s32 $0x5F3759DF, v58;
	v2 =	vadd.f32 v40, v2;
	v1 =	vld [tilespmem:$0x1FE80]  }
0x13e: {  	v63 =	vmul.f32 v4, v38;
	v6 =	vmul.f32 v7, v61  }
0x13f: {  	v0 =	vmul.f32 v4, v12;
	v3 =	vadd.f32 $1.000000000e+00, v3;
	v2 =	vadd.f32 v2, v41  }
0x140: {  	v60 =	vmul.f32 v4, v39;
	v6 =	vmul.f32 v7, v6  }
0x141: {  	v44 =	vadd.f32 $1.000000000e+00, v0;
	[tilespmem:s15+$0x40] =	vst v3;
	v0 =	vadd.f32 v46, v2;
	v2 =	vmov s2  }
0x142: {  	v6 =	vsub.f32 $1.500000000e+00, v6;
	v53 =	vmul.f32 v47, v1;
	v1 =	vadd.f32 $0.0e+00, v2;
	v2 =	vld [tilespmem:$0x1FE90]  }
0x143: {  	v5 =	vadd.f32 $1.000000000e+00, v60  }
0x144: {  	v6 =	vmul.f32 v7, v6;
	v7 =	vadd.f32 $1.000000000e+00, v63  }
0x145: {  	v9 =	vmul.f32 v4, v13;
	[tilespmem:s16+$0x40] =	vst v5  }
0x146: {  	v10 =	vmul.f32 v4, v62;
	v42 =	vmul.f32 v4, v56;
	[tilespmem:s15+$0x50] =	vst v7  }
0x147: {  	v4 =	vmul.f32 v4, v55;
	v55 =	vmul.f32 v47, v2;
	v2 =	vadd.f32 v0, v48;
	v0 =	vld [tilespmem:$0x1FEA0];
	_ =	sdelay $0x4  }
0x148: {  	v60 =	vbroadcast v1, $0x0;
	v1 =	vmul.f32 v47, v0;
	v0 =	vld [tilespmem:$0x1FEB0];
	[tilespmem:s16+$0x50] =	vst v44  }
0x149: {  	v7 =	vadd.f32 v49, v2;
	v2 =	vld [tilespmem:$0x1FEC0];
	_ =	sdelay $0x2  }
0x14a: {  	v51 =	vadd.f32 $1.000000000e+00, v9  }
0x14b: {  	v3 =	vld [tilespmem:$0x1FEE0]  }
0x14c: {  	v59 =	vmul.f32 v47, v2;
	v2 =	vld [tilespmem:$0x1FED0];
	[tilespmem:s15+$0x60] =	vst v51  }
0x14d: {  	v8 =	vld [tilespmem:$0x1FF00];
	_ =	sdelay $0x1  }
0x14e: {  	v32 =	vadd.f32 $1.000000000e+00, v10;
	_ =	sdelay $0x1  }
0x14f: {  	v62 =	vsub.f32 v3, v60;
	v3 =	vld [tilespmem:$0x1FEF0];
	[tilespmem:s16+$0x60] =	vst v32  }
0x150: {  	v63 =	vsub.f32 v8, v60;
	v8 =	vld [tilespmem:$0x1FF10];
	_ =	sdelay $0x4  }
0x151: {  	v44 =	vsub.f32 v8, v60;
	v8 =	vld [tilespmem:$0x1FF20];
	_ =	sdelay $0x2  }
0x152: {  	v5 =	vadd.f32 $1.000000000e+00, v42;
	_ =	sdelay $0x1  }
0x153: {  	v58 =	vmul.f32 v47, v8;
	v8 =	vld [tilespmem:$0x1FF30];
	[tilespmem:s15+$0x70] =	vst v5  }
0x154: {  	v5 =	vld [tilespmem:$0x1FF40];
	_ =	sdelay $0x4  }
0x155: {  	v38 =	vsub.f32 v5, v60;
	v5 =	vld [tilespmem:$0x1FF50];
	_ =	sdelay $0x2  }
0x156: {  	v4 =	vadd.f32 $1.000000000e+00, v4  }
0x157: {  	v7 =	vadd.f32 v7, v50  }
0x158: {  	v37 =	vsub.f32 v5, v60;
	v5 =	vld [tilespmem:$0x1FF60];
	[tilespmem:s16+$0x70] =	vst v4  }
0x159: {  	(xrf2) =	vadd.scan.msk.f32 $0xffff, v7;
	v7 =	vld [tilespmem:$0x1FFB0];
	_ =	sdelay $0x3  }
0x15a: {  	v4 =	vld [tilespmem:$0x1FF70]  }
0x15b: {  	v35 =	vsub.f32 v7, v60;
	v7 =	vld [tilespmem:$0x1FFC0];
	_ =	sdelay $0x3  }
0x15c: {  	v57 =	vmul.f32 v47, v4;
	v4 =	vld [tilespmem:$0x1FF80]  }
0x15d: {  	v34 =	vsub.f32 v7, v60;
	v7 =	vld [tilespmem:$0x1FFD0];
	_ =	sdelay $0x3  }
0x15e: {  	v39 =	vsub.f32 v4, v60;
	v4 =	vld [tilespmem:$0x1FF90]  }
0x15f: {  	v32 =	vsub.f32 v7, v60;
	v7 =	vld [tilespmem:$0x1FFE0];
	_ =	sdelay $0x3  }
0x160: {  	v36 =	vsub.f32 v4, v60;
	v4 =	vld [tilespmem:$0x1FFA0]  }
0x161: {  	v33 =	vsub.f32 v7, v60;
	v7 =	vld [tilespmem:$0x1FFF0];
	_ =	sdelay $0x1  }
0x162: {  	s17 =	sshll.u32 s30, $0x7  }
0x163: {  	s17 =	sadd.s32 s6, s17;
	s26 =	spop (v2sf);
	v0 =	vmul.f32 v47, v0;
	v2 =	vmul.f32 v47, v2  }
0x164: {  	s10 =	simm.s32 $0x3980;
	s11 =	smul.f32 $3.906250000e-03, s26;
	s28 =	spop (v2sf);
	v3 =	vmul.f32 v47, v3;
	v5 =	vmul.f32 v47, v5  }
0x165: {  	s13 =	smul.f32 $3.906250000e-03, s28;
	s9 =	simm.s32 $0x4;
	s2 =	sshll.u32 s30, $0x1;
	(xrf2) =	vadd.scan.msk.f32 $0xffff, v11;
	v42 =	vsub.f32 v8, v60;
	v4 =	vmul.f32 v47, v4;
	v7 =	vmul.f32 v47, v7  }
.LBB2_3:
0x166: {  	_ = 	snop  }
0x167: {  	v10 =	vmov v45  }
0x168: {  	v56 =	vsub.f32 v52, v60;
	v12 =	vmov v43;
	v53 =	vadd.f32 $1.000000000e+00, v53;
	[tilespmem:$0x1FC60] =	vst v10  }
0x169: {  	v11 =	vld [tilespmem:$0x1FC90];
	[tilespmem:$0x1FC50] =	vst v12;
	v16 =	vsub.f32 v16, v60  }
0x16a: {  	v52 =	vld [tilespmem:$0x1FCA0];
	v55 =	vadd.f32 $1.000000000e+00, v55;
	s26 =	smul.f32 s11, s11;
	v14 =	vmov v56;
	[tilespmem:s14+$0xFFFFFF80] =	vst v53;
	v9 =	vsub.f32 v15, v60  }
0x16b: {  	v54 =	vmul.f32 v6, v61;
	[tilespmem:$0x1FCA0] =	vst v14;
	v15 =	vmov v16  }
0x16c: {  	s13 =	ssub.f32 s13, s26;
	[tilespmem:s8+$0xFFFFFF80] =	vst v55;
	v13 =	vmov v9  }
0x16d: {  	v1 =	vadd.f32 $1.000000000e+00, v1;
	v12 =	vld [tilespmem:$0x1FCB0];
	v54 =	vmul.f32 v54, v6;
	[tilespmem:$0x1FCB0] =	vst v13  }
0x16e: {  	v0 =	vadd.f32 $1.000000000e+00, v0;
	v60 =	vsub.f32 v11, v60;
	v22 =	vmov s13;
	v13 =	vld [tilespmem:$0x1FCC0];
	[tilespmem:$0x1FCC0] =	vst v15;
	v15 =	vmovc v40  }
0x16f: {  	v8 =	vld [tilespmem:s10+$0x60];
	v56, _, _ =	vpop (xrf2);
	[tilespmem:s14+$0xFFFFFF90] =	vst v1;
	v11 =	vmul.f32 v47, v52;
	v52 =	vsub.f32 $1.500000000e+00, v54;
	v54 =	vadd.f32 $9.999999740e-06, v22  }
0x170: {  	s0 =	sadd.s32 $0x100, s0;
	v43 =	vld [tilespmem:s10+$0x50];
	v1 =	vadd.f32 $1.000000000e+00, v59;
	(v2sf) =	vpush v56, $0xF;
	[tilespmem:s8+$0xFFFFFF90] =	vst v0  }
0x171: {  	v45 =	vld [tilespmem:s0+$0x60];
	v0 =	vadd.f32 $1.000000000e+00, v2;
	v6 =	vmul.f32 v52, v6;
	[tilespmem:$0x1FC70] =	vst v15;
	v15 =	vmovc v41;
	v41 =	vbroadcast v54, $0x0  }
0x172: {  	v10 =	vld [tilespmem:s10+$0x40];
	v2 =	vadd.f32 $1.000000000e+00, v3;
	[tilespmem:s14+$0xFFFFFFA0] =	vst v1;
	v1 =	vadd.f32 $1.000000000e+00, v58  }
0x173: {  	v56 =	vld [tilespmem:s0+$0x10];
	v51 =	vmovc v60;
	[tilespmem:s8+$0xFFFFFFA0] =	vst v0;
	v60 =	vmul.f32 v6, v61;
	v61 =	vshra.s32 v41, $0x1;
	v58 =	vmul.f32 $5.000000000e-01, v41  }
0x174: {  	v5 =	vadd.f32 $1.000000000e+00, v5;
	v3, _, _ =	vpop (xrf2);
	v16 =	vmov v49;
	v49 =	vld [tilespmem:s10+$0x20];
	[tilespmem:s14+$0xFFFFFFB0] =	vst v2;
	v55 =	vsub.s32 $0x5F3759DF, v61  }
0x175: {  	(v2sf) =	vpush v3, $0xF;
	v2 =	vadd.f32 $1.000000000e+00, v57;
	v57 =	vld [tilespmem:s10+$0x0];
	[tilespmem:s8+$0xFFFFFFB0] =	vst v1;
	v3 =	vmul.f32 v55, v58  }
0x176: {  	v14 =	vmul.f32 v47, v29;
	v40 =	vld [tilespmem:s0+$0x40];
	[tilespmem:s14+$0xFFFFFFC0] =	vst v5;
	v0 =	vmul.f32 v60, v6  }
0x177: {  	v1 =	vadd.f32 $1.000000000e+00, v4;
	v4 =	vadd.f32 $1.000000000e+00, v7;
	v7 =	vld [tilespmem:s0+$0x0];
	[tilespmem:s8+$0xFFFFFFC0] =	vst v2;
	v3 =	vmul.f32 v55, v3  }
0x178: {  	v12 =	vmul.f32 v47, v12;
	v13 =	vmul.f32 v47, v13;
	v47 =	vsub.f32 $1.500000000e+00, v0;
	v0 =	vld [tilespmem:s0+$0xFFFFFF80]  }
0x179: {  	[tilespmem:s14+$0xFFFFFFD0] =	vst v1;
	v41 =	vld [tilespmem:s10+$0x10];
	v61 =	vadd.bf16 v45, v8;
	v8 =	vsub.f32 $1.500000000e+00, v3  }
0x17a: {  	v5 =	vadd.f32 $1.000000000e+00, v11;
	[tilespmem:$0x1FC80] =	vst v15;
	v1 =	vld [tilespmem:s10+$0xFFFFFF80]  }
0x17b: {  	v12 =	vadd.f32 $1.000000000e+00, v12;
	[tilespmem:s8+$0xFFFFFFD0] =	vst v4;
	v15 =	vmovc v50;
	v50 =	vld [tilespmem:s0+$0x20];
	v47 =	vmul.f32 v47, v6;
	v8 =	vmul.f32 v55, v8  }
0x17c: {  	v13 =	vadd.f32 $1.000000000e+00, v13;
	v2 =	vld [tilespmem:s10+$0xFFFFFF90];
	[tilespmem:s14+$0xFFFFFFE0] =	vst v5;
	v5 =	vadd.bf16 v7, v57  }
0x17d: {  	v4 =	vadd.bf16 v40, v10;
	v53 =	vmul.f32 v47, v62;
	v62 =	vld [tilespmem:s0+$0xFFFFFF90];
	[tilespmem:s8+$0xFFFFFFE0] =	vst v12;
	v12 =	vmul.f32 v8, v58  }
0x17e: {  	v9 =	vld [tilespmem:s0+$0x50];
	v6 =	vadd.f32 $1.000000000e+00, v14;
	v11 =	vunpack.i.u.bf16.f32 v5;
	v5 =	vunpack.i.l.bf16.f32 v5  }
0x17f: {  	v40 =	vld [tilespmem:s10+$0xFFFFFFA0];
	[tilespmem:s14+$0xFFFFFFF0] =	vst v13;
	v13 =	vmul.f32 v11, v11;
	v59 =	vadd.bf16 v56, v41;
	v12 =	vmul.f32 v12, v8  }
0x180: {  	v54 =	vadd.f32 $0.0e+00, v5;
	v10 =	vadd.bf16 v50, v49;
	v49 =	vld [tilespmem:s0+$0xFFFFFFA0];
	[tilespmem:s8+$0xFFFFFFF0] =	vst v6;
	v6 =	vmul.f32 v5, v5  }
0x181: {  	[tilespmem:$0x1FC10] =	vst v26;
	v26 =	vmovc v46;
	v46 =	vld [tilespmem:s0+$0x30];
	v55 =	vmul.f32 v47, v63;
	v63 =	vunpack.i.l.bf16.f32 v59;
	v12 =	vsub.f32 $1.500000000e+00, v12  }
0x182: {  	v22 =	vmov v48;
	v48 =	vld [tilespmem:s10+$0x30];
	v6 =	vadd.f32 v6, v13;
	v13 =	vmul.f32 v63, v63  }
0x183: {  	v3 =	vadd.bf16 v9, v43;
	v9 =	vunpack.i.u.bf16.f32 v59;
	v8 =	vmul.f32 v12, v8  }
0x184: {  	v29 =	vmov v18;
	v6 =	vadd.f32 v13, v6;
	v13 =	vmul.f32 v9, v9  }
0x185: {  	v59 =	vadd.f32 v54, v11;
	v54 =	vmovc v32;
	v32 =	vmovc v17;
	v17 =	vunpack.i.l.bf16.f32 v10;
	v18 =	vmul.f32 v8, v58  }
0x186: {  	[tilespmem:$0x1FC40] =	vst v22;
	v22 =	vmov v21;
	v6 =	vadd.f32 v6, v13;
	v12 =	vmul.f32 v17, v17  }
0x187: {  	v21 =	vmovc v20;
	v20 =	vmovc v28;
	v7 =	vadd.bf16 v46, v48;
	v10 =	vunpack.i.u.bf16.f32 v10;
	v18 =	vmul.f32 v18, v8  }
0x188: {  	v28 =	vmovc v19;
	v19 =	vmovc v25;
	v25 =	vmov s11;
	v6 =	vadd.f32 v12, v6;
	v12 =	vmul.f32 v10, v10  }
0x189: {  	[tilespmem:$0x1FC30] =	vst v16;
	v16 =	vunpack.i.u.bf16.f32 v7;
	v7 =	vunpack.i.l.bf16.f32 v7;
	v18 =	vsub.f32 $1.500000000e+00, v18  }
0x18a: {  	v13 =	vadd.f32 v63, v59;
	v6 =	vadd.f32 v6, v12;
	v12 =	vmul.f32 v7, v7  }
0x18b: {  	v25 =	vadd.f32 $0.0e+00, v25;
	v8 =	vmul.f32 v18, v8;
	v18 =	vld [tilespmem:$0x1FCD0]  }
0x18c: {  	v13 =	vadd.f32 v13, v9;
	v6 =	vadd.f32 v12, v6;
	v12 =	vmul.f32 v16, v16;
	_ =	sdelay $0x1  }
0x18d: {  	v25 =	vbroadcast v25, $0x0;
	v56 =	vmovc v5;
	v13 =	vadd.f32 v17, v13;
	v5 =	vadd.f32 v6, v12;
	v12 =	vld [tilespmem:$0x1FCE0];
	_ =	sdelay $0x1  }
0x18e: {  	v13 =	vadd.f32 v13, v10;
	v18 =	vsub.f32 v18, v25  }
0x18f: {  	[tilespmem:$0x1FC90] =	vst v15;
	v15 =	vunpack.i.u.bf16.f32 v4  }
0x190: {  	v4 =	vunpack.i.l.bf16.f32 v4;
	[tilespmem:$0x1FCD0] =	vst v56;
	v56 =	vmovc v11;
	v11 =	vadd.f32 v7, v13;
	v13 =	vmul.f32 v8, v18;
	v18 =	vld [tilespmem:$0x1FCF0]  }
0x191: {  	v6 =	vmul.f32 v4, v4;
	v12 =	vsub.f32 v12, v25;
	_ =	sdelay $0x1  }
0x192: {  	v5 =	vadd.f32 v6, v5;
	v6 =	vmul.f32 v8, v12;
	v12 =	vld [tilespmem:$0x1FD00];
	_ =	sdelay $0x1  }
0x193: {  	v18 =	vsub.f32 v18, v25  }
0x194: {  	[tilespmem:$0x1FCE0] =	vst v56;
	v56 =	vmov v63  }
0x195: {  	v63 =	vmov v9;
	v9 =	vadd.f32 $1.000000000e+00, v13;
	v13 =	vmul.f32 v8, v18;
	v18 =	vld [tilespmem:$0x1FD10]  }
0x196: {  	v12 =	vsub.f32 v12, v25  }
0x197: {  	s14 =	smov.u32 s15;
	s15 =	sadd.s32 $0x100, s15;
	[tilespmem:$0x1FCF0] =	vst v56;
	v56 =	vmov v17;
	v17 =	vld [tilespmem:$0x1FD20]  }
0x198: {  	v6 =	vadd.f32 $1.000000000e+00, v6;
	[tilespmem:s15+$0x0] =	vst v9;
	v12 =	vmul.f32 v8, v12;
	v9 =	vadd.f32 $1.000000000e+00, v13;
	v13 =	vld [tilespmem:$0x1FD30]  }
0x199: {  	s8 =	smov.u32 s16;
	s16 =	sadd.s32 $0x100, s16  }
0x19a: {  	[tilespmem:s16+$0x0] =	vst v6;
	v6 =	vadd.f32 $1.000000000e+00, v12;
	v12 =	vld [tilespmem:$0x1FD40];
	v18 =	vsub.f32 v18, v25  }
0x19b: {  	[tilespmem:$0x1FD00] =	vst v63  }
0x19c: {  	v63 =	vsub.f32 v17, v25;
	[tilespmem:$0x1FD10] =	vst v56;
	v56 =	vmov v10  }
0x19d: {  	[tilespmem:$0x1FD20] =	vst v56;
	v56 =	vmul.f32 v8, v18;
	v13 =	vsub.f32 v13, v25  }
0x19e: {  	v18 =	vmov v7;
	v7 =	vmul.f32 v8, v63  }
0x19f: {  	v12 =	vsub.f32 v12, v25;
	v63 =	vadd.f32 $1.000000000e+00, v56;
	v56 =	vmul.f32 v8, v13;
	v13 =	vld [tilespmem:$0x1FD50]  }
0x1a0: {  	v17 =	vmov v16;
	v16 =	vmov v4;
	[tilespmem:s15+$0x10] =	vst v9;
	v4 =	vadd.f32 $1.000000000e+00, v7;
	v7 =	vld [tilespmem:$0x1FD60]  }
0x1a1: {  	[tilespmem:s16+$0x10] =	vst v6;
	v6 =	vmul.f32 v8, v12;
	v12 =	vld [tilespmem:$0x1FD70];
	_ =	sdelay $0x1  }
0x1a2: {  	v52 =	vmul.f32 v15, v15;
	v0 =	vadd.bf16 v0, v1  }
0x1a3: {  	v14 =	vunpack.i.l.bf16.f32 v3;
	v2 =	vadd.bf16 v62, v2;
	v13 =	vsub.f32 v13, v25  }
0x1a4: {  	[tilespmem:$0x1FC20] =	vst v51;
	v51 =	vmul.f32 v14, v14;
	v5 =	vadd.f32 v5, v52;
	v7 =	vsub.f32 v7, v25  }
0x1a5: {  	[tilespmem:s15+$0x20] =	vst v63;
	v63 =	vadd.f32 $1.000000000e+00, v56;
	v12 =	vsub.f32 v12, v25;
	v56 =	vmul.f32 v8, v13  }
0x1a6: {  	v5 =	vadd.f32 v51, v5;
	[tilespmem:s16+$0x20] =	vst v4;
	v4 =	vadd.f32 $1.000000000e+00, v6;
	v6 =	vmul.f32 v8, v7  }
0x1a7: {  	[tilespmem:s15+$0x30] =	vst v63;
	v7 =	vsub.f32 v23, v25;
	v63 =	vadd.f32 $1.000000000e+00, v56;
	v56 =	vmul.f32 v8, v12  }
0x1a8: {  	[tilespmem:s16+$0x30] =	vst v4;
	v12 =	vsub.f32 v24, v25;
	v4 =	vadd.f32 $1.000000000e+00, v6  }
0x1a9: {  	v6 =	vmul.f32 v8, v7;
	v7 =	vsub.f32 v27, v25;
	[tilespmem:s15+$0x40] =	vst v63;
	v63 =	vadd.f32 $1.000000000e+00, v56  }
0x1aa: {  	v11 =	vadd.f32 v11, v17;
	v56 =	vmul.f32 v8, v12;
	v12 =	vsub.f32 v30, v25;
	[tilespmem:s16+$0x40] =	vst v4  }
0x1ab: {  	v4 =	vadd.f32 $1.000000000e+00, v6;
	v6 =	vmul.f32 v8, v7;
	v7 =	vsub.f32 v31, v25;
	v13 =	vld [tilespmem:s10+$0x70];
	[tilespmem:s15+$0x50] =	vst v63  }
0x1ac: {  	[tilespmem:$0x1FD30] =	vst v18;
	v23 =	vunpack.i.u.bf16.f32 v3;
	v63 =	vadd.f32 $1.000000000e+00, v56;
	v56 =	vmul.f32 v8, v12;
	v12 =	vld [tilespmem:s0+$0x70]  }
0x1ad: {  	[tilespmem:s16+$0x50] =	vst v4;
	v4 =	vadd.f32 $1.000000000e+00, v6;
	v6 =	vmul.f32 v8, v7;
	v7 =	vadd.f32 v16, v11  }
0x1ae: {  	v9 =	vunpack.i.l.bf16.f32 v2;
	v18 =	vmovc v15;
	v8 =	vmul.f32 v23, v23;
	[tilespmem:s15+$0x60] =	vst v63;
	v3 =	vadd.f32 $1.000000000e+00, v56  }
0x1af: {  	v24 =	vunpack.i.l.bf16.f32 v61;
	[tilespmem:s16+$0x60] =	vst v4;
	v4 =	vadd.f32 $1.000000000e+00, v6;
	v1 =	vadd.f32 v7, v18  }
0x1b0: {  	v15 =	vmovc v14;
	v27 =	vunpack.i.u.bf16.f32 v61;
	[tilespmem:s15+$0x70] =	vst v3;
	v3 =	vadd.f32 v5, v8;
	v5 =	vmul.f32 v24, v24  }
0x1b1: {  	[tilespmem:s16+$0x70] =	vst v4;
	v1 =	vadd.f32 v15, v1;
	v4 =	vunpack.i.l.bf16.f32 v0;
	v6 =	vadd.bf16 v12, v13  }
0x1b2: {  	v3 =	vadd.f32 v5, v3;
	v5 =	vmul.f32 v27, v27;
	v7 =	vadd.f32 $0.0e+00, v4  }
0x1b3: {  	v8 =	vunpack.i.u.bf16.f32 v0;
	v1 =	vadd.f32 v1, v23;
	v30 =	vunpack.i.l.bf16.f32 v6  }
0x1b4: {  	v0 =	vadd.f32 v3, v5;
	v5 =	vadd.f32 v7, v8;
	v3 =	vmul.f32 v30, v30  }
0x1b5: {  	v41 =	vld [tilespmem:s10+$0xFFFFFFC0];
	v31 =	vunpack.i.u.bf16.f32 v6;
	v6 =	vmul.f32 v4, v4;
	v1 =	vadd.f32 v24, v1  }
0x1b6: {  	v45 =	vld [tilespmem:s0+$0xFFFFFFC0];
	v7 =	vmul.f32 v8, v8;
	v0 =	vadd.f32 v3, v0;
	v3 =	vmul.f32 v31, v31  }
0x1b7: {  	v43 =	vld [tilespmem:s10+$0xFFFFFFB0];
	v5 =	vadd.f32 v9, v5;
	v1 =	vadd.f32 v1, v27  }
0x1b8: {  	v50 =	vld [tilespmem:s0+$0xFFFFFFB0];
	v63 =	vmul.f32 v9, v9;
	v0 =	vadd.f32 v0, v3;
	v3 =	vadd.f32 v6, v7  }
0x1b9: {  	v57 =	vld [tilespmem:s10+$0xFFFFFFD0];
	v6 =	vunpack.i.u.bf16.f32 v2;
	v1 =	vadd.f32 v30, v1;
	v7 =	vadd.bf16 v49, v40  }
0x1ba: {  	v46 =	vld [tilespmem:s10+$0xFFFFFFE0];
	v2 =	vadd.f32 v5, v6;
	v5 =	vmul.f32 v6, v6;
	(xrf2) =	vadd.scan.msk.f32 $0xffff, v0;
	v0 =	vadd.f32 v63, v3  }
0x1bb: {  	v59 =	vld [tilespmem:s0+$0xFFFFFFF0];
	v14 =	vadd.bf16 v45, v41;
	v10 =	vunpack.i.u.bf16.f32 v7;
	v7 =	vunpack.i.l.bf16.f32 v7  }
0x1bc: {  	v58 =	vld [tilespmem:s10+$0xFFFFFFF0];
	v1 =	vadd.f32 v1, v31;
	v0 =	vadd.f32 v0, v5;
	v5 =	vmul.f32 v7, v7  }
0x1bd: {  	v48 =	vld [tilespmem:s0+$0xFFFFFFE0];
	v51 =	vadd.bf16 v50, v43;
	v2 =	vadd.f32 v7, v2  }
0x1be: {  	v60 =	vld [tilespmem:s0+$0xFFFFFFD0];
	v45 =	vunpack.i.u.bf16.f32 v14;
	(xrf2) =	vadd.scan.msk.f32 $0xffff, v1;
	v1 =	vmul.f32 v10, v10;
	v0 =	vadd.f32 v5, v0  }
0x1bf: {  	v43 =	vunpack.i.l.bf16.f32 v14;
	v11 =	vunpack.i.l.bf16.f32 v51;
	v2 =	vadd.f32 v2, v10  }
0x1c0: {  	v14 =	vmul.f32 v45, v45;
	v5 =	vmul.f32 v11, v11;
	v0 =	vadd.f32 v0, v1  }
0x1c1: {  	v25 =	vadd.bf16 v59, v58;
	v12 =	vunpack.i.u.bf16.f32 v51;
	v1 =	vadd.f32 v11, v2  }
0x1c2: {  	s28 =	spop (v2sf);
	[tilespmem:$0x1FD60] =	vst v18;
	v18 =	vadd.bf16 v48, v46;
	v13 =	vmul.f32 v12, v12;
	v0 =	vadd.f32 v5, v0  }
0x1c3: {  	s13 =	smul.f32 $3.906250000e-03, s28;
	s28 =	spop (v2sf);
	[tilespmem:$0x1FD70] =	vst v15;
	v50 =	vunpack.i.u.bf16.f32 v25;
	v15 =	vadd.bf16 v60, v57;
	v1 =	vadd.f32 v1, v12  }
0x1c4: {  	s28 =	smul.f32 $3.906250000e-03, s28;
	v46 =	vunpack.i.l.bf16.f32 v18;
	v5 =	vmul.f32 v43, v43;
	v0 =	vadd.f32 v0, v13  }
0x1c5: {  	s26 =	smul.f32 s13, s13;
	v48 =	vunpack.i.u.bf16.f32 v18;
	v18 =	vmul.f32 v46, v46;
	v13 =	vadd.f32 v43, v1  }
0x1c6: {  	v40 =	vunpack.i.l.bf16.f32 v15;
	v2 =	vmov s13;
	v5 =	vadd.f32 v5, v0  }
0x1c7: {  	s26 =	ssub.f32 s28, s26;
	v49 =	vunpack.i.l.bf16.f32 v25;
	v25 =	vadd.f32 $0.0e+00, v2;
	v13 =	vadd.f32 v13, v45  }
0x1c8: {  	v41 =	vunpack.i.u.bf16.f32 v15;
	v15 =	vmul.f32 v40, v40;
	v5 =	vadd.f32 v5, v14  }
0x1c9: {  	[tilespmem:$0x1FD40] =	vst v17;
	v3 =	vmov s26;
	v60 =	vbroadcast v25, $0x0;
	v13 =	vadd.f32 v40, v13  }
0x1ca: {  	[tilespmem:$0x1FD50] =	vst v16;
	v17 =	vmul.f32 v41, v41;
	v3 =	vadd.f32 $9.999999740e-06, v3;
	v16, _, _ =	vpop (xrf2);
	v5 =	vadd.f32 v15, v5  }
0x1cb: {  	v56, _, _ =	vpop (xrf2);
	v0 =	vmul.f32 v47, v42;
	v42 =	vsub.f32 v28, v60;
	v13 =	vadd.f32 v13, v41  }
0x1cc: {  	(v2sf) =	vpush v56, $0xF;
	v5 =	vadd.f32 v5, v17;
	v17 =	vbroadcast v3, $0x0  }
0x1cd: {  	v28 =	vmovc v7;
	v7 =	vld [tilespmem:$0x1FC50];
	(v2sf) =	vpush v16, $0xF;
	v14 =	vmul.f32 v48, v48;
	v13 =	vadd.f32 v46, v13  }
0x1ce: {  	v5 =	vadd.f32 v18, v5;
	v18 =	vshra.s32 v17, $0x1;
	v61 =	vmul.f32 $5.000000000e-01, v17  }
0x1cf: {  	v13 =	vadd.f32 v13, v48;
	v17 =	vsub.s32 $0x5F3759DF, v18;
	v18 =	vld [tilespmem:$0x1FC10]  }
0x1d0: {  	v52 =	vmovc v26;
	v26 =	vmov v4;
	v4 =	vadd.f32 v5, v14;
	v5 =	vmul.f32 v17, v61  }
0x1d1: {  	v16 =	vmul.f32 v49, v49;
	v13 =	vadd.f32 v49, v13  }
0x1d2: {  	v57 =	vmul.f32 v17, v5;
	v5 =	vmul.f32 v47, v35;
	v35 =	vsub.f32 v7, v60;
	v7 =	vld [tilespmem:$0x1FC60]  }
0x1d3: {  	v4 =	vadd.f32 v16, v4  }
0x1d4: {  	v15 =	vmul.f32 v50, v50;
	v62 =	vsub.f32 v18, v60;
	v18 =	vmovc v8;
	v8 =	vadd.f32 v13, v50  }
0x1d5: {  	v1 =	vmul.f32 v47, v44;
	v44 =	vsub.f32 v19, v60  }
0x1d6: {  	v19 =	vmovc v6;
	v6 =	vadd.f32 v4, v15;
	(xrf2) =	vadd.scan.msk.f32 $0xffff, v8;
	v8 =	vsub.f32 $1.500000000e+00, v57  }
0x1d7: {  	s9 =	sadd.s32 $0x2, s9;
	v57 =	vmul.f32 v47, v34;
	v34 =	vsub.f32 v7, v60;
	v7 =	vld [tilespmem:$0x1FC70]  }
0x1d8: {  	p2 =	slt.u32 s9, $0x3E;
	(xrf2) =	vadd.scan.msk.f32 $0xffff, v6;
	v6 =	vmul.f32 v17, v8;
	v8 =	vld [tilespmem:$0x1FC80]  }
.Ltmp0:
0x1d9: {  	v59 =	vmul.f32 v47, v38;
	v58 =	vmul.f32 v47, v36;
	(pc) =	sbr.rel @p2 .LBB2_3-.Ltmp0, $4  }
0x1da: {  	v2 =	vmul.f32 v47, v37;
	v63 =	vsub.f32 v29, v60;
	v38 =	vsub.f32 v20, v60  }
0x1db: {  	v29 =	vld [tilespmem:$0x1FC20];
	v25 =	vmovc v9;
	v37 =	vsub.f32 v21, v60;
	v20 =	vmov v10;
	v36 =	vsub.f32 v22, v60;
	s26 =	spop (v2sf)  }
0x1dc: {  	v21 =	vmovc v12;
	v3 =	vmul.f32 v47, v39;
	v39 =	vsub.f32 v32, v60;
	v16 =	vld [tilespmem:$0x1FC30];
	v4 =	vmul.f32 v47, v54;
	s11 =	smul.f32 $3.906250000e-03, s26;
	s28 =	spop (v2sf)  }
0x1dd: {  	s10 =	sadd.s32 $0x100, s10;
	v15 =	vld [tilespmem:$0x1FC40];
	s13 =	smul.f32 $3.906250000e-03, s28;
	v17 =	vmovc v11;
	v32 =	vsub.f32 v7, v60;
	v7 =	vmul.f32 v47, v33;
	v33 =	vsub.f32 v8, v60  }
0x1de: {  	s0 =	smul.f32 s11, s11;
	_ =	sdelay $0x1  }
0x1df: {  	s0 =	ssub.f32 s13, s0;
	_ =	sdelay $0x1  }
0x1e0: {  	v8 =	vmov s0  }
0x1e1: {  	v8 =	vadd.f32 $9.999999740e-06, v8;
	_ =	sdelay $0x1  }
0x1e2: {  	v8 =	vbroadcast v8, $0x0;
	_ =	sdelay $0x1  }
0x1e3: {  	v9 =	vshra.s32 v8, $0x1;
	v8 =	vmul.f32 $5.000000000e-01, v8  }
0x1e4: {  	v9 =	vsub.s32 $0x5F3759DF, v9  }
0x1e5: {  	v10 =	vmul.f32 v9, v8;
	_ =	sdelay $0x1  }
0x1e6: {  	v10 =	vmul.f32 v9, v10;
	_ =	sdelay $0x1  }
0x1e7: {  	v10 =	vsub.f32 $1.500000000e+00, v10;
	_ =	sdelay $0x1  }
0x1e8: {  	v11, _, _ =	vpop (xrf2);
	v9 =	vmul.f32 v9, v10  }
0x1e9: {  	v54 =	vmul.f32 v6, v61;
	(v2sf) =	vpush v11, $0xF;
	v56, _, _ =	vpop (xrf2)  }
0x1ea: {  	(v2sf) =	vpush v56, $0xF;
	v56 =	vadd.f32 $1.000000000e+00, v53;
	v12 =	vmul.f32 v9, v8  }
0x1eb: {  	v13 =	vadd.f32 $1.000000000e+00, v55;
	v10 =	vmul.f32 v54, v6;
	v54 =	vld [tilespmem:$0x1FCA0]  }
0x1ec: {  	v1 =	vadd.f32 $1.000000000e+00, v1;
	v51 =	vmul.f32 v12, v9;
	v12 =	vld [tilespmem:$0x1FCB0];
	[tilespmem:s14+$0xFFFFFF80] =	vst v56  }
0x1ed: {  	v0 =	vadd.f32 $1.000000000e+00, v0;
	[tilespmem:s8+$0xFFFFFF80] =	vst v13  }
0x1ee: {  	v59 =	vadd.f32 $1.000000000e+00, v59;
	[tilespmem:s14+$0xFFFFFF90] =	vst v1  }
0x1ef: {  	v2 =	vadd.f32 $1.000000000e+00, v2;
	[tilespmem:s8+$0xFFFFFF90] =	vst v0  }
0x1f0: {  	v1 =	vadd.f32 $1.000000000e+00, v3;
	[tilespmem:s14+$0xFFFFFFA0] =	vst v59  }
0x1f1: {  	v11 =	vsub.f32 $1.500000000e+00, v51;
	v0 =	vadd.f32 $1.000000000e+00, v58;
	[tilespmem:s8+$0xFFFFFFA0] =	vst v2  }
0x1f2: {  	v5 =	vadd.f32 $1.000000000e+00, v5;
	v10 =	vsub.f32 $1.500000000e+00, v10;
	v2 =	vld [tilespmem:$0x1FCC0];
	[tilespmem:s14+$0xFFFFFFB0] =	vst v1  }
0x1f3: {  	v51 =	vadd.f32 $1.000000000e+00, v57;
	v9 =	vmul.f32 v11, v9;
	v12 =	vmul.f32 v47, v12;
	v53 =	vld [tilespmem:$0x1FCD0];
	[tilespmem:s8+$0xFFFFFFB0] =	vst v0  }
0x1f4: {  	v4 =	vadd.f32 $1.000000000e+00, v4;
	v6 =	vmul.f32 v10, v6;
	v10 =	vmul.f32 v47, v54;
	v54 =	vld [tilespmem:$0x1FCE0];
	[tilespmem:s14+$0xFFFFFFC0] =	vst v5  }
0x1f5: {  	v7 =	vadd.f32 $1.000000000e+00, v7;
	v8 =	vmul.f32 v9, v8;
	v5 =	vadd.f32 $1.000000000e+00, v12;
	v12 =	vld [tilespmem:$0x1FCF0];
	[tilespmem:s8+$0xFFFFFFC0] =	vst v51  }
0x1f6: {  	v14 =	vmov s11;
	v13 =	vmul.f32 v6, v61;
	[tilespmem:s14+$0xFFFFFFD0] =	vst v4  }
0x1f7: {  	v3 =	vmul.f32 v8, v9;
	v8 =	vadd.f32 $0.0e+00, v14;
	v4 =	vld [tilespmem:$0x1FD00];
	[tilespmem:s8+$0xFFFFFFD0] =	vst v7  }
0x1f8: {  	s28 =	spop (v2sf);
	v13 =	vmul.f32 v13, v6;
	v7 =	vld [tilespmem:$0x1FD10]  }
0x1f9: {  	s9 =	smul.f32 $3.906250000e-03, s28;
	v3 =	vsub.f32 $1.500000000e+00, v3;
	v8 =	vbroadcast v8, $0x0  }
0x1fa: {  	v1 =	vsub.f32 $1.500000000e+00, v13;
	v0 =	vadd.f32 $1.000000000e+00, v10;
	v2 =	vmul.f32 v47, v2  }
0x1fb: {  	s10 =	spop (v2sf);
	s0 =	smul.f32 s9, s9;
	v3 =	vmul.f32 v3, v9;
	v9 =	vsub.f32 v53, v8;
	v10 =	vsub.f32 v54, v8  }
0x1fc: {  	s10 =	smul.f32 $3.906250000e-03, s10;
	v13 =	vmul.f32 v47, v29;
	v2 =	vadd.f32 $1.000000000e+00, v2;
	v4 =	vsub.f32 v4, v8  }
0x1fd: {  	[tilespmem:s14+$0xFFFFFFE0] =	vst v0;
	v9 =	vmul.f32 v3, v9;
	v12 =	vsub.f32 v12, v8;
	v7 =	vsub.f32 v7, v8  }
0x1fe: {  	s0 =	ssub.f32 s10, s0;
	v55 =	vadd.f32 $1.000000000e+00, v13;
	v10 =	vmul.f32 v3, v10;
	v0 =	vmul.f32 v3, v4;
	v4 =	vld [tilespmem:$0x1FD20];
	[tilespmem:s8+$0xFFFFFFE0] =	vst v5  }
0x1ff: {  	v9 =	vadd.f32 $1.000000000e+00, v9;
	v12 =	vmul.f32 v3, v12;
	v5 =	vmul.f32 v3, v7;
	v7 =	vld [tilespmem:$0x1FD30];
	[tilespmem:s14+$0xFFFFFFF0] =	vst v2  }
0x200: {  	v13 =	vmov s0;
	v10 =	vadd.f32 $1.000000000e+00, v10;
	[tilespmem:s8+$0xFFFFFFF0] =	vst v55;
	s8 =	sadd.s32 $0x100, s15  }
0x201: {  	s10 =	sadd.s32 $0x100, s16;
	v1 =	vmul.f32 v1, v6;
	v12 =	vadd.f32 $1.000000000e+00, v12;
	v2 =	vadd.f32 $9.999999740e-06, v13;
	v6 =	vld [tilespmem:$0x1FD40];
	[tilespmem:s8+$0x0] =	vst v9  }
0x202: {  	v0 =	vadd.f32 $1.000000000e+00, v0;
	v9 =	vld [tilespmem:$0x1FD50];
	[tilespmem:s10+$0x0] =	vst v10  }
0x203: {  	v2 =	vbroadcast v2, $0x0;
	v10 =	vld [tilespmem:$0x1FD60];
	[tilespmem:s8+$0x10] =	vst v12  }
0x204: {  	v4 =	vsub.f32 v4, v8;
	[tilespmem:s10+$0x10] =	vst v0  }
0x205: {  	v5 =	vadd.f32 $1.000000000e+00, v5;
	v56 =	vshra.s32 v2, $0x1;
	v7 =	vsub.f32 v7, v8;
	v57 =	vld [tilespmem:$0x1FD70]  }
0x206: {  	v2 =	vmul.f32 $5.000000000e-01, v2;
	v4 =	vmul.f32 v3, v4;
	v6 =	vsub.f32 v6, v8  }
0x207: {  	v11 =	vsub.s32 $0x5F3759DF, v56;
	v7 =	vmul.f32 v3, v7;
	v9 =	vsub.f32 v9, v8  }
0x208: {  	v4 =	vadd.f32 $1.000000000e+00, v4;
	v6 =	vmul.f32 v3, v6;
	v10 =	vsub.f32 v10, v8  }
0x209: {  	[tilespmem:s8+$0x20] =	vst v5;
	v58 =	vmul.f32 v11, v2;
	v7 =	vadd.f32 $1.000000000e+00, v7;
	v0 =	vmul.f32 v3, v9  }
0x20a: {  	[tilespmem:s10+$0x20] =	vst v4;
	v9 =	vsub.f32 v57, v8;
	v5 =	vadd.f32 $1.000000000e+00, v6;
	v6 =	vmul.f32 v3, v10  }
0x20b: {  	v4 =	vsub.f32 v23, v8;
	[tilespmem:s8+$0x30] =	vst v7;
	v7 =	vsub.f32 v24, v8;
	v10 =	vmul.f32 v11, v58  }
0x20c: {  	v0 =	vadd.f32 $1.000000000e+00, v0;
	v9 =	vmul.f32 v3, v9;
	v6 =	vadd.f32 $1.000000000e+00, v6  }
0x20d: {  	v4 =	vmul.f32 v3, v4;
	[tilespmem:s10+$0x30] =	vst v5;
	v5 =	vsub.f32 v27, v8;
	v10 =	vsub.f32 $1.500000000e+00, v10  }
0x20e: {  	[tilespmem:s8+$0x40] =	vst v0;
	v0 =	vmul.f32 v3, v7;
	v7 =	vsub.f32 v30, v8;
	v9 =	vadd.f32 $1.000000000e+00, v9  }
0x20f: {  	v4 =	vadd.f32 $1.000000000e+00, v4;
	[tilespmem:s10+$0x40] =	vst v6;
	v5 =	vmul.f32 v3, v5;
	v6 =	vsub.f32 v31, v8  }
0x210: {  	v8 =	vmul.f32 v11, v10;
	v0 =	vadd.f32 $1.000000000e+00, v0;
	v7 =	vmul.f32 v3, v7;
	[tilespmem:s8+$0x50] =	vst v9  }
0x211: {  	v59 =	vsub.f32 v52, v60;
	v3 =	vmul.f32 v3, v6;
	[tilespmem:s10+$0x50] =	vst v4;
	v4 =	vadd.f32 $1.000000000e+00, v5  }
0x212: {  	v6 =	vmul.f32 v8, v2;
	v5 =	vmul.f32 v1, v62;
	[tilespmem:s8+$0x60] =	vst v0;
	v0 =	vadd.f32 $1.000000000e+00, v7  }
0x213: {  	v61 =	vmul.f32 v1, v63;
	v12 =	vmul.f32 v1, v37;
	v3 =	vadd.f32 $1.000000000e+00, v3;
	[tilespmem:s10+$0x60] =	vst v4  }
0x214: {  	v4 =	vmul.f32 v6, v8;
	v5 =	vadd.f32 $1.000000000e+00, v5;
	[tilespmem:s8+$0x70] =	vst v0;
	v0 =	vmul.f32 v1, v44  }
0x215: {  	v37 =	vmul.f32 v1, v36;
	v10 =	vadd.f32 $1.000000000e+00, v61;
	[tilespmem:s10+$0x70] =	vst v3;
	v3 =	vmul.f32 v1, v42  }
0x216: {  	v62 =	vmul.f32 v1, v38;
	v4 =	vsub.f32 $1.500000000e+00, v4;
	[tilespmem:s15+$0xFFFFFF80] =	vst v5;
	v0 =	vadd.f32 $1.000000000e+00, v0  }
0x217: {  	v63 =	vmul.f32 v1, v39;
	v11 =	vadd.f32 $1.000000000e+00, v37;
	v5 =	vld [tilespmem:$0x1FC90];
	[tilespmem:s16+$0xFFFFFF80] =	vst v10;
	v3 =	vadd.f32 $1.000000000e+00, v3  }
0x218: {  	v9 =	vmul.f32 v1, v59;
	v4 =	vmul.f32 v4, v8;
	[tilespmem:s15+$0xFFFFFF90] =	vst v0;
	v0 =	vadd.f32 $1.000000000e+00, v62  }
0x219: {  	v38 =	vmul.f32 v1, v33;
	v10 =	vadd.f32 $1.000000000e+00, v63;
	[tilespmem:s16+$0xFFFFFF90] =	vst v3;
	v3 =	vadd.f32 $1.000000000e+00, v12  }
0x21a: {  	v8 =	vmov s9;
	v12 =	vmul.f32 v1, v35;
	v2 =	vmul.f32 v4, v2;
	[tilespmem:s15+$0xFFFFFFA0] =	vst v0  }
0x21b: {  	v7 =	vsub.f32 v15, v60;
	v0 =	vadd.f32 $0.0e+00, v8;
	v8 =	vmul.f32 v1, v34;
	[tilespmem:s16+$0xFFFFFFA0] =	vst v3  }
0x21c: {  	v3 =	vmul.f32 v1, v32;
	v12 =	vadd.f32 $1.000000000e+00, v12;
	v2 =	vmul.f32 v2, v4;
	[tilespmem:s15+$0xFFFFFFB0] =	vst v10  }
0x21d: {  	v6 =	vsub.f32 v16, v60;
	v7 =	vmul.f32 v1, v7;
	v8 =	vadd.f32 $1.000000000e+00, v8;
	[tilespmem:s16+$0xFFFFFFB0] =	vst v11  }
0x21e: {  	v0 =	vbroadcast v0, $0x0;
	v3 =	vadd.f32 $1.000000000e+00, v3;
	v2 =	vsub.f32 $1.500000000e+00, v2;
	[tilespmem:s15+$0xFFFFFFC0] =	vst v12  }
0x21f: {  	v6 =	vmul.f32 v1, v6;
	v5 =	vsub.f32 v5, v60;
	v10 =	vadd.f32 $1.000000000e+00, v38;
	[tilespmem:s16+$0xFFFFFFC0] =	vst v8  }
0x220: {  	v39 =	vsub.f32 v26, v0;
	v8 =	vadd.f32 $1.000000000e+00, v9;
	v2 =	vmul.f32 v2, v4;
	[tilespmem:s15+$0xFFFFFFD0] =	vst v3  }
0x221: {  	v1 =	vmul.f32 v1, v5;
	v4 =	vadd.f32 $1.000000000e+00, v7;
	v3 =	vsub.f32 v18, v0;
	[tilespmem:s16+$0xFFFFFFD0] =	vst v10  }
0x222: {  	v6 =	vadd.f32 $1.000000000e+00, v6;
	v5 =	vsub.f32 v25, v0;
	v7 =	vmul.f32 v2, v39;
	[tilespmem:s15+$0xFFFFFFE0] =	vst v8  }
0x223: {  	v1 =	vadd.f32 $1.000000000e+00, v1;
	v8 =	vsub.f32 v19, v0;
	v3 =	vmul.f32 v2, v3;
	[tilespmem:s16+$0xFFFFFFE0] =	vst v4  }
0x224: {  	v5 =	vmul.f32 v2, v5;
	v4 =	vsub.f32 v28, v0;
	[tilespmem:s15+$0xFFFFFFF0] =	vst v6;
	v6 =	vadd.f32 $1.000000000e+00, v7  }
0x225: {  	v7 =	vsub.f32 v20, v0;
	v3 =	vadd.f32 $1.000000000e+00, v3;
	[tilespmem:s16+$0xFFFFFFF0] =	vst v1;
	v1 =	vmul.f32 v2, v8  }
0x226: {  	v5 =	vadd.f32 $1.000000000e+00, v5;
	v8 =	vsub.f32 v17, v0;
	v4 =	vmul.f32 v2, v4;
	[tilespmem:s8+$0xFFFFFF80] =	vst v6  }
0x227: {  	v6 =	vsub.f32 v21, v0;
	v7 =	vmul.f32 v2, v7;
	[tilespmem:s10+$0xFFFFFF80] =	vst v3;
	v1 =	vadd.f32 $1.000000000e+00, v1  }
0x228: {  	v3 =	vsub.f32 v43, v0;
	v8 =	vmul.f32 v2, v8;
	v4 =	vadd.f32 $1.000000000e+00, v4;
	[tilespmem:s8+$0xFFFFFF90] =	vst v5  }
0x229: {  	v5 =	vsub.f32 v45, v0;
	v6 =	vmul.f32 v2, v6;
	[tilespmem:s10+$0xFFFFFF90] =	vst v1;
	v1 =	vadd.f32 $1.000000000e+00, v7  }
0x22a: {  	v7 =	vsub.f32 v40, v0;
	v3 =	vmul.f32 v2, v3;
	v8 =	vadd.f32 $1.000000000e+00, v8;
	[tilespmem:s8+$0xFFFFFFA0] =	vst v4  }
0x22b: {  	v4 =	vsub.f32 v41, v0;
	v5 =	vmul.f32 v2, v5;
	v6 =	vadd.f32 $1.000000000e+00, v6;
	[tilespmem:s10+$0xFFFFFFA0] =	vst v1  }
0x22c: {  	v1 =	vsub.f32 v46, v0;
	v7 =	vmul.f32 v2, v7;
	v3 =	vadd.f32 $1.000000000e+00, v3;
	[tilespmem:s8+$0xFFFFFFB0] =	vst v8  }
0x22d: {  	v8 =	vsub.f32 v48, v0;
	v4 =	vmul.f32 v2, v4;
	v5 =	vadd.f32 $1.000000000e+00, v5;
	[tilespmem:s10+$0xFFFFFFB0] =	vst v6  }
0x22e: {  	v6 =	vsub.f32 v49, v0;
	v1 =	vmul.f32 v2, v1;
	v7 =	vadd.f32 $1.000000000e+00, v7;
	[tilespmem:s8+$0xFFFFFFC0] =	vst v3  }
0x22f: {  	v0 =	vsub.f32 v50, v0;
	v3 =	vmul.f32 v2, v8;
	v4 =	vadd.f32 $1.000000000e+00, v4;
	[tilespmem:s10+$0xFFFFFFC0] =	vst v5  }
0x230: {  	v5 =	vmul.f32 v2, v6;
	v1 =	vadd.f32 $1.000000000e+00, v1;
	[tilespmem:s8+$0xFFFFFFD0] =	vst v7  }
0x231: {  	v0 =	vmul.f32 v2, v0;
	v2 =	vadd.f32 $1.000000000e+00, v3;
	[tilespmem:s10+$0xFFFFFFD0] =	vst v4  }
0x232: {  	v3 =	vadd.f32 $1.000000000e+00, v5;
	[tilespmem:s8+$0xFFFFFFE0] =	vst v1  }
0x233: {  	s11 =	sshll.u32 s17, $0x4;
	v0 =	vadd.f32 $1.000000000e+00, v0;
	[tilespmem:s10+$0xFFFFFFE0] =	vst v2  }
0x234: {  	s0 =	sand.u32 $0x1FFFFFF0, s11;
	[tilespmem:s8+$0xFFFFFFF0] =	vst v3  }
0x235: {  	s13 =	sadd.s32 s5, s11;
	s0 =	sadd.s32 s5, s0;
	[tilespmem:s10+$0xFFFFFFF0] =	vst v0  }
0x236: {  	[hbm4b:s13+s3] =	stream.linear.scatter [tilespmem:s20], [sflag:$0x5], $0x2000, $0x38;
	[tilespmem:$0x13600] =	vst v63  }
0x237: {  	s0 =	sadd.s32 $0x280000, s0  }
0x238: {  	[hbm4b:s0+s3] =	stream.linear.scatter [tilespmem:s21], [sflag:$0x5], $0x2000, $0x38;
	[tilespmem:$0x13600] =	vst v63  }
0x239: {  	_ =	swait.ge [sflag:s22], $0x2000  }
0x23a: {  	[sflag:s22] =	ssyncset.done $0x0  }
0x23b: {  	s0 =	sadd.s32 $0x2, s2;
	[sflag:s22] =	ssyncadd.s32 $0xFFFFE000  }
0x23c: {  	p2 =	sge.u32 s0, s7;
	_ =	swait.ge [sflag:s23], $0x2000  }
0x23d: {  	s0 =	sshll.u32 @!p2 s0, $0x6;
	[sflag:s23] =	ssyncset.done $0x0  }
0x23e: {  	s2 =	simm.s32 @!p2 $0x40;
	s8 =	simm.s32 @!p2 $0x3600;
	[sflag:s23] =	ssyncadd.s32 $0xFFFFE000  }
0x23f: {  	[tilespmem:s8], [sflag:$0x1] =	stream.indirect.gather @!p2 [hbm4b:s1+s2], $0x80, s0, s2, $0xb8;
	[tilespmem:$0x13600] =	vst v63  }
0x240: {  	s0 =	sadd.s32 @!p2 $0x1B00, s0;
	s8 =	simm.s32 @!p2 $0x7600  }
0x241: {  	[tilespmem:s8], [sflag:$0x3] =	stream.indirect.gather @!p2 [hbm4b:s4+s2], $0x80, s0, s2, $0xb8;
	[tilespmem:$0x13600] =	vst v63  }
0x242: {  	s0 =	simm.s32 @!p1 $0x6  }
0x243: {  	_ =	swait.ge @!p1 [sflag:s0], $0x2000  }
0x244: {  	[sflag:s0] =	ssyncset.done @!p1 $0x0  }
0x245: {  	[sflag:s0] =	ssyncadd.s32 @!p1 $0xFFFFE000  }
0x246: {  	_ =	swait.ge @!p1 [sflag:s0], $0x2000  }
0x247: {  	[sflag:s0] =	ssyncset.done @!p1 $0x0  }
0x248: {  	s14 =	simm.s32 $0x56F0;
	[sflag:s0] =	ssyncadd.s32 @!p1 $0xFFFFE000  }
0x249: {  	s15 =	simm.s32 $0x96F0;
	v0 =	vld [tilespmem:s14+$0xFFFFFF90]  }
0x24a: {  	v1 =	vld [tilespmem:s15+$0xFFFFFF90]  }
0x24b: {  	v2 =	vld [tilespmem:s14+$0xFFFFFFA0]  }
0x24c: {  	v3 =	vld [tilespmem:s15+$0xFFFFFFA0]  }
0x24d: {  	v4 =	vld [tilespmem:s14+$0xFFFFFFB0]  }
0x24e: {  	v5 =	vld [tilespmem:s15+$0xFFFFFFB0]  }
0x24f: {  	v8 =	vld [tilespmem:s14+$0xFFFFFFC0]  }
0x250: {  	v40 =	vld [tilespmem:s15+$0xFFFFFFC0]  }
0x251: {  	v13 =	vld [tilespmem:s14+$0xFFFFFFD0];
	v1 =	vadd.bf16 v1, v0  }
0x252: {  	v14 =	vld [tilespmem:s15+$0xFFFFFFD0];
	v3 =	vadd.bf16 v3, v2  }
0x253: {  	v4 =	vadd.bf16 v5, v4;
	v0 =	vunpack.i.u.bf16.f32 v1;
	v2 =	vunpack.i.l.bf16.f32 v1  }
0x254: {  	v6 =	vmul.f32 v2, v2;
	v7 =	vmul.f32 v0, v0;
	v5 =	vadd.f32 $0.0e+00, v2  }
0x255: {  	v1 =	vunpack.i.l.bf16.f32 v3  }
0x256: {  	v41 =	vmul.f32 v1, v1;
	v6 =	vadd.f32 v6, v7;
	v5 =	vadd.f32 v5, v0  }
0x257: {  	v8 =	vadd.bf16 v40, v8;
	v14 =	vadd.bf16 v14, v13;
	v7 =	vunpack.i.u.bf16.f32 v3  }
0x258: {  	v3 =	vadd.f32 v41, v6;
	v6 =	vmul.f32 v7, v7;
	v5 =	vadd.f32 v1, v5  }
0x259: {  	v17 =	vld [tilespmem:s15+$0xFFFFFFF0];
	v9 =	vunpack.i.l.bf16.f32 v4;
	v12 =	vunpack.i.l.bf16.f32 v8;
	v13 =	vunpack.i.u.bf16.f32 v8  }
0x25a: {  	v8 =	vld [tilespmem:s14+$0xFFFFFFF0];
	v3 =	vadd.f32 v3, v6;
	v6 =	vmul.f32 v9, v9;
	v5 =	vadd.f32 v5, v7  }
0x25b: {  	v18 =	vld [tilespmem:s15+$0xFFFFFF10];
	v11 =	vunpack.i.u.bf16.f32 v4  }
0x25c: {  	v21 =	vld [tilespmem:s14+$0xFFFFFF10];
	v4 =	vmul.f32 v11, v11;
	v3 =	vadd.f32 v6, v3;
	v5 =	vadd.f32 v9, v5  }
0x25d: {  	v42 =	vld [tilespmem:s15+$0xFFFFFFE0]  }
0x25e: {  	v6 =	vld [tilespmem:s14+$0xFFFFFFE0];
	v3 =	vadd.f32 v3, v4;
	v4 =	vmul.f32 v12, v12;
	v5 =	vadd.f32 v5, v11  }
0x25f: {  	v15 =	vunpack.i.l.bf16.f32 v14;
	v8 =	vadd.bf16 v17, v8  }
0x260: {  	v3 =	vadd.f32 v4, v3;
	v4 =	vmul.f32 v13, v13;
	v5 =	vadd.f32 v12, v5  }
0x261: {  	v17 =	vadd.bf16 v18, v21;
	v21 =	vld [tilespmem:s14+$0xFFFFFF30];
	v28 =	vunpack.i.l.bf16.f32 v8;
	v29 =	vunpack.i.u.bf16.f32 v8  }
0x262: {  	v8 =	vld [tilespmem:s15+$0xFFFFFF30];
	v3 =	vadd.f32 v3, v4;
	v4 =	vmul.f32 v15, v15;
	v5 =	vadd.f32 v5, v13  }
0x263: {  	v43 =	vld [tilespmem:s14+$0xFFFFFF20];
	v16 =	vunpack.i.u.bf16.f32 v14;
	v6 =	vadd.bf16 v42, v6  }
0x264: {  	v14 =	vmul.f32 v16, v16;
	v3 =	vadd.f32 v4, v3;
	v4 =	vld [tilespmem:s15+$0xFFFFFF20];
	v5 =	vadd.f32 v15, v5  }
0x265: {  	v23 =	vld [tilespmem:s14+$0x0];
	v19 =	vunpack.i.l.bf16.f32 v6  }
0x266: {  	v22 =	vmul.f32 v19, v19;
	v3 =	vadd.f32 v3, v14;
	v14 =	vld [tilespmem:s15+$0x0];
	v5 =	vadd.f32 v5, v16  }
0x267: {  	v18 =	vmul.f32 v28, v28;
	v44 =	vadd.bf16 v8, v21;
	v20 =	vunpack.i.u.bf16.f32 v6  }
0x268: {  	v6 =	vmul.f32 v20, v20;
	v3 =	vadd.f32 v22, v3;
	v5 =	vadd.f32 v19, v5  }
0x269: {  	v8 =	vunpack.i.l.bf16.f32 v44;
	v10 =	vadd.bf16 v4, v43;
	v4 =	vunpack.i.u.bf16.f32 v17  }
0x26a: {  	v6 =	vadd.f32 v3, v6;
	v3 =	vunpack.i.l.bf16.f32 v17;
	v17 =	vadd.f32 v5, v20  }
0x26b: {  	v24 =	vmul.f32 v4, v4;
	v14 =	vadd.bf16 v14, v23;
	v22 =	vadd.f32 $0.0e+00, v3  }
0x26c: {  	v23 =	vmul.f32 v3, v3;
	v6 =	vadd.f32 v18, v6;
	v18 =	vmul.f32 v29, v29  }
0x26d: {  	v5 =	vunpack.i.l.bf16.f32 v10;
	v17 =	vadd.f32 v28, v17;
	v22 =	vadd.f32 v22, v4  }
0x26e: {  	v25 =	vld [tilespmem:s14+$0xFFFFFF40];
	v23 =	vadd.f32 v23, v24;
	v27 =	vadd.f32 v6, v18;
	v18 =	vmul.f32 v5, v5  }
0x26f: {  	v26 =	vld [tilespmem:s15+$0xFFFFFF40];
	v31 =	vunpack.i.l.bf16.f32 v14;
	v6 =	vunpack.i.u.bf16.f32 v10;
	v22 =	vadd.f32 v5, v22  }
0x270: {  	v21 =	vmul.f32 v31, v31;
	v24 =	vmul.f32 v6, v6;
	v23 =	vadd.f32 v18, v23  }
0x271: {  	v30 =	vld [tilespmem:s14+$0xFFFFFF50];
	v10 =	vunpack.i.u.bf16.f32 v44;
	v47 =	vadd.f32 v17, v29;
	v22 =	vadd.f32 v22, v6  }
0x272: {  	v45 =	vld [tilespmem:s15+$0xFFFFFF50];
	v18 =	vunpack.i.u.bf16.f32 v14;
	v14 =	vadd.f32 v23, v24;
	v23 =	vmul.f32 v8, v8  }
0x273: {  	v21 =	vadd.f32 v21, v27;
	v27 =	vmul.f32 v18, v18;
	v22 =	vadd.f32 v8, v22  }
0x274: {  	v24 =	vadd.bf16 v26, v25;
	v25 =	vmul.f32 v10, v10;
	v23 =	vadd.f32 v23, v14  }
0x275: {  	v27 =	vadd.f32 v21, v27;
	v22 =	vadd.f32 v22, v10  }
0x276: {  	v23 =	vadd.f32 v23, v25;
	v25 =	vadd.f32 v31, v47  }
0x277: {  	v46 =	vld [tilespmem:s15+$0xFFFFFF60];
	v14 =	vunpack.i.l.bf16.f32 v24;
	v17 =	vunpack.i.u.bf16.f32 v24;
	v24 =	vadd.bf16 v45, v30  }
0x278: {  	v26 =	vld [tilespmem:s14+$0xFFFFFF60];
	v48 =	vmul.f32 v14, v14;
	v22 =	vadd.f32 v14, v22;
	v25 =	vadd.f32 v25, v18  }
0x279: {  	v30 =	vmul.f32 v17, v17;
	(xrf2) =	vadd.scan.msk.f32 $0xffff, v27  }
0x27a: {  	v21 =	vunpack.i.l.bf16.f32 v24;
	v23 =	vadd.f32 v48, v23;
	v50 =	vadd.f32 v22, v17;
	(xrf2) =	vadd.scan.msk.f32 $0xffff, v25  }
0x27b: {  	v49 =	vld [tilespmem:s14+$0xFFFFFF70];
	v52 =	vmul.f32 v21, v21  }
0x27c: {  	v51 =	vld [tilespmem:s15+$0xFFFFFF70];
	v22 =	vunpack.i.u.bf16.f32 v24;
	v23 =	vadd.f32 v23, v30;
	v24 =	vadd.f32 v21, v50  }
0x27d: {  	v26 =	vadd.bf16 v46, v26  }
0x27e: {  	v53 =	vld [tilespmem:s14+$0xFFFFFF80];
	v27 =	vmul.f32 v22, v22;
	v30 =	vadd.f32 v52, v23;
	v25 =	vadd.f32 v24, v22  }
0x27f: {  	v54 =	vld [tilespmem:s15+$0xFFFFFF80];
	v23 =	vunpack.i.l.bf16.f32 v26  }
0x280: {  	v27 =	vadd.f32 v30, v27;
	v30 =	vadd.f32 v23, v25  }
0x281: {  	v55 =	vmul.f32 v23, v23;
	v24 =	vunpack.i.u.bf16.f32 v26;
	v26 =	vadd.bf16 v51, v49  }
0x282: {  	v30 =	vadd.f32 v30, v24  }
0x283: {  	v56 =	vmul.f32 v24, v24;
	v25 =	vunpack.i.l.bf16.f32 v26;
	v62, _, _ =	vpop (xrf2);
	v27 =	vadd.f32 v55, v27  }
0x284: {  	v58 =	vadd.bf16 v54, v53;
	v26 =	vunpack.i.u.bf16.f32 v26;
	v30 =	vadd.f32 v25, v30;
	v39, _, _ =	vpop (xrf2)  }
0x285: {  	v57 =	vmul.f32 v25, v25;
	v27 =	vadd.f32 v27, v56;
	(v2sf) =	vpush v39, $0xF  }
0x286: {  	s16 =	simm.s32 $0x57F0;
	v61 =	vadd.f32 v30, v26  }
0x287: {  	s17 =	simm.s32 $0x97F0;
	v42 =	vld [tilespmem:s16+$0xFFFFFF90];
	v60 =	vadd.f32 v57, v27;
	v27 =	vunpack.i.l.bf16.f32 v58  }
0x288: {  	v43 =	vld [tilespmem:s17+$0xFFFFFF90];
	v40 =	vadd.f32 v27, v61  }
0x289: {  	v44 =	vld [tilespmem:s16+$0xFFFFFFA0];
	v30 =	vunpack.i.u.bf16.f32 v58  }
0x28a: {  	v45 =	vld [tilespmem:s17+$0xFFFFFFA0];
	v59 =	vmul.f32 v26, v26;
	v32 =	vadd.f32 v40, v30;
	_ =	sdelay $0x1  }
0x28b: {  	v47 =	vld [tilespmem:s17+$0xFFFFFFB0];
	v63 =	vmul.f32 v27, v27;
	v33 =	vadd.f32 v60, v59;
	(xrf2) =	vadd.scan.msk.f32 $0xffff, v32  }
0x28c: {  	v34 =	vadd.bf16 v43, v42;
	v46 =	vld [tilespmem:s16+$0xFFFFFFB0]  }
0x28d: {  	v41 =	vmul.f32 v30, v30;
	v33 =	vadd.f32 v63, v33  }
0x28e: {  	v38 =	vld [tilespmem:s16+$0xFFFFFFF0];
	v54 =	vunpack.i.u.bf16.f32 v34;
	v53 =	vunpack.i.l.bf16.f32 v34;
	v32 =	vadd.bf16 v45, v44  }
0x28f: {  	v36 =	vld [tilespmem:s17+$0xFFFFFFC0];
	v34 =	vmul.f32 v53, v53;
	v56 =	vmul.f32 v54, v54;
	v33 =	vadd.f32 v33, v41  }
0x290: {  	v40 =	vld [tilespmem:s16+$0xFFFFFFC0];
	v51 =	vunpack.i.l.bf16.f32 v32  }
0x291: {  	v35 =	vadd.bf16 v47, v46;
	v34 =	vadd.f32 v34, v56;
	(xrf2) =	vadd.scan.msk.f32 $0xffff, v33;
	v33 =	vld [tilespmem:s17+$0xFFFFFFF0];
	v57 =	vmul.f32 v51, v51  }
0x292: {  	(v2sf) =	vpush v62, $0xF;
	v59 =	vadd.f32 $0.0e+00, v53;
	v62 =	vunpack.i.u.bf16.f32 v32  }
0x293: {  	v50 =	vunpack.i.l.bf16.f32 v35;
	v47 =	vmul.f32 v62, v62;
	v34 =	vadd.f32 v57, v34;
	s26 =	spop (v2sf)  }
0x294: {  	v52 =	vld [tilespmem:s17+$0xFFFFFFD0];
	v56 =	vmul.f32 v50, v50;
	v37 =	vadd.f32 v59, v54;
	s28 =	smul.f32 $3.906250000e-03, s26  }
0x295: {  	v63 =	vunpack.i.u.bf16.f32 v35;
	v45 =	vld [tilespmem:s16+$0xFFFFFFD0];
	v36 =	vadd.bf16 v36, v40;
	v34 =	vadd.f32 v34, v47;
	v58, _, _ =	vpop (xrf2)  }
0x296: {  	v33 =	vadd.bf16 v33, v38;
	(v2sf) =	vpush v58, $0xF;
	v58 =	vmov s28  }
0x297: {  	v35 =	vmul.f32 v63, v63;
	v34 =	vadd.f32 v56, v34;
	v38 =	vadd.f32 $0.0e+00, v58  }
0x298: {  	v37 =	vadd.f32 v51, v37;
	v48 =	vunpack.i.l.bf16.f32 v36  }
0x299: {  	v59 =	vmul.f32 v48, v48;
	v34 =	vadd.f32 v34, v35;
	v40 =	vbroadcast v38, $0x0  }
0x29a: {  	v37 =	vadd.f32 v37, v62;
	v32 =	vadd.bf16 v52, v45;
	v44 =	vunpack.i.u.bf16.f32 v36  }
0x29b: {  	v61 =	vmul.f32 v44, v44;
	v34 =	vadd.f32 v59, v34;
	v2 =	vsub.f32 v2, v40  }
0x29c: {  	v55 =	vld [tilespmem:s16+$0xFFFFFFE0];
	v60 =	vadd.f32 v50, v37;
	v42 =	vunpack.i.l.bf16.f32 v32  }
0x29d: {  	v57 =	vld [tilespmem:s17+$0xFFFFFFE0];
	v37 =	vmul.f32 v42, v42;
	v1 =	vsub.f32 v1, v40;
	[tilespmem:$0x1F990] =	vst v2;
	v2 =	vadd.f32 v34, v61  }
0x29e: {  	v0 =	vsub.f32 v0, v40  }
0x29f: {  	[tilespmem:$0x1F9B0] =	vst v1;
	v1 =	vadd.f32 v37, v2;
	v2 =	vsub.f32 v7, v40  }
0x2a0: {  	[tilespmem:$0x1F9A0] =	vst v0;
	v7 =	vsub.f32 v9, v40  }
0x2a1: {  	[tilespmem:$0x1F9C0] =	vst v2  }
0x2a2: {  	v2 =	vld [tilespmem:s17+$0xFFFFFF10];
	[tilespmem:$0x1F9D0] =	vst v7;
	v7 =	vsub.f32 v11, v40  }
0x2a3: {  	v38 =	vsub.f32 v12, v40  }
0x2a4: {  	v39 =	vsub.f32 v13, v40;
	[tilespmem:$0x1F9E0] =	vst v7  }
0x2a5: {  	v43 =	vsub.f32 v15, v40;
	v7 =	vld [tilespmem:s16+$0xFFFFFF10];
	[tilespmem:$0x1F9F0] =	vst v38  }
0x2a6: {  	v45 =	vsub.f32 v16, v40;
	[tilespmem:$0x1FA00] =	vst v39  }
0x2a7: {  	v13 =	vsub.f32 v19, v40;
	v9 =	vld [tilespmem:s16+$0xFFFFFF20];
	[tilespmem:$0x1FA10] =	vst v43  }
0x2a8: {  	[tilespmem:$0x1FA20] =	vst v45  }
0x2a9: {  	v11 =	vld [tilespmem:s17+$0xFFFFFF20];
	[tilespmem:$0x1FA30] =	vst v13;
	v13 =	vsub.f32 v20, v40  }
0x2aa: {  	v15 =	vsub.f32 v28, v40  }
0x2ab: {  	v16 =	vsub.f32 v31, v40;
	[tilespmem:$0x1FA40] =	vst v13  }
0x2ac: {  	v36 =	vadd.f32 v60, v63;
	v13 =	vld [tilespmem:s16+$0xFFFFFF30];
	[tilespmem:$0x1FA50] =	vst v15;
	v15 =	vsub.f32 v29, v40  }
0x2ad: {  	v56 =	vunpack.i.u.bf16.f32 v33;
	v41 =	vadd.bf16 v57, v55;
	v39 =	vunpack.i.u.bf16.f32 v32;
	[tilespmem:$0x1FA70] =	vst v16  }
0x2ae: {  	v35 =	vunpack.i.l.bf16.f32 v33;
	v12 =	vmul.f32 v39, v39;
	v2 =	vadd.bf16 v2, v7;
	[tilespmem:$0x1FA60] =	vst v15  }
0x2af: {  	v49 =	vmul.f32 v56, v56;
	v19 =	vmul.f32 v35, v35;
	v38 =	vunpack.i.l.bf16.f32 v41;
	v16 =	vld [tilespmem:s16+$0x0]  }
0x2b0: {  	v1 =	vadd.f32 v1, v12;
	v15 =	vmul.f32 v38, v38;
	v31 =	vunpack.i.l.bf16.f32 v2;
	v12 =	vld [tilespmem:s17+$0x0]  }
0x2b1: {  	v0 =	vadd.f32 v48, v36;
	v36 =	vunpack.i.u.bf16.f32 v41;
	v28 =	vunpack.i.u.bf16.f32 v2;
	v7 =	vld [tilespmem:s17+$0xFFFFFF30];
	[tilespmem:$0x1FAF0] =	vst v31  }
0x2b2: {  	v46, _, _ =	vpop (xrf2);
	v9 =	vadd.bf16 v11, v9;
	[tilespmem:$0x1FB10] =	vst v28;
	v1 =	vadd.f32 v15, v1;
	v15 =	vmul.f32 v36, v36  }
0x2b3: {  	(v2sf) =	vpush v46, $0xF;
	v2 =	vmul.f32 v31, v31;
	v46 =	vmul.f32 v28, v28;
	v20 =	vld [tilespmem:s17+$0xFFFFFF40]  }
0x2b4: {  	v0 =	vadd.f32 v0, v44;
	v29 =	vunpack.i.l.bf16.f32 v9;
	v1 =	vadd.f32 v1, v15;
	v15 =	vld [tilespmem:s16+$0xFFFFFF40]  }
0x2b5: {  	v2 =	vadd.f32 v2, v46;
	v12 =	vadd.bf16 v12, v16;
	v16 =	vmul.f32 v29, v29  }
0x2b6: {  	v47 =	vunpack.i.u.bf16.f32 v9;
	[tilespmem:$0x1FB20] =	vst v29;
	v1 =	vadd.f32 v19, v1;
	v7 =	vadd.bf16 v7, v13  }
0x2b7: {  	v0 =	vadd.f32 v42, v0;
	v57 =	vmul.f32 v47, v47;
	[tilespmem:$0x1FB40] =	vst v47;
	v2 =	vadd.f32 v16, v2  }
0x2b8: {  	v13 =	vld [tilespmem:s16+$0xFFFFFF50];
	v55 =	vunpack.i.l.bf16.f32 v12;
	v58 =	vunpack.i.l.bf16.f32 v7;
	v1 =	vadd.f32 v1, v49  }
0x2b9: {  	v16 =	vld [tilespmem:s17+$0xFFFFFF50];
	v59 =	vmul.f32 v58, v58;
	v15 =	vadd.bf16 v20, v15;
	v2 =	vadd.f32 v2, v57  }
0x2ba: {  	v19 =	vmul.f32 v55, v55;
	v20 =	vunpack.i.u.bf16.f32 v7;
	v7 =	vsub.f32 v18, v40  }
0x2bb: {  	v0 =	vadd.f32 v0, v39;
	[tilespmem:$0x1FB50] =	vst v58;
	v61 =	vmul.f32 v20, v20;
	v2 =	vadd.f32 v59, v2  }
0x2bc: {  	v33 =	vadd.f32 $0.0e+00, v31;
	v60 =	vld [tilespmem:s16+$0xFFFFFF60];
	[tilespmem:$0x1FA80] =	vst v7;
	v1 =	vadd.f32 v19, v1;
	v19 =	vunpack.i.l.bf16.f32 v15  }
0x2bd: {  	v0 =	vadd.f32 v38, v0;
	v7 =	vld [tilespmem:s17+$0xFFFFFF60];
	[tilespmem:$0x1FB60] =	vst v20;
	v18 =	vmul.f32 v19, v19;
	v2 =	vadd.f32 v2, v61  }
0x2be: {  	v9 =	vadd.f32 v33, v28;
	[tilespmem:$0x1FB90] =	vst v19;
	v13 =	vadd.bf16 v16, v13;
	v16 =	vunpack.i.u.bf16.f32 v15  }
0x2bf: {  	v0 =	vadd.f32 v0, v36;
	v15 =	vmul.f32 v16, v16;
	[tilespmem:$0x1FBA0] =	vst v16;
	v2 =	vadd.f32 v18, v2  }
0x2c0: {  	v9 =	vadd.f32 v29, v9;
	v37 =	vld [tilespmem:s16+$0xFFFFFF70];
	v29 =	vunpack.i.l.bf16.f32 v13  }
0x2c1: {  	s2 =	simm.s32 $0x58F0;
	v0 =	vadd.f32 v35, v0;
	v2 =	vadd.f32 v2, v15;
	v15 =	vld [tilespmem:s17+$0xFFFFFF70];
	[tilespmem:$0x1FBC0] =	vst v29  }
0x2c2: {  	v33 =	vunpack.i.u.bf16.f32 v12;
	v28 =	vmovc v16;
	v45 =	vunpack.i.u.bf16.f32 v13;
	v12 =	vmul.f32 v29, v29;
	v16 =	vld [tilespmem:s2+$0xFFFFFFA0]  }
0x2c3: {  	s0 =	simm.s32 $0x98F0;
	v9 =	vadd.f32 v9, v47;
	v13 =	vmul.f32 v33, v33;
	v7 =	vadd.bf16 v7, v60;
	v18 =	vld [tilespmem:s2+$0xFFFFFF90];
	[tilespmem:$0x1FBD0] =	vst v45  }
0x2c4: {  	v0 =	vadd.f32 v0, v56;
	v31 =	vmovc v19;
	v2 =	vadd.f32 v12, v2;
	v12 =	vmul.f32 v45, v45;
	v19 =	vld [tilespmem:s0+$0xFFFFFF90]  }
0x2c5: {  	v9 =	vadd.f32 v58, v9;
	v1 =	vadd.f32 v1, v13;
	v46 =	vunpack.i.l.bf16.f32 v7;
	v13 =	vld [tilespmem:s0+$0xFFFFFFA0]  }
0x2c6: {  	v0 =	vadd.f32 v55, v0;
	v2 =	vadd.f32 v2, v12;
	v12 =	vmul.f32 v46, v46  }
0x2c7: {  	v9 =	vadd.f32 v9, v20;
	v47 =	vunpack.i.u.bf16.f32 v7;
	[tilespmem:$0x1FBE0] =	vst v46;
	v15 =	vadd.bf16 v15, v37  }
0x2c8: {  	v0 =	vadd.f32 v0, v33;
	v49 =	vmul.f32 v47, v47;
	v7 =	vld [tilespmem:s2+$0xFFFFFFB0];
	[tilespmem:$0x1FBF0] =	vst v47;
	v2 =	vadd.f32 v12, v2  }
0x2c9: {  	v9 =	vadd.f32 v31, v9;
	(xrf2) =	vadd.scan.msk.f32 $0xffff, v1;
	v20 =	vld [tilespmem:s0+$0xFFFFFFC0];
	v1 =	vadd.bf16 v19, v18;
	v52 =	vunpack.i.l.bf16.f32 v15  }
0x2ca: {  	(xrf2) =	vadd.scan.msk.f32 $0xffff, v0;
	v0 =	vadd.f32 v2, v49;
	v2 =	vadd.bf16 v13, v16;
	v16 =	vld [tilespmem:s16+$0xFFFFFF80];
	v13 =	vmul.f32 v52, v52  }
0x2cb: {  	v9 =	vadd.f32 v9, v28;
	v32 =	vunpack.i.u.bf16.f32 v1;
	v34 =	vunpack.i.l.bf16.f32 v1;
	v1 =	vld [tilespmem:s17+$0xFFFFFF80]  }
0x2cc: {  	v12 =	vld [tilespmem:s0+$0xFFFFFFB0];
	v0 =	vadd.f32 v13, v0;
	v13 =	vmul.f32 v34, v34;
	v19 =	vmul.f32 v32, v32  }
0x2cd: {  	v9 =	vadd.f32 v29, v9;
	v18 =	vld [tilespmem:s2+$0xFFFFFFC0];
	v37 =	vunpack.i.l.bf16.f32 v2  }
0x2ce: {  	v57 =	vunpack.i.u.bf16.f32 v15;
	v15 =	vmul.f32 v37, v37;
	v19 =	vadd.f32 v13, v19  }
0x2cf: {  	v9 =	vadd.f32 v9, v45;
	v13 =	vunpack.i.u.bf16.f32 v2;
	v2 =	vmul.f32 v57, v57  }
0x2d0: {  	v1 =	vadd.bf16 v1, v16;
	v16 =	vadd.f32 v15, v19  }
0x2d1: {  	s11 =	spop (v2sf);
	v19 =	vmul.f32 v13, v13;
	v0 =	vadd.f32 v0, v2;
	v2 =	vadd.f32 v46, v9  }
0x2d2: {  	s8 =	smul.f32 $3.906250000e-03, s11;
	v7 =	vadd.bf16 v12, v7;
	v20 =	vadd.bf16 v20, v18  }
0x2d3: {  	s13 =	smul.f32 s28, s28;
	v18 =	vadd.f32 v16, v19;
	v2 =	vadd.f32 v2, v47  }
0x2d4: {  	s14 =	spop (v2sf);
	v15 =	vunpack.i.l.bf16.f32 v7;
	v46 =	vunpack.i.u.bf16.f32 v7  }
0x2d5: {  	s9 =	ssub.f32 s8, s13;
	s8 =	smul.f32 $3.906250000e-03, s14;
	v49 =	vunpack.i.u.bf16.f32 v20;
	v28 =	vmul.f32 v15, v15;
	v2 =	vadd.f32 v52, v2  }
0x2d6: {  	v7, _, _ =	vpop (xrf2);
	v59 =	vunpack.i.l.bf16.f32 v1;
	v47 =	vunpack.i.l.bf16.f32 v20;
	v16 =	vmov v57  }
0x2d7: {  	v20 =	vmov s8;
	v28 =	vadd.f32 v28, v18;
	v18, _, _ =	vpop (xrf2);
	v2 =	vadd.f32 v2, v16  }
0x2d8: {  	(v2sf) =	vpush v18, $0xF;
	v18 =	vmov v59  }
0x2d9: {  	v1 =	vunpack.i.u.bf16.f32 v1;
	v2 =	vadd.f32 v18, v2  }
0x2da: {  	v43 =	vadd.f32 $0.0e+00, v20;
	v20 =	vmov v1  }
0x2db: {  	v2 =	vadd.f32 v2, v20;
	_ =	sdelay $0x1  }
0x2dc: {  	v40 =	vld [tilespmem:s2+$0xFFFFFFE0];
	(xrf2) =	vadd.scan.msk.f32 $0xffff, v2;
	v2 =	vbroadcast v43, $0x0  }
0x2dd: {  	v41 =	vld [tilespmem:s0+$0xFFFFFFE0]  }
0x2de: {  	v4 =	vsub.f32 v4, v2  }
0x2df: {  	v58 =	vld [tilespmem:s2+$0xFFFFFFD0];
	v3 =	vsub.f32 v3, v2  }
0x2e0: {  	v19 =	vld [tilespmem:s0+$0xFFFFFFD0];
	[tilespmem:$0x1FAA0] =	vst v4;
	v4 =	vsub.f32 v5, v2  }
0x2e1: {  	v29 =	vmul.f32 v59, v59;
	[tilespmem:$0x1FA90] =	vst v3;
	v5 =	vsub.f32 v6, v2  }
0x2e2: {  	v40 =	vadd.bf16 v41, v40;
	v31 =	vmul.f32 v46, v46;
	[tilespmem:$0x1FAB0] =	vst v4  }
0x2e3: {  	v60 =	vmov s9;
	v0 =	vadd.f32 v29, v0;
	v4 =	vld [tilespmem:s2+$0xFFFFFFF0];
	[tilespmem:$0x1FAC0] =	vst v5;
	v5 =	vsub.f32 v8, v2  }
0x2e4: {  	v29 =	vmul.f32 v47, v47;
	v28 =	vadd.f32 v28, v31;
	v8 =	vsub.f32 v10, v2  }
0x2e5: {  	v12 =	vadd.f32 $9.999999740e-06, v60;
	v1 =	vmul.f32 v49, v49;
	v31 =	vadd.bf16 v19, v58;
	[tilespmem:$0x1FAD0] =	vst v5  }
0x2e6: {  	v60 =	vmul.f32 v20, v20;
	v61 =	vadd.f32 v29, v28;
	v6 =	vld [tilespmem:s0+$0xFFFFFFF0];
	[tilespmem:$0x1FAE0] =	vst v8;
	v8 =	vsub.f32 v14, v2  }
0x2e7: {  	(v2sf) =	vpush v7, $0xF;
	v59 =	vunpack.i.l.bf16.f32 v31;
	v43 =	vsub.f32 v17, v2  }
0x2e8: {  	v7 =	vadd.f32 v61, v1;
	v61 =	vmul.f32 v59, v59;
	v45 =	vsub.f32 v21, v2;
	[tilespmem:$0x1FB00] =	vst v8  }
0x2e9: {  	v1 =	vadd.f32 v0, v60;
	v0 =	vbroadcast v12, $0x0;
	v58 =	vsub.f32 v22, v2;
	v8 =	vld [tilespmem:s0+$0xFFFFFF10];
	[tilespmem:$0x1FB30] =	vst v43  }
0x2ea: {  	v7 =	vadd.f32 v61, v7;
	v60 =	vsub.f32 v23, v2;
	[tilespmem:$0x1FB70] =	vst v45  }
0x2eb: {  	v41 =	vshra.s32 v0, $0x1;
	v0 =	vmul.f32 $5.000000000e-01, v0;
	v61 =	vsub.f32 v24, v2;
	v57 =	vld [tilespmem:s2+$0xFFFFFF10];
	[tilespmem:$0x1FB80] =	vst v58  }
0x2ec: {  	v3 =	vsub.s32 $0x5F3759DF, v41;
	v41 =	vsub.f32 v26, v2;
	[tilespmem:$0x1FBB0] =	vst v60  }
0x2ed: {  	v9 =	vunpack.i.u.bf16.f32 v31;
	v5 =	vmul.f32 v3, v0;
	v43 =	vsub.f32 v27, v2;
	v14 =	vld [tilespmem:s2+$0xFFFFFF20];
	[tilespmem:$0x1FC00] =	vst v61  }
0x2ee: {  	v23 =	vmul.f32 v9, v9;
	v17 =	vld [tilespmem:s0+$0xFFFFFF20];
	[tilespmem:$0x1F8C0] =	vst v41  }
0x2ef: {  	v11 =	vunpack.i.l.bf16.f32 v40;
	v12 =	vsub.f32 v25, v2;
	v5 =	vmul.f32 v3, v5;
	[tilespmem:$0x1F8D0] =	vst v43  }
0x2f0: {  	s15 =	spop (v2sf);
	v22 =	vsub.f32 v30, v2;
	v2 =	vadd.f32 v7, v23;
	v27 =	vmul.f32 v11, v11;
	v24 =	vld [tilespmem:s2+$0x0]  }
0x2f1: {  	s9 =	smul.f32 $3.906250000e-03, s15;
	v7, _, _ =	vpop (xrf2);
	v5 =	vsub.f32 $1.500000000e+00, v5;
	v30 =	vld [tilespmem:s0+$0x0]  }
0x2f2: {  	s8 =	smul.f32 s8, s8;
	v23 =	vunpack.i.u.bf16.f32 v40;
	(v2sf) =	vpush v7, $0xF;
	v2 =	vadd.f32 v27, v2  }
0x2f3: {  	v45 =	vmul.f32 v23, v23;
	v4 =	vadd.bf16 v6, v4;
	v6 =	vld [tilespmem:s0+$0xFFFFFF30];
	v7 =	vadd.bf16 v8, v57  }
0x2f4: {  	s8 =	ssub.f32 s9, s8;
	v3 =	vmul.f32 v3, v5;
	v27 =	vadd.f32 $0.0e+00, v34;
	v8 =	vld [tilespmem:s2+$0xFFFFFF30]  }
0x2f5: {  	v2 =	vadd.f32 v2, v45;
	v5 =	vadd.bf16 v17, v14;
	v26 =	vunpack.i.l.bf16.f32 v7  }
0x2f6: {  	v25 =	vunpack.i.u.bf16.f32 v7;
	v17 =	vld [tilespmem:s2+$0xFFFFFF40];
	[tilespmem:$0x1F8E0] =	vst v34;
	v34 =	vmov s8;
	v7 =	vadd.bf16 v30, v24  }
0x2f7: {  	v57 =	vmul.f32 v26, v26;
	v14 =	vmul.f32 v25, v25;
	v24 =	vunpack.i.l.bf16.f32 v4  }
0x2f8: {  	v19 =	vunpack.i.l.bf16.f32 v5;
	v30 =	vmul.f32 v24, v24;
	v28 =	vunpack.i.u.bf16.f32 v5  }
0x2f9: {  	v10 =	vadd.f32 v57, v14;
	v14 =	vld [tilespmem:s0+$0xFFFFFF40];
	v31 =	vmul.f32 v19, v19;
	v6 =	vadd.bf16 v6, v8;
	[tilespmem:$0x1F8F0] =	vst v32  }
0x2fa: {  	v8 =	vadd.f32 v27, v32;
	v58 =	vmul.f32 v28, v28;
	[tilespmem:$0x1F900] =	vst v37;
	v27 =	vunpack.i.u.bf16.f32 v4  }
0x2fb: {  	s16 =	spop (v2sf);
	v2 =	vadd.f32 v30, v2;
	v4 =	vld [tilespmem:s2+$0xFFFFFF50];
	v60 =	vmul.f32 v27, v27;
	v5 =	vadd.f32 v31, v10  }
0x2fc: {  	s17 =	smul.f32 $3.906250000e-03, s16;
	s26 =	spop (v2sf);
	v30 =	vadd.f32 v37, v8;
	v29 =	vunpack.i.l.bf16.f32 v6;
	v31 =	vld [tilespmem:s0+$0xFFFFFF50];
	v37 =	vadd.f32 $9.999999740e-06, v34  }
0x2fd: {  	s9 =	smul.f32 $3.906250000e-03, s26;
	[tilespmem:$0x1F910] =	vst v13;
	v8 =	vunpack.i.u.bf16.f32 v6;
	v61 =	vmul.f32 v29, v29;
	v5 =	vadd.f32 v5, v58  }
0x2fe: {  	s28 =	smul.f32 s17, s17;
	v6 =	vld [tilespmem:s2+$0xFFFFFF60];
	v40 =	vbroadcast v37, $0x0;
	v14 =	vadd.bf16 v14, v17;
	v17 =	vadd.f32 v30, v13  }
0x2ff: {  	v2 =	vadd.f32 v2, v60;
	v10 =	vmul.f32 v8, v8;
	v30 =	vld [tilespmem:s0+$0xFFFFFF60];
	v5 =	vadd.f32 v61, v5  }
0x300: {  	s9 =	ssub.f32 s9, s28;
	v57 =	vmul.f32 $5.000000000e-01, v40;
	v32 =	vadd.f32 v15, v17;
	v17 =	vunpack.i.l.bf16.f32 v14  }
0x301: {  	v4 =	vadd.bf16 v31, v4;
	v5 =	vadd.f32 v5, v10;
	v45 =	vmul.f32 v17, v17  }
0x302: {  	[tilespmem:$0x1F920] =	vst v15;
	v21 =	vunpack.i.u.bf16.f32 v14;
	v10 =	vmov s9;
	v31 =	vadd.f32 v32, v46  }
0x303: {  	[tilespmem:$0x1F930] =	vst v46;
	v46 =	vmul.f32 v21, v21;
	v43 =	vunpack.i.l.bf16.f32 v4;
	v5 =	vadd.f32 v45, v5  }
0x304: {  	[tilespmem:$0x1F940] =	vst v47;
	v6 =	vadd.bf16 v30, v6;
	v34 =	vmul.f32 v43, v43;
	v30 =	vadd.f32 v47, v31  }
0x305: {  	v31 =	vmul.f32 v3, v0;
	v47 =	vshra.s32 v40, $0x1;
	v40 =	vld [tilespmem:s2+$0xFFFFFF70];
	[tilespmem:$0x1F950] =	vst v49;
	v5 =	vadd.f32 v5, v46  }
0x306: {  	v46 =	vsub.s32 $0x5F3759DF, v47;
	v60 =	vld [tilespmem:s0+$0xFFFFFF70];
	v47 =	vadd.f32 $9.999999740e-06, v10;
	v30 =	vadd.f32 v30, v49  }
0x307: {  	v45 =	vunpack.i.u.bf16.f32 v4;
	v31 =	vmul.f32 v31, v3;
	v61 =	vmul.f32 v46, v57  }
0x308: {  	v4 =	vadd.f32 v34, v5;
	v5 =	vbroadcast v47, $0x0;
	v30 =	vadd.f32 v59, v30  }
0x309: {  	[tilespmem:$0x1F960] =	vst v59;
	v41 =	vunpack.i.u.bf16.f32 v6;
	v31 =	vsub.f32 $1.500000000e+00, v31;
	v59 =	vmul.f32 v45, v45  }
0x30a: {  	v37 =	vmul.f32 v46, v61;
	v34 =	vmul.f32 $5.000000000e-01, v5;
	v30 =	vadd.f32 v30, v9  }
0x30b: {  	v32 =	vmul.f32 v31, v3;
	v49 =	vadd.bf16 v60, v40;
	v4 =	vadd.f32 v4, v59  }
0x30c: {  	[tilespmem:$0x1F970] =	vst v9;
	v40 =	vunpack.i.l.bf16.f32 v6;
	v61 =	vadd.f32 v11, v30;
	v30 =	vunpack.i.l.bf16.f32 v7  }
0x30d: {  	[tilespmem:$0x1F980] =	vst v11;
	v60 =	vshra.s32 v5, $0x1;
	v9 =	vmul.f32 v40, v40;
	v6 =	vmul.f32 v30, v30  }
0x30e: {  	(xrf2) =	vadd.scan.msk.f32 $0xffff, v1;
	v31 =	vsub.f32 $1.500000000e+00, v37;
	v37 =	vmul.f32 v41, v41;
	v58 =	vsub.s32 $0x5F3759DF, v60;
	v11 =	vld [tilespmem:s2+$0xFFFFFF80]  }
0x30f: {  	v10 =	vmul.f32 v58, v34;
	v4 =	vadd.f32 v9, v4;
	v2 =	vadd.f32 v6, v2;
	v6 =	vld [tilespmem:s0+$0xFFFFFF80]  }
0x310: {  	v1 =	vadd.f32 v61, v23;
	v61 =	vmul.f32 v46, v31;
	v31 =	vunpack.i.u.bf16.f32 v7  }
0x311: {  	v47 =	vmul.f32 v58, v10;
	v10 =	vmul.f32 v31, v31  }
0x312: {  	v46 =	vunpack.i.l.bf16.f32 v49;
	v4 =	vadd.f32 v4, v37;
	v1 =	vadd.f32 v24, v1  }
0x313: {  	v7 =	vmul.f32 v46, v46;
	v9 =	vsub.f32 $1.500000000e+00, v47;
	v2 =	vadd.f32 v2, v10  }
0x314: {  	v47 =	vunpack.i.u.bf16.f32 v49;
	v1 =	vadd.f32 v1, v27;
	v6 =	vadd.bf16 v6, v11  }
0x315: {  	v4 =	vadd.f32 v7, v4;
	v7 =	vmul.f32 v47, v47;
	v11 =	vmov s17  }
0x316: {  	(xrf2) =	vadd.scan.msk.f32 $0xffff, v2;
	v1 =	vadd.f32 v30, v1;
	v2 =	vadd.f32 $0.0e+00, v11;
	v49 =	vunpack.i.l.bf16.f32 v6  }
0x317: {  	v3 =	vmul.f32 v32, v0;
	v4 =	vadd.f32 v4, v7;
	v0 =	vmul.f32 v49, v49  }
0x318: {  	v37, _, _ =	vpop (xrf2);
	v58 =	vmul.f32 v58, v9;
	v1 =	vadd.f32 v1, v31;
	v2 =	vbroadcast v2, $0x0  }
0x319: {  	(v2sf) =	vpush v37, $0xF;
	v7 =	vmul.f32 v61, v57;
	v0 =	vadd.f32 v0, v4  }
0x31a: {  	v60 =	vmul.f32 v58, v34;
	(xrf2) =	vadd.scan.msk.f32 $0xffff, v1;
	v37 =	vsub.f32 v53, v2;
	v53 =	vsub.f32 v54, v2  }
0x31b: {  	v1 =	vmul.f32 v3, v32;
	v9 =	vsub.f32 v51, v2;
	v51 =	vmovc v8;
	v8 =	vsub.f32 v62, v2  }
0x31c: {  	v3 =	vmul.f32 v7, v61;
	v54 =	vsub.f32 v50, v2;
	v59 =	vsub.f32 v63, v2  }
0x31d: {  	v4 =	vmul.f32 v60, v58;
	v60 =	vsub.f32 v48, v2;
	v44 =	vsub.f32 v44, v2  }
0x31e: {  	v42 =	vsub.f32 v42, v2;
	v3 =	vsub.f32 $1.500000000e+00, v3  }
0x31f: {  	v39 =	vsub.f32 v39, v2;
	v38 =	vsub.f32 v38, v2;
	v50 =	vunpack.i.u.bf16.f32 v6  }
0x320: {  	v13 =	vsub.f32 v36, v2;
	v5 =	vmul.f32 v3, v61;
	v61 =	vmul.f32 v50, v50  }
0x321: {  	v14 =	vsub.f32 v35, v2;
	v62 =	vsub.f32 v56, v2  }
0x322: {  	v56 =	vsub.f32 v55, v2;
	v11 =	vadd.f32 v0, v61;
	v0 =	vld [tilespmem:$0x1F9A0]  }
0x323: {  	v55 =	vsub.f32 v33, v2;
	v2 =	vld [tilespmem:$0x1F990];
	v1 =	vsub.f32 $1.500000000e+00, v1;
	_ =	sdelay $0x1  }
0x324: {  	v1 =	vmul.f32 v1, v32;
	_ =	sdelay $0x1  }
0x325: {  	v0 =	vmul.f32 v1, v0  }
0x326: {  	v63 =	vmul.f32 v1, v2;
	v2 =	vld [tilespmem:$0x1F9B0]  }
0x327: {  	v7 =	vadd.f32 $1.000000000e+00, v0;
	v0 =	vld [tilespmem:$0x1F9D0];
	_ =	sdelay $0x3  }
0x328: {  	v33 =	vmul.f32 v1, v2;
	v2 =	vld [tilespmem:$0x1F9C0]  }
0x329: {  	v36 =	vmul.f32 v1, v0;
	v0 =	vld [tilespmem:$0x1F9E0];
	_ =	sdelay $0x3  }
0x32a: {  	v48 =	vmul.f32 v1, v2;
	v2 =	vld [tilespmem:$0x1FA10]  }
0x32b: {  	v10 =	vmul.f32 v1, v0;
	v0 =	vld [tilespmem:$0x1F9F0];
	_ =	sdelay $0x3  }
0x32c: {  	v4 =	vsub.f32 $1.500000000e+00, v4;
	v3 =	vmul.f32 v1, v2;
	v2 =	vld [tilespmem:$0x1FA20]  }
0x32d: {  	v6, _, _ =	vpop (xrf2);
	v32 =	vmul.f32 v1, v0;
	v0 =	vld [tilespmem:$0x1FA00]  }
0x32e: {  	v4 =	vmul.f32 v4, v58;
	v58, _, _ =	vpop (xrf2)  }
0x32f: {  	(v2sf) =	vpush v58, $0xF  }
0x330: {  	(v2sf) =	vpush v6, $0xF  }
0x331: {  	v6 =	vadd.f32 $1.000000000e+00, v63;
	v63 =	vadd.f32 $1.000000000e+00, v32;
	v32 =	vmul.f32 v1, v2;
	v2 =	vld [tilespmem:$0x1FA30]  }
0x332: {  	v0 =	vmul.f32 v1, v0  }
0x333: {  	s14 =	simm.s32 $0xD6F0;
	v33 =	vadd.f32 $1.000000000e+00, v33  }
0x334: {  	s17 =	simm.s32 $0x116F0;
	v34 =	vmul.f32 v4, v34;
	v58 =	vadd.f32 $1.000000000e+00, v36;
	v36 =	vadd.f32 $1.000000000e+00, v0;
	v0 =	vld [tilespmem:$0x1FA40];
	[tilespmem:s14+$0xFFFFFF90] =	vst v6  }
0x335: {  	v57 =	vmul.f32 v5, v57;
	v48 =	vadd.f32 $1.000000000e+00, v48;
	v6 =	vld [tilespmem:$0x1FA50];
	[tilespmem:s17+$0xFFFFFF90] =	vst v7  }
0x336: {  	v34 =	vmul.f32 v34, v4;
	v35 =	vmul.f32 v1, v2;
	v2 =	vadd.f32 $0.0e+00, v26;
	v7 =	vld [tilespmem:$0x1FA60];
	[tilespmem:s14+$0xFFFFFFA0] =	vst v33  }
0x337: {  	v57 =	vmul.f32 v57, v5;
	v61 =	vadd.f32 $1.000000000e+00, v10;
	v33 =	vld [tilespmem:$0x1FA70];
	[tilespmem:s17+$0xFFFFFFA0] =	vst v48  }
0x338: {  	v34 =	vsub.f32 $1.500000000e+00, v34;
	v2 =	vadd.f32 v2, v25;
	v48 =	vld [tilespmem:$0x1FA80];
	[tilespmem:s14+$0xFFFFFFB0] =	vst v58  }
0x339: {  	s11 =	spop (v2sf);
	v57 =	vsub.f32 $1.500000000e+00, v57;
	v3 =	vadd.f32 $1.000000000e+00, v3;
	[tilespmem:s17+$0xFFFFFFB0] =	vst v61  }
0x33a: {  	s13 =	smul.f32 $3.906250000e-03, s11;
	v4 =	vmul.f32 v34, v4;
	v32 =	vadd.f32 $1.000000000e+00, v32;
	v2 =	vadd.f32 v19, v2;
	[tilespmem:s14+$0xFFFFFFC0] =	vst v63  }
0x33b: {  	v58 =	vadd.f32 $1.000000000e+00, v35;
	v0 =	vmul.f32 v1, v0;
	v6 =	vmul.f32 v1, v6;
	[tilespmem:s17+$0xFFFFFFC0] =	vst v36  }
0x33c: {  	s16 =	smul.f32 s13, s13;
	s15 =	spop (v2sf);
	v2 =	vadd.f32 v2, v28;
	v7 =	vmul.f32 v1, v7;
	v33 =	vmul.f32 v1, v33;
	[tilespmem:s14+$0xFFFFFFD0] =	vst v3  }
0x33d: {  	s2 =	smul.f32 $3.906250000e-03, s15;
	v0 =	vadd.f32 $1.000000000e+00, v0;
	v1 =	vmul.f32 v1, v48;
	v48 =	vmul.f32 v57, v5;
	[tilespmem:s17+$0xFFFFFFD0] =	vst v32  }
0x33e: {  	v5 =	vadd.f32 $1.000000000e+00, v6;
	v6 =	vadd.f32 $1.000000000e+00, v7;
	v7 =	vmul.f32 v4, v37;
	[tilespmem:s14+$0xFFFFFFE0] =	vst v58  }
0x33f: {  	s2 =	ssub.f32 s2, s16;
	[tilespmem:s17+$0xFFFFFFE0] =	vst v0  }
0x340: {  	v61 =	vmul.f32 v4, v53;
	v2 =	vadd.f32 v29, v2;
	v3 =	vadd.f32 $1.000000000e+00, v7;
	[tilespmem:s14+$0xFFFFFFF0] =	vst v5  }
0x341: {  	v33 =	vadd.f32 $1.000000000e+00, v33;
	v7 =	vmov s2;
	s2 =	simm.s32 $0xD7F0;
	[tilespmem:s17+$0xFFFFFFF0] =	vst v6  }
0x342: {  	v63 =	vmul.f32 v4, v9;
	v10 =	vadd.f32 $1.000000000e+00, v61;
	v2 =	vadd.f32 v2, v51;
	[tilespmem:s2+$0xFFFFFF90] =	vst v3  }
0x343: {  	s15 =	simm.s32 $0x117F0;
	v9 =	vmul.f32 v4, v8;
	v1 =	vadd.f32 $1.000000000e+00, v1;
	[tilespmem:s14+$0x0] =	vst v33  }
0x344: {  	v53 =	vmul.f32 v4, v54;
	v0 =	vadd.f32 $1.000000000e+00, v63;
	v2 =	vadd.f32 v17, v2;
	[tilespmem:s15+$0xFFFFFF90] =	vst v10  }
0x345: {  	v54 =	vadd.f32 $1.000000000e+00, v9;
	v5 =	vmul.f32 v4, v59;
	[tilespmem:s17+$0x0] =	vst v1  }
0x346: {  	v35 =	vadd.f32 $1.000000000e+00, v53;
	v6 =	vmul.f32 v4, v60;
	v2 =	vadd.f32 v2, v21;
	[tilespmem:s2+$0xFFFFFFA0] =	vst v0  }
0x347: {  	v7 =	vadd.f32 $9.999999740e-06, v7;
	v5 =	vadd.f32 $1.000000000e+00, v5;
	v1 =	vmul.f32 v4, v44;
	[tilespmem:s15+$0xFFFFFFA0] =	vst v54  }
0x348: {  	v58 =	vadd.f32 $1.000000000e+00, v6;
	v2 =	vadd.f32 v43, v2;
	[tilespmem:s2+$0xFFFFFFB0] =	vst v35  }
0x349: {  	v7 =	vbroadcast v7, $0x0;
	v1 =	vadd.f32 $1.000000000e+00, v1;
	[tilespmem:s15+$0xFFFFFFB0] =	vst v5  }
0x34a: {  	v2 =	vadd.f32 v2, v45;
	[tilespmem:s2+$0xFFFFFFC0] =	vst v58  }
0x34b: {  	v57 =	vshra.s32 v7, $0x1;
	v60 =	vmul.f32 $5.000000000e-01, v7;
	[tilespmem:s15+$0xFFFFFFC0] =	vst v1  }
0x34c: {  	v3 =	vmul.f32 v4, v42;
	v7 =	vsub.s32 $0x5F3759DF, v57;
	v2 =	vadd.f32 v40, v2;
	v1 =	vld [tilespmem:$0x1FA90]  }
0x34d: {  	v61 =	vmul.f32 v4, v38;
	v6 =	vmul.f32 v7, v60  }
0x34e: {  	v0 =	vmul.f32 v4, v13;
	v3 =	vadd.f32 $1.000000000e+00, v3;
	v2 =	vadd.f32 v2, v41  }
0x34f: {  	v59 =	vmul.f32 v4, v39;
	v6 =	vmul.f32 v7, v6  }
0x350: {  	v42 =	vadd.f32 $1.000000000e+00, v0;
	[tilespmem:s2+$0xFFFFFFD0] =	vst v3;
	v0 =	vadd.f32 v46, v2;
	v2 =	vmov s13  }
0x351: {  	v6 =	vsub.f32 $1.500000000e+00, v6;
	v53 =	vmul.f32 v48, v1;
	v1 =	vadd.f32 $0.0e+00, v2;
	v2 =	vld [tilespmem:$0x1FAA0]  }
0x352: {  	v5 =	vadd.f32 $1.000000000e+00, v59  }
0x353: {  	v6 =	vmul.f32 v7, v6;
	v7 =	vadd.f32 $1.000000000e+00, v61  }
0x354: {  	[tilespmem:s15+$0xFFFFFFD0] =	vst v5  }
0x355: {  	[tilespmem:s2+$0xFFFFFFE0] =	vst v7  }
0x356: {  	v10 =	vmul.f32 v4, v56;
	v56 =	vmul.f32 v48, v2;
	v2 =	vadd.f32 v0, v47;
	v0 =	vld [tilespmem:$0x1FAB0];
	_ =	sdelay $0x4  }
0x357: {  	v61 =	vbroadcast v1, $0x0;
	v1 =	vmul.f32 v48, v0;
	v0 =	vld [tilespmem:$0x1FAC0];
	[tilespmem:s15+$0xFFFFFFE0] =	vst v42  }
0x358: {  	v7 =	vadd.f32 v49, v2;
	v2 =	vld [tilespmem:$0x1FAD0]  }
0x359: {  	v63 =	vmul.f32 v4, v14;
	v8 =	vld [tilespmem:$0x1FAF0];
	_ =	sdelay $0x1  }
0x35a: {  	v44 =	vadd.f32 $1.000000000e+00, v63;
	_ =	sdelay $0x1  }
0x35b: {  	v3 =	vmul.f32 v48, v2;
	v2 =	vld [tilespmem:$0x1FAE0];
	[tilespmem:s2+$0xFFFFFFF0] =	vst v44  }
0x35c: {  	v9 =	vmul.f32 v4, v62;
	v62 =	vsub.f32 v8, v61;
	v8 =	vld [tilespmem:$0x1FB00];
	_ =	sdelay $0x4  }
0x35d: {  	v59 =	vmul.f32 v48, v8;
	v8 =	vld [tilespmem:$0x1FB10];
	_ =	sdelay $0x1  }
0x35e: {  	v32 =	vadd.f32 $1.000000000e+00, v9;
	_ =	sdelay $0x1  }
0x35f: {  	[tilespmem:s15+$0xFFFFFFF0] =	vst v32  }
0x360: {  	v63 =	vsub.f32 v8, v61;
	v8 =	vld [tilespmem:$0x1FB20];
	_ =	sdelay $0x4  }
0x361: {  	v44 =	vsub.f32 v8, v61;
	v8 =	vld [tilespmem:$0x1FB30];
	_ =	sdelay $0x2  }
0x362: {  	v5 =	vadd.f32 $1.000000000e+00, v10;
	_ =	sdelay $0x1  }
0x363: {  	v58 =	vmul.f32 v48, v8;
	v8 =	vld [tilespmem:$0x1FB40];
	[tilespmem:s2+$0x0] =	vst v5  }
0x364: {  	v5 =	vld [tilespmem:$0x1FB50];
	_ =	sdelay $0x4  }
0x365: {  	v38 =	vsub.f32 v5, v61;
	v5 =	vld [tilespmem:$0x1FB60]  }
0x366: {  	v4 =	vmul.f32 v4, v55;
	_ =	sdelay $0x1  }
0x367: {  	v4 =	vadd.f32 $1.000000000e+00, v4  }
0x368: {  	v7 =	vadd.f32 v7, v50  }
0x369: {  	v37 =	vsub.f32 v5, v61;
	v5 =	vld [tilespmem:$0x1FB70];
	[tilespmem:s15+$0x0] =	vst v4  }
0x36a: {  	(xrf2) =	vadd.scan.msk.f32 $0xffff, v7;
	v7 =	vld [tilespmem:$0x1FBC0];
	_ =	sdelay $0x3  }
0x36b: {  	v4 =	vld [tilespmem:$0x1FB80]  }
0x36c: {  	v35 =	vsub.f32 v7, v61;
	v7 =	vld [tilespmem:$0x1FBD0];
	_ =	sdelay $0x3  }
0x36d: {  	v57 =	vmul.f32 v48, v4;
	v4 =	vld [tilespmem:$0x1FB90]  }
0x36e: {  	v34 =	vsub.f32 v7, v61;
	v7 =	vld [tilespmem:$0x1FBE0];
	_ =	sdelay $0x3  }
0x36f: {  	v39 =	vsub.f32 v4, v61;
	v4 =	vld [tilespmem:$0x1FBA0]  }
0x370: {  	v33 =	vsub.f32 v7, v61;
	v7 =	vld [tilespmem:$0x1FBF0];
	_ =	sdelay $0x3  }
0x371: {  	v36 =	vsub.f32 v4, v61;
	v4 =	vld [tilespmem:$0x1FBB0]  }
0x372: {  	v32 =	vsub.f32 v7, v61;
	v7 =	vld [tilespmem:$0x1FC00];
	_ =	sdelay $0x2  }
0x373: {  	s26 =	sshll.u32 s31, $0x6;
	s28 =	spop (v2sf);
	v0 =	vmul.f32 v48, v0  }
0x374: {  	s8 =	simm.s32 $0x4;
	s10 =	smul.f32 $3.906250000e-03, s28;
	s31 =	spop (v2sf);
	v2 =	vmul.f32 v48, v2;
	v5 =	vmul.f32 v48, v5  }
0x375: {  	s9 =	simm.s32 $0x59F0;
	s16 =	sadd.s32 s6, s26;
	s11 =	smul.f32 $3.906250000e-03, s31;
	(xrf2) =	vadd.scan.msk.f32 $0xffff, v11;
	v42 =	vsub.f32 v8, v61;
	v4 =	vmul.f32 v48, v4;
	v7 =	vmul.f32 v48, v7  }
.LBB2_5:
0x376: {  	v55 =	vsub.f32 v52, v61;
	v10 =	vmov v45;
	v53 =	vadd.f32 $1.000000000e+00, v53  }
0x377: {  	[tilespmem:$0x1F890] =	vst v10  }
0x378: {  	v56 =	vadd.f32 $1.000000000e+00, v56;
	v14 =	vmov v55;
	[tilespmem:s14+$0xFFFFFF10] =	vst v53  }
0x379: {  	v1 =	vadd.f32 $1.000000000e+00, v1;
	s13 =	smul.f32 s10, s10;
	[tilespmem:$0x1F870] =	vst v14  }
0x37a: {  	v54 =	vmul.f32 v6, v60;
	[tilespmem:s17+$0xFFFFFF10] =	vst v56;
	v9 =	vsub.f32 v16, v61  }
0x37b: {  	s11 =	ssub.f32 s11, s13;
	v11 =	vmul.f32 v48, v12;
	v12 =	vmov v43;
	[tilespmem:s14+$0xFFFFFF20] =	vst v1  }
0x37c: {  	v0 =	vadd.f32 $1.000000000e+00, v0;
	v54 =	vmul.f32 v54, v6;
	[tilespmem:$0x1F880] =	vst v12;
	v12 =	vld [tilespmem:$0x1F8C0];
	v13 =	vmov v9  }
0x37d: {  	v16 =	vsub.f32 v18, v61;
	v1 =	vadd.f32 $1.000000000e+00, v3;
	v3 =	vmovc v49;
	v18 =	vmov s11;
	[tilespmem:$0x1F8C0] =	vst v13;
	v13 =	vld [tilespmem:$0x1F8D0]  }
0x37e: {  	v8 =	vld [tilespmem:s9+$0xFFFFFFF0];
	s0 =	sadd.s32 $0x100, s0;
	v52 =	vsub.f32 $1.500000000e+00, v54;
	[tilespmem:$0x1F820] =	vst v3;
	v54 =	vadd.f32 $9.999999740e-06, v18  }
0x37f: {  	v45 =	vld [tilespmem:s0+$0xFFFFFFF0];
	v61 =	vsub.f32 v20, v61;
	v14 =	vmul.f32 v48, v22;
	[tilespmem:s17+$0xFFFFFF20] =	vst v0  }
0x380: {  	v10 =	vld [tilespmem:s9+$0xFFFFFFD0];
	v0 =	vadd.f32 $1.000000000e+00, v2;
	v2 =	vadd.f32 $1.000000000e+00, v59;
	v15 =	vmovc v16;
	[tilespmem:s14+$0xFFFFFF30] =	vst v1;
	v3 =	vbroadcast v54, $0x0  }
0x381: {  	v56 =	vld [tilespmem:s9+$0xFFFFFFA0];
	v6 =	vmul.f32 v52, v6;
	v1 =	vadd.f32 $1.000000000e+00, v58;
	[tilespmem:$0x1F8D0] =	vst v15;
	v12 =	vmul.f32 v48, v12  }
0x382: {  	v43 =	vld [tilespmem:s9+$0xFFFFFFE0];
	[tilespmem:s17+$0xFFFFFF30] =	vst v0;
	v58 =	vmul.f32 $5.000000000e-01, v3;
	v13 =	vmul.f32 v48, v13;
	v48 =	vmovc v61;
	v61 =	vshra.s32 v3, $0x1  }
0x383: {  	v49 =	vld [tilespmem:s9+$0xFFFFFF90];
	v60 =	vmul.f32 v6, v60;
	[tilespmem:s14+$0xFFFFFF40] =	vst v2;
	v59 =	vsub.s32 $0x5F3759DF, v61  }
0x384: {  	v5 =	vadd.f32 $1.000000000e+00, v5;
	v9 =	vld [tilespmem:s0+$0xFFFFFFE0];
	v15 =	vmov v40;
	[tilespmem:s17+$0xFFFFFF40] =	vst v1;
	v3 =	vmul.f32 v59, v58  }
0x385: {  	v55, _, _ =	vpop (xrf2);
	v2 =	vadd.f32 $1.000000000e+00, v57;
	v57 =	vld [tilespmem:s0+$0xFFFFFFA0];
	[tilespmem:$0x1F8A0] =	vst v15;
	v0 =	vmul.f32 v60, v6  }
0x386: {  	(v2sf) =	vpush v55, $0xF;
	v40 =	vld [tilespmem:s0+$0xFFFFFFD0];
	v1 =	vadd.f32 $1.000000000e+00, v4;
	[tilespmem:s14+$0xFFFFFF50] =	vst v5;
	v3 =	vmul.f32 v59, v3  }
0x387: {  	v4 =	vadd.f32 $1.000000000e+00, v7;
	v7 =	vld [tilespmem:s0+$0xFFFFFF90];
	[tilespmem:s17+$0xFFFFFF50] =	vst v2;
	v55 =	vsub.f32 $1.500000000e+00, v0  }
0x388: {  	v0 =	vld [tilespmem:s0+$0xFFFFFF10];
	[tilespmem:s14+$0xFFFFFF60] =	vst v1;
	v61 =	vadd.bf16 v45, v8;
	v8 =	vsub.f32 $1.500000000e+00, v3  }
0x389: {  	v5 =	vadd.f32 $1.000000000e+00, v11;
	v15 =	vmov v41;
	v41 =	vld [tilespmem:s9+$0xFFFFFFB0];
	v12 =	vadd.f32 $1.000000000e+00, v12;
	[tilespmem:$0x1F860] =	vst v48;
	v48, _, _ =	vpop (xrf2)  }
0x38a: {  	v1 =	vld [tilespmem:s9+$0xFFFFFF10];
	[tilespmem:s17+$0xFFFFFF60] =	vst v4;
	(v2sf) =	vpush v48, $0xF;
	v48 =	vmul.f32 v55, v6;
	v8 =	vmul.f32 v59, v8  }
0x38b: {  	v52 =	vadd.bf16 v57, v56;
	v13 =	vadd.f32 $1.000000000e+00, v13;
	v2 =	vld [tilespmem:s9+$0xFFFFFF20];
	[tilespmem:s14+$0xFFFFFF70] =	vst v5  }
0x38c: {  	v5 =	vadd.bf16 v7, v49;
	v53 =	vmul.f32 v48, v62;
	v62 =	vld [tilespmem:s0+$0xFFFFFF20];
	[tilespmem:s17+$0xFFFFFF70] =	vst v12;
	v12 =	vmul.f32 v8, v58  }
0x38d: {  	[tilespmem:$0x1F8B0] =	vst v15;
	v4 =	vadd.bf16 v40, v10;
	v15 =	vmov v50;
	v50 =	vld [tilespmem:s0+$0xFFFFFFB0];
	v6 =	vadd.f32 $1.000000000e+00, v14  }
0x38e: {  	v11 =	vunpack.i.u.bf16.f32 v5;
	v5 =	vunpack.i.l.bf16.f32 v5;
	v40 =	vld [tilespmem:s9+$0xFFFFFF30];
	[tilespmem:s14+$0xFFFFFF80] =	vst v13;
	v12 =	vmul.f32 v12, v8  }
0x38f: {  	v13 =	vmul.f32 v11, v11;
	v49 =	vld [tilespmem:s0+$0xFFFFFF30];
	[tilespmem:s17+$0xFFFFFF80] =	vst v6;
	v6 =	vmul.f32 v5, v5  }
0x390: {  	[tilespmem:$0x1F830] =	vst v26;
	v26 =	vmovc v46;
	v46 =	vld [tilespmem:s0+$0xFFFFFFC0];
	v56 =	vmul.f32 v48, v63;
	v63 =	vunpack.i.l.bf16.f32 v52;
	v12 =	vsub.f32 $1.500000000e+00, v12  }
0x391: {  	v16 =	vmovc v47;
	v47 =	vld [tilespmem:s9+$0xFFFFFFC0];
	v3 =	vadd.bf16 v9, v43;
	v6 =	vadd.f32 v6, v13;
	v13 =	vmul.f32 v63, v63  }
0x392: {  	v20 =	vmovc v29;
	v9 =	vunpack.i.u.bf16.f32 v52;
	v10 =	vadd.bf16 v50, v41;
	v8 =	vmul.f32 v12, v8  }
0x393: {  	v29 =	vmovc v28;
	v28 =	vmovc v19;
	v19 =	vmov v25;
	v6 =	vadd.f32 v13, v6;
	v13 =	vmul.f32 v9, v9  }
0x394: {  	v25 =	vmov s10;
	v54 =	vmovc v32;
	v32 =	vmovc v17;
	v17 =	vunpack.i.l.bf16.f32 v10;
	v18 =	vmul.f32 v8, v58  }
0x395: {  	v55 =	vadd.f32 $0.0e+00, v5;
	v6 =	vadd.f32 v6, v13;
	v12 =	vmul.f32 v17, v17  }
0x396: {  	v7 =	vadd.bf16 v46, v47;
	v10 =	vunpack.i.u.bf16.f32 v10;
	v18 =	vmul.f32 v18, v8  }
0x397: {  	v59 =	vadd.f32 v55, v11;
	v6 =	vadd.f32 v12, v6;
	v12 =	vmul.f32 v10, v10  }
0x398: {  	[tilespmem:$0x1F840] =	vst v16;
	v16 =	vunpack.i.u.bf16.f32 v7;
	v7 =	vunpack.i.l.bf16.f32 v7;
	v18 =	vsub.f32 $1.500000000e+00, v18  }
0x399: {  	v13 =	vadd.f32 v63, v59;
	v6 =	vadd.f32 v6, v12;
	v12 =	vmul.f32 v7, v7  }
0x39a: {  	v25 =	vadd.f32 $0.0e+00, v25;
	v8 =	vmul.f32 v18, v8;
	v18 =	vld [tilespmem:$0x1F8E0]  }
0x39b: {  	v13 =	vadd.f32 v13, v9;
	v6 =	vadd.f32 v12, v6;
	v12 =	vmul.f32 v16, v16;
	_ =	sdelay $0x1  }
0x39c: {  	v25 =	vbroadcast v25, $0x0;
	v55 =	vmovc v5;
	v13 =	vadd.f32 v17, v13;
	v5 =	vadd.f32 v6, v12;
	v12 =	vld [tilespmem:$0x1F8F0];
	_ =	sdelay $0x1  }
0x39d: {  	v13 =	vadd.f32 v13, v10;
	v18 =	vsub.f32 v18, v25  }
0x39e: {  	[tilespmem:$0x1F850] =	vst v15;
	v15 =	vunpack.i.u.bf16.f32 v4  }
0x39f: {  	v4 =	vunpack.i.l.bf16.f32 v4;
	[tilespmem:$0x1F8E0] =	vst v55;
	v55 =	vmovc v11;
	v11 =	vadd.f32 v7, v13;
	v13 =	vmul.f32 v8, v18;
	v18 =	vld [tilespmem:$0x1F900]  }
0x3a0: {  	v6 =	vmul.f32 v4, v4;
	v12 =	vsub.f32 v12, v25;
	_ =	sdelay $0x1  }
0x3a1: {  	v5 =	vadd.f32 v6, v5;
	v6 =	vmul.f32 v8, v12;
	v12 =	vld [tilespmem:$0x1F910];
	_ =	sdelay $0x1  }
0x3a2: {  	v18 =	vsub.f32 v18, v25  }
0x3a3: {  	[tilespmem:$0x1F8F0] =	vst v55;
	v55 =	vmov v63  }
0x3a4: {  	v63 =	vmov v9;
	v9 =	vadd.f32 $1.000000000e+00, v13;
	v13 =	vmul.f32 v8, v18;
	v18 =	vld [tilespmem:$0x1F920]  }
0x3a5: {  	v12 =	vsub.f32 v12, v25  }
0x3a6: {  	s14 =	smov.u32 s2;
	s2 =	sadd.s32 $0x100, s2;
	[tilespmem:$0x1F900] =	vst v55;
	v55 =	vmov v17;
	v17 =	vld [tilespmem:$0x1F930]  }
0x3a7: {  	v6 =	vadd.f32 $1.000000000e+00, v6;
	[tilespmem:s2+$0xFFFFFF90] =	vst v9;
	v12 =	vmul.f32 v8, v12;
	v9 =	vadd.f32 $1.000000000e+00, v13;
	v13 =	vld [tilespmem:$0x1F940]  }
0x3a8: {  	s17 =	smov.u32 s15;
	s15 =	sadd.s32 $0x100, s15  }
0x3a9: {  	[tilespmem:s15+$0xFFFFFF90] =	vst v6;
	v6 =	vadd.f32 $1.000000000e+00, v12;
	v12 =	vld [tilespmem:$0x1F950];
	v18 =	vsub.f32 v18, v25  }
0x3aa: {  	[tilespmem:$0x1F910] =	vst v63  }
0x3ab: {  	v63 =	vsub.f32 v17, v25;
	[tilespmem:$0x1F920] =	vst v55;
	v55 =	vmov v10  }
0x3ac: {  	[tilespmem:$0x1F930] =	vst v55;
	v55 =	vmul.f32 v8, v18;
	v13 =	vsub.f32 v13, v25  }
0x3ad: {  	v18 =	vmov v7;
	v7 =	vmul.f32 v8, v63  }
0x3ae: {  	v12 =	vsub.f32 v12, v25;
	v63 =	vadd.f32 $1.000000000e+00, v55;
	v55 =	vmul.f32 v8, v13;
	v13 =	vld [tilespmem:$0x1F960]  }
0x3af: {  	v17 =	vmov v16;
	v16 =	vmov v4;
	[tilespmem:s2+$0xFFFFFFA0] =	vst v9;
	v4 =	vadd.f32 $1.000000000e+00, v7;
	v7 =	vld [tilespmem:$0x1F970]  }
0x3b0: {  	[tilespmem:s15+$0xFFFFFFA0] =	vst v6;
	v6 =	vmul.f32 v8, v12;
	v12 =	vld [tilespmem:$0x1F980];
	_ =	sdelay $0x1  }
0x3b1: {  	v52 =	vmul.f32 v15, v15;
	v0 =	vadd.bf16 v0, v1  }
0x3b2: {  	v22 =	vmovc v21;
	v14 =	vunpack.i.l.bf16.f32 v3;
	v2 =	vadd.bf16 v62, v2;
	v13 =	vsub.f32 v13, v25  }
0x3b3: {  	v21 =	vmovc v51;
	v51 =	vmul.f32 v14, v14;
	v5 =	vadd.f32 v5, v52;
	v7 =	vsub.f32 v7, v25  }
0x3b4: {  	[tilespmem:s2+$0xFFFFFFB0] =	vst v63;
	v63 =	vadd.f32 $1.000000000e+00, v55;
	v12 =	vsub.f32 v12, v25;
	v55 =	vmul.f32 v8, v13  }
0x3b5: {  	v5 =	vadd.f32 v51, v5;
	[tilespmem:s15+$0xFFFFFFB0] =	vst v4;
	v4 =	vadd.f32 $1.000000000e+00, v6;
	v6 =	vmul.f32 v8, v7  }
0x3b6: {  	[tilespmem:s2+$0xFFFFFFC0] =	vst v63;
	v7 =	vsub.f32 v23, v25;
	v63 =	vadd.f32 $1.000000000e+00, v55;
	v55 =	vmul.f32 v8, v12  }
0x3b7: {  	[tilespmem:s15+$0xFFFFFFC0] =	vst v4;
	v12 =	vsub.f32 v24, v25;
	v4 =	vadd.f32 $1.000000000e+00, v6  }
0x3b8: {  	v6 =	vmul.f32 v8, v7;
	v7 =	vsub.f32 v27, v25;
	[tilespmem:s2+$0xFFFFFFD0] =	vst v63;
	v63 =	vadd.f32 $1.000000000e+00, v55  }
0x3b9: {  	v11 =	vadd.f32 v11, v17;
	v55 =	vmul.f32 v8, v12;
	v12 =	vsub.f32 v30, v25;
	[tilespmem:s15+$0xFFFFFFD0] =	vst v4  }
0x3ba: {  	v4 =	vadd.f32 $1.000000000e+00, v6;
	v6 =	vmul.f32 v8, v7;
	v7 =	vsub.f32 v31, v25;
	v13 =	vld [tilespmem:s9+$0x0];
	[tilespmem:s2+$0xFFFFFFE0] =	vst v63  }
0x3bb: {  	[tilespmem:$0x1F940] =	vst v18;
	v23 =	vunpack.i.u.bf16.f32 v3;
	v9 =	vadd.f32 $1.000000000e+00, v55;
	v63 =	vmul.f32 v8, v12;
	v12 =	vld [tilespmem:s0+$0x0]  }
0x3bc: {  	[tilespmem:s15+$0xFFFFFFE0] =	vst v4;
	v4 =	vadd.f32 $1.000000000e+00, v6;
	v6 =	vmul.f32 v8, v7;
	v7 =	vadd.f32 v16, v11  }
0x3bd: {  	v18 =	vmovc v15;
	v24 =	vunpack.i.l.bf16.f32 v61;
	v8 =	vmul.f32 v23, v23;
	[tilespmem:s2+$0xFFFFFFF0] =	vst v9;
	v3 =	vadd.f32 $1.000000000e+00, v63  }
0x3be: {  	v27 =	vunpack.i.u.bf16.f32 v61;
	[tilespmem:s15+$0xFFFFFFF0] =	vst v4;
	v4 =	vadd.f32 $1.000000000e+00, v6;
	v1 =	vadd.f32 v7, v18  }
0x3bf: {  	v15 =	vmovc v14;
	v9 =	vunpack.i.l.bf16.f32 v2;
	[tilespmem:s2+$0x0] =	vst v3;
	v3 =	vadd.f32 v5, v8;
	v5 =	vmul.f32 v24, v24  }
0x3c0: {  	[tilespmem:s15+$0x0] =	vst v4;
	v1 =	vadd.f32 v15, v1;
	v4 =	vunpack.i.l.bf16.f32 v0;
	v6 =	vadd.bf16 v12, v13  }
0x3c1: {  	v3 =	vadd.f32 v5, v3;
	v5 =	vmul.f32 v27, v27;
	v7 =	vadd.f32 $0.0e+00, v4  }
0x3c2: {  	v8 =	vunpack.i.u.bf16.f32 v0;
	v1 =	vadd.f32 v1, v23;
	v30 =	vunpack.i.l.bf16.f32 v6  }
0x3c3: {  	v0 =	vadd.f32 v3, v5;
	v5 =	vadd.f32 v7, v8;
	v3 =	vmul.f32 v30, v30  }
0x3c4: {  	v43 =	vld [tilespmem:s9+$0xFFFFFF40];
	v31 =	vunpack.i.u.bf16.f32 v6;
	v6 =	vmul.f32 v4, v4;
	v1 =	vadd.f32 v24, v1  }
0x3c5: {  	v50 =	vld [tilespmem:s0+$0xFFFFFF40];
	v7 =	vmul.f32 v8, v8;
	v0 =	vadd.f32 v3, v0;
	v3 =	vmul.f32 v31, v31  }
0x3c6: {  	v41 =	vld [tilespmem:s9+$0xFFFFFF50];
	v5 =	vadd.f32 v9, v5;
	v1 =	vadd.f32 v1, v27  }
0x3c7: {  	v45 =	vld [tilespmem:s0+$0xFFFFFF50];
	v63 =	vmul.f32 v9, v9;
	v0 =	vadd.f32 v0, v3;
	v3 =	vadd.f32 v6, v7  }
0x3c8: {  	v57 =	vld [tilespmem:s9+$0xFFFFFF60];
	v6 =	vunpack.i.u.bf16.f32 v2;
	v1 =	vadd.f32 v30, v1;
	v7 =	vadd.bf16 v49, v40  }
0x3c9: {  	v60 =	vld [tilespmem:s0+$0xFFFFFF60];
	v2 =	vadd.f32 v5, v6;
	v5 =	vmul.f32 v6, v6;
	(xrf2) =	vadd.scan.msk.f32 $0xffff, v0;
	v0 =	vadd.f32 v63, v3  }
0x3ca: {  	v59 =	vld [tilespmem:s0+$0xFFFFFF80];
	v1 =	vadd.f32 v1, v31;
	v10 =	vunpack.i.u.bf16.f32 v7;
	v7 =	vunpack.i.l.bf16.f32 v7  }
0x3cb: {  	v58 =	vld [tilespmem:s9+$0xFFFFFF80];
	v2 =	vadd.f32 v7, v2;
	v0 =	vadd.f32 v0, v5;
	v5 =	vmul.f32 v7, v7  }
0x3cc: {  	v46 =	vld [tilespmem:s9+$0xFFFFFF70];
	v50 =	vadd.bf16 v50, v43;
	v14 =	vadd.bf16 v45, v41  }
0x3cd: {  	v47 =	vld [tilespmem:s0+$0xFFFFFF70];
	(xrf2) =	vadd.scan.msk.f32 $0xffff, v1;
	v1 =	vmul.f32 v10, v10;
	v2 =	vadd.f32 v2, v10;
	v0 =	vadd.f32 v5, v0  }
0x3ce: {  	s28 =	spop (v2sf);
	v45 =	vunpack.i.u.bf16.f32 v14;
	v11 =	vunpack.i.l.bf16.f32 v50  }
0x3cf: {  	s11 =	smul.f32 $3.906250000e-03, s28;
	v5 =	vmul.f32 v11, v11;
	v0 =	vadd.f32 v0, v1;
	v1 =	vadd.f32 v11, v2  }
0x3d0: {  	v43 =	vunpack.i.l.bf16.f32 v14;
	v25 =	vadd.bf16 v59, v58;
	v12 =	vunpack.i.u.bf16.f32 v50  }
0x3d1: {  	s31 =	smul.f32 s11, s11;
	s26 =	spop (v2sf);
	[tilespmem:$0x1F970] =	vst v18;
	v13 =	vmul.f32 v12, v12;
	v1 =	vadd.f32 v1, v12;
	v0 =	vadd.f32 v5, v0  }
0x3d2: {  	s26 =	smul.f32 $3.906250000e-03, s26;
	[tilespmem:$0x1F980] =	vst v15;
	v14 =	vmul.f32 v45, v45;
	v18 =	vadd.bf16 v47, v46;
	v15 =	vadd.bf16 v60, v57  }
0x3d3: {  	v5 =	vmul.f32 v43, v43;
	v0 =	vadd.f32 v0, v13;
	v13 =	vadd.f32 v43, v1  }
0x3d4: {  	s13 =	ssub.f32 s26, s31;
	v47 =	vunpack.i.u.bf16.f32 v18;
	v46 =	vunpack.i.l.bf16.f32 v18;
	v50 =	vunpack.i.u.bf16.f32 v25  }
0x3d5: {  	v40 =	vunpack.i.l.bf16.f32 v15;
	v13 =	vadd.f32 v13, v45;
	v5 =	vadd.f32 v5, v0  }
0x3d6: {  	v41 =	vunpack.i.u.bf16.f32 v15;
	v15 =	vmul.f32 v40, v40;
	v3 =	vmov s13  }
0x3d7: {  	v2 =	vmov s11;
	v13 =	vadd.f32 v40, v13;
	v5 =	vadd.f32 v5, v14  }
0x3d8: {  	[tilespmem:$0x1F960] =	vst v16;
	v49 =	vunpack.i.l.bf16.f32 v25;
	v25 =	vadd.f32 $9.999999740e-06, v3;
	v55 =	vadd.f32 $0.0e+00, v2;
	v16, _, _ =	vpop (xrf2)  }
0x3d9: {  	[tilespmem:$0x1F950] =	vst v17;
	v17 =	vmul.f32 v41, v41;
	v51, _, _ =	vpop (xrf2);
	v13 =	vadd.f32 v13, v41;
	v5 =	vadd.f32 v15, v5  }
0x3da: {  	v18 =	vmul.f32 v46, v46;
	v61 =	vbroadcast v55, $0x0;
	(v2sf) =	vpush v51, $0xF  }
0x3db: {  	v13 =	vadd.f32 v46, v13;
	v5 =	vadd.f32 v5, v17;
	v17 =	vbroadcast v25, $0x0;
	v25 =	vld [tilespmem:$0x1F830]  }
0x3dc: {  	v0 =	vmul.f32 v48, v42;
	v42 =	vsub.f32 v29, v61;
	(v2sf) =	vpush v16, $0xF  }
0x3dd: {  	v29 =	vmovc v7;
	v7 =	vld [tilespmem:$0x1F880];
	v14 =	vmul.f32 v47, v47;
	v13 =	vadd.f32 v13, v47;
	v5 =	vadd.f32 v18, v5  }
0x3de: {  	v16 =	vmul.f32 v49, v49;
	v18 =	vshra.s32 v17, $0x1;
	v60 =	vmul.f32 $5.000000000e-01, v17  }
0x3df: {  	v52 =	vmovc v26;
	v26 =	vmovc v4;
	v17 =	vsub.s32 $0x5F3759DF, v18;
	v13 =	vadd.f32 v49, v13;
	v4 =	vadd.f32 v5, v14  }
0x3e0: {  	v5 =	vmul.f32 v17, v60;
	v62 =	vsub.f32 v25, v61  }
0x3e1: {  	v15 =	vmul.f32 v50, v50;
	v25 =	vmovc v8;
	v8 =	vadd.f32 v13, v50;
	v4 =	vadd.f32 v16, v4  }
0x3e2: {  	v57 =	vmul.f32 v17, v5;
	v5 =	vmul.f32 v48, v35;
	v35 =	vsub.f32 v7, v61;
	v7 =	vld [tilespmem:$0x1F890]  }
0x3e3: {  	v1 =	vmul.f32 v48, v44;
	v44 =	vsub.f32 v28, v61  }
0x3e4: {  	v28 =	vmovc v6;
	(xrf2) =	vadd.scan.msk.f32 $0xffff, v8;
	v6 =	vadd.f32 v4, v15;
	v8 =	vsub.f32 $1.500000000e+00, v57;
	_ =	sdelay $0x1  }
0x3e5: {  	s8 =	sadd.s32 $0x2, s8;
	(xrf2) =	vadd.scan.msk.f32 $0xffff, v6;
	v6 =	vmul.f32 v17, v8;
	v8 =	vld [tilespmem:$0x1F8B0]  }
0x3e6: {  	p1 =	slt.u32 s8, $0x3E;
	v57 =	vmul.f32 v48, v34;
	v34 =	vsub.f32 v7, v61;
	v7 =	vld [tilespmem:$0x1F8A0]  }
.Ltmp1:
0x3e7: {  	v3 =	vmul.f32 v48, v38;
	v38 =	vsub.f32 v20, v61;
	v20 =	vld [tilespmem:$0x1F850];
	(pc) =	sbr.rel @p1 .LBB2_5-.Ltmp1, $4  }
0x3e8: {  	v59 =	vmul.f32 v48, v39;
	v58 =	vmul.f32 v48, v36;
	v36 =	vsub.f32 v22, v61;
	v22 =	vld [tilespmem:$0x1F860]  }
0x3e9: {  	v2 =	vmul.f32 v48, v37;
	v63 =	vsub.f32 v19, v61;
	v37 =	vsub.f32 v21, v61;
	v21 =	vmovc v12;
	v12 =	vld [tilespmem:$0x1F870];
	s28 =	spop (v2sf)  }
0x3ea: {  	v19 =	vmovc v9;
	v39 =	vsub.f32 v32, v61;
	v51 =	vmov v10;
	v18 =	vld [tilespmem:$0x1F820];
	v4 =	vmul.f32 v48, v33;
	s10 =	smul.f32 $3.906250000e-03, s28;
	s31 =	spop (v2sf)  }
0x3eb: {  	s9 =	sadd.s32 $0x100, s9;
	v16 =	vld [tilespmem:$0x1F840];
	v17 =	vmovc v11;
	s11 =	smul.f32 $3.906250000e-03, s31;
	v32 =	vsub.f32 v8, v61;
	v33 =	vsub.f32 v7, v61;
	v7 =	vmul.f32 v48, v54  }
0x3ec: {  	s0 =	smul.f32 s10, s10;
	_ =	sdelay $0x1  }
0x3ed: {  	s0 =	ssub.f32 s11, s0;
	_ =	sdelay $0x1  }
0x3ee: {  	v8 =	vmov s0  }
0x3ef: {  	v8 =	vadd.f32 $9.999999740e-06, v8;
	_ =	sdelay $0x1  }
0x3f0: {  	v8 =	vbroadcast v8, $0x0;
	_ =	sdelay $0x1  }
0x3f1: {  	v9 =	vshra.s32 v8, $0x1;
	v8 =	vmul.f32 $5.000000000e-01, v8  }
0x3f2: {  	v9 =	vsub.s32 $0x5F3759DF, v9  }
0x3f3: {  	v11, _, _ =	vpop (xrf2);
	v10 =	vmul.f32 v9, v8  }
0x3f4: {  	(v2sf) =	vpush v11, $0xF  }
0x3f5: {  	v10 =	vmul.f32 v9, v10  }
0x3f6: {  	v14, _, _ =	vpop (xrf2)  }
0x3f7: {  	(v2sf) =	vpush v14, $0xF;
	v10 =	vsub.f32 $1.500000000e+00, v10;
	_ =	sdelay $0x1  }
0x3f8: {  	v9 =	vmul.f32 v9, v10  }
0x3f9: {  	v15 =	vmul.f32 v6, v60  }
0x3fa: {  	v54 =	vmul.f32 v9, v8  }
0x3fb: {  	v55 =	vadd.f32 $1.000000000e+00, v53;
	v10 =	vmul.f32 v15, v6  }
0x3fc: {  	v53 =	vadd.f32 $1.000000000e+00, v56;
	v11 =	vmul.f32 v54, v9  }
0x3fd: {  	v13 =	vld [tilespmem:$0x1F8C0];
	v1 =	vadd.f32 $1.000000000e+00, v1;
	[tilespmem:s14+$0xFFFFFF10] =	vst v55;
	v10 =	vsub.f32 $1.500000000e+00, v10  }
0x3fe: {  	v0 =	vadd.f32 $1.000000000e+00, v0;
	[tilespmem:s17+$0xFFFFFF10] =	vst v53;
	v11 =	vsub.f32 $1.500000000e+00, v11  }
0x3ff: {  	v3 =	vadd.f32 $1.000000000e+00, v3;
	[tilespmem:s14+$0xFFFFFF20] =	vst v1;
	v6 =	vmul.f32 v10, v6  }
0x400: {  	v2 =	vadd.f32 $1.000000000e+00, v2;
	[tilespmem:s17+$0xFFFFFF20] =	vst v0;
	v9 =	vmul.f32 v11, v9  }
0x401: {  	v55 =	vadd.f32 $1.000000000e+00, v59;
	[tilespmem:s14+$0xFFFFFF30] =	vst v3;
	v54 =	vmul.f32 v6, v60  }
0x402: {  	v14 =	vadd.f32 $1.000000000e+00, v58;
	v3 =	vld [tilespmem:$0x1F8D0];
	[tilespmem:s17+$0xFFFFFF30] =	vst v2;
	s13 =	spop (v2sf);
	v8 =	vmul.f32 v9, v8  }
0x403: {  	v1 =	vadd.f32 $1.000000000e+00, v5;
	[tilespmem:s14+$0xFFFFFF40] =	vst v55;
	s9 =	smul.f32 $3.906250000e-03, s13;
	v56 =	vmul.f32 v54, v6  }
0x404: {  	[tilespmem:s17+$0xFFFFFF40] =	vst v14;
	v15 =	vadd.f32 $1.000000000e+00, v57;
	v59 =	vmul.f32 v8, v9  }
0x405: {  	v4 =	vadd.f32 $1.000000000e+00, v4;
	v58 =	vmov s10;
	s8 =	spop (v2sf);
	s0 =	smul.f32 s9, s9;
	v53 =	vsub.f32 $1.500000000e+00, v56;
	v56 =	vld [tilespmem:$0x1F8E0];
	[tilespmem:s14+$0xFFFFFF50] =	vst v1  }
0x406: {  	v13 =	vmul.f32 v48, v13;
	s8 =	smul.f32 $3.906250000e-03, s8;
	v60 =	vadd.f32 $0.0e+00, v58;
	v0 =	vsub.f32 $1.500000000e+00, v59;
	v59 =	vld [tilespmem:$0x1F8F0];
	[tilespmem:s17+$0xFFFFFF50] =	vst v15  }
0x407: {  	v3 =	vmul.f32 v48, v3;
	v10 =	vmul.f32 v48, v12;
	v15 =	vld [tilespmem:$0x1F900];
	[tilespmem:s14+$0xFFFFFF60] =	vst v4  }
0x408: {  	v7 =	vadd.f32 $1.000000000e+00, v7;
	v55 =	vadd.f32 $1.000000000e+00, v13;
	s0 =	ssub.f32 s8, s0;
	v5 =	vbroadcast v60, $0x0;
	v4 =	vld [tilespmem:$0x1F910]  }
0x409: {  	v3 =	vadd.f32 $1.000000000e+00, v3;
	v10 =	vadd.f32 $1.000000000e+00, v10;
	v54 =	vmul.f32 v48, v22  }
0x40a: {  	v22 =	vmov s0;
	v57 =	vsub.f32 v56, v5;
	v9 =	vmul.f32 v0, v9  }
0x40b: {  	v12 =	vadd.f32 $9.999999740e-06, v22;
	[tilespmem:s17+$0xFFFFFF60] =	vst v7;
	v2 =	vsub.f32 v59, v5  }
0x40c: {  	v0 =	vmul.f32 v53, v6;
	v53 =	vld [tilespmem:$0x1F920];
	[tilespmem:s14+$0xFFFFFF70] =	vst v10;
	v60 =	vmul.f32 v9, v57;
	v8 =	vsub.f32 v15, v5  }
0x40d: {  	v58 =	vadd.f32 $1.000000000e+00, v54;
	[tilespmem:s17+$0xFFFFFF70] =	vst v55;
	v2 =	vmul.f32 v9, v2;
	v4 =	vsub.f32 v4, v5  }
0x40e: {  	v11 =	vld [tilespmem:$0x1F930];
	[tilespmem:s14+$0xFFFFFF80] =	vst v3;
	v6 =	vadd.f32 $1.000000000e+00, v60;
	v48 =	vmul.f32 v9, v8  }
0x40f: {  	v54 =	vbroadcast v12, $0x0;
	v3 =	vld [tilespmem:$0x1F940];
	[tilespmem:s17+$0xFFFFFF80] =	vst v58;
	s17 =	sadd.s32 $0x100, s2;
	v2 =	vadd.f32 $1.000000000e+00, v2;
	v4 =	vmul.f32 v9, v4  }
0x410: {  	s26 =	sadd.s32 $0x100, s15;
	[tilespmem:s17+$0xFFFFFF90] =	vst v6;
	v7 =	vadd.f32 $1.000000000e+00, v48  }
0x411: {  	v12 =	vshra.s32 v54, $0x1;
	v10 =	vmul.f32 $5.000000000e-01, v54;
	v6 =	vld [tilespmem:$0x1F950];
	v55 =	vadd.f32 $1.000000000e+00, v4;
	[tilespmem:s26+$0xFFFFFF90] =	vst v2  }
0x412: {  	v57 =	vsub.s32 $0x5F3759DF, v12;
	v59 =	vld [tilespmem:$0x1F960];
	[tilespmem:s17+$0xFFFFFFA0] =	vst v7  }
0x413: {  	v12 =	vmul.f32 v57, v10;
	v8 =	vsub.f32 v53, v5;
	v7 =	vld [tilespmem:$0x1F970];
	[tilespmem:s26+$0xFFFFFFA0] =	vst v55  }
0x414: {  	v22 =	vsub.f32 v23, v5;
	v11 =	vsub.f32 v11, v5;
	v14 =	vld [tilespmem:$0x1F980]  }
0x415: {  	v12 =	vmul.f32 v57, v12;
	v8 =	vmul.f32 v9, v8;
	v3 =	vsub.f32 v3, v5  }
0x416: {  	v53 =	vsub.f32 v27, v5;
	v56 =	vmul.f32 v9, v11;
	v6 =	vsub.f32 v6, v5  }
0x417: {  	v8 =	vadd.f32 $1.000000000e+00, v8;
	v58 =	vmul.f32 v9, v3;
	v3 =	vsub.f32 v59, v5  }
0x418: {  	v4 =	vadd.f32 $1.000000000e+00, v56;
	v6 =	vmul.f32 v9, v6;
	v7 =	vsub.f32 v7, v5  }
0x419: {  	[tilespmem:s17+$0xFFFFFFB0] =	vst v8;
	v60 =	vadd.f32 $1.000000000e+00, v58;
	v13 =	vmul.f32 v9, v3;
	v3 =	vsub.f32 v14, v5  }
0x41a: {  	v15 =	vsub.f32 $1.500000000e+00, v12;
	[tilespmem:s26+$0xFFFFFFB0] =	vst v4;
	v6 =	vadd.f32 $1.000000000e+00, v6;
	v7 =	vmul.f32 v9, v7  }
0x41b: {  	v48 =	vsub.f32 v24, v5;
	[tilespmem:s17+$0xFFFFFFC0] =	vst v60;
	v2 =	vadd.f32 $1.000000000e+00, v13;
	v3 =	vmul.f32 v9, v3  }
0x41c: {  	v23 =	vmul.f32 v57, v15;
	v4 =	vmul.f32 v9, v22;
	[tilespmem:s26+$0xFFFFFFC0] =	vst v6;
	v7 =	vadd.f32 $1.000000000e+00, v7  }
0x41d: {  	v54 =	vmul.f32 v9, v48;
	v55 =	vsub.f32 v30, v5;
	v3 =	vadd.f32 $1.000000000e+00, v3;
	[tilespmem:s17+$0xFFFFFFD0] =	vst v2  }
0x41e: {  	v11 =	vmul.f32 v23, v10;
	v4 =	vadd.f32 $1.000000000e+00, v4;
	v6 =	vmul.f32 v9, v53;
	[tilespmem:s26+$0xFFFFFFD0] =	vst v7  }
0x41f: {  	v56 =	vmul.f32 v9, v55;
	v5 =	vsub.f32 v31, v5;
	v2 =	vadd.f32 $1.000000000e+00, v54;
	[tilespmem:s17+$0xFFFFFFE0] =	vst v3  }
0x420: {  	v60 =	vmul.f32 v0, v62;
	v59 =	vadd.f32 $1.000000000e+00, v6;
	[tilespmem:s26+$0xFFFFFFE0] =	vst v4  }
0x421: {  	v57 =	vmul.f32 v11, v23;
	v58 =	vmul.f32 v9, v5;
	v3 =	vadd.f32 $1.000000000e+00, v56;
	[tilespmem:s17+$0xFFFFFFF0] =	vst v2  }
0x422: {  	v27 =	vmul.f32 v0, v35;
	v9 =	vmul.f32 v0, v63;
	v2 =	vadd.f32 $1.000000000e+00, v60;
	[tilespmem:s26+$0xFFFFFFF0] =	vst v59  }
0x423: {  	v11 =	vmul.f32 v0, v44;
	v62 =	vsub.f32 $1.500000000e+00, v57;
	v4 =	vadd.f32 $1.000000000e+00, v58;
	[tilespmem:s17+$0x0] =	vst v3  }
0x424: {  	v15 =	vmul.f32 v0, v38;
	v13 =	vmul.f32 v0, v42;
	v5 =	vadd.f32 $1.000000000e+00, v9;
	[tilespmem:s2+$0xFFFFFF10] =	vst v2  }
0x425: {  	v1 =	vmul.f32 v62, v23;
	v14 =	vsub.f32 v16, v61;
	v3 =	vadd.f32 $1.000000000e+00, v11;
	[tilespmem:s26+$0x0] =	vst v4  }
0x426: {  	v16 =	vsub.f32 v18, v61;
	v18 =	vmul.f32 v0, v37;
	v6 =	vadd.f32 $1.000000000e+00, v13;
	[tilespmem:s15+$0xFFFFFF10] =	vst v5  }
0x427: {  	v22 =	vmul.f32 v0, v39;
	v10 =	vmul.f32 v1, v10;
	v7 =	vadd.f32 $1.000000000e+00, v15;
	[tilespmem:s2+$0xFFFFFF20] =	vst v3  }
0x428: {  	v12 =	vsub.f32 v52, v61;
	v23 =	vmul.f32 v0, v36;
	v8 =	vadd.f32 $1.000000000e+00, v18;
	[tilespmem:s15+$0xFFFFFF20] =	vst v6  }
0x429: {  	v24 =	vmov s9;
	v10 =	vmul.f32 v10, v1;
	v3 =	vadd.f32 $1.000000000e+00, v22;
	[tilespmem:s2+$0xFFFFFF30] =	vst v7  }
0x42a: {  	v30 =	vmul.f32 v0, v34;
	v31 =	vadd.f32 $0.0e+00, v24;
	v6 =	vadd.f32 $1.000000000e+00, v23;
	[tilespmem:s15+$0xFFFFFF30] =	vst v8  }
0x42b: {  	v34 =	vmul.f32 v0, v33;
	v10 =	vsub.f32 $1.500000000e+00, v10;
	v11 =	vadd.f32 $1.000000000e+00, v27;
	[tilespmem:s2+$0xFFFFFF40] =	vst v3  }
0x42c: {  	v35 =	vmul.f32 v0, v32;
	v8 =	vadd.f32 $1.000000000e+00, v30;
	v3 =	vbroadcast v31, $0x0;
	[tilespmem:s15+$0xFFFFFF40] =	vst v6  }
0x42d: {  	v1 =	vmul.f32 v10, v1;
	v4 =	vmul.f32 v0, v12;
	v7 =	vadd.f32 $1.000000000e+00, v34;
	[tilespmem:s2+$0xFFFFFF50] =	vst v11  }
0x42e: {  	v2 =	vmul.f32 v0, v14;
	v6 =	vadd.f32 $1.000000000e+00, v35;
	v36 =	vsub.f32 v26, v3;
	[tilespmem:s15+$0xFFFFFF50] =	vst v8  }
0x42f: {  	v20 =	vsub.f32 v20, v61;
	v5 =	vmul.f32 v0, v16;
	v4 =	vadd.f32 $1.000000000e+00, v4;
	[tilespmem:s2+$0xFFFFFF60] =	vst v7  }
0x430: {  	v2 =	vadd.f32 $1.000000000e+00, v2;
	v37 =	vsub.f32 v25, v3;
	v7 =	vmul.f32 v1, v36;
	[tilespmem:s15+$0xFFFFFF60] =	vst v6  }
0x431: {  	v0 =	vmul.f32 v0, v20;
	v5 =	vadd.f32 $1.000000000e+00, v5;
	v38 =	vsub.f32 v19, v3;
	[tilespmem:s2+$0xFFFFFF70] =	vst v4  }
0x432: {  	v39 =	vsub.f32 v28, v3;
	v6 =	vmul.f32 v1, v37;
	v7 =	vadd.f32 $1.000000000e+00, v7;
	[tilespmem:s15+$0xFFFFFF70] =	vst v2  }
0x433: {  	v0 =	vadd.f32 $1.000000000e+00, v0;
	v42 =	vsub.f32 v29, v3;
	v4 =	vmul.f32 v1, v38;
	[tilespmem:s2+$0xFFFFFF80] =	vst v5  }
0x434: {  	v44 =	vsub.f32 v51, v3;
	v2 =	vmul.f32 v1, v39;
	v6 =	vadd.f32 $1.000000000e+00, v6;
	[tilespmem:s17+$0xFFFFFF10] =	vst v7  }
0x435: {  	v48 =	vsub.f32 v17, v3;
	v5 =	vmul.f32 v1, v42;
	v4 =	vadd.f32 $1.000000000e+00, v4;
	[tilespmem:s15+$0xFFFFFF80] =	vst v0  }
0x436: {  	v51 =	vsub.f32 v21, v3;
	[tilespmem:s26+$0xFFFFFF10] =	vst v6;
	v0 =	vmul.f32 v1, v44;
	v2 =	vadd.f32 $1.000000000e+00, v2  }
0x437: {  	v52 =	vsub.f32 v43, v3;
	v7 =	vmul.f32 v1, v48;
	[tilespmem:s17+$0xFFFFFF20] =	vst v4;
	v5 =	vadd.f32 $1.000000000e+00, v5  }
0x438: {  	v53 =	vsub.f32 v45, v3;
	v6 =	vmul.f32 v1, v51;
	[tilespmem:s26+$0xFFFFFF20] =	vst v2;
	v0 =	vadd.f32 $1.000000000e+00, v0  }
0x439: {  	v54 =	vsub.f32 v40, v3;
	v4 =	vmul.f32 v1, v52;
	v7 =	vadd.f32 $1.000000000e+00, v7;
	[tilespmem:s17+$0xFFFFFF30] =	vst v5  }
0x43a: {  	v55 =	vsub.f32 v41, v3;
	v2 =	vmul.f32 v1, v53;
	v6 =	vadd.f32 $1.000000000e+00, v6;
	[tilespmem:s26+$0xFFFFFF30] =	vst v0  }
0x43b: {  	v56 =	vsub.f32 v46, v3;
	v5 =	vmul.f32 v1, v54;
	v4 =	vadd.f32 $1.000000000e+00, v4;
	[tilespmem:s17+$0xFFFFFF40] =	vst v7  }
0x43c: {  	v57 =	vsub.f32 v47, v3;
	v0 =	vmul.f32 v1, v55;
	v2 =	vadd.f32 $1.000000000e+00, v2;
	[tilespmem:s26+$0xFFFFFF40] =	vst v6  }
0x43d: {  	v58 =	vsub.f32 v49, v3;
	v7 =	vmul.f32 v1, v56;
	v5 =	vadd.f32 $1.000000000e+00, v5;
	[tilespmem:s17+$0xFFFFFF50] =	vst v4  }
0x43e: {  	v3 =	vsub.f32 v50, v3;
	v59 =	vmul.f32 v1, v57;
	v0 =	vadd.f32 $1.000000000e+00, v0;
	[tilespmem:s26+$0xFFFFFF50] =	vst v2  }
0x43f: {  	v4 =	vmul.f32 v1, v58;
	v60 =	vadd.f32 $1.000000000e+00, v7;
	[tilespmem:s17+$0xFFFFFF60] =	vst v5  }
0x440: {  	v61 =	vadd.f32 $1.000000000e+00, v59;
	v1 =	vmul.f32 v1, v3;
	[tilespmem:s26+$0xFFFFFF60] =	vst v0  }
0x441: {  	s30 =	sadd.s32 $0x1, s30;
	v62 =	vadd.f32 $1.000000000e+00, v4;
	[tilespmem:s17+$0xFFFFFF70] =	vst v60  }
0x442: {  	s28 =	sshll.u32 s16, $0x4;
	p1 =	sne.s32 s30, s12;
	v63 =	vadd.f32 $1.000000000e+00, v1;
	[tilespmem:s26+$0xFFFFFF70] =	vst v61  }
.Ltmp2:
0x443: {  	s0 =	sand.u32 $0x1FFFFFF0, s28;
	[tilespmem:s17+$0xFFFFFF80] =	vst v62;
	(pc) =	sbr.rel @p1 .LBB2_2-.Ltmp2, $4  }
0x444: {  	s31 =	sadd.s32 s5, s28;
	s0 =	sadd.s32 s5, s0;
	[tilespmem:s26+$0xFFFFFF80] =	vst v63  }
0x445: {  	[hbm4b:s31+s3] =	stream.linear.scatter [tilespmem:s24], [sflag:$0x6], $0x2000, $0x38;
	[tilespmem:$0x13600] =	vst v63  }
0x446: {  	s0 =	sadd.s32 $0x280000, s0  }
0x447: {  	[hbm4b:s0+s3] =	stream.linear.scatter [tilespmem:s25], [sflag:$0x6], $0x2000, $0x38;
	[tilespmem:$0x13600] =	vst v63  }
0x448: {  	s0 =	simm.s32 $0x5  }
0x449: {  	_ =	swait.ge [sflag:s0], $0x2000  }
0x44a: {  	[sflag:s0] =	ssyncset.done $0x0  }
0x44b: {  	[sflag:s0] =	ssyncadd.s32 $0xFFFFE000  }
0x44c: {  	_ =	swait.ge [sflag:s0], $0x2000  }
0x44d: {  	[sflag:s0] =	ssyncset.done $0x0  }
0x44e: {  	s2 =	simm.s32 $0x6;
	[sflag:s0] =	ssyncadd.s32 $0xFFFFE000  }
0x44f: {  	_ =	swait.ge [sflag:s2], $0x2000  }
0x450: {  	[sflag:s2] =	ssyncset.done $0x0  }
0x451: {  	[sflag:s2] =	ssyncadd.s32 $0xFFFFE000  }
0x452: {  	_ =	swait.ge [sflag:s2], $0x2000  }
0x453: {  	s29 =	sadd.s32 $0x1, s29;
	s31 =	rddreg [dreg:$0x7]  }
0x454: {  	p1 =	sne.s32 s29, s31  }
.Ltmp3:
0x455: {  	_ = 	snop;
	(pc) =	sbr.rel @p1 .LBB2_1-.Ltmp3, $3  }
0x456: {  	_ =	sdelay $0x1  }
0x457: {  	[sflag:s2] =	ssyncset.done $0x0  }
0x458: {  	[sflag:s2] =	ssyncadd.s32 $0xFFFFE000  }
0x459: {  	_ =	sfence.sel $0x180000  }
0x45a: {  	[bflag:$0x0] =	sbarrier.arrive $0xFFFF  }
0x45b: {  	_ =	strace $0x90000047  }
0x45c: {  	s0 =	stileid.u32;
	[bflag:$0x2] =	sbarrier.arrive $0xFFFF  }
0x45d: {  	p0 =	sne.s32 s0, $0x0;
	s0 =	rddreg [dreg:$0x2]  }
0x45e: {  	s0 =	sadd.s32 @!p0 $0x100000, s0  }
0x45f: {  	[sflag:s0] =	ssyncadd.tile.s32 @!p0 $0x1;
	_ =	shalt  }
.Lfunc_end2:
_tile_overlayer_lowered:
.L_overlay_start_2:
0x460: {  	(tag) =	ssettag $0x2  }
0x461: {  	s0 =	rddreg [dreg:$0x0];
	s2 =	stileid.u32  }
0x462: {  	s1 =	rddreg [dreg:$0x1];
	p0 =	sne.s32 s2, $0x0  }
0x463: {  	s3 =	rddreg [dreg:$0x2];
	[bflag:$0x3] =	sbarrier.arrive $0xFFFF;
	s2 =	simm.s32 @!p0 $0x1C07  }
0x464: {  	[timem:s3], [sflag:s2] =	dma.local @!p0 [hbm:s0], s1  }
0x465: {  	s0 =	simm.s32 @!p0 $0x7  }
0x466: {  	_ =	swait.ge @!p0 [sflag:s0], s1  }
0x467: {  	s1 =	ssub.s32 @!p0 $0x0, s1;
	[sflag:s0] =	ssyncset.done @!p0 $0x0  }
0x468: {  	[sflag:s0] =	ssyncadd.s32 @!p0 s1  }
0x469: {  	[bflag:$0x3] =	sbarrier.arrive $0xFFFF  }
0x46a: {  	_ =	shalt  }

// kernel: kernel.9.cloned.1.call-start
scs
__scs_entry_jumppad:
0x0: {  	(pc) =	sbr.rel $0x88, $3  }
0x1: {  	(tag) =	ssettag $0x0;
	lr =	simm.s32 $0x1  }
0x2: {  	[smem:$0x3F96] =	sst lr;
	_ =	strace $0xD0000000  }
0x3: {  	_ = 	snop  }
0x4: {  	_ = 	snop  }
0x5: {  	_ = 	snop  }
0x6: {  	_ = 	snop  }
0x7: {  	_ = 	snop  }
__scs_overlays_trampoline_lowered:
0x8: {  	[smem:$0x3FA5] =	sst s0  }
0x9: {  	[smem:$0x3FA6] =	sst s1  }
0xa: {  	[smem:$0x3FA7] =	sst s2  }
0xb: {  	[smem:$0x3FA8] =	sst s3  }
0xc: {  	[smem:$0x3FA9] =	sst s4  }
0xd: {  	[smem:$0x3FAA] =	sst s5  }
0xe: {  	[smem:$0x3FAB] =	sst s6  }
0xf: {  	[smem:$0x3FAC] =	sst s7  }
0x10: {  	[smem:$0x3FAD] =	sst s8  }
0x11: {  	[smem:$0x3FAE] =	sst s9;
	s0 =	simm.s32 @!p0 $0x0  }
0x12: {  	s1 =	sld [smem:$0x3F94];
	s0 =	simm.s32 @p0 $0x1  }
0x13: {  	[smem:$0x3FAF] =	sst s0;
	s0 =	simm.s32 @!p1 $0x0  }
0x14: {  	s2 =	sld [smem:$0x3F93];
	s0 =	simm.s32 @p1 $0x1  }
0x15: {  	[smem:$0x3FB0] =	sst s0;
	s0 =	simm.s32 @!p2 $0x0  }
0x16: {  	s3 =	sld [smem:$0x3FDB];
	s0 =	simm.s32 @p2 $0x1  }
0x17: {  	s4 =	simm.s32 $0x1BF5;
	[smem:$0x3FB2] =	sst s0  }
0x18: {  	s0 =	sld [smem:$0x3F95];
	_ =	swait.ge [sflag:s4], $0x0  }
0x19: {  	s7 =	sld [smem:$0x3F96]  }
0x1a: {  	s8 =	sadd.s32 $0xFFFFE003, lr  }
0x1b: {  	s9 =	sadd.s32 $0xFFFFFEF7, lr;
	s5 =	simm.s32 $0xFFFFFFFF;
	p2 =	slt.u32 s8, $0xFFFFF086  }
0x1c: {  	p1 =	slt.u32 s9, $0xF7A;
	s5 =	simm.s32 @!p2 $0x0  }
0x1d: {  	s5 =	simm.s32 @p1 $0x1;
	p0 =	seq.s32 s7, s2  }
0x1e: {  	s7 =	smul.u32 @!p0 $0xF7A, s2;
	p2 =	seq.s32 @!p0 s5, $0x0  }
0x1f: {  	s9 =	smul.u32 $0xF7A, s1;
	s8 =	simm.s32 @!p0 $0x1BF5;
	p2 =	por !p2, p0  }
0x20: {  	[sflag:s8] =	ssyncset.s32 @!p0 $0xFFFFF086;
	s6 =	sadd.s32 @!p0 s3, s7;
	s7 =	simm.s32 @!p0 $0x108  }
0x21: {  	s3 =	sadd.s32 s3, s9;
	s6 =	sadd.s32 @!p0 $0x88, s6;
	s7 =	simm.s32 @p2 $0x1082  }
0x22: {  	[simem:s7], [sflag:s8] =	dma.local @!p0 [hbm:s6], $0xF7A  }
0x23: {  	s9 =	sor.u32 $0xD0000000, s2;
	s6 =	simm.s32 $0x108;
	_ =	swait.ge @!p0 [sflag:s8], $0x0  }
0x24: {  	s3 =	sadd.s32 $0x88, s3;
	s6 =	simm.s32 @!p1 $0x1082;
	[sflag:s4] =	ssyncset.s32 $0xFFFFF086  }
0x25: {  	[simem:s6], [sflag:s4] =	dma.local [hbm:s3], $0xF7A  }
0x26: {  	[smem:$0x3F96] =	sst s1;
	(tag) =	ssettag s2;
	_ =	strace s9  }
0x27: {  	s1 =	sld [smem:$0x3FA6]  }
0x28: {  	s2 =	sld [smem:$0x3FA7]  }
0x29: {  	s4 =	sld [smem:$0x3FA9]  }
0x2a: {  	p0 =	seq.s32 s5, $0x0;
	s5 =	sld [smem:$0x3FAA]  }
0x2b: {  	s6 =	sld [smem:$0x3FAB]  }
0x2c: {  	s7 =	sld [smem:$0x3FAC]  }
0x2d: {  	s3 =	simm.s32 $0x108;
	s8 =	sld [smem:$0x3FAD]  }
0x2e: {  	s3 =	simm.s32 @!p0 $0x1082;
	s9 =	sld [smem:$0x3FAE]  }
0x2f: {  	lr =	sadd.s32 s0, s3;
	s0 =	sld [smem:$0x3FA5]  }
0x30: {  	s3 =	sld [smem:$0x3FA8]  }
0x31: {  	[smem:$0x3FB1] =	sst s10  }
0x32: {  	s10 =	sld [smem:$0x3FAF];
	_ =	sdelay $0x3  }
0x33: {  	p0 =	seq.s32 s10, $0x1;
	s10 =	sld [smem:$0x3FB1];
	_ =	sdelay $0x3  }
0x34: {  	[smem:$0x3FB1] =	sst s10  }
0x35: {  	s10 =	sld [smem:$0x3FB0];
	_ =	sdelay $0x3  }
0x36: {  	p1 =	seq.s32 s10, $0x1;
	s10 =	sld [smem:$0x3FB1];
	_ =	sdelay $0x3  }
0x37: {  	[smem:$0x3FB1] =	sst s10  }
0x38: {  	s10 =	sld [smem:$0x3FB2]  }
0x39: {  	_ = 	snop;
	(pc) =	sbr.ind lr, $3  }
0x3a: {  	_ = 	snop  }
0x3b: {  	_ = 	snop  }
0x3c: {  	p2 =	seq.s32 s10, $0x1;
	s10 =	sld [smem:$0x3FB1]  }
0x3d: {  	_ =	shalt  }
0x3e: {  	_ =	shalt  }
0x3f: {  	_ =	shalt  }
0x40: {  	_ =	shalt  }
0x41: {  	_ =	shalt  }
0x42: {  	_ =	shalt  }
0x43: {  	_ =	shalt  }
0x44: {  	_ =	shalt  }
0x45: {  	_ =	shalt  }
0x46: {  	_ =	shalt  }
0x47: {  	_ =	shalt  }
0x48: {  	_ =	shalt  }
0x49: {  	_ =	shalt  }
0x4a: {  	_ =	shalt  }
0x4b: {  	_ =	shalt  }
0x4c: {  	_ =	shalt  }
0x4d: {  	_ =	shalt  }
0x4e: {  	_ =	shalt  }
0x4f: {  	_ =	shalt  }
0x50: {  	_ =	shalt  }
0x51: {  	_ =	shalt  }
0x52: {  	_ =	shalt  }
0x53: {  	_ =	shalt  }
0x54: {  	_ =	shalt  }
0x55: {  	_ =	shalt  }
0x56: {  	_ =	shalt  }
0x57: {  	_ =	shalt  }
0x58: {  	_ =	shalt  }
0x59: {  	_ =	shalt  }
0x5a: {  	_ =	shalt  }
0x5b: {  	_ =	shalt  }
0x5c: {  	_ =	shalt  }
0x5d: {  	_ =	shalt  }
0x5e: {  	_ =	shalt  }
0x5f: {  	_ =	shalt  }
0x60: {  	_ =	shalt  }
0x61: {  	_ =	shalt  }
0x62: {  	_ =	shalt  }
0x63: {  	_ =	shalt  }
0x64: {  	_ =	shalt  }
0x65: {  	_ =	shalt  }
0x66: {  	_ =	shalt  }
0x67: {  	_ =	shalt  }
0x68: {  	_ =	shalt  }
0x69: {  	_ =	shalt  }
0x6a: {  	_ =	shalt  }
0x6b: {  	_ =	shalt  }
0x6c: {  	_ =	shalt  }
0x6d: {  	_ =	shalt  }
0x6e: {  	_ =	shalt  }
0x6f: {  	_ =	shalt  }
0x70: {  	_ =	shalt  }
0x71: {  	_ =	shalt  }
0x72: {  	_ =	shalt  }
0x73: {  	_ =	shalt  }
0x74: {  	_ =	shalt  }
0x75: {  	_ =	shalt  }
0x76: {  	_ =	shalt  }
0x77: {  	_ =	shalt  }
0x78: {  	_ =	shalt  }
0x79: {  	_ =	shalt  }
0x7a: {  	_ =	shalt  }
0x7b: {  	_ =	shalt  }
0x7c: {  	_ =	shalt  }
0x7d: {  	_ =	shalt  }
0x7e: {  	_ =	shalt  }
0x7f: {  	_ =	shalt  }
0x80: {  	_ =	shalt  }
0x81: {  	_ =	shalt  }
0x82: {  	_ =	shalt  }
0x83: {  	_ =	shalt  }
0x84: {  	_ =	shalt  }
0x85: {  	_ =	shalt  }
0x86: {  	_ =	shalt  }
0x87: {  	_ =	shalt  }
.Lfunc_end0:
.L_simem_size_0:
called_computation.1_lowered:
.L_overlay_start_0:
0x88: {  	s2 =	sld [smem:$0x3FD9]  }
0x89: {  	s3 =	sld [smem:$0x3FFE];
	_ =	sdelay $0x1  }
0x8a: {  	s1 =	srdreg.scid  }
0x8b: {  	s0 =	sand.u32 $0x1, s1  }
0x8c: {  	s16 =	sshll.u32 s0, $0xA;
	s2 =	sadd.s32 s3, s2  }
0x8d: {  	s2 =	sadd.s32 s2, s16  }
0x8e: {  	[smem:$0x3FBD] =	sst s2  }
0x8f: {  	_ = 	snop  }
0x90: {  	(tm) =	ssettm $0x1  }
0x91: {  	s17 =	sld [smem:$0x3FFB];
	_ =	sdelay $0x3  }
0x92: {  	_ =	strace s17  }
0x93: {  	s2 =	sld [smem:$0x3FFC];
	_ =	sdelay $0x3  }
0x94: {  	_ =	strace s2  }
0x95: {  	s2 =	sld [smem:$0x3FFD];
	_ =	sdelay $0x3  }
0x96: {  	_ =	strace s2  }
0x97: {  	_ =	strace $0x8FFFFFFF  }
0x98: {  	s18 =	sld [smem:$0x3FDB];
	_ =	sdelay $0x1  }
0x99: {  	s19 =	simm.s32 $_scs_section_size  }
0x9a: {  	s4 =	simm.s32 $_size__tile_overlayer_lowered;
	s5 =	simm.s32 $_tile_overlayer_lowered  }
0x9b: {  	s22 =	simm.s32 $0x1BFF;
	s21 =	sshll.u32 s5, $0x1;
	s2 =	sadd.s32 s19, s18  }
0x9c: {  	s6 =	simm.s32 $0x0;
	s20 =	sshll.u32 s4, $0x1;
	s4 =	sadd.s32 s21, s2  }
0x9d: {  	[timem:s6], [sflag:s22] =	dma.local [hbm:s4], s20  }
0x9e: {  	_ =	swait.ge [sflag:s22], s20  }
0x9f: {  	s3 =	ssub.s32 $0x0, s20;
	[sflag:s22] =	ssyncset.done $0x0  }
0xa0: {  	[sflag:s22] =	ssyncadd.s32 s3;
	_ =	sdelay $0x1  }
0xa1: {  	s23 =	simm.s32 $0x1B8B  }
0xa2: {  	_ =	swait.ge [sflag:s23], $0x1  }
0xa3: {  	[sflag:s23] =	ssyncset.done $0x0  }
0xa4: {  	s25 =	simm.s32 $0x1B8E;
	s24 =	sld [smem:$0x3FFE];
	[sflag:s23] =	ssyncadd.s32 $0xFFFFFFFF  }
0xa5: {  	s26 =	simm.s32 $execute0_lowered;
	[smem:$0x3FD2] =	sst s25  }
0xa6: {  	s4 =	sshll.u32 s26, $0x1;
	_ =	strace $0x80000049;
	[dreg:$0x1] =	wrdreg $0xFFFFFFFF  }
0xa7: {  	s28 =	simm.s32 $_size_execute0_lowered;
	s2 =	sadd.s32 s2, s4;
	[dreg:$0x0] =	wrdreg $0x0  }
0xa8: {  	s4 =	sshll.u32 s28, $0x1;
	[dreg:$0x2] =	wrdreg s2  }
0xa9: {  	[dreg:$0x3] =	wrdreg s4  }
0xaa: {  	[dreg:$0x4] =	wrdreg $0xC0  }
0xab: {  	_ =	task [dreg:s6], $0x5FFFF  }
0xac: {  	[dreg:$0x1] =	wrdreg $0xFFFFFFFF  }
0xad: {  	[dreg:$0x0] =	wrdreg $0x60  }
0xae: {  	[dreg:$0x2] =	wrdreg s24  }
0xaf: {  	[dreg:$0x3] =	wrdreg $0xA8000  }
0xb0: {  	[dreg:$0x4] =	wrdreg $0x9  }
0xb1: {  	_ =	task.clear_ibuf [dreg:s6], $0x5FFFF;
	_ =	strace $0x90000049  }
0xb2: {  	s29 =	simm.s32 $0x9;
	_ =	strace $0x8000004B  }
0xb3: {  	_ =	swait.ge [sflag:s29], $0x1  }
0xb4: {  	[sflag:s29] =	ssyncadd.s32 $0xFFFFFFFF  }
0xb5: {  	_ =	strace $0x9000004B  }
0xb6: {  	_ =	sfence  }
0xb7: {  	s30 =	sld [smem:$0x0];
	_ =	sdelay $0x2  }
0xb8: {  	s31 =	sshll.u32 s1, $0xD;
	s1 =	sshrl.u32 s1, $0x2  }
0xb9: {  	s3 =	sand.u32 $0x4000, s31;
	s1 =	sadd.s32 s1, s30  }
0xba: {  	s0 =	sor.u32 s3, s0;
	s1 =	sshll.u32 s1, $0x11  }
0xbb: {  	s0 =	sor.u32 s1, s0  }
0xbc: {  	s0 =	sadd.s32 $0x8F2B, s0  }
0xbd: {  	[sflag:s0] =	ssyncadd.remote.s32 $0x1  }
0xbe: {  	_ =	sfence.sel $0xFFFF  }
0xbf: {  	[dreg:$0x0] =	wrdreg $0xFFFFFFFF;
	(pc) =	sbr.abs _section_cstart, $3  }
0xc0: {  	[dreg:$0x1] =	wrdreg $0xFFFFFFFF  }
0xc1: {  	_ =	task.clear_ibuf [dreg:s6], $0x2FFFF;
	_ =	strace $0x9FFFFFFF  }
0xc2: {  	(tm) =	ssettm $0x7FFFFFFF  }
0xc3: {  	_ =	shalt  }
tec
execute0_lowered:
.L_overlay_start_1:
0x0: {  	(tag) =	ssettag $0x1  }
0x1: {  	s1 =	srdreg.scid  }
0x2: {  	s0 =	stileid.u32;
	s6 =	rddreg [dreg:$0x0]  }
0x3: {  	s2 =	rddreg [dreg:$0x1];
	s3 =	simm.s32 $0x0;
	s16 =	simm.s32 $0x2800  }
0x4: {  	s17 =	simm.s32 $0x5;
	s18 =	simm.s32 $0x1;
	s19 =	simm.s32 $0x6800  }
0x5: {  	s20 =	simm.s32 $0x80;
	s21 =	simm.s32 $0x2;
	s22 =	simm.s32 $0x3  }
0x6: {  	s23 =	simm.s32 $0x4;
	s24 =	simm.s32 $0x2700;
	s5 =	smul.u32 $0x2800, s0  }
0x7: {  	s25 =	simm.s32 $0x2780;
	s4 =	sand.u32 $0x1, s1;
	s9 =	smul.u32 $0x50000, s0  }
0x8: {  	s26 =	simm.s32 $0x0;
	[smem:$0x7FF] =	sst s3;
	s7 =	smul.u32 $0x28000, s4  }
0x9: {  	s1 =	rddreg [dreg:$0x2];
	_ =	strace $0x8000004A;
	s28 =	ssub.s32 $0x2, s4  }
0xa: {  	s29 =	sshrl.u32 s9, $0x2;
	s31 =	sshrl.u32 s28, $0x1;
	s7 =	sadd.s32 s5, s7  }
0xb: {  	s5 =	sshrl.u32 s5, $0x3;
	s4 =	sadd.s32 s29, s2;
	s12 =	ssub.s32 s28, s31  }
0xc: {  	s8 =	sshll.u32 s7, $0x4;
	s30 =	sadd.s32 s5, s6;
	s11 =	sadd.s32 s7, s6  }
0xd: {  	s5 =	sadd.s32 $0x4000, s4;
	s7 =	sadd.s32 $0xC000, s4;
	s12 =	smax.u32 s12, $0x1  }
0xe: {  	s15 =	sadd.s32 s8, s6;
	s6 =	sadd.s32 $0x8000, s4;
	s8 =	sadd.s32 $0x10000, s4  }
0xf: {  	s9 =	sadd.s32 $0x52800, s30;
	s11 =	sadd.s32 $0x584800, s11;
	s10 =	sadd.s32 $0x84800, s15  }
0x10: {  	v0 =	vimm.f32 $0.0e+00;
	s13 =	sadd.s32 $0x85000, s15;
	s14 =	sadd.s32 $0x85800, s15;
	s15 =	sadd.s32 $0xAC000, s15  }
.LBB2_1:
0x11: {  	s28 =	simm.s32 $0x0;
	s29 =	simm.s32 $0x200  }
.LBB2_2:
0x12: {  	p0 =	sne.s32 s29, $0xFE00;
	[tilespmem:s28+$0x2870] =	vst v0  }
0x13: {  	[tilespmem:s28+$0x2800] =	vst v0  }
0x14: {  	[tilespmem:s28+$0x2810] =	vst v0  }
.Ltmp0:
0x15: {  	[tilespmem:s28+$0x2820] =	vst v0;
	(pc) =	sbr.rel @p0 .LBB2_2-.Ltmp0, $4  }
0x16: {  	[tilespmem:s28+$0x2830] =	vst v0  }
0x17: {  	[tilespmem:s28+$0x2840] =	vst v0  }
0x18: {  	[tilespmem:s28+$0x2850] =	vst v0  }
0x19: {  	[tilespmem:s28+$0x2860] =	vst v0;
	s28 =	sshra.s32 s29, $0x2;
	s29 =	sadd.s32 $0x200, s29  }
0x1a: {  	[tilespmem:s28+$0x2870] =	vst v0  }
0x1b: {  	[tilespmem:s28+$0x2800] =	vst v0  }
0x1c: {  	[tilespmem:s28+$0x2810] =	vst v0  }
0x1d: {  	[tilespmem:s28+$0x2820] =	vst v0  }
0x1e: {  	[tilespmem:s28+$0x2830] =	vst v0  }
0x1f: {  	[tilespmem:s28+$0x2840] =	vst v0  }
0x20: {  	[tilespmem:s28+$0x2850] =	vst v0  }
0x21: {  	[tilespmem:s28+$0x2860] =	vst v0  }
0x22: {  	[spmem:s4] =	stream.linear.scatter [tilespmem:s16], [sflag:$0x5], $0x4000, $0x38;
	[tilespmem:$0x1E800] =	vst v63  }
0x23: {  	_ =	swait.ge [sflag:s17], $0x4000  }
0x24: {  	[sflag:s17] =	ssyncset.done $0x0  }
0x25: {  	[sflag:s17] =	ssyncadd.s32 $0xFFFFC000  }
0x26: {  	[spmem:s5] =	stream.linear.scatter [tilespmem:s16], [sflag:$0x5], $0x4000, $0x38;
	[tilespmem:$0x1E800] =	vst v63  }
0x27: {  	_ =	swait.ge [sflag:s17], $0x4000  }
0x28: {  	[sflag:s17] =	ssyncset.done $0x0  }
0x29: {  	[sflag:s17] =	ssyncadd.s32 $0xFFFFC000  }
0x2a: {  	[spmem:s6] =	stream.linear.scatter [tilespmem:s16], [sflag:$0x5], $0x4000, $0x38;
	[tilespmem:$0x1E800] =	vst v63  }
0x2b: {  	_ =	swait.ge [sflag:s17], $0x4000  }
0x2c: {  	[sflag:s17] =	ssyncset.done $0x0  }
0x2d: {  	[sflag:s17] =	ssyncadd.s32 $0xFFFFC000  }
0x2e: {  	[spmem:s7] =	stream.linear.scatter [tilespmem:s16], [sflag:$0x5], $0x4000, $0x38;
	[tilespmem:$0x1E800] =	vst v63  }
0x2f: {  	_ =	swait.ge [sflag:s17], $0x4000  }
0x30: {  	[sflag:s17] =	ssyncset.done $0x0  }
0x31: {  	[sflag:s17] =	ssyncadd.s32 $0xFFFFC000  }
0x32: {  	[spmem:s8] =	stream.linear.scatter [tilespmem:s16], [sflag:$0x5], $0x4000, $0x38;
	[tilespmem:$0x1E800] =	vst v63  }
0x33: {  	_ =	swait.ge [sflag:s17], $0x4000  }
0x34: {  	[sflag:s17] =	ssyncset.done $0x0  }
0x35: {  	s28 =	simm.s32 $0x0;
	[sflag:s17] =	ssyncadd.s32 $0xFFFFC000  }
0x36: {  	[tilespmem:s28], [sflag:$0x5] =	stream.linear.gather [hbm4b:s9+s28], $0x2800, $0x38;
	[tilespmem:$0x1E800] =	vst v63  }
0x37: {  	_ =	swait.ge [sflag:s17], $0x2800  }
0x38: {  	[sflag:s17] =	ssyncset.done $0x0  }
0x39: {  	[sflag:s17] =	ssyncadd.s32 $0xFFFFD800  }
0x3a: {  	[bflag:$0x0] =	sbarrier.arrive $0xFFFF  }
0x3b: {  	[tilespmem:s16], [sflag:$0x1] =	stream.linear.gather [hbm4b:s10+s28], $0x4000, $0x38;
	[tilespmem:$0x1E800] =	vst v63  }
0x3c: {  	_ =	swait.ge [sflag:s18], $0x4000  }
0x3d: {  	[sflag:s18] =	ssyncset.done $0x0  }
0x3e: {  	[sflag:s18] =	ssyncadd.s32 $0xFFFFC000  }
0x3f: {  	[tilespmem:s19], [sflag:$0x2] =	stream.linear.gather [hbm4b:s13+s28], $0x4000, $0x38;
	[tilespmem:$0x1E800] =	vst v63  }
0x40: {  	_ = 	snop  }
0x41: {  	[spmem:s2] =	stream.indirect.scatter.add.f32 [tilespmem:s16], [sflag:$0x3], $0x80, s28, s20, $0xb8;
	[tilespmem:$0x1E800] =	vst v63  }
0x42: {  	_ =	swait.ge [sflag:s21], $0x4000  }
0x43: {  	[sflag:s21] =	ssyncset.done $0x0  }
0x44: {  	[sflag:s21] =	ssyncadd.s32 $0xFFFFC000  }
0x45: {  	[tilespmem:s16], [sflag:$0x1] =	stream.linear.gather [hbm4b:s14+s28], $0x4000, $0x38;
	[tilespmem:$0x1E800] =	vst v63  }
0x46: {  	_ = 	snop  }
0x47: {  	[spmem:s2] =	stream.indirect.scatter.add.f32 [tilespmem:s19], [sflag:$0x4], $0x80, s20, s20, $0xb8;
	[tilespmem:$0x1E800] =	vst v63  }
0x48: {  	_ =	swait.ge [sflag:s18], $0x4000  }
0x49: {  	s28 =	sadd.s32 $0x0, s10;
	[sflag:s18] =	ssyncset.done $0x0  }
0x4a: {  	s29 =	sadd.s32 $0x1800, s28;
	[sflag:s18] =	ssyncadd.s32 $0xFFFFC000  }
0x4b: {  	[tilespmem:s19], [sflag:$0x2] =	stream.linear.gather [hbm4b:s29+s3], $0x4000, $0x38;
	[tilespmem:$0x1E800] =	vst v63  }
0x4c: {  	_ =	swait.ge [sflag:s22], $0x4000  }
0x4d: {  	[sflag:s22] =	ssyncset.done $0x0  }
0x4e: {  	s29 =	simm.s32 $0x100;
	[sflag:s22] =	ssyncadd.s32 $0xFFFFC000  }
0x4f: {  	[spmem:s2] =	stream.indirect.scatter.add.f32 [tilespmem:s16], [sflag:$0x3], $0x80, s29, s20, $0xb8;
	[tilespmem:$0x1E800] =	vst v63  }
0x50: {  	_ =	swait.ge [sflag:s21], $0x4000  }
0x51: {  	[sflag:s21] =	ssyncset.done $0x0  }
0x52: {  	s28 =	sadd.s32 $0x2000, s28;
	[sflag:s21] =	ssyncadd.s32 $0xFFFFC000  }
0x53: {  	[tilespmem:s16], [sflag:$0x1] =	stream.linear.gather [hbm4b:s28+s3], $0x4000, $0x38;
	[tilespmem:$0x1E800] =	vst v63  }
0x54: {  	_ =	swait.ge [sflag:s23], $0x4000  }
0x55: {  	s30 =	simm.s32 $0x180;
	[sflag:s23] =	ssyncset.done $0x0  }
0x56: {  	s29 =	simm.s32 $0x200;
	s28 =	simm.s32 $0x1000;
	[sflag:s23] =	ssyncadd.s32 $0xFFFFC000  }
.LBB2_4:
0x57: {  	[spmem:s2] =	stream.indirect.scatter.add.f32 [tilespmem:s19], [sflag:$0x4], $0x80, s30, s20, $0xb8;
	[tilespmem:$0x1E800] =	vst v63  }
0x58: {  	s30 =	smov.u32 s28  }
0x59: {  	p0 =	sne.s32 s28, $0x25000;
	s28 =	sadd.s32 $0x1000, s28;
	_ =	swait.ge [sflag:s18], $0x4000  }
0x5a: {  	s30 =	sadd.s32 s30, s10;
	[sflag:s18] =	ssyncset.done $0x0  }
0x5b: {  	s31 =	sadd.s32 $0x1800, s30;
	[sflag:s18] =	ssyncadd.s32 $0xFFFFC000  }
0x5c: {  	[tilespmem:s19], [sflag:$0x2] =	stream.linear.gather [hbm4b:s31+s3], $0x4000, $0x38;
	[tilespmem:$0x1E800] =	vst v63  }
0x5d: {  	_ =	swait.ge [sflag:s22], $0x4000  }
0x5e: {  	[sflag:s22] =	ssyncset.done $0x0  }
0x5f: {  	[sflag:s22] =	ssyncadd.s32 $0xFFFFC000  }
0x60: {  	[spmem:s2] =	stream.indirect.scatter.add.f32 [tilespmem:s16], [sflag:$0x3], $0x80, s29, s20, $0xb8;
	[tilespmem:$0x1E800] =	vst v63  }
0x61: {  	_ =	swait.ge [sflag:s21], $0x4000  }
0x62: {  	[sflag:s21] =	ssyncset.done $0x0  }
.Ltmp1:
0x63: {  	s30 =	sadd.s32 $0x2000, s30;
	[sflag:s21] =	ssyncadd.s32 $0xFFFFC000;
	(pc) =	sbr.rel @p0 .LBB2_4-.Ltmp1, $4  }
0x64: {  	[tilespmem:s16], [sflag:$0x1] =	stream.linear.gather [hbm4b:s30+s3], $0x4000, $0x38;
	[tilespmem:$0x1E800] =	vst v63  }
0x65: {  	_ =	swait.ge [sflag:s23], $0x4000  }
0x66: {  	[sflag:s23] =	ssyncset.done $0x0  }
0x67: {  	s30 =	sadd.s32 $0x80, s29;
	s29 =	sadd.s32 $0x100, s29;
	[sflag:s23] =	ssyncadd.s32 $0xFFFFC000  }
0x68: {  	[spmem:s2] =	stream.indirect.scatter.add.f32 [tilespmem:s19], [sflag:$0x4], $0x80, s30, s20, $0xb8;
	[tilespmem:$0x1E800] =	vst v63  }
0x69: {  	_ =	swait.ge [sflag:s18], $0x4000  }
0x6a: {  	[sflag:s18] =	ssyncset.done $0x0  }
0x6b: {  	[sflag:s18] =	ssyncadd.s32 $0xFFFFC000  }
0x6c: {  	[tilespmem:s19], [sflag:$0x2] =	stream.linear.gather [hbm4b:s15+s3], $0x4000, $0x38;
	[tilespmem:$0x1E800] =	vst v63  }
0x6d: {  	_ =	swait.ge [sflag:s22], $0x4000  }
0x6e: {  	[sflag:s22] =	ssyncset.done $0x0  }
0x6f: {  	[sflag:s22] =	ssyncadd.s32 $0xFFFFC000  }
0x70: {  	[spmem:s2] =	stream.indirect.scatter.add.f32 [tilespmem:s16], [sflag:$0x3], $0x80, s24, s20, $0xb8;
	[tilespmem:$0x1E800] =	vst v63  }
0x71: {  	_ =	swait.ge [sflag:s21], $0x4000  }
0x72: {  	[sflag:s21] =	ssyncset.done $0x0  }
0x73: {  	[sflag:s21] =	ssyncadd.s32 $0xFFFFC000  }
0x74: {  	_ =	swait.ge [sflag:s23], $0x4000  }
0x75: {  	[sflag:s23] =	ssyncset.done $0x0  }
0x76: {  	[sflag:s23] =	ssyncadd.s32 $0xFFFFC000  }
0x77: {  	[spmem:s2] =	stream.indirect.scatter.add.f32 [tilespmem:s19], [sflag:$0x4], $0x80, s25, s20, $0xb8;
	[tilespmem:$0x1E800] =	vst v63  }
0x78: {  	_ =	swait.ge [sflag:s22], $0x4000  }
0x79: {  	[sflag:s22] =	ssyncset.done $0x0  }
0x7a: {  	[sflag:s22] =	ssyncadd.s32 $0xFFFFC000  }
0x7b: {  	_ =	swait.ge [sflag:s23], $0x4000  }
0x7c: {  	s28 =	sshll.u32 s0, $0x6;
	s26 =	sadd.s32 $0x1, s26;
	[sflag:s23] =	ssyncset.done $0x0  }
0x7d: {  	s29 =	sshrl.u32 s4, $0x3;
	p0 =	sne.s32 s26, s12;
	[sflag:s23] =	ssyncadd.s32 $0xFFFFC000  }
.Ltmp2:
0x7e: {  	s28 =	sor.u32 $0x1C05, s28;
	[bflag:$0x0] =	sbarrier.arrive $0xFFFF;
	(pc) =	sbr.rel @p0 .LBB2_1-.Ltmp2, $4  }
0x7f: {  	[hbm:s11], [sflag:s28] =	dma.local [spmem:s29], $0x2800  }
0x80: {  	_ =	swait.ge [sflag:s17], $0x2800  }
0x81: {  	[sflag:s17] =	ssyncset.done $0x0  }
0x82: {  	[sflag:s17] =	ssyncadd.s32 $0xFFFFD800  }
0x83: {  	_ =	sfence.sel $0x180000  }
0x84: {  	[bflag:$0x0] =	sbarrier.arrive $0xFFFF  }
0x85: {  	p0 =	sne.s32 s0, $0x0;
	_ =	strace $0x9000004A  }
0x86: {  	s0 =	sadd.s32 @!p0 $0x100000, s1;
	[bflag:$0x2] =	sbarrier.arrive $0xFFFF  }
0x87: {  	[sflag:s0] =	ssyncadd.tile.s32 @!p0 $0x1;
	_ =	shalt  }
.Lfunc_end2:
_tile_overlayer_lowered:
.L_overlay_start_2:
0x88: {  	(tag) =	ssettag $0x2  }
0x89: {  	s0 =	rddreg [dreg:$0x0];
	s2 =	stileid.u32  }
0x8a: {  	s1 =	rddreg [dreg:$0x1];
	p0 =	sne.s32 s2, $0x0  }
0x8b: {  	s3 =	rddreg [dreg:$0x2];
	[bflag:$0x3] =	sbarrier.arrive $0xFFFF;
	s2 =	simm.s32 @!p0 $0x1C05  }
0x8c: {  	[timem:s3], [sflag:s2] =	dma.local @!p0 [hbm:s0], s1  }
0x8d: {  	s0 =	simm.s32 @!p0 $0x5  }
0x8e: {  	_ =	swait.ge @!p0 [sflag:s0], s1  }
0x8f: {  	s1 =	ssub.s32 @!p0 $0x0, s1;
	[sflag:s0] =	ssyncset.done @!p0 $0x0  }
0x90: {  	[sflag:s0] =	ssyncadd.s32 @!p0 s1  }
0x91: {  	[bflag:$0x3] =	sbarrier.arrive $0xFFFF  }
0x92: {  	_ =	shalt  }

</sc_bundles>
